<compile_context>
chip_gen: v7x
topology: tpu7x:2x2x1
jax: 0.10.2.dev20260603
libtpu: 0.0.44.dev20260713+nightly
codegen_flags: <defaults>
</compile_context>

<pallas_src>
import functools

import jax
import jax.numpy as jnp
from jax import lax
from jax.experimental import pallas as pl
from jax.experimental.pallas import tpu as pltpu
from jax.experimental.pallas import tpu_sc as plsc

NN = 10000
NE = 20000
DIN = 768
HID = 128
DOUT = 128
NTY = 4
NB = 3

TE = 1024
EP = 20480
NT = EP // TE
ACC_ROWS = 10240
LNC = 400
FNC = 2048

NC = 2
NS = 16
NW = NC * NS
CH = 128
RPW = EP // NW
GCH = RPW // CH
RW4 = 2 * EP // NW
SCH4 = RW4 // CH
RPT = ACC_ROWS // NS


HD2 = DIN // 2


def _bf16_bits(v):
    b = lax.bitcast_convert_type(v, jnp.uint32)
    rnd = ((b >> 16) & 1) + jnp.uint32(0x7FFF)
    return (b + rnd) >> 16


def _pack_halves(x):
    lo = _bf16_bits(x[:, :HD2])
    hi = _bf16_bits(x[:, HD2:])
    return lax.bitcast_convert_type(lo | (hi << 16), jnp.int32)


def _unpack_halves(w):
    wu = lax.bitcast_convert_type(w, jnp.uint32)
    lo = lax.bitcast_convert_type(wu << 16, jnp.float32)
    hi = lax.bitcast_convert_type(wu & jnp.uint32(0xFFFF0000), jnp.float32)
    return lo, hi


def _k1_body(h_ref, g_ref, b_ref, w6_ref, hnb_ref, y6n_ref):
    x = h_ref[:]
    mu = jnp.mean(x, axis=-1, keepdims=True)
    var = jnp.mean((x - mu) ** 2, axis=-1, keepdims=True)
    ln = (x - mu) / jnp.sqrt(var + 1e-5) * g_ref[:] + b_ref[:]
    hnb_ref[:] = _pack_halves(ln)
    y6n_ref[:] = _pack_halves(jnp.dot(ln.astype(jnp.bfloat16), w6_ref[:],
                                      preferred_element_type=jnp.float32))



GC = 64
NGC = RPW // GC
NBUF = 4


@functools.cache
def _sc_gather_kernel():
    mesh = plsc.VectorSubcoreMesh(core_axis_name="c", subcore_axis_name="s")

    @functools.partial(
        pl.kernel,
        out_type=(jax.ShapeDtypeStruct((EP, HD2), jnp.int32),
                  jax.ShapeDtypeStruct((EP, HD2), jnp.int32)),
        mesh=mesh,
        scratch_types=[pltpu.VMEM((RPW,), jnp.int32)]
                      + [pltpu.VMEM((GC, HD2), jnp.int32)] * NBUF
                      + [pltpu.SemaphoreType.DMA] * NBUF,
    )
    def _k2_gather(y6n_h, hnb_h, srcp_h, dstp_h, g6_o, gd_o, idxf, *bufsems):
        bufs = bufsems[:NBUF]
        sems = bufsems[NBUF:]
        wid = lax.axis_index("s") * NC + lax.axis_index("c")
        base = wid * RPW
        for tbl, idxarr, out in ((y6n_h, srcp_h, g6_o), (hnb_h, dstp_h, gd_o)):
            pltpu.sync_copy(idxarr.at[pl.ds(base, RPW)], idxf)
            cps = [None] * NGC
            for c in range(NBUF - 1):
                cps[c] = pltpu.async_copy(
                    tbl.at[idxf.at[pl.ds(c * GC, GC)]], bufs[c % NBUF],
                    sems[c % NBUF])
            for c in range(NGC):
                nc = c + NBUF - 1
                if nc < NGC:
                    cps[nc] = pltpu.async_copy(
                        tbl.at[idxf.at[pl.ds(nc * GC, GC)]], bufs[nc % NBUF],
                        sems[nc % NBUF])
                cps[c].wait()
                pltpu.sync_copy(bufs[c % NBUF],
                                out.at[pl.ds(base + c * GC, GC)])

    return _k2_gather



def _k3_body(g6_ref, gd_ref, et_ref, ht_ref, tc_ref, uc_ref, dc_ref,
             wdl_ref, wdh_ref, w1_ref, w2_ref, p_ref):
    et = et_ref[:]
    ht = ht_ref[:]
    zero = jnp.zeros((TE, NB), jnp.float32)

    def sel_coeff(table_ref):
        c = zero
        for t in range(NTY):
            c = c + jnp.where(et == t, table_ref[t:t + 1, :], 0.0)
        return c

    c_text = sel_coeff(tc_ref)
    c_user = sel_coeff(uc_ref)
    c_dst = sel_coeff(dc_ref)
    is_h = ht > 0
    c_edge = jnp.concatenate(
        [jnp.where(is_h, c_text, 0.0), jnp.where(is_h, 0.0, c_user)], axis=1)

    y6lo, y6hi = _unpack_halves(g6_ref[:])
    ef = jnp.zeros((TE, HID), jnp.float32)
    for bi in range(NB):
        ef = ef + c_edge[:, bi:bi + 1] * y6lo[:, bi * HID:(bi + 1) * HID]
    for bi in range(NB, 2 * NB):
        ef = ef + (c_edge[:, bi:bi + 1]
                   * y6hi[:, (bi - NB) * HID:(bi - NB + 1) * HID])
    ef = jnp.maximum(ef, 0.0)

    gdlo, gdhi = _unpack_halves(gd_ref[:])
    ydl = (jnp.dot(gdlo.astype(jnp.bfloat16), wdl_ref[:],
                   preferred_element_type=jnp.float32)
           + jnp.dot(gdhi.astype(jnp.bfloat16), wdh_ref[:],
                     preferred_element_type=jnp.float32))
    yd = jnp.zeros((TE, DIN), jnp.float32)
    for bi in range(NB):
        yd = yd + c_dst[:, bi:bi + 1] * ydl[:, bi * DIN:(bi + 1) * DIN]
    yd = jnp.maximum(yd, 0.0)

    p_ref[0] = jnp.dot(ef.astype(jnp.bfloat16), w1_ref[:],
                       preferred_element_type=jnp.float32)
    p_ref[1] = jnp.dot(yd.astype(jnp.bfloat16), w2_ref[:],
                       preferred_element_type=jnp.float32)



@functools.cache
def _sc_scatter_kernel():
    mesh = plsc.VectorSubcoreMesh(core_axis_name="c", subcore_axis_name="s")

    @functools.partial(
        pl.kernel,
        out_type=jax.ShapeDtypeStruct((NC * ACC_ROWS, HID), jnp.float32),
        mesh=mesh,
        scratch_types=[pltpu.VMEM((CH,), jnp.int32),
                       pltpu.VMEM((CH,), jnp.int32),
                       pltpu.VMEM((CH, HID), jnp.float32),
                       pltpu.VMEM((CH, HID), jnp.float32),
                       pltpu.SemaphoreType.DMA,
                       pltpu.SemaphoreType.DMA,
                       pltpu.MemorySpace.VMEM_SHARED((ACC_ROWS, HID),
                                                     jnp.float32)],
    )
    def _k4_scatter(p_h, i_h, zin_h, out_o, idx0, idx1, rows0, rows1,
                    sem0, sem1, shared):
        cid = lax.axis_index("c")
        sid = lax.axis_index("s")
        wid = sid * NC + cid
        pltpu.sync_copy(zin_h.at[pl.ds(sid * RPT, RPT)],
                        shared.at[pl.ds(sid * RPT, RPT)])
        plsc.subcore_barrier()
        base = wid * RW4
        idxs = (idx0, idx1)
        rows = (rows0, rows1)
        sems = (sem0, sem1)
        cps = [None] * SCH4
        cps[0] = (pltpu.async_copy(i_h.at[pl.ds(base, CH)], idx0, sem0),
                  pltpu.async_copy(p_h.at[pl.ds(base, CH)], rows0, sem0))
        for c in range(SCH4):
            nc = c + 1
            if nc < SCH4:
                off = base + nc * CH
                cps[nc] = (
                    pltpu.async_copy(i_h.at[pl.ds(off, CH)], idxs[nc % 2],
                                     sems[nc % 2]),
                    pltpu.async_copy(p_h.at[pl.ds(off, CH)], rows[nc % 2],
                                     sems[nc % 2]))
            cps[c][0].wait()
            cps[c][1].wait()
            pltpu.sync_copy(rows[c % 2], shared.at[idxs[c % 2]], add=True)
        plsc.subcore_barrier()
        pltpu.sync_copy(shared.at[pl.ds(sid * RPT, RPT)],
                        out_o.at[pl.ds(cid * ACC_ROWS + sid * RPT, RPT)])

    return _k4_scatter



def _k5_body(pa_ref, lb_ref, out_ref):
    z = jnp.maximum(pa_ref[0] + pa_ref[1] + lb_ref[:], 0.0)
    zn = jnp.sqrt(jnp.sum(z * z, axis=-1, keepdims=True))
    zn = jnp.where(zn == 0.0, 1.0, zn)
    out_ref[:] = z / zn


def kernel(h, edge_index, etype, hete, ln_g, ln_b, text_Wb, text_c,
           user_Wb, user_c, dst_Wb, dst_c, lin_W, lin_b):
    src = edge_index[0].astype(jnp.int32)
    dst = edge_index[1].astype(jnp.int32)

    ish = (hete > 0).astype(jnp.int32)
    ch = jnp.cumsum(ish)
    cnh = jnp.cumsum(1 - ish)
    nh = ch[-1]
    pos = jnp.where(ish > 0, ch - 1, nh + cnh - 1)
    tgt = dst[pos]

    pad = EP - NE
    sink = jnp.full((pad,), NN, jnp.int32)
    zpad = jnp.zeros((pad,), jnp.int32)
    src_p = jnp.concatenate([src, zpad])
    dst_p = jnp.concatenate([dst, zpad])
    scat_i = jnp.concatenate([tgt, sink, dst, sink])
    et_p = jnp.concatenate([etype.astype(jnp.int32),
                            jnp.zeros((pad,), jnp.int32)]).reshape(EP, 1)
    ht_p = jnp.concatenate([hete.astype(jnp.int32),
                            jnp.zeros((pad,), jnp.int32)]).reshape(EP, 1)

    w6 = jnp.concatenate([
        jnp.moveaxis(text_Wb, 0, 1).reshape(DIN, NB * HID),
        jnp.moveaxis(user_Wb, 0, 1).reshape(DIN, NB * HID)],
        axis=1).astype(jnp.bfloat16)
    wd = jnp.moveaxis(dst_Wb, 0, 1).reshape(DIN, NB * DIN).astype(jnp.bfloat16)
    wdl = wd[:HD2]
    wdh = wd[HD2:]
    w1 = lin_W[:HID].astype(jnp.bfloat16)
    w2 = lin_W[HID:].astype(jnp.bfloat16)

    hnb, y6n = pl.pallas_call(
        _k1_body,
        grid=(NN // LNC,),
        in_specs=[
            pl.BlockSpec((LNC, DIN), lambda i: (i, 0)),
            pl.BlockSpec((1, DIN), lambda i: (0, 0)),
            pl.BlockSpec((1, DIN), lambda i: (0, 0)),
            pl.BlockSpec((DIN, 2 * NB * HID), lambda i: (0, 0)),
        ],
        out_specs=[pl.BlockSpec((LNC, HD2), lambda i: (i, 0)),
                   pl.BlockSpec((LNC, HD2), lambda i: (i, 0))],
        out_shape=[jax.ShapeDtypeStruct((NN, HD2), jnp.int32),
                   jax.ShapeDtypeStruct((NN, HD2), jnp.int32)],
    )(h, ln_g.reshape(1, DIN), ln_b.reshape(1, DIN), w6)

    g6, gd = _sc_gather_kernel()(y6n, hnb, src_p, dst_p)

    p = pl.pallas_call(
        _k3_body,
        grid=(NT,),
        in_specs=[
            pl.BlockSpec((TE, HD2), lambda i: (i, 0)),
            pl.BlockSpec((TE, HD2), lambda i: (i, 0)),
            pl.BlockSpec((TE, 1), lambda i: (i, 0)),
            pl.BlockSpec((TE, 1), lambda i: (i, 0)),
            pl.BlockSpec((NTY, NB), lambda i: (0, 0)),
            pl.BlockSpec((NTY, NB), lambda i: (0, 0)),
            pl.BlockSpec((NTY, NB), lambda i: (0, 0)),
            pl.BlockSpec((HD2, NB * DIN), lambda i: (0, 0)),
            pl.BlockSpec((HD2, NB * DIN), lambda i: (0, 0)),
            pl.BlockSpec((HID, DOUT), lambda i: (0, 0)),
            pl.BlockSpec((DIN, DOUT), lambda i: (0, 0)),
        ],
        out_specs=pl.BlockSpec((2, TE, HID), lambda i: (0, i, 0)),
        out_shape=jax.ShapeDtypeStruct((2, EP, HID), jnp.float32),
    )(g6, gd, et_p, ht_p, text_c, user_c, dst_c, wdl, wdh, w1, w2)

    zin = jnp.zeros((ACC_ROWS, HID), jnp.float32)
    part = _sc_scatter_kernel()(p.reshape(2 * EP, HID), scat_i, zin)
    part = part.reshape(NC, ACC_ROWS, HID)

    outp = pl.pallas_call(
        _k5_body,
        grid=(ACC_ROWS // FNC,),
        in_specs=[
            pl.BlockSpec((NC, FNC, HID), lambda i: (0, i, 0)),
            pl.BlockSpec((1, DOUT), lambda i: (0, 0)),
        ],
        out_specs=pl.BlockSpec((FNC, DOUT), lambda i: (i, 0)),
        out_shape=jax.ShapeDtypeStruct((ACC_ROWS, DOUT), jnp.float32),
    )(part, lin_b.reshape(1, DOUT))
    return outp[:NN]

# --- scband reference (transcript-rebuilt; emitter-appended) ---
"""Pipeline reference for scband-gnet-16252156248485 (READ-ONLY COPY).

The authoritative reference and input builder live on the scoring server;
editing this copy changes nothing except your own understanding.
"""

import jax, jax.numpy as jnp
import numpy as np

N_NODES = 10000
N_EDGES = 20000
IN = 768
HID = 128
OUT = 128
NTYPES = 4
NBASES = 3


def layer_norm(x, g, b, eps=1e-5):
    mu = jnp.mean(x, axis=-1, keepdims=True)
    var = jnp.var(x, axis=-1, keepdims=True)
    return (x - mu) / jnp.sqrt(var + eps) * g + b


def typed_linear(x, types, Wb, coeff):
    # DGL TypedLinear with basis regularizer: W_t = sum_b coeff[t, b] * Wb[b]
    xb = jnp.einsum('ni,bio->nbo', x, Wb)
    c = coeff[types]
    return jnp.einsum('nb,nbo->no', c, xb)


def setup_inputs(seed: int = 0) -> dict:
    key = jax.random.key(seed)
    ks = jax.random.split(key, 12)
    h = jax.random.normal(ks[0], (N_NODES, IN), dtype=jnp.float32)
    edge_index = jax.random.randint(ks[1], (2, N_EDGES), 0, N_NODES, dtype=jnp.int32)
    etype = jax.random.randint(ks[2], (N_EDGES,), 0, NTYPES, dtype=jnp.int32)
    hete = jax.random.randint(ks[3], (N_EDGES,), 0, 2, dtype=jnp.int32)
    ln_g = jnp.ones((IN,), dtype=jnp.float32)
    ln_b = jnp.zeros((IN,), dtype=jnp.float32)
    text_Wb = jax.random.normal(ks[4], (NBASES, IN, HID), dtype=jnp.float32) * 0.02
    text_c = jax.random.normal(ks[5], (NTYPES, NBASES), dtype=jnp.float32) * 0.5
    user_Wb = jax.random.normal(ks[6], (NBASES, IN, HID), dtype=jnp.float32) * 0.02
    user_c = jax.random.normal(ks[7], (NTYPES, NBASES), dtype=jnp.float32) * 0.5
    dst_Wb = jax.random.normal(ks[8], (NBASES, IN, IN), dtype=jnp.float32) * 0.02
    dst_c = jax.random.normal(ks[9], (NTYPES, NBASES), dtype=jnp.float32) * 0.5
    lin_W = jax.random.normal(ks[10], (IN + HID, OUT), dtype=jnp.float32) * 0.02
    lin_b = jnp.zeros((OUT,), dtype=jnp.float32)
    return {
        'h': h, 'edge_index': edge_index, 'etype': etype, 'hete': hete,
        'ln_g': ln_g, 'ln_b': ln_b,
        'text_Wb': text_Wb, 'text_c': text_c,
        'user_Wb': user_Wb, 'user_c': user_c,
        'dst_Wb': dst_Wb, 'dst_c': dst_c,
        'lin_W': lin_W, 'lin_b': lin_b,
    }


def reference(h, edge_index, etype, hete, ln_g, ln_b, text_Wb, text_c,
              user_Wb, user_c, dst_Wb, dst_c, lin_W, lin_b):
    src = edge_index[0]
    dst = edge_index[1]
    # Edge split by the 'hete' flag. Dropout is identity in eval mode.
    is_hete = hete > 0
    # Stable partition permutation: hete edges first (original relative order),
    # then homo edges, matching nonzero(hete>0) followed by nonzero(hete<=0).
    perm = jnp.argsort(jnp.where(is_hete, 0, 1), stable=True)

    src_feat = layer_norm(h[src], ln_g, ln_b)           # gather + LN(768)
    hete_feat_all = jax.nn.relu(typed_linear(src_feat, etype, text_Wb, text_c))
    homo_feat_all = jax.nn.relu(typed_linear(src_feat, etype, user_Wb, user_c))
    edge_feat = jnp.where(is_hete[:, None], hete_feat_all, homo_feat_all)
    dst_feat = jax.nn.relu(typed_linear(layer_norm(h[dst], ln_g, ln_b), etype, dst_Wb, dst_c))

    # NOTE: faithful to original: cat([hete_feat, homo_feat], 0) permutes edge
    # order relative to dst_feat before the last-dim concat.
    feat = edge_feat[perm]                                  # [E, HID], permuted order
    m = jnp.concatenate([feat, dst_feat], axis=-1)          # [E, HID+IN]
    n = jax.ops.segment_sum(m, dst, num_segments=N_NODES)   # fn.sum('m','n')

    z = jax.nn.relu(n @ lin_W + lin_b)
    zn = jnp.linalg.norm(z, ord=2, axis=1, keepdims=True)
    zn = jnp.where(zn == 0, jnp.float32(1.0), zn)
    return z / zn

if __name__ == "__main__":
    import jax
    _d = setup_inputs()
    print(jax.jit(kernel)(*tuple(_d.values())))

</pallas_src>

<mosaic_0001>
#map = affine_map<(d0, d1) -> (0, 0)>
#map1 = affine_map<(d0, d1) -> (0)>
module attributes {stable_mosaic.version = 14 : i64} {
  func.func @_k4_scatter(%arg0: i32, %arg1: i32, %arg2: memref<40960x128xf32, #tpu.memory_space<hbm>>, %arg3: memref<40960xi32, #tpu.memory_space<hbm>>, %arg4: memref<10240x128xf32, #tpu.memory_space<hbm>>, %arg5: memref<20480x128xf32, #tpu.memory_space<hbm>>, %arg6: memref<128xi32, #tpu.memory_space<vmem>>, %arg7: memref<128xi32, #tpu.memory_space<vmem>>, %arg8: memref<128x128xf32, #tpu.memory_space<vmem>>, %arg9: memref<128x128xf32, #tpu.memory_space<vmem>>, %arg10: memref<!tpu.dma_semaphore, #tpu.memory_space<semaphore_mem>>, %arg11: memref<!tpu.dma_semaphore, #tpu.memory_space<semaphore_mem>>, %arg12: memref<10240x128xf32, #tpu.memory_space<vmem_shared>>) attributes {dimension_semantics = [#tpu.dimension_semantics<core_parallel>, #tpu.dimension_semantics<subcore_parallel>], iteration_bounds = array<i64: 2, 16>, scalar_prefetch = 0 : i64, scratch_operands = 7 : i64, tpu.core_type = #tpu.core_type<sc_vector_subcore>, window_params = [{transform_indices = #map}, {transform_indices = #map1}, {transform_indices = #map}, {transform_indices = #map}]} {
    %mul3A = arith.constant 2 : i32
    %mul3A_0 = arith.muli %arg1, %mul3A : i32
    %add3A = arith.addi %mul3A_0, %arg0 : i32
    %mul3A_1 = arith.constant 640 : i32
    %mul3A_2 = arith.muli %arg1, %mul3A_1 : i32
    %mul3A_3 = arith.constant 640 : i32
    %mul3A_4 = arith.muli %arg1, %mul3A_3 : i32
    "tpu.region"() ({
      %run_scoped3A = tpu.sem_alloc : memref<!tpu.dma_semaphore, #tpu.memory_space<semaphore_mem>>
      %dma_start3A_151 = arith.constant 0 : i32
      %dma_start3A_152 = tpu.memref_slice %arg12[%mul3A_4, %dma_start3A_151] : memref<10240x128xf32, #tpu.memory_space<vmem_shared>> -> memref<640x128xf32, #tpu.memory_space<vmem_shared>>
      %dma_start3A_153 = arith.constant 0 : i32
      %dma_start3A_154 = tpu.memref_slice %arg4[%mul3A_2, %dma_start3A_153] : memref<10240x128xf32, #tpu.memory_space<hbm>> -> memref<640x128xf32, #tpu.memory_space<hbm>>
      tpu.enqueue_dma source(%dma_start3A_154 : memref<640x128xf32, #tpu.memory_space<hbm>>) target(%dma_start3A_152 : memref<640x128xf32, #tpu.memory_space<vmem_shared>>) target_semaphore(%run_scoped3A : memref<!tpu.dma_semaphore, #tpu.memory_space<semaphore_mem>>)
      %dma_wait3A_155 = arith.constant 0 : i32
      %dma_wait3A_156 = tpu.memref_slice %arg12[%mul3A_4, %dma_wait3A_155] : memref<10240x128xf32, #tpu.memory_space<vmem_shared>> -> memref<640x128xf32, #tpu.memory_space<vmem_shared>>
      %dma_wait3A_157 = arith.constant 0 : i32
      %dma_wait3A_158 = tpu.memref_slice %arg4[%mul3A_2, %dma_wait3A_157] : memref<10240x128xf32, #tpu.memory_space<hbm>> -> memref<640x128xf32, #tpu.memory_space<hbm>>
      tpu.wait_dma2 semaphore(%run_scoped3A : memref<!tpu.dma_semaphore, #tpu.memory_space<semaphore_mem>>) src(%dma_wait3A_158 : memref<640x128xf32, #tpu.memory_space<hbm>>) dst(%dma_wait3A_156 : memref<640x128xf32, #tpu.memory_space<vmem_shared>>)
      tpu.yield
    }) : () -> ()
    %barrier3A = arith.constant 0 : index
    tpu.barrier barrier_id(%barrier3A)
    %mul3A_5 = arith.constant 1280 : i32
    %mul3A_6 = arith.muli %add3A, %mul3A_5 : i32
    %dma_start3A = tpu.memref_slice %arg3[%mul3A_6] : memref<40960xi32, #tpu.memory_space<hbm>> -> memref<128xi32, #tpu.memory_space<hbm>>
    %dma_start3A_7 = tpu.memref_slice %arg3[%mul3A_6] : memref<40960xi32, #tpu.memory_space<hbm>> -> memref<128xi32, #tpu.memory_space<hbm>>
    tpu.enqueue_dma source(%dma_start3A_7 : memref<128xi32, #tpu.memory_space<hbm>>) target(%arg6 : memref<128xi32, #tpu.memory_space<vmem>>) target_semaphore(%arg10 : memref<!tpu.dma_semaphore, #tpu.memory_space<semaphore_mem>>)
    %dma_start3A_8 = arith.constant 0 : i32
    %dma_start3A_9 = tpu.memref_slice %arg2[%mul3A_6, %dma_start3A_8] : memref<40960x128xf32, #tpu.memory_space<hbm>> -> memref<128x128xf32, #tpu.memory_space<hbm>>
    %dma_start3A_10 = arith.constant 0 : i32
    %dma_start3A_11 = tpu.memref_slice %arg2[%mul3A_6, %dma_start3A_10] : memref<40960x128xf32, #tpu.memory_space<hbm>> -> memref<128x128xf32, #tpu.memory_space<hbm>>
    tpu.enqueue_dma source(%dma_start3A_11 : memref<128x128xf32, #tpu.memory_space<hbm>>) target(%arg8 : memref<128x128xf32, #tpu.memory_space<vmem>>) target_semaphore(%arg10 : memref<!tpu.dma_semaphore, #tpu.memory_space<semaphore_mem>>)
    %add3A_12 = arith.constant 128 : i32
    %add3A_13 = arith.addi %mul3A_6, %add3A_12 : i32
    %dma_start3A_14 = tpu.memref_slice %arg3[%add3A_13] : memref<40960xi32, #tpu.memory_space<hbm>> -> memref<128xi32, #tpu.memory_space<hbm>>
    %dma_start3A_15 = tpu.memref_slice %arg3[%add3A_13] : memref<40960xi32, #tpu.memory_space<hbm>> -> memref<128xi32, #tpu.memory_space<hbm>>
    tpu.enqueue_dma source(%dma_start3A_15 : memref<128xi32, #tpu.memory_space<hbm>>) target(%arg7 : memref<128xi32, #tpu.memory_space<vmem>>) target_semaphore(%arg11 : memref<!tpu.dma_semaphore, #tpu.memory_space<semaphore_mem>>)
    %dma_start3A_16 = arith.constant 0 : i32
    %dma_start3A_17 = tpu.memref_slice %arg2[%add3A_13, %dma_start3A_16] : memref<40960x128xf32, #tpu.memory_space<hbm>> -> memref<128x128xf32, #tpu.memory_space<hbm>>
    %dma_start3A_18 = arith.constant 0 : i32
    %dma_start3A_19 = tpu.memref_slice %arg2[%add3A_13, %dma_start3A_18] : memref<40960x128xf32, #tpu.memory_space<hbm>> -> memref<128x128xf32, #tpu.memory_space<hbm>>
    tpu.enqueue_dma source(%dma_start3A_19 : memref<128x128xf32, #tpu.memory_space<hbm>>) target(%arg9 : memref<128x128xf32, #tpu.memory_space<vmem>>) target_semaphore(%arg11 : memref<!tpu.dma_semaphore, #tpu.memory_space<semaphore_mem>>)
    %dma_wait3A = tpu.memref_slice %arg3[%mul3A_6] : memref<40960xi32, #tpu.memory_space<hbm>> -> memref<128xi32, #tpu.memory_space<hbm>>
    %dma_wait3A_20 = tpu.memref_slice %arg3[%mul3A_6] : memref<40960xi32, #tpu.memory_space<hbm>> -> memref<128xi32, #tpu.memory_space<hbm>>
    tpu.wait_dma2 semaphore(%arg10 : memref<!tpu.dma_semaphore, #tpu.memory_space<semaphore_mem>>) src(%dma_wait3A_20 : memref<128xi32, #tpu.memory_space<hbm>>) dst(%arg6 : memref<128xi32, #tpu.memory_space<vmem>>)
    %dma_wait3A_21 = arith.constant 0 : i32
    %dma_wait3A_22 = tpu.memref_slice %arg2[%mul3A_6, %dma_wait3A_21] : memref<40960x128xf32, #tpu.memory_space<hbm>> -> memref<128x128xf32, #tpu.memory_space<hbm>>
    %dma_wait3A_23 = arith.constant 0 : i32
    %dma_wait3A_24 = tpu.memref_slice %arg2[%mul3A_6, %dma_wait3A_23] : memref<40960x128xf32, #tpu.memory_space<hbm>> -> memref<128x128xf32, #tpu.memory_space<hbm>>
    tpu.wait_dma2 semaphore(%arg10 : memref<!tpu.dma_semaphore, #tpu.memory_space<semaphore_mem>>) src(%dma_wait3A_24 : memref<128x128xf32, #tpu.memory_space<hbm>>) dst(%arg8 : memref<128x128xf32, #tpu.memory_space<vmem>>)
    "tpu.region"() ({
      %run_scoped3A = tpu.sem_alloc : memref<!tpu.dma_semaphore, #tpu.memory_space<semaphore_mem>>
      %dma_start3A_151 = arith.constant 0 : i32
      %dma_start3A_152 = arith.constant 0 : i32
      %dma_start3A_153 = tpu.memref_slice %arg12[%dma_start3A_151, %dma_start3A_152] : memref<10240x128xf32, #tpu.memory_space<vmem_shared>> -> memref<10240x128xf32, #tpu.memory_space<vmem_shared>>
      tpu.enqueue_indirect_dma source(%arg8 : memref<128x128xf32, #tpu.memory_space<vmem>>) target(%dma_start3A_153 : memref<10240x128xf32, #tpu.memory_space<vmem_shared>>) offsets(%arg6 : memref<128xi32, #tpu.memory_space<vmem>>) semaphore(%run_scoped3A : memref<!tpu.dma_semaphore, #tpu.memory_space<semaphore_mem>>) {add = true}
      %dma_wait3A_154 = arith.constant 0 : i32
      %dma_wait3A_155 = arith.constant 0 : i32
      %dma_wait3A_156 = tpu.memref_slice %arg12[%dma_wait3A_154, %dma_wait3A_155] : memref<10240x128xf32, #tpu.memory_space<vmem_shared>> -> memref<10240x128xf32, #tpu.memory_space<vmem_shared>>
      tpu.wait_indirect_dma semaphore(%run_scoped3A : memref<!tpu.dma_semaphore, #tpu.memory_space<semaphore_mem>>) src(%arg8 : memref<128x128xf32, #tpu.memory_space<vmem>>) dst(%dma_wait3A_156 : memref<10240x128xf32, #tpu.memory_space<vmem_shared>>)
      tpu.yield
    }) : () -> ()
    %add3A_25 = arith.constant 256 : i32
    %add3A_26 = arith.addi %mul3A_6, %add3A_25 : i32
    %dma_start3A_27 = tpu.memref_slice %arg3[%add3A_26] : memref<40960xi32, #tpu.memory_space<hbm>> -> memref<128xi32, #tpu.memory_space<hbm>>
    %dma_start3A_28 = tpu.memref_slice %arg3[%add3A_26] : memref<40960xi32, #tpu.memory_space<hbm>> -> memref<128xi32, #tpu.memory_space<hbm>>
    tpu.enqueue_dma source(%dma_start3A_28 : memref<128xi32, #tpu.memory_space<hbm>>) target(%arg6 : memref<128xi32, #tpu.memory_space<vmem>>) target_semaphore(%arg10 : memref<!tpu.dma_semaphore, #tpu.memory_space<semaphore_mem>>)
    %dma_start3A_29 = arith.constant 0 : i32
    %dma_start3A_30 = tpu.memref_slice %arg2[%add3A_26, %dma_start3A_29] : memref<40960x128xf32, #tpu.memory_space<hbm>> -> memref<128x128xf32, #tpu.memory_space<hbm>>
    %dma_start3A_31 = arith.constant 0 : i32
    %dma_start3A_32 = tpu.memref_slice %arg2[%add3A_26, %dma_start3A_31] : memref<40960x128xf32, #tpu.memory_space<hbm>> -> memref<128x128xf32, #tpu.memory_space<hbm>>
    tpu.enqueue_dma source(%dma_start3A_32 : memref<128x128xf32, #tpu.memory_space<hbm>>) target(%arg8 : memref<128x128xf32, #tpu.memory_space<vmem>>) target_semaphore(%arg10 : memref<!tpu.dma_semaphore, #tpu.memory_space<semaphore_mem>>)
    %dma_wait3A_33 = tpu.memref_slice %arg3[%add3A_13] : memref<40960xi32, #tpu.memory_space<hbm>> -> memref<128xi32, #tpu.memory_space<hbm>>
    %dma_wait3A_34 = tpu.memref_slice %arg3[%add3A_13] : memref<40960xi32, #tpu.memory_space<hbm>> -> memref<128xi32, #tpu.memory_space<hbm>>
    tpu.wait_dma2 semaphore(%arg11 : memref<!tpu.dma_semaphore, #tpu.memory_space<semaphore_mem>>) src(%dma_wait3A_34 : memref<128xi32, #tpu.memory_space<hbm>>) dst(%arg7 : memref<128xi32, #tpu.memory_space<vmem>>)
    %dma_wait3A_35 = arith.constant 0 : i32
    %dma_wait3A_36 = tpu.memref_slice %arg2[%add3A_13, %dma_wait3A_35] : memref<40960x128xf32, #tpu.memory_space<hbm>> -> memref<128x128xf32, #tpu.memory_space<hbm>>
    %dma_wait3A_37 = arith.constant 0 : i32
    %dma_wait3A_38 = tpu.memref_slice %arg2[%add3A_13, %dma_wait3A_37] : memref<40960x128xf32, #tpu.memory_space<hbm>> -> memref<128x128xf32, #tpu.memory_space<hbm>>
    tpu.wait_dma2 semaphore(%arg11 : memref<!tpu.dma_semaphore, #tpu.memory_space<semaphore_mem>>) src(%dma_wait3A_38 : memref<128x128xf32, #tpu.memory_space<hbm>>) dst(%arg9 : memref<128x128xf32, #tpu.memory_space<vmem>>)
    "tpu.region"() ({
      %run_scoped3A = tpu.sem_alloc : memref<!tpu.dma_semaphore, #tpu.memory_space<semaphore_mem>>
      %dma_start3A_151 = arith.constant 0 : i32
      %dma_start3A_152 = arith.constant 0 : i32
      %dma_start3A_153 = tpu.memref_slice %arg12[%dma_start3A_151, %dma_start3A_152] : memref<10240x128xf32, #tpu.memory_space<vmem_shared>> -> memref<10240x128xf32, #tpu.memory_space<vmem_shared>>
      tpu.enqueue_indirect_dma source(%arg9 : memref<128x128xf32, #tpu.memory_space<vmem>>) target(%dma_start3A_153 : memref<10240x128xf32, #tpu.memory_space<vmem_shared>>) offsets(%arg7 : memref<128xi32, #tpu.memory_space<vmem>>) semaphore(%run_scoped3A : memref<!tpu.dma_semaphore, #tpu.memory_space<semaphore_mem>>) {add = true}
      %dma_wait3A_154 = arith.constant 0 : i32
      %dma_wait3A_155 = arith.constant 0 : i32
      %dma_wait3A_156 = tpu.memref_slice %arg12[%dma_wait3A_154, %dma_wait3A_155] : memref<10240x128xf32, #tpu.memory_space<vmem_shared>> -> memref<10240x128xf32, #tpu.memory_space<vmem_shared>>
      tpu.wait_indirect_dma semaphore(%run_scoped3A : memref<!tpu.dma_semaphore, #tpu.memory_space<semaphore_mem>>) src(%arg9 : memref<128x128xf32, #tpu.memory_space<vmem>>) dst(%dma_wait3A_156 : memref<10240x128xf32, #tpu.memory_space<vmem_shared>>)
      tpu.yield
    }) : () -> ()
    %add3A_39 = arith.constant 384 : i32
    %add3A_40 = arith.addi %mul3A_6, %add3A_39 : i32
    %dma_start3A_41 = tpu.memref_slice %arg3[%add3A_40] : memref<40960xi32, #tpu.memory_space<hbm>> -> memref<128xi32, #tpu.memory_space<hbm>>
    %dma_start3A_42 = tpu.memref_slice %arg3[%add3A_40] : memref<40960xi32, #tpu.memory_space<hbm>> -> memref<128xi32, #tpu.memory_space<hbm>>
    tpu.enqueue_dma source(%dma_start3A_42 : memref<128xi32, #tpu.memory_space<hbm>>) target(%arg7 : memref<128xi32, #tpu.memory_space<vmem>>) target_semaphore(%arg11 : memref<!tpu.dma_semaphore, #tpu.memory_space<semaphore_mem>>)
    %dma_start3A_43 = arith.constant 0 : i32
    %dma_start3A_44 = tpu.memref_slice %arg2[%add3A_40, %dma_start3A_43] : memref<40960x128xf32, #tpu.memory_space<hbm>> -> memref<128x128xf32, #tpu.memory_space<hbm>>
    %dma_start3A_45 = arith.constant 0 : i32
    %dma_start3A_46 = tpu.memref_slice %arg2[%add3A_40, %dma_start3A_45] : memref<40960x128xf32, #tpu.memory_space<hbm>> -> memref<128x128xf32, #tpu.memory_space<hbm>>
    tpu.enqueue_dma source(%dma_start3A_46 : memref<128x128xf32, #tpu.memory_space<hbm>>) target(%arg9 : memref<128x128xf32, #tpu.memory_space<vmem>>) target_semaphore(%arg11 : memref<!tpu.dma_semaphore, #tpu.memory_space<semaphore_mem>>)
    %dma_wait3A_47 = tpu.memref_slice %arg3[%add3A_26] : memref<40960xi32, #tpu.memory_space<hbm>> -> memref<128xi32, #tpu.memory_space<hbm>>
    %dma_wait3A_48 = tpu.memref_slice %arg3[%add3A_26] : memref<40960xi32, #tpu.memory_space<hbm>> -> memref<128xi32, #tpu.memory_space<hbm>>
    tpu.wait_dma2 semaphore(%arg10 : memref<!tpu.dma_semaphore, #tpu.memory_space<semaphore_mem>>) src(%dma_wait3A_48 : memref<128xi32, #tpu.memory_space<hbm>>) dst(%arg6 : memref<128xi32, #tpu.memory_space<vmem>>)
    %dma_wait3A_49 = arith.constant 0 : i32
    %dma_wait3A_50 = tpu.memref_slice %arg2[%add3A_26, %dma_wait3A_49] : memref<40960x128xf32, #tpu.memory_space<hbm>> -> memref<128x128xf32, #tpu.memory_space<hbm>>
    %dma_wait3A_51 = arith.constant 0 : i32
    %dma_wait3A_52 = tpu.memref_slice %arg2[%add3A_26, %dma_wait3A_51] : memref<40960x128xf32, #tpu.memory_space<hbm>> -> memref<128x128xf32, #tpu.memory_space<hbm>>
    tpu.wait_dma2 semaphore(%arg10 : memref<!tpu.dma_semaphore, #tpu.memory_space<semaphore_mem>>) src(%dma_wait3A_52 : memref<128x128xf32, #tpu.memory_space<hbm>>) dst(%arg8 : memref<128x128xf32, #tpu.memory_space<vmem>>)
    "tpu.region"() ({
      %run_scoped3A = tpu.sem_alloc : memref<!tpu.dma_semaphore, #tpu.memory_space<semaphore_mem>>
      %dma_start3A_151 = arith.constant 0 : i32
      %dma_start3A_152 = arith.constant 0 : i32
      %dma_start3A_153 = tpu.memref_slice %arg12[%dma_start3A_151, %dma_start3A_152] : memref<10240x128xf32, #tpu.memory_space<vmem_shared>> -> memref<10240x128xf32, #tpu.memory_space<vmem_shared>>
      tpu.enqueue_indirect_dma source(%arg8 : memref<128x128xf32, #tpu.memory_space<vmem>>) target(%dma_start3A_153 : memref<10240x128xf32, #tpu.memory_space<vmem_shared>>) offsets(%arg6 : memref<128xi32, #tpu.memory_space<vmem>>) semaphore(%run_scoped3A : memref<!tpu.dma_semaphore, #tpu.memory_space<semaphore_mem>>) {add = true}
      %dma_wait3A_154 = arith.constant 0 : i32
      %dma_wait3A_155 = arith.constant 0 : i32
      %dma_wait3A_156 = tpu.memref_slice %arg12[%dma_wait3A_154, %dma_wait3A_155] : memref<10240x128xf32, #tpu.memory_space<vmem_shared>> -> memref<10240x128xf32, #tpu.memory_space<vmem_shared>>
      tpu.wait_indirect_dma semaphore(%run_scoped3A : memref<!tpu.dma_semaphore, #tpu.memory_space<semaphore_mem>>) src(%arg8 : memref<128x128xf32, #tpu.memory_space<vmem>>) dst(%dma_wait3A_156 : memref<10240x128xf32, #tpu.memory_space<vmem_shared>>)
      tpu.yield
    }) : () -> ()
    %add3A_53 = arith.constant 512 : i32
    %add3A_54 = arith.addi %mul3A_6, %add3A_53 : i32
    %dma_start3A_55 = tpu.memref_slice %arg3[%add3A_54] : memref<40960xi32, #tpu.memory_space<hbm>> -> memref<128xi32, #tpu.memory_space<hbm>>
    %dma_start3A_56 = tpu.memref_slice %arg3[%add3A_54] : memref<40960xi32, #tpu.memory_space<hbm>> -> memref<128xi32, #tpu.memory_space<hbm>>
    tpu.enqueue_dma source(%dma_start3A_56 : memref<128xi32, #tpu.memory_space<hbm>>) target(%arg6 : memref<128xi32, #tpu.memory_space<vmem>>) target_semaphore(%arg10 : memref<!tpu.dma_semaphore, #tpu.memory_space<semaphore_mem>>)
    %dma_start3A_57 = arith.constant 0 : i32
    %dma_start3A_58 = tpu.memref_slice %arg2[%add3A_54, %dma_start3A_57] : memref<40960x128xf32, #tpu.memory_space<hbm>> -> memref<128x128xf32, #tpu.memory_space<hbm>>
    %dma_start3A_59 = arith.constant 0 : i32
    %dma_start3A_60 = tpu.memref_slice %arg2[%add3A_54, %dma_start3A_59] : memref<40960x128xf32, #tpu.memory_space<hbm>> -> memref<128x128xf32, #tpu.memory_space<hbm>>
    tpu.enqueue_dma source(%dma_start3A_60 : memref<128x128xf32, #tpu.memory_space<hbm>>) target(%arg8 : memref<128x128xf32, #tpu.memory_space<vmem>>) target_semaphore(%arg10 : memref<!tpu.dma_semaphore, #tpu.memory_space<semaphore_mem>>)
    %dma_wait3A_61 = tpu.memref_slice %arg3[%add3A_40] : memref<40960xi32, #tpu.memory_space<hbm>> -> memref<128xi32, #tpu.memory_space<hbm>>
    %dma_wait3A_62 = tpu.memref_slice %arg3[%add3A_40] : memref<40960xi32, #tpu.memory_space<hbm>> -> memref<128xi32, #tpu.memory_space<hbm>>
    tpu.wait_dma2 semaphore(%arg11 : memref<!tpu.dma_semaphore, #tpu.memory_space<semaphore_mem>>) src(%dma_wait3A_62 : memref<128xi32, #tpu.memory_space<hbm>>) dst(%arg7 : memref<128xi32, #tpu.memory_space<vmem>>)
    %dma_wait3A_63 = arith.constant 0 : i32
    %dma_wait3A_64 = tpu.memref_slice %arg2[%add3A_40, %dma_wait3A_63] : memref<40960x128xf32, #tpu.memory_space<hbm>> -> memref<128x128xf32, #tpu.memory_space<hbm>>
    %dma_wait3A_65 = arith.constant 0 : i32
    %dma_wait3A_66 = tpu.memref_slice %arg2[%add3A_40, %dma_wait3A_65] : memref<40960x128xf32, #tpu.memory_space<hbm>> -> memref<128x128xf32, #tpu.memory_space<hbm>>
    tpu.wait_dma2 semaphore(%arg11 : memref<!tpu.dma_semaphore, #tpu.memory_space<semaphore_mem>>) src(%dma_wait3A_66 : memref<128x128xf32, #tpu.memory_space<hbm>>) dst(%arg9 : memref<128x128xf32, #tpu.memory_space<vmem>>)
    "tpu.region"() ({
      %run_scoped3A = tpu.sem_alloc : memref<!tpu.dma_semaphore, #tpu.memory_space<semaphore_mem>>
      %dma_start3A_151 = arith.constant 0 : i32
      %dma_start3A_152 = arith.constant 0 : i32
      %dma_start3A_153 = tpu.memref_slice %arg12[%dma_start3A_151, %dma_start3A_152] : memref<10240x128xf32, #tpu.memory_space<vmem_shared>> -> memref<10240x128xf32, #tpu.memory_space<vmem_shared>>
      tpu.enqueue_indirect_dma source(%arg9 : memref<128x128xf32, #tpu.memory_space<vmem>>) target(%dma_start3A_153 : memref<10240x128xf32, #tpu.memory_space<vmem_shared>>) offsets(%arg7 : memref<128xi32, #tpu.memory_space<vmem>>) semaphore(%run_scoped3A : memref<!tpu.dma_semaphore, #tpu.memory_space<semaphore_mem>>) {add = true}
      %dma_wait3A_154 = arith.constant 0 : i32
      %dma_wait3A_155 = arith.constant 0 : i32
      %dma_wait3A_156 = tpu.memref_slice %arg12[%dma_wait3A_154, %dma_wait3A_155] : memref<10240x128xf32, #tpu.memory_space<vmem_shared>> -> memref<10240x128xf32, #tpu.memory_space<vmem_shared>>
      tpu.wait_indirect_dma semaphore(%run_scoped3A : memref<!tpu.dma_semaphore, #tpu.memory_space<semaphore_mem>>) src(%arg9 : memref<128x128xf32, #tpu.memory_space<vmem>>) dst(%dma_wait3A_156 : memref<10240x128xf32, #tpu.memory_space<vmem_shared>>)
      tpu.yield
    }) : () -> ()
    %add3A_67 = arith.constant 640 : i32
    %add3A_68 = arith.addi %mul3A_6, %add3A_67 : i32
    %dma_start3A_69 = tpu.memref_slice %arg3[%add3A_68] : memref<40960xi32, #tpu.memory_space<hbm>> -> memref<128xi32, #tpu.memory_space<hbm>>
    %dma_start3A_70 = tpu.memref_slice %arg3[%add3A_68] : memref<40960xi32, #tpu.memory_space<hbm>> -> memref<128xi32, #tpu.memory_space<hbm>>
    tpu.enqueue_dma source(%dma_start3A_70 : memref<128xi32, #tpu.memory_space<hbm>>) target(%arg7 : memref<128xi32, #tpu.memory_space<vmem>>) target_semaphore(%arg11 : memref<!tpu.dma_semaphore, #tpu.memory_space<semaphore_mem>>)
    %dma_start3A_71 = arith.constant 0 : i32
    %dma_start3A_72 = tpu.memref_slice %arg2[%add3A_68, %dma_start3A_71] : memref<40960x128xf32, #tpu.memory_space<hbm>> -> memref<128x128xf32, #tpu.memory_space<hbm>>
    %dma_start3A_73 = arith.constant 0 : i32
    %dma_start3A_74 = tpu.memref_slice %arg2[%add3A_68, %dma_start3A_73] : memref<40960x128xf32, #tpu.memory_space<hbm>> -> memref<128x128xf32, #tpu.memory_space<hbm>>
    tpu.enqueue_dma source(%dma_start3A_74 : memref<128x128xf32, #tpu.memory_space<hbm>>) target(%arg9 : memref<128x128xf32, #tpu.memory_space<vmem>>) target_semaphore(%arg11 : memref<!tpu.dma_semaphore, #tpu.memory_space<semaphore_mem>>)
    %dma_wait3A_75 = tpu.memref_slice %arg3[%add3A_54] : memref<40960xi32, #tpu.memory_space<hbm>> -> memref<128xi32, #tpu.memory_space<hbm>>
    %dma_wait3A_76 = tpu.memref_slice %arg3[%add3A_54] : memref<40960xi32, #tpu.memory_space<hbm>> -> memref<128xi32, #tpu.memory_space<hbm>>
    tpu.wait_dma2 semaphore(%arg10 : memref<!tpu.dma_semaphore, #tpu.memory_space<semaphore_mem>>) src(%dma_wait3A_76 : memref<128xi32, #tpu.memory_space<hbm>>) dst(%arg6 : memref<128xi32, #tpu.memory_space<vmem>>)
    %dma_wait3A_77 = arith.constant 0 : i32
    %dma_wait3A_78 = tpu.memref_slice %arg2[%add3A_54, %dma_wait3A_77] : memref<40960x128xf32, #tpu.memory_space<hbm>> -> memref<128x128xf32, #tpu.memory_space<hbm>>
    %dma_wait3A_79 = arith.constant 0 : i32
    %dma_wait3A_80 = tpu.memref_slice %arg2[%add3A_54, %dma_wait3A_79] : memref<40960x128xf32, #tpu.memory_space<hbm>> -> memref<128x128xf32, #tpu.memory_space<hbm>>
    tpu.wait_dma2 semaphore(%arg10 : memref<!tpu.dma_semaphore, #tpu.memory_space<semaphore_mem>>) src(%dma_wait3A_80 : memref<128x128xf32, #tpu.memory_space<hbm>>) dst(%arg8 : memref<128x128xf32, #tpu.memory_space<vmem>>)
    "tpu.region"() ({
      %run_scoped3A = tpu.sem_alloc : memref<!tpu.dma_semaphore, #tpu.memory_space<semaphore_mem>>
      %dma_start3A_151 = arith.constant 0 : i32
      %dma_start3A_152 = arith.constant 0 : i32
      %dma_start3A_153 = tpu.memref_slice %arg12[%dma_start3A_151, %dma_start3A_152] : memref<10240x128xf32, #tpu.memory_space<vmem_shared>> -> memref<10240x128xf32, #tpu.memory_space<vmem_shared>>
      tpu.enqueue_indirect_dma source(%arg8 : memref<128x128xf32, #tpu.memory_space<vmem>>) target(%dma_start3A_153 : memref<10240x128xf32, #tpu.memory_space<vmem_shared>>) offsets(%arg6 : memref<128xi32, #tpu.memory_space<vmem>>) semaphore(%run_scoped3A : memref<!tpu.dma_semaphore, #tpu.memory_space<semaphore_mem>>) {add = true}
      %dma_wait3A_154 = arith.constant 0 : i32
      %dma_wait3A_155 = arith.constant 0 : i32
      %dma_wait3A_156 = tpu.memref_slice %arg12[%dma_wait3A_154, %dma_wait3A_155] : memref<10240x128xf32, #tpu.memory_space<vmem_shared>> -> memref<10240x128xf32, #tpu.memory_space<vmem_shared>>
      tpu.wait_indirect_dma semaphore(%run_scoped3A : memref<!tpu.dma_semaphore, #tpu.memory_space<semaphore_mem>>) src(%arg8 : memref<128x128xf32, #tpu.memory_space<vmem>>) dst(%dma_wait3A_156 : memref<10240x128xf32, #tpu.memory_space<vmem_shared>>)
      tpu.yield
    }) : () -> ()
    %add3A_81 = arith.constant 768 : i32
    %add3A_82 = arith.addi %mul3A_6, %add3A_81 : i32
    %dma_start3A_83 = tpu.memref_slice %arg3[%add3A_82] : memref<40960xi32, #tpu.memory_space<hbm>> -> memref<128xi32, #tpu.memory_space<hbm>>
    %dma_start3A_84 = tpu.memref_slice %arg3[%add3A_82] : memref<40960xi32, #tpu.memory_space<hbm>> -> memref<128xi32, #tpu.memory_space<hbm>>
    tpu.enqueue_dma source(%dma_start3A_84 : memref<128xi32, #tpu.memory_space<hbm>>) target(%arg6 : memref<128xi32, #tpu.memory_space<vmem>>) target_semaphore(%arg10 : memref<!tpu.dma_semaphore, #tpu.memory_space<semaphore_mem>>)
    %dma_start3A_85 = arith.constant 0 : i32
    %dma_start3A_86 = tpu.memref_slice %arg2[%add3A_82, %dma_start3A_85] : memref<40960x128xf32, #tpu.memory_space<hbm>> -> memref<128x128xf32, #tpu.memory_space<hbm>>
    %dma_start3A_87 = arith.constant 0 : i32
    %dma_start3A_88 = tpu.memref_slice %arg2[%add3A_82, %dma_start3A_87] : memref<40960x128xf32, #tpu.memory_space<hbm>> -> memref<128x128xf32, #tpu.memory_space<hbm>>
    tpu.enqueue_dma source(%dma_start3A_88 : memref<128x128xf32, #tpu.memory_space<hbm>>) target(%arg8 : memref<128x128xf32, #tpu.memory_space<vmem>>) target_semaphore(%arg10 : memref<!tpu.dma_semaphore, #tpu.memory_space<semaphore_mem>>)
    %dma_wait3A_89 = tpu.memref_slice %arg3[%add3A_68] : memref<40960xi32, #tpu.memory_space<hbm>> -> memref<128xi32, #tpu.memory_space<hbm>>
    %dma_wait3A_90 = tpu.memref_slice %arg3[%add3A_68] : memref<40960xi32, #tpu.memory_space<hbm>> -> memref<128xi32, #tpu.memory_space<hbm>>
    tpu.wait_dma2 semaphore(%arg11 : memref<!tpu.dma_semaphore, #tpu.memory_space<semaphore_mem>>) src(%dma_wait3A_90 : memref<128xi32, #tpu.memory_space<hbm>>) dst(%arg7 : memref<128xi32, #tpu.memory_space<vmem>>)
    %dma_wait3A_91 = arith.constant 0 : i32
    %dma_wait3A_92 = tpu.memref_slice %arg2[%add3A_68, %dma_wait3A_91] : memref<40960x128xf32, #tpu.memory_space<hbm>> -> memref<128x128xf32, #tpu.memory_space<hbm>>
    %dma_wait3A_93 = arith.constant 0 : i32
    %dma_wait3A_94 = tpu.memref_slice %arg2[%add3A_68, %dma_wait3A_93] : memref<40960x128xf32, #tpu.memory_space<hbm>> -> memref<128x128xf32, #tpu.memory_space<hbm>>
    tpu.wait_dma2 semaphore(%arg11 : memref<!tpu.dma_semaphore, #tpu.memory_space<semaphore_mem>>) src(%dma_wait3A_94 : memref<128x128xf32, #tpu.memory_space<hbm>>) dst(%arg9 : memref<128x128xf32, #tpu.memory_space<vmem>>)
    "tpu.region"() ({
      %run_scoped3A = tpu.sem_alloc : memref<!tpu.dma_semaphore, #tpu.memory_space<semaphore_mem>>
      %dma_start3A_151 = arith.constant 0 : i32
      %dma_start3A_152 = arith.constant 0 : i32
      %dma_start3A_153 = tpu.memref_slice %arg12[%dma_start3A_151, %dma_start3A_152] : memref<10240x128xf32, #tpu.memory_space<vmem_shared>> -> memref<10240x128xf32, #tpu.memory_space<vmem_shared>>
      tpu.enqueue_indirect_dma source(%arg9 : memref<128x128xf32, #tpu.memory_space<vmem>>) target(%dma_start3A_153 : memref<10240x128xf32, #tpu.memory_space<vmem_shared>>) offsets(%arg7 : memref<128xi32, #tpu.memory_space<vmem>>) semaphore(%run_scoped3A : memref<!tpu.dma_semaphore, #tpu.memory_space<semaphore_mem>>) {add = true}
      %dma_wait3A_154 = arith.constant 0 : i32
      %dma_wait3A_155 = arith.constant 0 : i32
      %dma_wait3A_156 = tpu.memref_slice %arg12[%dma_wait3A_154, %dma_wait3A_155] : memref<10240x128xf32, #tpu.memory_space<vmem_shared>> -> memref<10240x128xf32, #tpu.memory_space<vmem_shared>>
      tpu.wait_indirect_dma semaphore(%run_scoped3A : memref<!tpu.dma_semaphore, #tpu.memory_space<semaphore_mem>>) src(%arg9 : memref<128x128xf32, #tpu.memory_space<vmem>>) dst(%dma_wait3A_156 : memref<10240x128xf32, #tpu.memory_space<vmem_shared>>)
      tpu.yield
    }) : () -> ()
    %add3A_95 = arith.constant 896 : i32
    %add3A_96 = arith.addi %mul3A_6, %add3A_95 : i32
    %dma_start3A_97 = tpu.memref_slice %arg3[%add3A_96] : memref<40960xi32, #tpu.memory_space<hbm>> -> memref<128xi32, #tpu.memory_space<hbm>>
    %dma_start3A_98 = tpu.memref_slice %arg3[%add3A_96] : memref<40960xi32, #tpu.memory_space<hbm>> -> memref<128xi32, #tpu.memory_space<hbm>>
    tpu.enqueue_dma source(%dma_start3A_98 : memref<128xi32, #tpu.memory_space<hbm>>) target(%arg7 : memref<128xi32, #tpu.memory_space<vmem>>) target_semaphore(%arg11 : memref<!tpu.dma_semaphore, #tpu.memory_space<semaphore_mem>>)
    %dma_start3A_99 = arith.constant 0 : i32
    %dma_start3A_100 = tpu.memref_slice %arg2[%add3A_96, %dma_start3A_99] : memref<40960x128xf32, #tpu.memory_space<hbm>> -> memref<128x128xf32, #tpu.memory_space<hbm>>
    %dma_start3A_101 = arith.constant 0 : i32
    %dma_start3A_102 = tpu.memref_slice %arg2[%add3A_96, %dma_start3A_101] : memref<40960x128xf32, #tpu.memory_space<hbm>> -> memref<128x128xf32, #tpu.memory_space<hbm>>
    tpu.enqueue_dma source(%dma_start3A_102 : memref<128x128xf32, #tpu.memory_space<hbm>>) target(%arg9 : memref<128x128xf32, #tpu.memory_space<vmem>>) target_semaphore(%arg11 : memref<!tpu.dma_semaphore, #tpu.memory_space<semaphore_mem>>)
    %dma_wait3A_103 = tpu.memref_slice %arg3[%add3A_82] : memref<40960xi32, #tpu.memory_space<hbm>> -> memref<128xi32, #tpu.memory_space<hbm>>
    %dma_wait3A_104 = tpu.memref_slice %arg3[%add3A_82] : memref<40960xi32, #tpu.memory_space<hbm>> -> memref<128xi32, #tpu.memory_space<hbm>>
    tpu.wait_dma2 semaphore(%arg10 : memref<!tpu.dma_semaphore, #tpu.memory_space<semaphore_mem>>) src(%dma_wait3A_104 : memref<128xi32, #tpu.memory_space<hbm>>) dst(%arg6 : memref<128xi32, #tpu.memory_space<vmem>>)
    %dma_wait3A_105 = arith.constant 0 : i32
    %dma_wait3A_106 = tpu.memref_slice %arg2[%add3A_82, %dma_wait3A_105] : memref<40960x128xf32, #tpu.memory_space<hbm>> -> memref<128x128xf32, #tpu.memory_space<hbm>>
    %dma_wait3A_107 = arith.constant 0 : i32
    %dma_wait3A_108 = tpu.memref_slice %arg2[%add3A_82, %dma_wait3A_107] : memref<40960x128xf32, #tpu.memory_space<hbm>> -> memref<128x128xf32, #tpu.memory_space<hbm>>
    tpu.wait_dma2 semaphore(%arg10 : memref<!tpu.dma_semaphore, #tpu.memory_space<semaphore_mem>>) src(%dma_wait3A_108 : memref<128x128xf32, #tpu.memory_space<hbm>>) dst(%arg8 : memref<128x128xf32, #tpu.memory_space<vmem>>)
    "tpu.region"() ({
      %run_scoped3A = tpu.sem_alloc : memref<!tpu.dma_semaphore, #tpu.memory_space<semaphore_mem>>
      %dma_start3A_151 = arith.constant 0 : i32
      %dma_start3A_152 = arith.constant 0 : i32
      %dma_start3A_153 = tpu.memref_slice %arg12[%dma_start3A_151, %dma_start3A_152] : memref<10240x128xf32, #tpu.memory_space<vmem_shared>> -> memref<10240x128xf32, #tpu.memory_space<vmem_shared>>
      tpu.enqueue_indirect_dma source(%arg8 : memref<128x128xf32, #tpu.memory_space<vmem>>) target(%dma_start3A_153 : memref<10240x128xf32, #tpu.memory_space<vmem_shared>>) offsets(%arg6 : memref<128xi32, #tpu.memory_space<vmem>>) semaphore(%run_scoped3A : memref<!tpu.dma_semaphore, #tpu.memory_space<semaphore_mem>>) {add = true}
      %dma_wait3A_154 = arith.constant 0 : i32
      %dma_wait3A_155 = arith.constant 0 : i32
      %dma_wait3A_156 = tpu.memref_slice %arg12[%dma_wait3A_154, %dma_wait3A_155] : memref<10240x128xf32, #tpu.memory_space<vmem_shared>> -> memref<10240x128xf32, #tpu.memory_space<vmem_shared>>
      tpu.wait_indirect_dma semaphore(%run_scoped3A : memref<!tpu.dma_semaphore, #tpu.memory_space<semaphore_mem>>) src(%arg8 : memref<128x128xf32, #tpu.memory_space<vmem>>) dst(%dma_wait3A_156 : memref<10240x128xf32, #tpu.memory_space<vmem_shared>>)
      tpu.yield
    }) : () -> ()
    %add3A_109 = arith.constant 1024 : i32
    %add3A_110 = arith.addi %mul3A_6, %add3A_109 : i32
    %dma_start3A_111 = tpu.memref_slice %arg3[%add3A_110] : memref<40960xi32, #tpu.memory_space<hbm>> -> memref<128xi32, #tpu.memory_space<hbm>>
    %dma_start3A_112 = tpu.memref_slice %arg3[%add3A_110] : memref<40960xi32, #tpu.memory_space<hbm>> -> memref<128xi32, #tpu.memory_space<hbm>>
    tpu.enqueue_dma source(%dma_start3A_112 : memref<128xi32, #tpu.memory_space<hbm>>) target(%arg6 : memref<128xi32, #tpu.memory_space<vmem>>) target_semaphore(%arg10 : memref<!tpu.dma_semaphore, #tpu.memory_space<semaphore_mem>>)
    %dma_start3A_113 = arith.constant 0 : i32
    %dma_start3A_114 = tpu.memref_slice %arg2[%add3A_110, %dma_start3A_113] : memref<40960x128xf32, #tpu.memory_space<hbm>> -> memref<128x128xf32, #tpu.memory_space<hbm>>
    %dma_start3A_115 = arith.constant 0 : i32
    %dma_start3A_116 = tpu.memref_slice %arg2[%add3A_110, %dma_start3A_115] : memref<40960x128xf32, #tpu.memory_space<hbm>> -> memref<128x128xf32, #tpu.memory_space<hbm>>
    tpu.enqueue_dma source(%dma_start3A_116 : memref<128x128xf32, #tpu.memory_space<hbm>>) target(%arg8 : memref<128x128xf32, #tpu.memory_space<vmem>>) target_semaphore(%arg10 : memref<!tpu.dma_semaphore, #tpu.memory_space<semaphore_mem>>)
    %dma_wait3A_117 = tpu.memref_slice %arg3[%add3A_96] : memref<40960xi32, #tpu.memory_space<hbm>> -> memref<128xi32, #tpu.memory_space<hbm>>
    %dma_wait3A_118 = tpu.memref_slice %arg3[%add3A_96] : memref<40960xi32, #tpu.memory_space<hbm>> -> memref<128xi32, #tpu.memory_space<hbm>>
    tpu.wait_dma2 semaphore(%arg11 : memref<!tpu.dma_semaphore, #tpu.memory_space<semaphore_mem>>) src(%dma_wait3A_118 : memref<128xi32, #tpu.memory_space<hbm>>) dst(%arg7 : memref<128xi32, #tpu.memory_space<vmem>>)
    %dma_wait3A_119 = arith.constant 0 : i32
    %dma_wait3A_120 = tpu.memref_slice %arg2[%add3A_96, %dma_wait3A_119] : memref<40960x128xf32, #tpu.memory_space<hbm>> -> memref<128x128xf32, #tpu.memory_space<hbm>>
    %dma_wait3A_121 = arith.constant 0 : i32
    %dma_wait3A_122 = tpu.memref_slice %arg2[%add3A_96, %dma_wait3A_121] : memref<40960x128xf32, #tpu.memory_space<hbm>> -> memref<128x128xf32, #tpu.memory_space<hbm>>
    tpu.wait_dma2 semaphore(%arg11 : memref<!tpu.dma_semaphore, #tpu.memory_space<semaphore_mem>>) src(%dma_wait3A_122 : memref<128x128xf32, #tpu.memory_space<hbm>>) dst(%arg9 : memref<128x128xf32, #tpu.memory_space<vmem>>)
    "tpu.region"() ({
      %run_scoped3A = tpu.sem_alloc : memref<!tpu.dma_semaphore, #tpu.memory_space<semaphore_mem>>
      %dma_start3A_151 = arith.constant 0 : i32
      %dma_start3A_152 = arith.constant 0 : i32
      %dma_start3A_153 = tpu.memref_slice %arg12[%dma_start3A_151, %dma_start3A_152] : memref<10240x128xf32, #tpu.memory_space<vmem_shared>> -> memref<10240x128xf32, #tpu.memory_space<vmem_shared>>
      tpu.enqueue_indirect_dma source(%arg9 : memref<128x128xf32, #tpu.memory_space<vmem>>) target(%dma_start3A_153 : memref<10240x128xf32, #tpu.memory_space<vmem_shared>>) offsets(%arg7 : memref<128xi32, #tpu.memory_space<vmem>>) semaphore(%run_scoped3A : memref<!tpu.dma_semaphore, #tpu.memory_space<semaphore_mem>>) {add = true}
      %dma_wait3A_154 = arith.constant 0 : i32
      %dma_wait3A_155 = arith.constant 0 : i32
      %dma_wait3A_156 = tpu.memref_slice %arg12[%dma_wait3A_154, %dma_wait3A_155] : memref<10240x128xf32, #tpu.memory_space<vmem_shared>> -> memref<10240x128xf32, #tpu.memory_space<vmem_shared>>
      tpu.wait_indirect_dma semaphore(%run_scoped3A : memref<!tpu.dma_semaphore, #tpu.memory_space<semaphore_mem>>) src(%arg9 : memref<128x128xf32, #tpu.memory_space<vmem>>) dst(%dma_wait3A_156 : memref<10240x128xf32, #tpu.memory_space<vmem_shared>>)
      tpu.yield
    }) : () -> ()
    %add3A_123 = arith.constant 1152 : i32
    %add3A_124 = arith.addi %mul3A_6, %add3A_123 : i32
    %dma_start3A_125 = tpu.memref_slice %arg3[%add3A_124] : memref<40960xi32, #tpu.memory_space<hbm>> -> memref<128xi32, #tpu.memory_space<hbm>>
    %dma_start3A_126 = tpu.memref_slice %arg3[%add3A_124] : memref<40960xi32, #tpu.memory_space<hbm>> -> memref<128xi32, #tpu.memory_space<hbm>>
    tpu.enqueue_dma source(%dma_start3A_126 : memref<128xi32, #tpu.memory_space<hbm>>) target(%arg7 : memref<128xi32, #tpu.memory_space<vmem>>) target_semaphore(%arg11 : memref<!tpu.dma_semaphore, #tpu.memory_space<semaphore_mem>>)
    %dma_start3A_127 = arith.constant 0 : i32
    %dma_start3A_128 = tpu.memref_slice %arg2[%add3A_124, %dma_start3A_127] : memref<40960x128xf32, #tpu.memory_space<hbm>> -> memref<128x128xf32, #tpu.memory_space<hbm>>
    %dma_start3A_129 = arith.constant 0 : i32
    %dma_start3A_130 = tpu.memref_slice %arg2[%add3A_124, %dma_start3A_129] : memref<40960x128xf32, #tpu.memory_space<hbm>> -> memref<128x128xf32, #tpu.memory_space<hbm>>
    tpu.enqueue_dma source(%dma_start3A_130 : memref<128x128xf32, #tpu.memory_space<hbm>>) target(%arg9 : memref<128x128xf32, #tpu.memory_space<vmem>>) target_semaphore(%arg11 : memref<!tpu.dma_semaphore, #tpu.memory_space<semaphore_mem>>)
    %dma_wait3A_131 = tpu.memref_slice %arg3[%add3A_110] : memref<40960xi32, #tpu.memory_space<hbm>> -> memref<128xi32, #tpu.memory_space<hbm>>
    %dma_wait3A_132 = tpu.memref_slice %arg3[%add3A_110] : memref<40960xi32, #tpu.memory_space<hbm>> -> memref<128xi32, #tpu.memory_space<hbm>>
    tpu.wait_dma2 semaphore(%arg10 : memref<!tpu.dma_semaphore, #tpu.memory_space<semaphore_mem>>) src(%dma_wait3A_132 : memref<128xi32, #tpu.memory_space<hbm>>) dst(%arg6 : memref<128xi32, #tpu.memory_space<vmem>>)
    %dma_wait3A_133 = arith.constant 0 : i32
    %dma_wait3A_134 = tpu.memref_slice %arg2[%add3A_110, %dma_wait3A_133] : memref<40960x128xf32, #tpu.memory_space<hbm>> -> memref<128x128xf32, #tpu.memory_space<hbm>>
    %dma_wait3A_135 = arith.constant 0 : i32
    %dma_wait3A_136 = tpu.memref_slice %arg2[%add3A_110, %dma_wait3A_135] : memref<40960x128xf32, #tpu.memory_space<hbm>> -> memref<128x128xf32, #tpu.memory_space<hbm>>
    tpu.wait_dma2 semaphore(%arg10 : memref<!tpu.dma_semaphore, #tpu.memory_space<semaphore_mem>>) src(%dma_wait3A_136 : memref<128x128xf32, #tpu.memory_space<hbm>>) dst(%arg8 : memref<128x128xf32, #tpu.memory_space<vmem>>)
    "tpu.region"() ({
      %run_scoped3A = tpu.sem_alloc : memref<!tpu.dma_semaphore, #tpu.memory_space<semaphore_mem>>
      %dma_start3A_151 = arith.constant 0 : i32
      %dma_start3A_152 = arith.constant 0 : i32
      %dma_start3A_153 = tpu.memref_slice %arg12[%dma_start3A_151, %dma_start3A_152] : memref<10240x128xf32, #tpu.memory_space<vmem_shared>> -> memref<10240x128xf32, #tpu.memory_space<vmem_shared>>
      tpu.enqueue_indirect_dma source(%arg8 : memref<128x128xf32, #tpu.memory_space<vmem>>) target(%dma_start3A_153 : memref<10240x128xf32, #tpu.memory_space<vmem_shared>>) offsets(%arg6 : memref<128xi32, #tpu.memory_space<vmem>>) semaphore(%run_scoped3A : memref<!tpu.dma_semaphore, #tpu.memory_space<semaphore_mem>>) {add = true}
      %dma_wait3A_154 = arith.constant 0 : i32
      %dma_wait3A_155 = arith.constant 0 : i32
      %dma_wait3A_156 = tpu.memref_slice %arg12[%dma_wait3A_154, %dma_wait3A_155] : memref<10240x128xf32, #tpu.memory_space<vmem_shared>> -> memref<10240x128xf32, #tpu.memory_space<vmem_shared>>
      tpu.wait_indirect_dma semaphore(%run_scoped3A : memref<!tpu.dma_semaphore, #tpu.memory_space<semaphore_mem>>) src(%arg8 : memref<128x128xf32, #tpu.memory_space<vmem>>) dst(%dma_wait3A_156 : memref<10240x128xf32, #tpu.memory_space<vmem_shared>>)
      tpu.yield
    }) : () -> ()
    %dma_wait3A_137 = tpu.memref_slice %arg3[%add3A_124] : memref<40960xi32, #tpu.memory_space<hbm>> -> memref<128xi32, #tpu.memory_space<hbm>>
    %dma_wait3A_138 = tpu.memref_slice %arg3[%add3A_124] : memref<40960xi32, #tpu.memory_space<hbm>> -> memref<128xi32, #tpu.memory_space<hbm>>
    tpu.wait_dma2 semaphore(%arg11 : memref<!tpu.dma_semaphore, #tpu.memory_space<semaphore_mem>>) src(%dma_wait3A_138 : memref<128xi32, #tpu.memory_space<hbm>>) dst(%arg7 : memref<128xi32, #tpu.memory_space<vmem>>)
    %dma_wait3A_139 = arith.constant 0 : i32
    %dma_wait3A_140 = tpu.memref_slice %arg2[%add3A_124, %dma_wait3A_139] : memref<40960x128xf32, #tpu.memory_space<hbm>> -> memref<128x128xf32, #tpu.memory_space<hbm>>
    %dma_wait3A_141 = arith.constant 0 : i32
    %dma_wait3A_142 = tpu.memref_slice %arg2[%add3A_124, %dma_wait3A_141] : memref<40960x128xf32, #tpu.memory_space<hbm>> -> memref<128x128xf32, #tpu.memory_space<hbm>>
    tpu.wait_dma2 semaphore(%arg11 : memref<!tpu.dma_semaphore, #tpu.memory_space<semaphore_mem>>) src(%dma_wait3A_142 : memref<128x128xf32, #tpu.memory_space<hbm>>) dst(%arg9 : memref<128x128xf32, #tpu.memory_space<vmem>>)
    "tpu.region"() ({
      %run_scoped3A = tpu.sem_alloc : memref<!tpu.dma_semaphore, #tpu.memory_space<semaphore_mem>>
      %dma_start3A_151 = arith.constant 0 : i32
      %dma_start3A_152 = arith.constant 0 : i32
      %dma_start3A_153 = tpu.memref_slice %arg12[%dma_start3A_151, %dma_start3A_152] : memref<10240x128xf32, #tpu.memory_space<vmem_shared>> -> memref<10240x128xf32, #tpu.memory_space<vmem_shared>>
      tpu.enqueue_indirect_dma source(%arg9 : memref<128x128xf32, #tpu.memory_space<vmem>>) target(%dma_start3A_153 : memref<10240x128xf32, #tpu.memory_space<vmem_shared>>) offsets(%arg7 : memref<128xi32, #tpu.memory_space<vmem>>) semaphore(%run_scoped3A : memref<!tpu.dma_semaphore, #tpu.memory_space<semaphore_mem>>) {add = true}
      %dma_wait3A_154 = arith.constant 0 : i32
      %dma_wait3A_155 = arith.constant 0 : i32
      %dma_wait3A_156 = tpu.memref_slice %arg12[%dma_wait3A_154, %dma_wait3A_155] : memref<10240x128xf32, #tpu.memory_space<vmem_shared>> -> memref<10240x128xf32, #tpu.memory_space<vmem_shared>>
      tpu.wait_indirect_dma semaphore(%run_scoped3A : memref<!tpu.dma_semaphore, #tpu.memory_space<semaphore_mem>>) src(%arg9 : memref<128x128xf32, #tpu.memory_space<vmem>>) dst(%dma_wait3A_156 : memref<10240x128xf32, #tpu.memory_space<vmem_shared>>)
      tpu.yield
    }) : () -> ()
    %barrier3A_143 = arith.constant 0 : index
    tpu.barrier barrier_id(%barrier3A_143)
    %mul3A_144 = arith.constant 640 : i32
    %mul3A_145 = arith.muli %arg1, %mul3A_144 : i32
    %mul3A_146 = arith.constant 10240 : i32
    %mul3A_147 = arith.muli %arg0, %mul3A_146 : i32
    %mul3A_148 = arith.constant 640 : i32
    %mul3A_149 = arith.muli %arg1, %mul3A_148 : i32
    %add3A_150 = arith.addi %mul3A_147, %mul3A_149 : i32
    "tpu.region"() ({
      %run_scoped3A = tpu.sem_alloc : memref<!tpu.dma_semaphore, #tpu.memory_space<semaphore_mem>>
      %dma_start3A_151 = arith.constant 0 : i32
      %dma_start3A_152 = tpu.memref_slice %arg5[%add3A_150, %dma_start3A_151] : memref<20480x128xf32, #tpu.memory_space<hbm>> -> memref<640x128xf32, #tpu.memory_space<hbm>>
      %dma_start3A_153 = arith.constant 0 : i32
      %dma_start3A_154 = tpu.memref_slice %arg12[%mul3A_145, %dma_start3A_153] : memref<10240x128xf32, #tpu.memory_space<vmem_shared>> -> memref<640x128xf32, #tpu.memory_space<vmem_shared>>
      tpu.enqueue_dma source(%dma_start3A_154 : memref<640x128xf32, #tpu.memory_space<vmem_shared>>) target(%dma_start3A_152 : memref<640x128xf32, #tpu.memory_space<hbm>>) target_semaphore(%run_scoped3A : memref<!tpu.dma_semaphore, #tpu.memory_space<semaphore_mem>>)
      %dma_wait3A_155 = arith.constant 0 : i32
      %dma_wait3A_156 = tpu.memref_slice %arg5[%add3A_150, %dma_wait3A_155] : memref<20480x128xf32, #tpu.memory_space<hbm>> -> memref<640x128xf32, #tpu.memory_space<hbm>>
      %dma_wait3A_157 = arith.constant 0 : i32
      %dma_wait3A_158 = tpu.memref_slice %arg12[%mul3A_145, %dma_wait3A_157] : memref<10240x128xf32, #tpu.memory_space<vmem_shared>> -> memref<640x128xf32, #tpu.memory_space<vmem_shared>>
      tpu.wait_dma2 semaphore(%run_scoped3A : memref<!tpu.dma_semaphore, #tpu.memory_space<semaphore_mem>>) src(%dma_wait3A_158 : memref<640x128xf32, #tpu.memory_space<vmem_shared>>) dst(%dma_wait3A_156 : memref<640x128xf32, #tpu.memory_space<hbm>>)
      tpu.yield
    }) : () -> ()
    return
  }
}

#map = affine_map<(d0, d1) -> (0, 0)>
#map1 = affine_map<(d0, d1) -> (0)>
module attributes {stable_mosaic.version = 14 : i64} {
  func.func @_k2_gather(%arg0: i32, %arg1: i32, %arg2: memref<10000x384xi32, #tpu.memory_space<hbm>>, %arg3: memref<10000x384xi32, #tpu.memory_space<hbm>>, %arg4: memref<20480xi32, #tpu.memory_space<hbm>>, %arg5: memref<20480xi32, #tpu.memory_space<hbm>>, %arg6: memref<20480x384xi32, #tpu.memory_space<hbm>>, %arg7: memref<20480x384xi32, #tpu.memory_space<hbm>>, %arg8: memref<640xi32, #tpu.memory_space<vmem>>, %arg9: memref<64x384xi32, #tpu.memory_space<vmem>>, %arg10: memref<64x384xi32, #tpu.memory_space<vmem>>, %arg11: memref<64x384xi32, #tpu.memory_space<vmem>>, %arg12: memref<64x384xi32, #tpu.memory_space<vmem>>, %arg13: memref<!tpu.dma_semaphore, #tpu.memory_space<semaphore_mem>>, %arg14: memref<!tpu.dma_semaphore, #tpu.memory_space<semaphore_mem>>, %arg15: memref<!tpu.dma_semaphore, #tpu.memory_space<semaphore_mem>>, %arg16: memref<!tpu.dma_semaphore, #tpu.memory_space<semaphore_mem>>) attributes {dimension_semantics = [#tpu.dimension_semantics<core_parallel>, #tpu.dimension_semantics<subcore_parallel>], iteration_bounds = array<i64: 2, 16>, scalar_prefetch = 0 : i64, scratch_operands = 9 : i64, tpu.core_type = #tpu.core_type<sc_vector_subcore>, window_params = [{transform_indices = #map}, {transform_indices = #map}, {transform_indices = #map1}, {transform_indices = #map1}, {transform_indices = #map}, {transform_indices = #map}]} {
    %mul3A = arith.constant 2 : i32
    %mul3A_0 = arith.muli %arg1, %mul3A : i32
    %add3A = arith.addi %mul3A_0, %arg0 : i32
    %mul3A_1 = arith.constant 640 : i32
    %mul3A_2 = arith.muli %add3A, %mul3A_1 : i32
    "tpu.region"() ({
      %run_scoped3A = tpu.sem_alloc : memref<!tpu.dma_semaphore, #tpu.memory_space<semaphore_mem>>
      %dma_start3A_241 = tpu.memref_slice %arg4[%mul3A_2] : memref<20480xi32, #tpu.memory_space<hbm>> -> memref<640xi32, #tpu.memory_space<hbm>>
      %dma_start3A_242 = tpu.memref_slice %arg4[%mul3A_2] : memref<20480xi32, #tpu.memory_space<hbm>> -> memref<640xi32, #tpu.memory_space<hbm>>
      tpu.enqueue_dma source(%dma_start3A_242 : memref<640xi32, #tpu.memory_space<hbm>>) target(%arg8 : memref<640xi32, #tpu.memory_space<vmem>>) target_semaphore(%run_scoped3A : memref<!tpu.dma_semaphore, #tpu.memory_space<semaphore_mem>>)
      %dma_wait3A_243 = tpu.memref_slice %arg4[%mul3A_2] : memref<20480xi32, #tpu.memory_space<hbm>> -> memref<640xi32, #tpu.memory_space<hbm>>
      %dma_wait3A_244 = tpu.memref_slice %arg4[%mul3A_2] : memref<20480xi32, #tpu.memory_space<hbm>> -> memref<640xi32, #tpu.memory_space<hbm>>
      tpu.wait_dma2 semaphore(%run_scoped3A : memref<!tpu.dma_semaphore, #tpu.memory_space<semaphore_mem>>) src(%dma_wait3A_244 : memref<640xi32, #tpu.memory_space<hbm>>) dst(%arg8 : memref<640xi32, #tpu.memory_space<vmem>>)
      tpu.yield
    }) : () -> ()
    %dma_start3A = arith.constant 0 : i32
    %dma_start3A_3 = tpu.memref_slice %arg8[%dma_start3A] : memref<640xi32, #tpu.memory_space<vmem>> -> memref<64xi32, #tpu.memory_space<vmem>>
    %dma_start3A_4 = arith.constant 0 : i32
    %dma_start3A_5 = arith.constant 0 : i32
    %dma_start3A_6 = tpu.memref_slice %arg2[%dma_start3A_4, %dma_start3A_5] : memref<10000x384xi32, #tpu.memory_space<hbm>> -> memref<10000x384xi32, #tpu.memory_space<hbm>>
    tpu.enqueue_indirect_dma source(%dma_start3A_6 : memref<10000x384xi32, #tpu.memory_space<hbm>>) target(%arg9 : memref<64x384xi32, #tpu.memory_space<vmem>>) offsets(%dma_start3A_3 : memref<64xi32, #tpu.memory_space<vmem>>) semaphore(%arg13 : memref<!tpu.dma_semaphore, #tpu.memory_space<semaphore_mem>>)
    %dma_start3A_7 = arith.constant 64 : i32
    %dma_start3A_8 = tpu.memref_slice %arg8[%dma_start3A_7] : memref<640xi32, #tpu.memory_space<vmem>> -> memref<64xi32, #tpu.memory_space<vmem>>
    %dma_start3A_9 = arith.constant 0 : i32
    %dma_start3A_10 = arith.constant 0 : i32
    %dma_start3A_11 = tpu.memref_slice %arg2[%dma_start3A_9, %dma_start3A_10] : memref<10000x384xi32, #tpu.memory_space<hbm>> -> memref<10000x384xi32, #tpu.memory_space<hbm>>
    tpu.enqueue_indirect_dma source(%dma_start3A_11 : memref<10000x384xi32, #tpu.memory_space<hbm>>) target(%arg10 : memref<64x384xi32, #tpu.memory_space<vmem>>) offsets(%dma_start3A_8 : memref<64xi32, #tpu.memory_space<vmem>>) semaphore(%arg14 : memref<!tpu.dma_semaphore, #tpu.memory_space<semaphore_mem>>)
    %dma_start3A_12 = arith.constant 128 : i32
    %dma_start3A_13 = tpu.memref_slice %arg8[%dma_start3A_12] : memref<640xi32, #tpu.memory_space<vmem>> -> memref<64xi32, #tpu.memory_space<vmem>>
    %dma_start3A_14 = arith.constant 0 : i32
    %dma_start3A_15 = arith.constant 0 : i32
    %dma_start3A_16 = tpu.memref_slice %arg2[%dma_start3A_14, %dma_start3A_15] : memref<10000x384xi32, #tpu.memory_space<hbm>> -> memref<10000x384xi32, #tpu.memory_space<hbm>>
    tpu.enqueue_indirect_dma source(%dma_start3A_16 : memref<10000x384xi32, #tpu.memory_space<hbm>>) target(%arg11 : memref<64x384xi32, #tpu.memory_space<vmem>>) offsets(%dma_start3A_13 : memref<64xi32, #tpu.memory_space<vmem>>) semaphore(%arg15 : memref<!tpu.dma_semaphore, #tpu.memory_space<semaphore_mem>>)
    %dma_start3A_17 = arith.constant 192 : i32
    %dma_start3A_18 = tpu.memref_slice %arg8[%dma_start3A_17] : memref<640xi32, #tpu.memory_space<vmem>> -> memref<64xi32, #tpu.memory_space<vmem>>
    %dma_start3A_19 = arith.constant 0 : i32
    %dma_start3A_20 = arith.constant 0 : i32
    %dma_start3A_21 = tpu.memref_slice %arg2[%dma_start3A_19, %dma_start3A_20] : memref<10000x384xi32, #tpu.memory_space<hbm>> -> memref<10000x384xi32, #tpu.memory_space<hbm>>
    tpu.enqueue_indirect_dma source(%dma_start3A_21 : memref<10000x384xi32, #tpu.memory_space<hbm>>) target(%arg12 : memref<64x384xi32, #tpu.memory_space<vmem>>) offsets(%dma_start3A_18 : memref<64xi32, #tpu.memory_space<vmem>>) semaphore(%arg16 : memref<!tpu.dma_semaphore, #tpu.memory_space<semaphore_mem>>)
    %dma_wait3A = arith.constant 0 : i32
    %dma_wait3A_22 = tpu.memref_slice %arg8[%dma_wait3A] : memref<640xi32, #tpu.memory_space<vmem>> -> memref<64xi32, #tpu.memory_space<vmem>>
    %dma_wait3A_23 = arith.constant 0 : i32
    %dma_wait3A_24 = arith.constant 0 : i32
    %dma_wait3A_25 = tpu.memref_slice %arg2[%dma_wait3A_23, %dma_wait3A_24] : memref<10000x384xi32, #tpu.memory_space<hbm>> -> memref<10000x384xi32, #tpu.memory_space<hbm>>
    tpu.wait_indirect_dma semaphore(%arg13 : memref<!tpu.dma_semaphore, #tpu.memory_space<semaphore_mem>>) src(%dma_wait3A_25 : memref<10000x384xi32, #tpu.memory_space<hbm>>) dst(%arg9 : memref<64x384xi32, #tpu.memory_space<vmem>>)
    %add3A_26 = arith.constant 0 : i32
    %add3A_27 = arith.addi %mul3A_2, %add3A_26 : i32
    "tpu.region"() ({
      %run_scoped3A = tpu.sem_alloc : memref<!tpu.dma_semaphore, #tpu.memory_space<semaphore_mem>>
      %dma_start3A_241 = arith.constant 0 : i32
      %dma_start3A_242 = tpu.memref_slice %arg6[%add3A_27, %dma_start3A_241] : memref<20480x384xi32, #tpu.memory_space<hbm>> -> memref<64x384xi32, #tpu.memory_space<hbm>>
      %dma_start3A_243 = arith.constant 0 : i32
      %dma_start3A_244 = tpu.memref_slice %arg6[%add3A_27, %dma_start3A_243] : memref<20480x384xi32, #tpu.memory_space<hbm>> -> memref<64x384xi32, #tpu.memory_space<hbm>>
      tpu.enqueue_dma source(%arg9 : memref<64x384xi32, #tpu.memory_space<vmem>>) target(%dma_start3A_244 : memref<64x384xi32, #tpu.memory_space<hbm>>) target_semaphore(%run_scoped3A : memref<!tpu.dma_semaphore, #tpu.memory_space<semaphore_mem>>)
      %dma_wait3A_245 = arith.constant 0 : i32
      %dma_wait3A_246 = tpu.memref_slice %arg6[%add3A_27, %dma_wait3A_245] : memref<20480x384xi32, #tpu.memory_space<hbm>> -> memref<64x384xi32, #tpu.memory_space<hbm>>
      %dma_wait3A_247 = arith.constant 0 : i32
      %dma_wait3A_248 = tpu.memref_slice %arg6[%add3A_27, %dma_wait3A_247] : memref<20480x384xi32, #tpu.memory_space<hbm>> -> memref<64x384xi32, #tpu.memory_space<hbm>>
      tpu.wait_dma2 semaphore(%run_scoped3A : memref<!tpu.dma_semaphore, #tpu.memory_space<semaphore_mem>>) src(%arg9 : memref<64x384xi32, #tpu.memory_space<vmem>>) dst(%dma_wait3A_248 : memref<64x384xi32, #tpu.memory_space<hbm>>)
      tpu.yield
    }) : () -> ()
    %dma_start3A_28 = arith.constant 256 : i32
    %dma_start3A_29 = tpu.memref_slice %arg8[%dma_start3A_28] : memref<640xi32, #tpu.memory_space<vmem>> -> memref<64xi32, #tpu.memory_space<vmem>>
    %dma_start3A_30 = arith.constant 0 : i32
    %dma_start3A_31 = arith.constant 0 : i32
    %dma_start3A_32 = tpu.memref_slice %arg2[%dma_start3A_30, %dma_start3A_31] : memref<10000x384xi32, #tpu.memory_space<hbm>> -> memref<10000x384xi32, #tpu.memory_space<hbm>>
    tpu.enqueue_indirect_dma source(%dma_start3A_32 : memref<10000x384xi32, #tpu.memory_space<hbm>>) target(%arg9 : memref<64x384xi32, #tpu.memory_space<vmem>>) offsets(%dma_start3A_29 : memref<64xi32, #tpu.memory_space<vmem>>) semaphore(%arg13 : memref<!tpu.dma_semaphore, #tpu.memory_space<semaphore_mem>>)
    %dma_wait3A_33 = arith.constant 64 : i32
    %dma_wait3A_34 = tpu.memref_slice %arg8[%dma_wait3A_33] : memref<640xi32, #tpu.memory_space<vmem>> -> memref<64xi32, #tpu.memory_space<vmem>>
    %dma_wait3A_35 = arith.constant 0 : i32
    %dma_wait3A_36 = arith.constant 0 : i32
    %dma_wait3A_37 = tpu.memref_slice %arg2[%dma_wait3A_35, %dma_wait3A_36] : memref<10000x384xi32, #tpu.memory_space<hbm>> -> memref<10000x384xi32, #tpu.memory_space<hbm>>
    tpu.wait_indirect_dma semaphore(%arg14 : memref<!tpu.dma_semaphore, #tpu.memory_space<semaphore_mem>>) src(%dma_wait3A_37 : memref<10000x384xi32, #tpu.memory_space<hbm>>) dst(%arg10 : memref<64x384xi32, #tpu.memory_space<vmem>>)
    %add3A_38 = arith.constant 64 : i32
    %add3A_39 = arith.addi %mul3A_2, %add3A_38 : i32
    "tpu.region"() ({
      %run_scoped3A = tpu.sem_alloc : memref<!tpu.dma_semaphore, #tpu.memory_space<semaphore_mem>>
      %dma_start3A_241 = arith.constant 0 : i32
      %dma_start3A_242 = tpu.memref_slice %arg6[%add3A_39, %dma_start3A_241] : memref<20480x384xi32, #tpu.memory_space<hbm>> -> memref<64x384xi32, #tpu.memory_space<hbm>>
      %dma_start3A_243 = arith.constant 0 : i32
      %dma_start3A_244 = tpu.memref_slice %arg6[%add3A_39, %dma_start3A_243] : memref<20480x384xi32, #tpu.memory_space<hbm>> -> memref<64x384xi32, #tpu.memory_space<hbm>>
      tpu.enqueue_dma source(%arg10 : memref<64x384xi32, #tpu.memory_space<vmem>>) target(%dma_start3A_244 : memref<64x384xi32, #tpu.memory_space<hbm>>) target_semaphore(%run_scoped3A : memref<!tpu.dma_semaphore, #tpu.memory_space<semaphore_mem>>)
      %dma_wait3A_245 = arith.constant 0 : i32
      %dma_wait3A_246 = tpu.memref_slice %arg6[%add3A_39, %dma_wait3A_245] : memref<20480x384xi32, #tpu.memory_space<hbm>> -> memref<64x384xi32, #tpu.memory_space<hbm>>
      %dma_wait3A_247 = arith.constant 0 : i32
      %dma_wait3A_248 = tpu.memref_slice %arg6[%add3A_39, %dma_wait3A_247] : memref<20480x384xi32, #tpu.memory_space<hbm>> -> memref<64x384xi32, #tpu.memory_space<hbm>>
      tpu.wait_dma2 semaphore(%run_scoped3A : memref<!tpu.dma_semaphore, #tpu.memory_space<semaphore_mem>>) src(%arg10 : memref<64x384xi32, #tpu.memory_space<vmem>>) dst(%dma_wait3A_248 : memref<64x384xi32, #tpu.memory_space<hbm>>)
      tpu.yield
    }) : () -> ()
    %dma_start3A_40 = arith.constant 320 : i32
    %dma_start3A_41 = tpu.memref_slice %arg8[%dma_start3A_40] : memref<640xi32, #tpu.memory_space<vmem>> -> memref<64xi32, #tpu.memory_space<vmem>>
    %dma_start3A_42 = arith.constant 0 : i32
    %dma_start3A_43 = arith.constant 0 : i32
    %dma_start3A_44 = tpu.memref_slice %arg2[%dma_start3A_42, %dma_start3A_43] : memref<10000x384xi32, #tpu.memory_space<hbm>> -> memref<10000x384xi32, #tpu.memory_space<hbm>>
    tpu.enqueue_indirect_dma source(%dma_start3A_44 : memref<10000x384xi32, #tpu.memory_space<hbm>>) target(%arg10 : memref<64x384xi32, #tpu.memory_space<vmem>>) offsets(%dma_start3A_41 : memref<64xi32, #tpu.memory_space<vmem>>) semaphore(%arg14 : memref<!tpu.dma_semaphore, #tpu.memory_space<semaphore_mem>>)
    %dma_wait3A_45 = arith.constant 128 : i32
    %dma_wait3A_46 = tpu.memref_slice %arg8[%dma_wait3A_45] : memref<640xi32, #tpu.memory_space<vmem>> -> memref<64xi32, #tpu.memory_space<vmem>>
    %dma_wait3A_47 = arith.constant 0 : i32
    %dma_wait3A_48 = arith.constant 0 : i32
    %dma_wait3A_49 = tpu.memref_slice %arg2[%dma_wait3A_47, %dma_wait3A_48] : memref<10000x384xi32, #tpu.memory_space<hbm>> -> memref<10000x384xi32, #tpu.memory_space<hbm>>
    tpu.wait_indirect_dma semaphore(%arg15 : memref<!tpu.dma_semaphore, #tpu.memory_space<semaphore_mem>>) src(%dma_wait3A_49 : memref<10000x384xi32, #tpu.memory_space<hbm>>) dst(%arg11 : memref<64x384xi32, #tpu.memory_space<vmem>>)
    %add3A_50 = arith.constant 128 : i32
    %add3A_51 = arith.addi %mul3A_2, %add3A_50 : i32
    "tpu.region"() ({
      %run_scoped3A = tpu.sem_alloc : memref<!tpu.dma_semaphore, #tpu.memory_space<semaphore_mem>>
      %dma_start3A_241 = arith.constant 0 : i32
      %dma_start3A_242 = tpu.memref_slice %arg6[%add3A_51, %dma_start3A_241] : memref<20480x384xi32, #tpu.memory_space<hbm>> -> memref<64x384xi32, #tpu.memory_space<hbm>>
      %dma_start3A_243 = arith.constant 0 : i32
      %dma_start3A_244 = tpu.memref_slice %arg6[%add3A_51, %dma_start3A_243] : memref<20480x384xi32, #tpu.memory_space<hbm>> -> memref<64x384xi32, #tpu.memory_space<hbm>>
      tpu.enqueue_dma source(%arg11 : memref<64x384xi32, #tpu.memory_space<vmem>>) target(%dma_start3A_244 : memref<64x384xi32, #tpu.memory_space<hbm>>) target_semaphore(%run_scoped3A : memref<!tpu.dma_semaphore, #tpu.memory_space<semaphore_mem>>)
      %dma_wait3A_245 = arith.constant 0 : i32
      %dma_wait3A_246 = tpu.memref_slice %arg6[%add3A_51, %dma_wait3A_245] : memref<20480x384xi32, #tpu.memory_space<hbm>> -> memref<64x384xi32, #tpu.memory_space<hbm>>
      %dma_wait3A_247 = arith.constant 0 : i32
      %dma_wait3A_248 = tpu.memref_slice %arg6[%add3A_51, %dma_wait3A_247] : memref<20480x384xi32, #tpu.memory_space<hbm>> -> memref<64x384xi32, #tpu.memory_space<hbm>>
      tpu.wait_dma2 semaphore(%run_scoped3A : memref<!tpu.dma_semaphore, #tpu.memory_space<semaphore_mem>>) src(%arg11 : memref<64x384xi32, #tpu.memory_space<vmem>>) dst(%dma_wait3A_248 : memref<64x384xi32, #tpu.memory_space<hbm>>)
      tpu.yield
    }) : () -> ()
    %dma_start3A_52 = arith.constant 384 : i32
    %dma_start3A_53 = tpu.memref_slice %arg8[%dma_start3A_52] : memref<640xi32, #tpu.memory_space<vmem>> -> memref<64xi32, #tpu.memory_space<vmem>>
    %dma_start3A_54 = arith.constant 0 : i32
    %dma_start3A_55 = arith.constant 0 : i32
    %dma_start3A_56 = tpu.memref_slice %arg2[%dma_start3A_54, %dma_start3A_55] : memref<10000x384xi32, #tpu.memory_space<hbm>> -> memref<10000x384xi32, #tpu.memory_space<hbm>>
    tpu.enqueue_indirect_dma source(%dma_start3A_56 : memref<10000x384xi32, #tpu.memory_space<hbm>>) target(%arg11 : memref<64x384xi32, #tpu.memory_space<vmem>>) offsets(%dma_start3A_53 : memref<64xi32, #tpu.memory_space<vmem>>) semaphore(%arg15 : memref<!tpu.dma_semaphore, #tpu.memory_space<semaphore_mem>>)
    %dma_wait3A_57 = arith.constant 192 : i32
    %dma_wait3A_58 = tpu.memref_slice %arg8[%dma_wait3A_57] : memref<640xi32, #tpu.memory_space<vmem>> -> memref<64xi32, #tpu.memory_space<vmem>>
    %dma_wait3A_59 = arith.constant 0 : i32
    %dma_wait3A_60 = arith.constant 0 : i32
    %dma_wait3A_61 = tpu.memref_slice %arg2[%dma_wait3A_59, %dma_wait3A_60] : memref<10000x384xi32, #tpu.memory_space<hbm>> -> memref<10000x384xi32, #tpu.memory_space<hbm>>
    tpu.wait_indirect_dma semaphore(%arg16 : memref<!tpu.dma_semaphore, #tpu.memory_space<semaphore_mem>>) src(%dma_wait3A_61 : memref<10000x384xi32, #tpu.memory_space<hbm>>) dst(%arg12 : memref<64x384xi32, #tpu.memory_space<vmem>>)
    %add3A_62 = arith.constant 192 : i32
    %add3A_63 = arith.addi %mul3A_2, %add3A_62 : i32
    "tpu.region"() ({
      %run_scoped3A = tpu.sem_alloc : memref<!tpu.dma_semaphore, #tpu.memory_space<semaphore_mem>>
      %dma_start3A_241 = arith.constant 0 : i32
      %dma_start3A_242 = tpu.memref_slice %arg6[%add3A_63, %dma_start3A_241] : memref<20480x384xi32, #tpu.memory_space<hbm>> -> memref<64x384xi32, #tpu.memory_space<hbm>>
      %dma_start3A_243 = arith.constant 0 : i32
      %dma_start3A_244 = tpu.memref_slice %arg6[%add3A_63, %dma_start3A_243] : memref<20480x384xi32, #tpu.memory_space<hbm>> -> memref<64x384xi32, #tpu.memory_space<hbm>>
      tpu.enqueue_dma source(%arg12 : memref<64x384xi32, #tpu.memory_space<vmem>>) target(%dma_start3A_244 : memref<64x384xi32, #tpu.memory_space<hbm>>) target_semaphore(%run_scoped3A : memref<!tpu.dma_semaphore, #tpu.memory_space<semaphore_mem>>)
      %dma_wait3A_245 = arith.constant 0 : i32
      %dma_wait3A_246 = tpu.memref_slice %arg6[%add3A_63, %dma_wait3A_245] : memref<20480x384xi32, #tpu.memory_space<hbm>> -> memref<64x384xi32, #tpu.memory_space<hbm>>
      %dma_wait3A_247 = arith.constant 0 : i32
      %dma_wait3A_248 = tpu.memref_slice %arg6[%add3A_63, %dma_wait3A_247] : memref<20480x384xi32, #tpu.memory_space<hbm>> -> memref<64x384xi32, #tpu.memory_space<hbm>>
      tpu.wait_dma2 semaphore(%run_scoped3A : memref<!tpu.dma_semaphore, #tpu.memory_space<semaphore_mem>>) src(%arg12 : memref<64x384xi32, #tpu.memory_space<vmem>>) dst(%dma_wait3A_248 : memref<64x384xi32, #tpu.memory_space<hbm>>)
      tpu.yield
    }) : () -> ()
    %dma_start3A_64 = arith.constant 448 : i32
    %dma_start3A_65 = tpu.memref_slice %arg8[%dma_start3A_64] : memref<640xi32, #tpu.memory_space<vmem>> -> memref<64xi32, #tpu.memory_space<vmem>>
    %dma_start3A_66 = arith.constant 0 : i32
    %dma_start3A_67 = arith.constant 0 : i32
    %dma_start3A_68 = tpu.memref_slice %arg2[%dma_start3A_66, %dma_start3A_67] : memref<10000x384xi32, #tpu.memory_space<hbm>> -> memref<10000x384xi32, #tpu.memory_space<hbm>>
    tpu.enqueue_indirect_dma source(%dma_start3A_68 : memref<10000x384xi32, #tpu.memory_space<hbm>>) target(%arg12 : memref<64x384xi32, #tpu.memory_space<vmem>>) offsets(%dma_start3A_65 : memref<64xi32, #tpu.memory_space<vmem>>) semaphore(%arg16 : memref<!tpu.dma_semaphore, #tpu.memory_space<semaphore_mem>>)
    %dma_wait3A_69 = arith.constant 256 : i32
    %dma_wait3A_70 = tpu.memref_slice %arg8[%dma_wait3A_69] : memref<640xi32, #tpu.memory_space<vmem>> -> memref<64xi32, #tpu.memory_space<vmem>>
    %dma_wait3A_71 = arith.constant 0 : i32
    %dma_wait3A_72 = arith.constant 0 : i32
    %dma_wait3A_73 = tpu.memref_slice %arg2[%dma_wait3A_71, %dma_wait3A_72] : memref<10000x384xi32, #tpu.memory_space<hbm>> -> memref<10000x384xi32, #tpu.memory_space<hbm>>
    tpu.wait_indirect_dma semaphore(%arg13 : memref<!tpu.dma_semaphore, #tpu.memory_space<semaphore_mem>>) src(%dma_wait3A_73 : memref<10000x384xi32, #tpu.memory_space<hbm>>) dst(%arg9 : memref<64x384xi32, #tpu.memory_space<vmem>>)
    %add3A_74 = arith.constant 256 : i32
    %add3A_75 = arith.addi %mul3A_2, %add3A_74 : i32
    "tpu.region"() ({
      %run_scoped3A = tpu.sem_alloc : memref<!tpu.dma_semaphore, #tpu.memory_space<semaphore_mem>>
      %dma_start3A_241 = arith.constant 0 : i32
      %dma_start3A_242 = tpu.memref_slice %arg6[%add3A_75, %dma_start3A_241] : memref<20480x384xi32, #tpu.memory_space<hbm>> -> memref<64x384xi32, #tpu.memory_space<hbm>>
      %dma_start3A_243 = arith.constant 0 : i32
      %dma_start3A_244 = tpu.memref_slice %arg6[%add3A_75, %dma_start3A_243] : memref<20480x384xi32, #tpu.memory_space<hbm>> -> memref<64x384xi32, #tpu.memory_space<hbm>>
      tpu.enqueue_dma source(%arg9 : memref<64x384xi32, #tpu.memory_space<vmem>>) target(%dma_start3A_244 : memref<64x384xi32, #tpu.memory_space<hbm>>) target_semaphore(%run_scoped3A : memref<!tpu.dma_semaphore, #tpu.memory_space<semaphore_mem>>)
      %dma_wait3A_245 = arith.constant 0 : i32
      %dma_wait3A_246 = tpu.memref_slice %arg6[%add3A_75, %dma_wait3A_245] : memref<20480x384xi32, #tpu.memory_space<hbm>> -> memref<64x384xi32, #tpu.memory_space<hbm>>
      %dma_wait3A_247 = arith.constant 0 : i32
      %dma_wait3A_248 = tpu.memref_slice %arg6[%add3A_75, %dma_wait3A_247] : memref<20480x384xi32, #tpu.memory_space<hbm>> -> memref<64x384xi32, #tpu.memory_space<hbm>>
      tpu.wait_dma2 semaphore(%run_scoped3A : memref<!tpu.dma_semaphore, #tpu.memory_space<semaphore_mem>>) src(%arg9 : memref<64x384xi32, #tpu.memory_space<vmem>>) dst(%dma_wait3A_248 : memref<64x384xi32, #tpu.memory_space<hbm>>)
      tpu.yield
    }) : () -> ()
    %dma_start3A_76 = arith.constant 512 : i32
    %dma_start3A_77 = tpu.memref_slice %arg8[%dma_start3A_76] : memref<640xi32, #tpu.memory_space<vmem>> -> memref<64xi32, #tpu.memory_space<vmem>>
    %dma_start3A_78 = arith.constant 0 : i32
    %dma_start3A_79 = arith.constant 0 : i32
    %dma_start3A_80 = tpu.memref_slice %arg2[%dma_start3A_78, %dma_start3A_79] : memref<10000x384xi32, #tpu.memory_space<hbm>> -> memref<10000x384xi32, #tpu.memory_space<hbm>>
    tpu.enqueue_indirect_dma source(%dma_start3A_80 : memref<10000x384xi32, #tpu.memory_space<hbm>>) target(%arg9 : memref<64x384xi32, #tpu.memory_space<vmem>>) offsets(%dma_start3A_77 : memref<64xi32, #tpu.memory_space<vmem>>) semaphore(%arg13 : memref<!tpu.dma_semaphore, #tpu.memory_space<semaphore_mem>>)
    %dma_wait3A_81 = arith.constant 320 : i32
    %dma_wait3A_82 = tpu.memref_slice %arg8[%dma_wait3A_81] : memref<640xi32, #tpu.memory_space<vmem>> -> memref<64xi32, #tpu.memory_space<vmem>>
    %dma_wait3A_83 = arith.constant 0 : i32
    %dma_wait3A_84 = arith.constant 0 : i32
    %dma_wait3A_85 = tpu.memref_slice %arg2[%dma_wait3A_83, %dma_wait3A_84] : memref<10000x384xi32, #tpu.memory_space<hbm>> -> memref<10000x384xi32, #tpu.memory_space<hbm>>
    tpu.wait_indirect_dma semaphore(%arg14 : memref<!tpu.dma_semaphore, #tpu.memory_space<semaphore_mem>>) src(%dma_wait3A_85 : memref<10000x384xi32, #tpu.memory_space<hbm>>) dst(%arg10 : memref<64x384xi32, #tpu.memory_space<vmem>>)
    %add3A_86 = arith.constant 320 : i32
    %add3A_87 = arith.addi %mul3A_2, %add3A_86 : i32
    "tpu.region"() ({
      %run_scoped3A = tpu.sem_alloc : memref<!tpu.dma_semaphore, #tpu.memory_space<semaphore_mem>>
      %dma_start3A_241 = arith.constant 0 : i32
      %dma_start3A_242 = tpu.memref_slice %arg6[%add3A_87, %dma_start3A_241] : memref<20480x384xi32, #tpu.memory_space<hbm>> -> memref<64x384xi32, #tpu.memory_space<hbm>>
      %dma_start3A_243 = arith.constant 0 : i32
      %dma_start3A_244 = tpu.memref_slice %arg6[%add3A_87, %dma_start3A_243] : memref<20480x384xi32, #tpu.memory_space<hbm>> -> memref<64x384xi32, #tpu.memory_space<hbm>>
      tpu.enqueue_dma source(%arg10 : memref<64x384xi32, #tpu.memory_space<vmem>>) target(%dma_start3A_244 : memref<64x384xi32, #tpu.memory_space<hbm>>) target_semaphore(%run_scoped3A : memref<!tpu.dma_semaphore, #tpu.memory_space<semaphore_mem>>)
      %dma_wait3A_245 = arith.constant 0 : i32
      %dma_wait3A_246 = tpu.memref_slice %arg6[%add3A_87, %dma_wait3A_245] : memref<20480x384xi32, #tpu.memory_space<hbm>> -> memref<64x384xi32, #tpu.memory_space<hbm>>
      %dma_wait3A_247 = arith.constant 0 : i32
      %dma_wait3A_248 = tpu.memref_slice %arg6[%add3A_87, %dma_wait3A_247] : memref<20480x384xi32, #tpu.memory_space<hbm>> -> memref<64x384xi32, #tpu.memory_space<hbm>>
      tpu.wait_dma2 semaphore(%run_scoped3A : memref<!tpu.dma_semaphore, #tpu.memory_space<semaphore_mem>>) src(%arg10 : memref<64x384xi32, #tpu.memory_space<vmem>>) dst(%dma_wait3A_248 : memref<64x384xi32, #tpu.memory_space<hbm>>)
      tpu.yield
    }) : () -> ()
    %dma_start3A_88 = arith.constant 576 : i32
    %dma_start3A_89 = tpu.memref_slice %arg8[%dma_start3A_88] : memref<640xi32, #tpu.memory_space<vmem>> -> memref<64xi32, #tpu.memory_space<vmem>>
    %dma_start3A_90 = arith.constant 0 : i32
    %dma_start3A_91 = arith.constant 0 : i32
    %dma_start3A_92 = tpu.memref_slice %arg2[%dma_start3A_90, %dma_start3A_91] : memref<10000x384xi32, #tpu.memory_space<hbm>> -> memref<10000x384xi32, #tpu.memory_space<hbm>>
    tpu.enqueue_indirect_dma source(%dma_start3A_92 : memref<10000x384xi32, #tpu.memory_space<hbm>>) target(%arg10 : memref<64x384xi32, #tpu.memory_space<vmem>>) offsets(%dma_start3A_89 : memref<64xi32, #tpu.memory_space<vmem>>) semaphore(%arg14 : memref<!tpu.dma_semaphore, #tpu.memory_space<semaphore_mem>>)
    %dma_wait3A_93 = arith.constant 384 : i32
    %dma_wait3A_94 = tpu.memref_slice %arg8[%dma_wait3A_93] : memref<640xi32, #tpu.memory_space<vmem>> -> memref<64xi32, #tpu.memory_space<vmem>>
    %dma_wait3A_95 = arith.constant 0 : i32
    %dma_wait3A_96 = arith.constant 0 : i32
    %dma_wait3A_97 = tpu.memref_slice %arg2[%dma_wait3A_95, %dma_wait3A_96] : memref<10000x384xi32, #tpu.memory_space<hbm>> -> memref<10000x384xi32, #tpu.memory_space<hbm>>
    tpu.wait_indirect_dma semaphore(%arg15 : memref<!tpu.dma_semaphore, #tpu.memory_space<semaphore_mem>>) src(%dma_wait3A_97 : memref<10000x384xi32, #tpu.memory_space<hbm>>) dst(%arg11 : memref<64x384xi32, #tpu.memory_space<vmem>>)
    %add3A_98 = arith.constant 384 : i32
    %add3A_99 = arith.addi %mul3A_2, %add3A_98 : i32
    "tpu.region"() ({
      %run_scoped3A = tpu.sem_alloc : memref<!tpu.dma_semaphore, #tpu.memory_space<semaphore_mem>>
      %dma_start3A_241 = arith.constant 0 : i32
      %dma_start3A_242 = tpu.memref_slice %arg6[%add3A_99, %dma_start3A_241] : memref<20480x384xi32, #tpu.memory_space<hbm>> -> memref<64x384xi32, #tpu.memory_space<hbm>>
      %dma_start3A_243 = arith.constant 0 : i32
      %dma_start3A_244 = tpu.memref_slice %arg6[%add3A_99, %dma_start3A_243] : memref<20480x384xi32, #tpu.memory_space<hbm>> -> memref<64x384xi32, #tpu.memory_space<hbm>>
      tpu.enqueue_dma source(%arg11 : memref<64x384xi32, #tpu.memory_space<vmem>>) target(%dma_start3A_244 : memref<64x384xi32, #tpu.memory_space<hbm>>) target_semaphore(%run_scoped3A : memref<!tpu.dma_semaphore, #tpu.memory_space<semaphore_mem>>)
      %dma_wait3A_245 = arith.constant 0 : i32
      %dma_wait3A_246 = tpu.memref_slice %arg6[%add3A_99, %dma_wait3A_245] : memref<20480x384xi32, #tpu.memory_space<hbm>> -> memref<64x384xi32, #tpu.memory_space<hbm>>
      %dma_wait3A_247 = arith.constant 0 : i32
      %dma_wait3A_248 = tpu.memref_slice %arg6[%add3A_99, %dma_wait3A_247] : memref<20480x384xi32, #tpu.memory_space<hbm>> -> memref<64x384xi32, #tpu.memory_space<hbm>>
      tpu.wait_dma2 semaphore(%run_scoped3A : memref<!tpu.dma_semaphore, #tpu.memory_space<semaphore_mem>>) src(%arg11 : memref<64x384xi32, #tpu.memory_space<vmem>>) dst(%dma_wait3A_248 : memref<64x384xi32, #tpu.memory_space<hbm>>)
      tpu.yield
    }) : () -> ()
    %dma_wait3A_100 = arith.constant 448 : i32
    %dma_wait3A_101 = tpu.memref_slice %arg8[%dma_wait3A_100] : memref<640xi32, #tpu.memory_space<vmem>> -> memref<64xi32, #tpu.memory_space<vmem>>
    %dma_wait3A_102 = arith.constant 0 : i32
    %dma_wait3A_103 = arith.constant 0 : i32
    %dma_wait3A_104 = tpu.memref_slice %arg2[%dma_wait3A_102, %dma_wait3A_103] : memref<10000x384xi32, #tpu.memory_space<hbm>> -> memref<10000x384xi32, #tpu.memory_space<hbm>>
    tpu.wait_indirect_dma semaphore(%arg16 : memref<!tpu.dma_semaphore, #tpu.memory_space<semaphore_mem>>) src(%dma_wait3A_104 : memref<10000x384xi32, #tpu.memory_space<hbm>>) dst(%arg12 : memref<64x384xi32, #tpu.memory_space<vmem>>)
    %add3A_105 = arith.constant 448 : i32
    %add3A_106 = arith.addi %mul3A_2, %add3A_105 : i32
    "tpu.region"() ({
      %run_scoped3A = tpu.sem_alloc : memref<!tpu.dma_semaphore, #tpu.memory_space<semaphore_mem>>
      %dma_start3A_241 = arith.constant 0 : i32
      %dma_start3A_242 = tpu.memref_slice %arg6[%add3A_106, %dma_start3A_241] : memref<20480x384xi32, #tpu.memory_space<hbm>> -> memref<64x384xi32, #tpu.memory_space<hbm>>
      %dma_start3A_243 = arith.constant 0 : i32
      %dma_start3A_244 = tpu.memref_slice %arg6[%add3A_106, %dma_start3A_243] : memref<20480x384xi32, #tpu.memory_space<hbm>> -> memref<64x384xi32, #tpu.memory_space<hbm>>
      tpu.enqueue_dma source(%arg12 : memref<64x384xi32, #tpu.memory_space<vmem>>) target(%dma_start3A_244 : memref<64x384xi32, #tpu.memory_space<hbm>>) target_semaphore(%run_scoped3A : memref<!tpu.dma_semaphore, #tpu.memory_space<semaphore_mem>>)
      %dma_wait3A_245 = arith.constant 0 : i32
      %dma_wait3A_246 = tpu.memref_slice %arg6[%add3A_106, %dma_wait3A_245] : memref<20480x384xi32, #tpu.memory_space<hbm>> -> memref<64x384xi32, #tpu.memory_space<hbm>>
      %dma_wait3A_247 = arith.constant 0 : i32
      %dma_wait3A_248 = tpu.memref_slice %arg6[%add3A_106, %dma_wait3A_247] : memref<20480x384xi32, #tpu.memory_space<hbm>> -> memref<64x384xi32, #tpu.memory_space<hbm>>
      tpu.wait_dma2 semaphore(%run_scoped3A : memref<!tpu.dma_semaphore, #tpu.memory_space<semaphore_mem>>) src(%arg12 : memref<64x384xi32, #tpu.memory_space<vmem>>) dst(%dma_wait3A_248 : memref<64x384xi32, #tpu.memory_space<hbm>>)
      tpu.yield
    }) : () -> ()
    %dma_wait3A_107 = arith.constant 512 : i32
    %dma_wait3A_108 = tpu.memref_slice %arg8[%dma_wait3A_107] : memref<640xi32, #tpu.memory_space<vmem>> -> memref<64xi32, #tpu.memory_space<vmem>>
    %dma_wait3A_109 = arith.constant 0 : i32
    %dma_wait3A_110 = arith.constant 0 : i32
    %dma_wait3A_111 = tpu.memref_slice %arg2[%dma_wait3A_109, %dma_wait3A_110] : memref<10000x384xi32, #tpu.memory_space<hbm>> -> memref<10000x384xi32, #tpu.memory_space<hbm>>
    tpu.wait_indirect_dma semaphore(%arg13 : memref<!tpu.dma_semaphore, #tpu.memory_space<semaphore_mem>>) src(%dma_wait3A_111 : memref<10000x384xi32, #tpu.memory_space<hbm>>) dst(%arg9 : memref<64x384xi32, #tpu.memory_space<vmem>>)
    %add3A_112 = arith.constant 512 : i32
    %add3A_113 = arith.addi %mul3A_2, %add3A_112 : i32
    "tpu.region"() ({
      %run_scoped3A = tpu.sem_alloc : memref<!tpu.dma_semaphore, #tpu.memory_space<semaphore_mem>>
      %dma_start3A_241 = arith.constant 0 : i32
      %dma_start3A_242 = tpu.memref_slice %arg6[%add3A_113, %dma_start3A_241] : memref<20480x384xi32, #tpu.memory_space<hbm>> -> memref<64x384xi32, #tpu.memory_space<hbm>>
      %dma_start3A_243 = arith.constant 0 : i32
      %dma_start3A_244 = tpu.memref_slice %arg6[%add3A_113, %dma_start3A_243] : memref<20480x384xi32, #tpu.memory_space<hbm>> -> memref<64x384xi32, #tpu.memory_space<hbm>>
      tpu.enqueue_dma source(%arg9 : memref<64x384xi32, #tpu.memory_space<vmem>>) target(%dma_start3A_244 : memref<64x384xi32, #tpu.memory_space<hbm>>) target_semaphore(%run_scoped3A : memref<!tpu.dma_semaphore, #tpu.memory_space<semaphore_mem>>)
      %dma_wait3A_245 = arith.constant 0 : i32
      %dma_wait3A_246 = tpu.memref_slice %arg6[%add3A_113, %dma_wait3A_245] : memref<20480x384xi32, #tpu.memory_space<hbm>> -> memref<64x384xi32, #tpu.memory_space<hbm>>
      %dma_wait3A_247 = arith.constant 0 : i32
      %dma_wait3A_248 = tpu.memref_slice %arg6[%add3A_113, %dma_wait3A_247] : memref<20480x384xi32, #tpu.memory_space<hbm>> -> memref<64x384xi32, #tpu.memory_space<hbm>>
      tpu.wait_dma2 semaphore(%run_scoped3A : memref<!tpu.dma_semaphore, #tpu.memory_space<semaphore_mem>>) src(%arg9 : memref<64x384xi32, #tpu.memory_space<vmem>>) dst(%dma_wait3A_248 : memref<64x384xi32, #tpu.memory_space<hbm>>)
      tpu.yield
    }) : () -> ()
    %dma_wait3A_114 = arith.constant 576 : i32
    %dma_wait3A_115 = tpu.memref_slice %arg8[%dma_wait3A_114] : memref<640xi32, #tpu.memory_space<vmem>> -> memref<64xi32, #tpu.memory_space<vmem>>
    %dma_wait3A_116 = arith.constant 0 : i32
    %dma_wait3A_117 = arith.constant 0 : i32
    %dma_wait3A_118 = tpu.memref_slice %arg2[%dma_wait3A_116, %dma_wait3A_117] : memref<10000x384xi32, #tpu.memory_space<hbm>> -> memref<10000x384xi32, #tpu.memory_space<hbm>>
    tpu.wait_indirect_dma semaphore(%arg14 : memref<!tpu.dma_semaphore, #tpu.memory_space<semaphore_mem>>) src(%dma_wait3A_118 : memref<10000x384xi32, #tpu.memory_space<hbm>>) dst(%arg10 : memref<64x384xi32, #tpu.memory_space<vmem>>)
    %add3A_119 = arith.constant 576 : i32
    %add3A_120 = arith.addi %mul3A_2, %add3A_119 : i32
    "tpu.region"() ({
      %run_scoped3A = tpu.sem_alloc : memref<!tpu.dma_semaphore, #tpu.memory_space<semaphore_mem>>
      %dma_start3A_241 = arith.constant 0 : i32
      %dma_start3A_242 = tpu.memref_slice %arg6[%add3A_120, %dma_start3A_241] : memref<20480x384xi32, #tpu.memory_space<hbm>> -> memref<64x384xi32, #tpu.memory_space<hbm>>
      %dma_start3A_243 = arith.constant 0 : i32
      %dma_start3A_244 = tpu.memref_slice %arg6[%add3A_120, %dma_start3A_243] : memref<20480x384xi32, #tpu.memory_space<hbm>> -> memref<64x384xi32, #tpu.memory_space<hbm>>
      tpu.enqueue_dma source(%arg10 : memref<64x384xi32, #tpu.memory_space<vmem>>) target(%dma_start3A_244 : memref<64x384xi32, #tpu.memory_space<hbm>>) target_semaphore(%run_scoped3A : memref<!tpu.dma_semaphore, #tpu.memory_space<semaphore_mem>>)
      %dma_wait3A_245 = arith.constant 0 : i32
      %dma_wait3A_246 = tpu.memref_slice %arg6[%add3A_120, %dma_wait3A_245] : memref<20480x384xi32, #tpu.memory_space<hbm>> -> memref<64x384xi32, #tpu.memory_space<hbm>>
      %dma_wait3A_247 = arith.constant 0 : i32
      %dma_wait3A_248 = tpu.memref_slice %arg6[%add3A_120, %dma_wait3A_247] : memref<20480x384xi32, #tpu.memory_space<hbm>> -> memref<64x384xi32, #tpu.memory_space<hbm>>
      tpu.wait_dma2 semaphore(%run_scoped3A : memref<!tpu.dma_semaphore, #tpu.memory_space<semaphore_mem>>) src(%arg10 : memref<64x384xi32, #tpu.memory_space<vmem>>) dst(%dma_wait3A_248 : memref<64x384xi32, #tpu.memory_space<hbm>>)
      tpu.yield
    }) : () -> ()
    "tpu.region"() ({
      %run_scoped3A = tpu.sem_alloc : memref<!tpu.dma_semaphore, #tpu.memory_space<semaphore_mem>>
      %dma_start3A_241 = tpu.memref_slice %arg5[%mul3A_2] : memref<20480xi32, #tpu.memory_space<hbm>> -> memref<640xi32, #tpu.memory_space<hbm>>
      %dma_start3A_242 = tpu.memref_slice %arg5[%mul3A_2] : memref<20480xi32, #tpu.memory_space<hbm>> -> memref<640xi32, #tpu.memory_space<hbm>>
      tpu.enqueue_dma source(%dma_start3A_242 : memref<640xi32, #tpu.memory_space<hbm>>) target(%arg8 : memref<640xi32, #tpu.memory_space<vmem>>) target_semaphore(%run_scoped3A : memref<!tpu.dma_semaphore, #tpu.memory_space<semaphore_mem>>)
      %dma_wait3A_243 = tpu.memref_slice %arg5[%mul3A_2] : memref<20480xi32, #tpu.memory_space<hbm>> -> memref<640xi32, #tpu.memory_space<hbm>>
      %dma_wait3A_244 = tpu.memref_slice %arg5[%mul3A_2] : memref<20480xi32, #tpu.memory_space<hbm>> -> memref<640xi32, #tpu.memory_space<hbm>>
      tpu.wait_dma2 semaphore(%run_scoped3A : memref<!tpu.dma_semaphore, #tpu.memory_space<semaphore_mem>>) src(%dma_wait3A_244 : memref<640xi32, #tpu.memory_space<hbm>>) dst(%arg8 : memref<640xi32, #tpu.memory_space<vmem>>)
      tpu.yield
    }) : () -> ()
    %dma_start3A_121 = arith.constant 0 : i32
    %dma_start3A_122 = tpu.memref_slice %arg8[%dma_start3A_121] : memref<640xi32, #tpu.memory_space<vmem>> -> memref<64xi32, #tpu.memory_space<vmem>>
    %dma_start3A_123 = arith.constant 0 : i32
    %dma_start3A_124 = arith.constant 0 : i32
    %dma_start3A_125 = tpu.memref_slice %arg3[%dma_start3A_123, %dma_start3A_124] : memref<10000x384xi32, #tpu.memory_space<hbm>> -> memref<10000x384xi32, #tpu.memory_space<hbm>>
    tpu.enqueue_indirect_dma source(%dma_start3A_125 : memref<10000x384xi32, #tpu.memory_space<hbm>>) target(%arg9 : memref<64x384xi32, #tpu.memory_space<vmem>>) offsets(%dma_start3A_122 : memref<64xi32, #tpu.memory_space<vmem>>) semaphore(%arg13 : memref<!tpu.dma_semaphore, #tpu.memory_space<semaphore_mem>>)
    %dma_start3A_126 = arith.constant 64 : i32
    %dma_start3A_127 = tpu.memref_slice %arg8[%dma_start3A_126] : memref<640xi32, #tpu.memory_space<vmem>> -> memref<64xi32, #tpu.memory_space<vmem>>
    %dma_start3A_128 = arith.constant 0 : i32
    %dma_start3A_129 = arith.constant 0 : i32
    %dma_start3A_130 = tpu.memref_slice %arg3[%dma_start3A_128, %dma_start3A_129] : memref<10000x384xi32, #tpu.memory_space<hbm>> -> memref<10000x384xi32, #tpu.memory_space<hbm>>
    tpu.enqueue_indirect_dma source(%dma_start3A_130 : memref<10000x384xi32, #tpu.memory_space<hbm>>) target(%arg10 : memref<64x384xi32, #tpu.memory_space<vmem>>) offsets(%dma_start3A_127 : memref<64xi32, #tpu.memory_space<vmem>>) semaphore(%arg14 : memref<!tpu.dma_semaphore, #tpu.memory_space<semaphore_mem>>)
    %dma_start3A_131 = arith.constant 128 : i32
    %dma_start3A_132 = tpu.memref_slice %arg8[%dma_start3A_131] : memref<640xi32, #tpu.memory_space<vmem>> -> memref<64xi32, #tpu.memory_space<vmem>>
    %dma_start3A_133 = arith.constant 0 : i32
    %dma_start3A_134 = arith.constant 0 : i32
    %dma_start3A_135 = tpu.memref_slice %arg3[%dma_start3A_133, %dma_start3A_134] : memref<10000x384xi32, #tpu.memory_space<hbm>> -> memref<10000x384xi32, #tpu.memory_space<hbm>>
    tpu.enqueue_indirect_dma source(%dma_start3A_135 : memref<10000x384xi32, #tpu.memory_space<hbm>>) target(%arg11 : memref<64x384xi32, #tpu.memory_space<vmem>>) offsets(%dma_start3A_132 : memref<64xi32, #tpu.memory_space<vmem>>) semaphore(%arg15 : memref<!tpu.dma_semaphore, #tpu.memory_space<semaphore_mem>>)
    %dma_start3A_136 = arith.constant 192 : i32
    %dma_start3A_137 = tpu.memref_slice %arg8[%dma_start3A_136] : memref<640xi32, #tpu.memory_space<vmem>> -> memref<64xi32, #tpu.memory_space<vmem>>
    %dma_start3A_138 = arith.constant 0 : i32
    %dma_start3A_139 = arith.constant 0 : i32
    %dma_start3A_140 = tpu.memref_slice %arg3[%dma_start3A_138, %dma_start3A_139] : memref<10000x384xi32, #tpu.memory_space<hbm>> -> memref<10000x384xi32, #tpu.memory_space<hbm>>
    tpu.enqueue_indirect_dma source(%dma_start3A_140 : memref<10000x384xi32, #tpu.memory_space<hbm>>) target(%arg12 : memref<64x384xi32, #tpu.memory_space<vmem>>) offsets(%dma_start3A_137 : memref<64xi32, #tpu.memory_space<vmem>>) semaphore(%arg16 : memref<!tpu.dma_semaphore, #tpu.memory_space<semaphore_mem>>)
    %dma_wait3A_141 = arith.constant 0 : i32
    %dma_wait3A_142 = tpu.memref_slice %arg8[%dma_wait3A_141] : memref<640xi32, #tpu.memory_space<vmem>> -> memref<64xi32, #tpu.memory_space<vmem>>
    %dma_wait3A_143 = arith.constant 0 : i32
    %dma_wait3A_144 = arith.constant 0 : i32
    %dma_wait3A_145 = tpu.memref_slice %arg3[%dma_wait3A_143, %dma_wait3A_144] : memref<10000x384xi32, #tpu.memory_space<hbm>> -> memref<10000x384xi32, #tpu.memory_space<hbm>>
    tpu.wait_indirect_dma semaphore(%arg13 : memref<!tpu.dma_semaphore, #tpu.memory_space<semaphore_mem>>) src(%dma_wait3A_145 : memref<10000x384xi32, #tpu.memory_space<hbm>>) dst(%arg9 : memref<64x384xi32, #tpu.memory_space<vmem>>)
    %add3A_146 = arith.constant 0 : i32
    %add3A_147 = arith.addi %mul3A_2, %add3A_146 : i32
    "tpu.region"() ({
      %run_scoped3A = tpu.sem_alloc : memref<!tpu.dma_semaphore, #tpu.memory_space<semaphore_mem>>
      %dma_start3A_241 = arith.constant 0 : i32
      %dma_start3A_242 = tpu.memref_slice %arg7[%add3A_147, %dma_start3A_241] : memref<20480x384xi32, #tpu.memory_space<hbm>> -> memref<64x384xi32, #tpu.memory_space<hbm>>
      %dma_start3A_243 = arith.constant 0 : i32
      %dma_start3A_244 = tpu.memref_slice %arg7[%add3A_147, %dma_start3A_243] : memref<20480x384xi32, #tpu.memory_space<hbm>> -> memref<64x384xi32, #tpu.memory_space<hbm>>
      tpu.enqueue_dma source(%arg9 : memref<64x384xi32, #tpu.memory_space<vmem>>) target(%dma_start3A_244 : memref<64x384xi32, #tpu.memory_space<hbm>>) target_semaphore(%run_scoped3A : memref<!tpu.dma_semaphore, #tpu.memory_space<semaphore_mem>>)
      %dma_wait3A_245 = arith.constant 0 : i32
      %dma_wait3A_246 = tpu.memref_slice %arg7[%add3A_147, %dma_wait3A_245] : memref<20480x384xi32, #tpu.memory_space<hbm>> -> memref<64x384xi32, #tpu.memory_space<hbm>>
      %dma_wait3A_247 = arith.constant 0 : i32
      %dma_wait3A_248 = tpu.memref_slice %arg7[%add3A_147, %dma_wait3A_247] : memref<20480x384xi32, #tpu.memory_space<hbm>> -> memref<64x384xi32, #tpu.memory_space<hbm>>
      tpu.wait_dma2 semaphore(%run_scoped3A : memref<!tpu.dma_semaphore, #tpu.memory_space<semaphore_mem>>) src(%arg9 : memref<64x384xi32, #tpu.memory_space<vmem>>) dst(%dma_wait3A_248 : memref<64x384xi32, #tpu.memory_space<hbm>>)
      tpu.yield
    }) : () -> ()
    %dma_start3A_148 = arith.constant 256 : i32
    %dma_start3A_149 = tpu.memref_slice %arg8[%dma_start3A_148] : memref<640xi32, #tpu.memory_space<vmem>> -> memref<64xi32, #tpu.memory_space<vmem>>
    %dma_start3A_150 = arith.constant 0 : i32
    %dma_start3A_151 = arith.constant 0 : i32
    %dma_start3A_152 = tpu.memref_slice %arg3[%dma_start3A_150, %dma_start3A_151] : memref<10000x384xi32, #tpu.memory_space<hbm>> -> memref<10000x384xi32, #tpu.memory_space<hbm>>
    tpu.enqueue_indirect_dma source(%dma_start3A_152 : memref<10000x384xi32, #tpu.memory_space<hbm>>) target(%arg9 : memref<64x384xi32, #tpu.memory_space<vmem>>) offsets(%dma_start3A_149 : memref<64xi32, #tpu.memory_space<vmem>>) semaphore(%arg13 : memref<!tpu.dma_semaphore, #tpu.memory_space<semaphore_mem>>)
    %dma_wait3A_153 = arith.constant 64 : i32
    %dma_wait3A_154 = tpu.memref_slice %arg8[%dma_wait3A_153] : memref<640xi32, #tpu.memory_space<vmem>> -> memref<64xi32, #tpu.memory_space<vmem>>
    %dma_wait3A_155 = arith.constant 0 : i32
    %dma_wait3A_156 = arith.constant 0 : i32
    %dma_wait3A_157 = tpu.memref_slice %arg3[%dma_wait3A_155, %dma_wait3A_156] : memref<10000x384xi32, #tpu.memory_space<hbm>> -> memref<10000x384xi32, #tpu.memory_space<hbm>>
    tpu.wait_indirect_dma semaphore(%arg14 : memref<!tpu.dma_semaphore, #tpu.memory_space<semaphore_mem>>) src(%dma_wait3A_157 : memref<10000x384xi32, #tpu.memory_space<hbm>>) dst(%arg10 : memref<64x384xi32, #tpu.memory_space<vmem>>)
    %add3A_158 = arith.constant 64 : i32
    %add3A_159 = arith.addi %mul3A_2, %add3A_158 : i32
    "tpu.region"() ({
      %run_scoped3A = tpu.sem_alloc : memref<!tpu.dma_semaphore, #tpu.memory_space<semaphore_mem>>
      %dma_start3A_241 = arith.constant 0 : i32
      %dma_start3A_242 = tpu.memref_slice %arg7[%add3A_159, %dma_start3A_241] : memref<20480x384xi32, #tpu.memory_space<hbm>> -> memref<64x384xi32, #tpu.memory_space<hbm>>
      %dma_start3A_243 = arith.constant 0 : i32
      %dma_start3A_244 = tpu.memref_slice %arg7[%add3A_159, %dma_start3A_243] : memref<20480x384xi32, #tpu.memory_space<hbm>> -> memref<64x384xi32, #tpu.memory_space<hbm>>
      tpu.enqueue_dma source(%arg10 : memref<64x384xi32, #tpu.memory_space<vmem>>) target(%dma_start3A_244 : memref<64x384xi32, #tpu.memory_space<hbm>>) target_semaphore(%run_scoped3A : memref<!tpu.dma_semaphore, #tpu.memory_space<semaphore_mem>>)
      %dma_wait3A_245 = arith.constant 0 : i32
      %dma_wait3A_246 = tpu.memref_slice %arg7[%add3A_159, %dma_wait3A_245] : memref<20480x384xi32, #tpu.memory_space<hbm>> -> memref<64x384xi32, #tpu.memory_space<hbm>>
      %dma_wait3A_247 = arith.constant 0 : i32
      %dma_wait3A_248 = tpu.memref_slice %arg7[%add3A_159, %dma_wait3A_247] : memref<20480x384xi32, #tpu.memory_space<hbm>> -> memref<64x384xi32, #tpu.memory_space<hbm>>
      tpu.wait_dma2 semaphore(%run_scoped3A : memref<!tpu.dma_semaphore, #tpu.memory_space<semaphore_mem>>) src(%arg10 : memref<64x384xi32, #tpu.memory_space<vmem>>) dst(%dma_wait3A_248 : memref<64x384xi32, #tpu.memory_space<hbm>>)
      tpu.yield
    }) : () -> ()
    %dma_start3A_160 = arith.constant 320 : i32
    %dma_start3A_161 = tpu.memref_slice %arg8[%dma_start3A_160] : memref<640xi32, #tpu.memory_space<vmem>> -> memref<64xi32, #tpu.memory_space<vmem>>
    %dma_start3A_162 = arith.constant 0 : i32
    %dma_start3A_163 = arith.constant 0 : i32
    %dma_start3A_164 = tpu.memref_slice %arg3[%dma_start3A_162, %dma_start3A_163] : memref<10000x384xi32, #tpu.memory_space<hbm>> -> memref<10000x384xi32, #tpu.memory_space<hbm>>
    tpu.enqueue_indirect_dma source(%dma_start3A_164 : memref<10000x384xi32, #tpu.memory_space<hbm>>) target(%arg10 : memref<64x384xi32, #tpu.memory_space<vmem>>) offsets(%dma_start3A_161 : memref<64xi32, #tpu.memory_space<vmem>>) semaphore(%arg14 : memref<!tpu.dma_semaphore, #tpu.memory_space<semaphore_mem>>)
    %dma_wait3A_165 = arith.constant 128 : i32
    %dma_wait3A_166 = tpu.memref_slice %arg8[%dma_wait3A_165] : memref<640xi32, #tpu.memory_space<vmem>> -> memref<64xi32, #tpu.memory_space<vmem>>
    %dma_wait3A_167 = arith.constant 0 : i32
    %dma_wait3A_168 = arith.constant 0 : i32
    %dma_wait3A_169 = tpu.memref_slice %arg3[%dma_wait3A_167, %dma_wait3A_168] : memref<10000x384xi32, #tpu.memory_space<hbm>> -> memref<10000x384xi32, #tpu.memory_space<hbm>>
    tpu.wait_indirect_dma semaphore(%arg15 : memref<!tpu.dma_semaphore, #tpu.memory_space<semaphore_mem>>) src(%dma_wait3A_169 : memref<10000x384xi32, #tpu.memory_space<hbm>>) dst(%arg11 : memref<64x384xi32, #tpu.memory_space<vmem>>)
    %add3A_170 = arith.constant 128 : i32
    %add3A_171 = arith.addi %mul3A_2, %add3A_170 : i32
    "tpu.region"() ({
      %run_scoped3A = tpu.sem_alloc : memref<!tpu.dma_semaphore, #tpu.memory_space<semaphore_mem>>
      %dma_start3A_241 = arith.constant 0 : i32
      %dma_start3A_242 = tpu.memref_slice %arg7[%add3A_171, %dma_start3A_241] : memref<20480x384xi32, #tpu.memory_space<hbm>> -> memref<64x384xi32, #tpu.memory_space<hbm>>
      %dma_start3A_243 = arith.constant 0 : i32
      %dma_start3A_244 = tpu.memref_slice %arg7[%add3A_171, %dma_start3A_243] : memref<20480x384xi32, #tpu.memory_space<hbm>> -> memref<64x384xi32, #tpu.memory_space<hbm>>
      tpu.enqueue_dma source(%arg11 : memref<64x384xi32, #tpu.memory_space<vmem>>) target(%dma_start3A_244 : memref<64x384xi32, #tpu.memory_space<hbm>>) target_semaphore(%run_scoped3A : memref<!tpu.dma_semaphore, #tpu.memory_space<semaphore_mem>>)
      %dma_wait3A_245 = arith.constant 0 : i32
      %dma_wait3A_246 = tpu.memref_slice %arg7[%add3A_171, %dma_wait3A_245] : memref<20480x384xi32, #tpu.memory_space<hbm>> -> memref<64x384xi32, #tpu.memory_space<hbm>>
      %dma_wait3A_247 = arith.constant 0 : i32
      %dma_wait3A_248 = tpu.memref_slice %arg7[%add3A_171, %dma_wait3A_247] : memref<20480x384xi32, #tpu.memory_space<hbm>> -> memref<64x384xi32, #tpu.memory_space<hbm>>
      tpu.wait_dma2 semaphore(%run_scoped3A : memref<!tpu.dma_semaphore, #tpu.memory_space<semaphore_mem>>) src(%arg11 : memref<64x384xi32, #tpu.memory_space<vmem>>) dst(%dma_wait3A_248 : memref<64x384xi32, #tpu.memory_space<hbm>>)
      tpu.yield
    }) : () -> ()
    %dma_start3A_172 = arith.constant 384 : i32
    %dma_start3A_173 = tpu.memref_slice %arg8[%dma_start3A_172] : memref<640xi32, #tpu.memory_space<vmem>> -> memref<64xi32, #tpu.memory_space<vmem>>
    %dma_start3A_174 = arith.constant 0 : i32
    %dma_start3A_175 = arith.constant 0 : i32
    %dma_start3A_176 = tpu.memref_slice %arg3[%dma_start3A_174, %dma_start3A_175] : memref<10000x384xi32, #tpu.memory_space<hbm>> -> memref<10000x384xi32, #tpu.memory_space<hbm>>
    tpu.enqueue_indirect_dma source(%dma_start3A_176 : memref<10000x384xi32, #tpu.memory_space<hbm>>) target(%arg11 : memref<64x384xi32, #tpu.memory_space<vmem>>) offsets(%dma_start3A_173 : memref<64xi32, #tpu.memory_space<vmem>>) semaphore(%arg15 : memref<!tpu.dma_semaphore, #tpu.memory_space<semaphore_mem>>)
    %dma_wait3A_177 = arith.constant 192 : i32
    %dma_wait3A_178 = tpu.memref_slice %arg8[%dma_wait3A_177] : memref<640xi32, #tpu.memory_space<vmem>> -> memref<64xi32, #tpu.memory_space<vmem>>
    %dma_wait3A_179 = arith.constant 0 : i32
    %dma_wait3A_180 = arith.constant 0 : i32
    %dma_wait3A_181 = tpu.memref_slice %arg3[%dma_wait3A_179, %dma_wait3A_180] : memref<10000x384xi32, #tpu.memory_space<hbm>> -> memref<10000x384xi32, #tpu.memory_space<hbm>>
    tpu.wait_indirect_dma semaphore(%arg16 : memref<!tpu.dma_semaphore, #tpu.memory_space<semaphore_mem>>) src(%dma_wait3A_181 : memref<10000x384xi32, #tpu.memory_space<hbm>>) dst(%arg12 : memref<64x384xi32, #tpu.memory_space<vmem>>)
    %add3A_182 = arith.constant 192 : i32
    %add3A_183 = arith.addi %mul3A_2, %add3A_182 : i32
    "tpu.region"() ({
      %run_scoped3A = tpu.sem_alloc : memref<!tpu.dma_semaphore, #tpu.memory_space<semaphore_mem>>
      %dma_start3A_241 = arith.constant 0 : i32
      %dma_start3A_242 = tpu.memref_slice %arg7[%add3A_183, %dma_start3A_241] : memref<20480x384xi32, #tpu.memory_space<hbm>> -> memref<64x384xi32, #tpu.memory_space<hbm>>
      %dma_start3A_243 = arith.constant 0 : i32
      %dma_start3A_244 = tpu.memref_slice %arg7[%add3A_183, %dma_start3A_243] : memref<20480x384xi32, #tpu.memory_space<hbm>> -> memref<64x384xi32, #tpu.memory_space<hbm>>
      tpu.enqueue_dma source(%arg12 : memref<64x384xi32, #tpu.memory_space<vmem>>) target(%dma_start3A_244 : memref<64x384xi32, #tpu.memory_space<hbm>>) target_semaphore(%run_scoped3A : memref<!tpu.dma_semaphore, #tpu.memory_space<semaphore_mem>>)
      %dma_wait3A_245 = arith.constant 0 : i32
      %dma_wait3A_246 = tpu.memref_slice %arg7[%add3A_183, %dma_wait3A_245] : memref<20480x384xi32, #tpu.memory_space<hbm>> -> memref<64x384xi32, #tpu.memory_space<hbm>>
      %dma_wait3A_247 = arith.constant 0 : i32
      %dma_wait3A_248 = tpu.memref_slice %arg7[%add3A_183, %dma_wait3A_247] : memref<20480x384xi32, #tpu.memory_space<hbm>> -> memref<64x384xi32, #tpu.memory_space<hbm>>
      tpu.wait_dma2 semaphore(%run_scoped3A : memref<!tpu.dma_semaphore, #tpu.memory_space<semaphore_mem>>) src(%arg12 : memref<64x384xi32, #tpu.memory_space<vmem>>) dst(%dma_wait3A_248 : memref<64x384xi32, #tpu.memory_space<hbm>>)
      tpu.yield
    }) : () -> ()
    %dma_start3A_184 = arith.constant 448 : i32
    %dma_start3A_185 = tpu.memref_slice %arg8[%dma_start3A_184] : memref<640xi32, #tpu.memory_space<vmem>> -> memref<64xi32, #tpu.memory_space<vmem>>
    %dma_start3A_186 = arith.constant 0 : i32
    %dma_start3A_187 = arith.constant 0 : i32
    %dma_start3A_188 = tpu.memref_slice %arg3[%dma_start3A_186, %dma_start3A_187] : memref<10000x384xi32, #tpu.memory_space<hbm>> -> memref<10000x384xi32, #tpu.memory_space<hbm>>
    tpu.enqueue_indirect_dma source(%dma_start3A_188 : memref<10000x384xi32, #tpu.memory_space<hbm>>) target(%arg12 : memref<64x384xi32, #tpu.memory_space<vmem>>) offsets(%dma_start3A_185 : memref<64xi32, #tpu.memory_space<vmem>>) semaphore(%arg16 : memref<!tpu.dma_semaphore, #tpu.memory_space<semaphore_mem>>)
    %dma_wait3A_189 = arith.constant 256 : i32
    %dma_wait3A_190 = tpu.memref_slice %arg8[%dma_wait3A_189] : memref<640xi32, #tpu.memory_space<vmem>> -> memref<64xi32, #tpu.memory_space<vmem>>
    %dma_wait3A_191 = arith.constant 0 : i32
    %dma_wait3A_192 = arith.constant 0 : i32
    %dma_wait3A_193 = tpu.memref_slice %arg3[%dma_wait3A_191, %dma_wait3A_192] : memref<10000x384xi32, #tpu.memory_space<hbm>> -> memref<10000x384xi32, #tpu.memory_space<hbm>>
    tpu.wait_indirect_dma semaphore(%arg13 : memref<!tpu.dma_semaphore, #tpu.memory_space<semaphore_mem>>) src(%dma_wait3A_193 : memref<10000x384xi32, #tpu.memory_space<hbm>>) dst(%arg9 : memref<64x384xi32, #tpu.memory_space<vmem>>)
    %add3A_194 = arith.constant 256 : i32
    %add3A_195 = arith.addi %mul3A_2, %add3A_194 : i32
    "tpu.region"() ({
      %run_scoped3A = tpu.sem_alloc : memref<!tpu.dma_semaphore, #tpu.memory_space<semaphore_mem>>
      %dma_start3A_241 = arith.constant 0 : i32
      %dma_start3A_242 = tpu.memref_slice %arg7[%add3A_195, %dma_start3A_241] : memref<20480x384xi32, #tpu.memory_space<hbm>> -> memref<64x384xi32, #tpu.memory_space<hbm>>
      %dma_start3A_243 = arith.constant 0 : i32
      %dma_start3A_244 = tpu.memref_slice %arg7[%add3A_195, %dma_start3A_243] : memref<20480x384xi32, #tpu.memory_space<hbm>> -> memref<64x384xi32, #tpu.memory_space<hbm>>
      tpu.enqueue_dma source(%arg9 : memref<64x384xi32, #tpu.memory_space<vmem>>) target(%dma_start3A_244 : memref<64x384xi32, #tpu.memory_space<hbm>>) target_semaphore(%run_scoped3A : memref<!tpu.dma_semaphore, #tpu.memory_space<semaphore_mem>>)
      %dma_wait3A_245 = arith.constant 0 : i32
      %dma_wait3A_246 = tpu.memref_slice %arg7[%add3A_195, %dma_wait3A_245] : memref<20480x384xi32, #tpu.memory_space<hbm>> -> memref<64x384xi32, #tpu.memory_space<hbm>>
      %dma_wait3A_247 = arith.constant 0 : i32
      %dma_wait3A_248 = tpu.memref_slice %arg7[%add3A_195, %dma_wait3A_247] : memref<20480x384xi32, #tpu.memory_space<hbm>> -> memref<64x384xi32, #tpu.memory_space<hbm>>
      tpu.wait_dma2 semaphore(%run_scoped3A : memref<!tpu.dma_semaphore, #tpu.memory_space<semaphore_mem>>) src(%arg9 : memref<64x384xi32, #tpu.memory_space<vmem>>) dst(%dma_wait3A_248 : memref<64x384xi32, #tpu.memory_space<hbm>>)
      tpu.yield
    }) : () -> ()
    %dma_start3A_196 = arith.constant 512 : i32
    %dma_start3A_197 = tpu.memref_slice %arg8[%dma_start3A_196] : memref<640xi32, #tpu.memory_space<vmem>> -> memref<64xi32, #tpu.memory_space<vmem>>
    %dma_start3A_198 = arith.constant 0 : i32
    %dma_start3A_199 = arith.constant 0 : i32
    %dma_start3A_200 = tpu.memref_slice %arg3[%dma_start3A_198, %dma_start3A_199] : memref<10000x384xi32, #tpu.memory_space<hbm>> -> memref<10000x384xi32, #tpu.memory_space<hbm>>
    tpu.enqueue_indirect_dma source(%dma_start3A_200 : memref<10000x384xi32, #tpu.memory_space<hbm>>) target(%arg9 : memref<64x384xi32, #tpu.memory_space<vmem>>) offsets(%dma_start3A_197 : memref<64xi32, #tpu.memory_space<vmem>>) semaphore(%arg13 : memref<!tpu.dma_semaphore, #tpu.memory_space<semaphore_mem>>)
    %dma_wait3A_201 = arith.constant 320 : i32
    %dma_wait3A_202 = tpu.memref_slice %arg8[%dma_wait3A_201] : memref<640xi32, #tpu.memory_space<vmem>> -> memref<64xi32, #tpu.memory_space<vmem>>
    %dma_wait3A_203 = arith.constant 0 : i32
    %dma_wait3A_204 = arith.constant 0 : i32
    %dma_wait3A_205 = tpu.memref_slice %arg3[%dma_wait3A_203, %dma_wait3A_204] : memref<10000x384xi32, #tpu.memory_space<hbm>> -> memref<10000x384xi32, #tpu.memory_space<hbm>>
    tpu.wait_indirect_dma semaphore(%arg14 : memref<!tpu.dma_semaphore, #tpu.memory_space<semaphore_mem>>) src(%dma_wait3A_205 : memref<10000x384xi32, #tpu.memory_space<hbm>>) dst(%arg10 : memref<64x384xi32, #tpu.memory_space<vmem>>)
    %add3A_206 = arith.constant 320 : i32
    %add3A_207 = arith.addi %mul3A_2, %add3A_206 : i32
    "tpu.region"() ({
      %run_scoped3A = tpu.sem_alloc : memref<!tpu.dma_semaphore, #tpu.memory_space<semaphore_mem>>
      %dma_start3A_241 = arith.constant 0 : i32
      %dma_start3A_242 = tpu.memref_slice %arg7[%add3A_207, %dma_start3A_241] : memref<20480x384xi32, #tpu.memory_space<hbm>> -> memref<64x384xi32, #tpu.memory_space<hbm>>
      %dma_start3A_243 = arith.constant 0 : i32
      %dma_start3A_244 = tpu.memref_slice %arg7[%add3A_207, %dma_start3A_243] : memref<20480x384xi32, #tpu.memory_space<hbm>> -> memref<64x384xi32, #tpu.memory_space<hbm>>
      tpu.enqueue_dma source(%arg10 : memref<64x384xi32, #tpu.memory_space<vmem>>) target(%dma_start3A_244 : memref<64x384xi32, #tpu.memory_space<hbm>>) target_semaphore(%run_scoped3A : memref<!tpu.dma_semaphore, #tpu.memory_space<semaphore_mem>>)
      %dma_wait3A_245 = arith.constant 0 : i32
      %dma_wait3A_246 = tpu.memref_slice %arg7[%add3A_207, %dma_wait3A_245] : memref<20480x384xi32, #tpu.memory_space<hbm>> -> memref<64x384xi32, #tpu.memory_space<hbm>>
      %dma_wait3A_247 = arith.constant 0 : i32
      %dma_wait3A_248 = tpu.memref_slice %arg7[%add3A_207, %dma_wait3A_247] : memref<20480x384xi32, #tpu.memory_space<hbm>> -> memref<64x384xi32, #tpu.memory_space<hbm>>
      tpu.wait_dma2 semaphore(%run_scoped3A : memref<!tpu.dma_semaphore, #tpu.memory_space<semaphore_mem>>) src(%arg10 : memref<64x384xi32, #tpu.memory_space<vmem>>) dst(%dma_wait3A_248 : memref<64x384xi32, #tpu.memory_space<hbm>>)
      tpu.yield
    }) : () -> ()
    %dma_start3A_208 = arith.constant 576 : i32
    %dma_start3A_209 = tpu.memref_slice %arg8[%dma_start3A_208] : memref<640xi32, #tpu.memory_space<vmem>> -> memref<64xi32, #tpu.memory_space<vmem>>
    %dma_start3A_210 = arith.constant 0 : i32
    %dma_start3A_211 = arith.constant 0 : i32
    %dma_start3A_212 = tpu.memref_slice %arg3[%dma_start3A_210, %dma_start3A_211] : memref<10000x384xi32, #tpu.memory_space<hbm>> -> memref<10000x384xi32, #tpu.memory_space<hbm>>
    tpu.enqueue_indirect_dma source(%dma_start3A_212 : memref<10000x384xi32, #tpu.memory_space<hbm>>) target(%arg10 : memref<64x384xi32, #tpu.memory_space<vmem>>) offsets(%dma_start3A_209 : memref<64xi32, #tpu.memory_space<vmem>>) semaphore(%arg14 : memref<!tpu.dma_semaphore, #tpu.memory_space<semaphore_mem>>)
    %dma_wait3A_213 = arith.constant 384 : i32
    %dma_wait3A_214 = tpu.memref_slice %arg8[%dma_wait3A_213] : memref<640xi32, #tpu.memory_space<vmem>> -> memref<64xi32, #tpu.memory_space<vmem>>
    %dma_wait3A_215 = arith.constant 0 : i32
    %dma_wait3A_216 = arith.constant 0 : i32
    %dma_wait3A_217 = tpu.memref_slice %arg3[%dma_wait3A_215, %dma_wait3A_216] : memref<10000x384xi32, #tpu.memory_space<hbm>> -> memref<10000x384xi32, #tpu.memory_space<hbm>>
    tpu.wait_indirect_dma semaphore(%arg15 : memref<!tpu.dma_semaphore, #tpu.memory_space<semaphore_mem>>) src(%dma_wait3A_217 : memref<10000x384xi32, #tpu.memory_space<hbm>>) dst(%arg11 : memref<64x384xi32, #tpu.memory_space<vmem>>)
    %add3A_218 = arith.constant 384 : i32
    %add3A_219 = arith.addi %mul3A_2, %add3A_218 : i32
    "tpu.region"() ({
      %run_scoped3A = tpu.sem_alloc : memref<!tpu.dma_semaphore, #tpu.memory_space<semaphore_mem>>
      %dma_start3A_241 = arith.constant 0 : i32
      %dma_start3A_242 = tpu.memref_slice %arg7[%add3A_219, %dma_start3A_241] : memref<20480x384xi32, #tpu.memory_space<hbm>> -> memref<64x384xi32, #tpu.memory_space<hbm>>
      %dma_start3A_243 = arith.constant 0 : i32
      %dma_start3A_244 = tpu.memref_slice %arg7[%add3A_219, %dma_start3A_243] : memref<20480x384xi32, #tpu.memory_space<hbm>> -> memref<64x384xi32, #tpu.memory_space<hbm>>
      tpu.enqueue_dma source(%arg11 : memref<64x384xi32, #tpu.memory_space<vmem>>) target(%dma_start3A_244 : memref<64x384xi32, #tpu.memory_space<hbm>>) target_semaphore(%run_scoped3A : memref<!tpu.dma_semaphore, #tpu.memory_space<semaphore_mem>>)
      %dma_wait3A_245 = arith.constant 0 : i32
      %dma_wait3A_246 = tpu.memref_slice %arg7[%add3A_219, %dma_wait3A_245] : memref<20480x384xi32, #tpu.memory_space<hbm>> -> memref<64x384xi32, #tpu.memory_space<hbm>>
      %dma_wait3A_247 = arith.constant 0 : i32
      %dma_wait3A_248 = tpu.memref_slice %arg7[%add3A_219, %dma_wait3A_247] : memref<20480x384xi32, #tpu.memory_space<hbm>> -> memref<64x384xi32, #tpu.memory_space<hbm>>
      tpu.wait_dma2 semaphore(%run_scoped3A : memref<!tpu.dma_semaphore, #tpu.memory_space<semaphore_mem>>) src(%arg11 : memref<64x384xi32, #tpu.memory_space<vmem>>) dst(%dma_wait3A_248 : memref<64x384xi32, #tpu.memory_space<hbm>>)
      tpu.yield
    }) : () -> ()
    %dma_wait3A_220 = arith.constant 448 : i32
    %dma_wait3A_221 = tpu.memref_slice %arg8[%dma_wait3A_220] : memref<640xi32, #tpu.memory_space<vmem>> -> memref<64xi32, #tpu.memory_space<vmem>>
    %dma_wait3A_222 = arith.constant 0 : i32
    %dma_wait3A_223 = arith.constant 0 : i32
    %dma_wait3A_224 = tpu.memref_slice %arg3[%dma_wait3A_222, %dma_wait3A_223] : memref<10000x384xi32, #tpu.memory_space<hbm>> -> memref<10000x384xi32, #tpu.memory_space<hbm>>
    tpu.wait_indirect_dma semaphore(%arg16 : memref<!tpu.dma_semaphore, #tpu.memory_space<semaphore_mem>>) src(%dma_wait3A_224 : memref<10000x384xi32, #tpu.memory_space<hbm>>) dst(%arg12 : memref<64x384xi32, #tpu.memory_space<vmem>>)
    %add3A_225 = arith.constant 448 : i32
    %add3A_226 = arith.addi %mul3A_2, %add3A_225 : i32
    "tpu.region"() ({
      %run_scoped3A = tpu.sem_alloc : memref<!tpu.dma_semaphore, #tpu.memory_space<semaphore_mem>>
      %dma_start3A_241 = arith.constant 0 : i32
      %dma_start3A_242 = tpu.memref_slice %arg7[%add3A_226, %dma_start3A_241] : memref<20480x384xi32, #tpu.memory_space<hbm>> -> memref<64x384xi32, #tpu.memory_space<hbm>>
      %dma_start3A_243 = arith.constant 0 : i32
      %dma_start3A_244 = tpu.memref_slice %arg7[%add3A_226, %dma_start3A_243] : memref<20480x384xi32, #tpu.memory_space<hbm>> -> memref<64x384xi32, #tpu.memory_space<hbm>>
      tpu.enqueue_dma source(%arg12 : memref<64x384xi32, #tpu.memory_space<vmem>>) target(%dma_start3A_244 : memref<64x384xi32, #tpu.memory_space<hbm>>) target_semaphore(%run_scoped3A : memref<!tpu.dma_semaphore, #tpu.memory_space<semaphore_mem>>)
      %dma_wait3A_245 = arith.constant 0 : i32
      %dma_wait3A_246 = tpu.memref_slice %arg7[%add3A_226, %dma_wait3A_245] : memref<20480x384xi32, #tpu.memory_space<hbm>> -> memref<64x384xi32, #tpu.memory_space<hbm>>
      %dma_wait3A_247 = arith.constant 0 : i32
      %dma_wait3A_248 = tpu.memref_slice %arg7[%add3A_226, %dma_wait3A_247] : memref<20480x384xi32, #tpu.memory_space<hbm>> -> memref<64x384xi32, #tpu.memory_space<hbm>>
      tpu.wait_dma2 semaphore(%run_scoped3A : memref<!tpu.dma_semaphore, #tpu.memory_space<semaphore_mem>>) src(%arg12 : memref<64x384xi32, #tpu.memory_space<vmem>>) dst(%dma_wait3A_248 : memref<64x384xi32, #tpu.memory_space<hbm>>)
      tpu.yield
    }) : () -> ()
    %dma_wait3A_227 = arith.constant 512 : i32
    %dma_wait3A_228 = tpu.memref_slice %arg8[%dma_wait3A_227] : memref<640xi32, #tpu.memory_space<vmem>> -> memref<64xi32, #tpu.memory_space<vmem>>
    %dma_wait3A_229 = arith.constant 0 : i32
    %dma_wait3A_230 = arith.constant 0 : i32
    %dma_wait3A_231 = tpu.memref_slice %arg3[%dma_wait3A_229, %dma_wait3A_230] : memref<10000x384xi32, #tpu.memory_space<hbm>> -> memref<10000x384xi32, #tpu.memory_space<hbm>>
    tpu.wait_indirect_dma semaphore(%arg13 : memref<!tpu.dma_semaphore, #tpu.memory_space<semaphore_mem>>) src(%dma_wait3A_231 : memref<10000x384xi32, #tpu.memory_space<hbm>>) dst(%arg9 : memref<64x384xi32, #tpu.memory_space<vmem>>)
    %add3A_232 = arith.constant 512 : i32
    %add3A_233 = arith.addi %mul3A_2, %add3A_232 : i32
    "tpu.region"() ({
      %run_scoped3A = tpu.sem_alloc : memref<!tpu.dma_semaphore, #tpu.memory_space<semaphore_mem>>
      %dma_start3A_241 = arith.constant 0 : i32
      %dma_start3A_242 = tpu.memref_slice %arg7[%add3A_233, %dma_start3A_241] : memref<20480x384xi32, #tpu.memory_space<hbm>> -> memref<64x384xi32, #tpu.memory_space<hbm>>
      %dma_start3A_243 = arith.constant 0 : i32
      %dma_start3A_244 = tpu.memref_slice %arg7[%add3A_233, %dma_start3A_243] : memref<20480x384xi32, #tpu.memory_space<hbm>> -> memref<64x384xi32, #tpu.memory_space<hbm>>
      tpu.enqueue_dma source(%arg9 : memref<64x384xi32, #tpu.memory_space<vmem>>) target(%dma_start3A_244 : memref<64x384xi32, #tpu.memory_space<hbm>>) target_semaphore(%run_scoped3A : memref<!tpu.dma_semaphore, #tpu.memory_space<semaphore_mem>>)
      %dma_wait3A_245 = arith.constant 0 : i32
      %dma_wait3A_246 = tpu.memref_slice %arg7[%add3A_233, %dma_wait3A_245] : memref<20480x384xi32, #tpu.memory_space<hbm>> -> memref<64x384xi32, #tpu.memory_space<hbm>>
      %dma_wait3A_247 = arith.constant 0 : i32
      %dma_wait3A_248 = tpu.memref_slice %arg7[%add3A_233, %dma_wait3A_247] : memref<20480x384xi32, #tpu.memory_space<hbm>> -> memref<64x384xi32, #tpu.memory_space<hbm>>
      tpu.wait_dma2 semaphore(%run_scoped3A : memref<!tpu.dma_semaphore, #tpu.memory_space<semaphore_mem>>) src(%arg9 : memref<64x384xi32, #tpu.memory_space<vmem>>) dst(%dma_wait3A_248 : memref<64x384xi32, #tpu.memory_space<hbm>>)
      tpu.yield
    }) : () -> ()
    %dma_wait3A_234 = arith.constant 576 : i32
    %dma_wait3A_235 = tpu.memref_slice %arg8[%dma_wait3A_234] : memref<640xi32, #tpu.memory_space<vmem>> -> memref<64xi32, #tpu.memory_space<vmem>>
    %dma_wait3A_236 = arith.constant 0 : i32
    %dma_wait3A_237 = arith.constant 0 : i32
    %dma_wait3A_238 = tpu.memref_slice %arg3[%dma_wait3A_236, %dma_wait3A_237] : memref<10000x384xi32, #tpu.memory_space<hbm>> -> memref<10000x384xi32, #tpu.memory_space<hbm>>
    tpu.wait_indirect_dma semaphore(%arg14 : memref<!tpu.dma_semaphore, #tpu.memory_space<semaphore_mem>>) src(%dma_wait3A_238 : memref<10000x384xi32, #tpu.memory_space<hbm>>) dst(%arg10 : memref<64x384xi32, #tpu.memory_space<vmem>>)
    %add3A_239 = arith.constant 576 : i32
    %add3A_240 = arith.addi %mul3A_2, %add3A_239 : i32
    "tpu.region"() ({
      %run_scoped3A = tpu.sem_alloc : memref<!tpu.dma_semaphore, #tpu.memory_space<semaphore_mem>>
      %dma_start3A_241 = arith.constant 0 : i32
      %dma_start3A_242 = tpu.memref_slice %arg7[%add3A_240, %dma_start3A_241] : memref<20480x384xi32, #tpu.memory_space<hbm>> -> memref<64x384xi32, #tpu.memory_space<hbm>>
      %dma_start3A_243 = arith.constant 0 : i32
      %dma_start3A_244 = tpu.memref_slice %arg7[%add3A_240, %dma_start3A_243] : memref<20480x384xi32, #tpu.memory_space<hbm>> -> memref<64x384xi32, #tpu.memory_space<hbm>>
      tpu.enqueue_dma source(%arg10 : memref<64x384xi32, #tpu.memory_space<vmem>>) target(%dma_start3A_244 : memref<64x384xi32, #tpu.memory_space<hbm>>) target_semaphore(%run_scoped3A : memref<!tpu.dma_semaphore, #tpu.memory_space<semaphore_mem>>)
      %dma_wait3A_245 = arith.constant 0 : i32
      %dma_wait3A_246 = tpu.memref_slice %arg7[%add3A_240, %dma_wait3A_245] : memref<20480x384xi32, #tpu.memory_space<hbm>> -> memref<64x384xi32, #tpu.memory_space<hbm>>
      %dma_wait3A_247 = arith.constant 0 : i32
      %dma_wait3A_248 = tpu.memref_slice %arg7[%add3A_240, %dma_wait3A_247] : memref<20480x384xi32, #tpu.memory_space<hbm>> -> memref<64x384xi32, #tpu.memory_space<hbm>>
      tpu.wait_dma2 semaphore(%run_scoped3A : memref<!tpu.dma_semaphore, #tpu.memory_space<semaphore_mem>>) src(%arg10 : memref<64x384xi32, #tpu.memory_space<vmem>>) dst(%dma_wait3A_248 : memref<64x384xi32, #tpu.memory_space<hbm>>)
      tpu.yield
    }) : () -> ()
    return
  }
}

module attributes {stable_mosaic.version = 14 : i64} {
  func.func @_k1_body(%arg0: i32, %arg1: memref<400x768xf32, #tpu.memory_space<vmem>>, %arg2: memref<1x768xf32, #tpu.memory_space<vmem>>, %arg3: memref<1x768xf32, #tpu.memory_space<vmem>>, %arg4: memref<768x768xbf16, #tpu.memory_space<vmem>>, %arg5: memref<400x384xi32, #tpu.memory_space<vmem>>, %arg6: memref<400x384xi32, #tpu.memory_space<vmem>>) attributes {dimension_semantics = [#tpu.dimension_semantics<arbitrary>], iteration_bounds = array<i64: 25>, scalar_prefetch = 0 : i64, scratch_operands = 0 : i64, tpu.core_type = #tpu.core_type<tc>, window_params = [{transform_indices = @transform_0, window_bounds = array<i64: 400, 768>}, {pipeline_mode = #tpu.pipeline_mode<synchronous>, transform_indices = @transform_1, window_bounds = array<i64: 1, 768>}, {pipeline_mode = #tpu.pipeline_mode<synchronous>, transform_indices = @transform_2, window_bounds = array<i64: 1, 768>}, {pipeline_mode = #tpu.pipeline_mode<synchronous>, transform_indices = @transform_3, window_bounds = array<i64: 768, 768>}, {transform_indices = @transform_4, window_bounds = array<i64: 400, 384>}, {transform_indices = @transform_5, window_bounds = array<i64: 400, 384>}]} {
    %get3A = arith.constant 0 : index
    %get3A_0 = arith.constant 0 : index
    %get3A_1 = vector.load %arg1[%get3A, %get3A_0] : memref<400x768xf32, #tpu.memory_space<vmem>>, vector<400x768xf32>
    %reduce_sum3A = arith.constant dense<0.000000e+00> : vector<400xf32>
    %reduce_sum3A_2 = vector.multi_reduction <add>, %get3A_1, %reduce_sum3A [1] : vector<400x768xf32> to vector<400xf32>
    %broadcast_in_dim3A = vector.shape_cast %reduce_sum3A_2 : vector<400xf32> to vector<400x1xf32>
    %div3A = arith.constant 7.680000e+02 : f32
    %div3A_3 = vector.broadcast %div3A : f32 to vector<400x1xf32>
    %div3A_4 = arith.divf %broadcast_in_dim3A, %div3A_3 : vector<400x1xf32>
    %sub3A = vector.broadcast %div3A_4 : vector<400x1xf32> to vector<400x768xf32>
    %sub3A_5 = arith.subf %get3A_1, %sub3A : vector<400x768xf32>
    %integer_pow3A = arith.mulf %sub3A_5, %sub3A_5 : vector<400x768xf32>
    %reduce_sum3A_6 = arith.constant dense<0.000000e+00> : vector<400xf32>
    %reduce_sum3A_7 = vector.multi_reduction <add>, %integer_pow3A, %reduce_sum3A_6 [1] : vector<400x768xf32> to vector<400xf32>
    %broadcast_in_dim3A_8 = vector.shape_cast %reduce_sum3A_7 : vector<400xf32> to vector<400x1xf32>
    %div3A_9 = arith.constant 7.680000e+02 : f32
    %div3A_10 = vector.broadcast %div3A_9 : f32 to vector<400x1xf32>
    %div3A_11 = arith.divf %broadcast_in_dim3A_8, %div3A_10 : vector<400x1xf32>
    %sub3A_12 = vector.broadcast %div3A_4 : vector<400x1xf32> to vector<400x768xf32>
    %sub3A_13 = arith.subf %get3A_1, %sub3A_12 : vector<400x768xf32>
    %add3A = arith.constant 9.99999974E-6 : f32
    %add3A_14 = vector.broadcast %add3A : f32 to vector<400x1xf32>
    %add3A_15 = arith.addf %div3A_11, %add3A_14 : vector<400x1xf32>
    %sqrt3A = math.sqrt %add3A_15 : vector<400x1xf32>
    %div3A_16 = vector.broadcast %sqrt3A : vector<400x1xf32> to vector<400x768xf32>
    %div3A_17 = arith.divf %sub3A_13, %div3A_16 : vector<400x768xf32>
    %get3A_18 = arith.constant 0 : index
    %get3A_19 = arith.constant 0 : index
    %get3A_20 = vector.load %arg2[%get3A_18, %get3A_19] : memref<1x768xf32, #tpu.memory_space<vmem>>, vector<1x768xf32>
    %mul3A = vector.broadcast %get3A_20 : vector<1x768xf32> to vector<400x768xf32>
    %mul3A_21 = arith.mulf %div3A_17, %mul3A : vector<400x768xf32>
    %get3A_22 = arith.constant 0 : index
    %get3A_23 = arith.constant 0 : index
    %get3A_24 = vector.load %arg3[%get3A_22, %get3A_23] : memref<1x768xf32, #tpu.memory_space<vmem>>, vector<1x768xf32>
    %add3A_25 = vector.broadcast %get3A_24 : vector<1x768xf32> to vector<400x768xf32>
    %add3A_26 = arith.addf %mul3A_21, %add3A_25 : vector<400x768xf32>
    %slice3A = vector.extract_strided_slice %add3A_26 {offsets = [0, 0], sizes = [400, 384], strides = [1, 1]} : vector<400x768xf32> to vector<400x384xf32>
    %bitcast_convert_type3A = tpu.bitcast %slice3A : vector<400x384xf32> -> vector<400x384xi32>
    %shift_right_logical3A = arith.constant 16 : i32
    %shift_right_logical3A_27 = vector.broadcast %shift_right_logical3A : i32 to vector<400x384xi32>
    %shift_right_logical3A_28 = arith.shrui %bitcast_convert_type3A, %shift_right_logical3A_27 : vector<400x384xi32>
    %and3A = arith.constant 1 : i32
    %and3A_29 = vector.broadcast %and3A : i32 to vector<400x384xi32>
    %and3A_30 = arith.andi %shift_right_logical3A_28, %and3A_29 : vector<400x384xi32>
    %add3A_31 = arith.constant 32767 : i32
    %add3A_32 = vector.broadcast %add3A_31 : i32 to vector<400x384xi32>
    %add3A_33 = arith.addi %and3A_30, %add3A_32 : vector<400x384xi32>
    %add3A_34 = arith.addi %bitcast_convert_type3A, %add3A_33 : vector<400x384xi32>
    %shift_right_logical3A_35 = arith.constant 16 : i32
    %shift_right_logical3A_36 = vector.broadcast %shift_right_logical3A_35 : i32 to vector<400x384xi32>
    %shift_right_logical3A_37 = arith.shrui %add3A_34, %shift_right_logical3A_36 : vector<400x384xi32>
    %slice3A_38 = vector.extract_strided_slice %add3A_26 {offsets = [0, 384], sizes = [400, 384], strides = [1, 1]} : vector<400x768xf32> to vector<400x384xf32>
    %bitcast_convert_type3A_39 = tpu.bitcast %slice3A_38 : vector<400x384xf32> -> vector<400x384xi32>
    %shift_right_logical3A_40 = arith.constant 16 : i32
    %shift_right_logical3A_41 = vector.broadcast %shift_right_logical3A_40 : i32 to vector<400x384xi32>
    %shift_right_logical3A_42 = arith.shrui %bitcast_convert_type3A_39, %shift_right_logical3A_41 : vector<400x384xi32>
    %and3A_43 = arith.constant 1 : i32
    %and3A_44 = vector.broadcast %and3A_43 : i32 to vector<400x384xi32>
    %and3A_45 = arith.andi %shift_right_logical3A_42, %and3A_44 : vector<400x384xi32>
    %add3A_46 = arith.constant 32767 : i32
    %add3A_47 = vector.broadcast %add3A_46 : i32 to vector<400x384xi32>
    %add3A_48 = arith.addi %and3A_45, %add3A_47 : vector<400x384xi32>
    %add3A_49 = arith.addi %bitcast_convert_type3A_39, %add3A_48 : vector<400x384xi32>
    %shift_right_logical3A_50 = arith.constant 16 : i32
    %shift_right_logical3A_51 = vector.broadcast %shift_right_logical3A_50 : i32 to vector<400x384xi32>
    %shift_right_logical3A_52 = arith.shrui %add3A_49, %shift_right_logical3A_51 : vector<400x384xi32>
    %shift_left3A = arith.constant 16 : i32
    %shift_left3A_53 = vector.broadcast %shift_left3A : i32 to vector<400x384xi32>
    %shift_left3A_54 = arith.shli %shift_right_logical3A_52, %shift_left3A_53 : vector<400x384xi32>
    %or3A = arith.ori %shift_right_logical3A_37, %shift_left3A_54 : vector<400x384xi32>
    %bitcast_convert_type3A_55 = tpu.bitcast %or3A : vector<400x384xi32> -> vector<400x384xi32>
    %swap3A = arith.constant 0 : index
    %swap3A_56 = arith.constant 0 : index
    %swap3A_57 = vector.load %arg5[%swap3A, %swap3A_56] : memref<400x384xi32, #tpu.memory_space<vmem>>, vector<400x384xi32>
    tpu.vector_store %arg5[%swap3A, %swap3A_56], %bitcast_convert_type3A_55 {strides = array<i32>} : memref<400x384xi32, #tpu.memory_space<vmem>>, vector<400x384xi32>,
    %convert_element_type3A = arith.truncf %add3A_26 : vector<400x768xf32> to vector<400x768xbf16>
    %get3A_58 = arith.constant 0 : index
    %get3A_59 = arith.constant 0 : index
    %get3A_60 = vector.load %arg4[%get3A_58, %get3A_59] : memref<768x768xbf16, #tpu.memory_space<vmem>>, vector<768x768xbf16>
    %dot_general3A = arith.constant dense<0.000000e+00> : vector<400x768xf32>
    %dot_general3A_61 = tpu.matmul %convert_element_type3A, %get3A_60, %dot_general3A {dimension_numbers = #tpu.dot_dimension_numbers<[1], [0], [0], [1], [0, 0, 1, 1], [], []>, transpose_lhs_hint = false} : vector<400x768xbf16>, vector<768x768xbf16>, vector<400x768xf32> -> vector<400x768xf32>
    %slice3A_62 = vector.extract_strided_slice %dot_general3A_61 {offsets = [0, 0], sizes = [400, 384], strides = [1, 1]} : vector<400x768xf32> to vector<400x384xf32>
    %bitcast_convert_type3A_63 = tpu.bitcast %slice3A_62 : vector<400x384xf32> -> vector<400x384xi32>
    %shift_right_logical3A_64 = arith.constant 16 : i32
    %shift_right_logical3A_65 = vector.broadcast %shift_right_logical3A_64 : i32 to vector<400x384xi32>
    %shift_right_logical3A_66 = arith.shrui %bitcast_convert_type3A_63, %shift_right_logical3A_65 : vector<400x384xi32>
    %and3A_67 = arith.constant 1 : i32
    %and3A_68 = vector.broadcast %and3A_67 : i32 to vector<400x384xi32>
    %and3A_69 = arith.andi %shift_right_logical3A_66, %and3A_68 : vector<400x384xi32>
    %add3A_70 = arith.constant 32767 : i32
    %add3A_71 = vector.broadcast %add3A_70 : i32 to vector<400x384xi32>
    %add3A_72 = arith.addi %and3A_69, %add3A_71 : vector<400x384xi32>
    %add3A_73 = arith.addi %bitcast_convert_type3A_63, %add3A_72 : vector<400x384xi32>
    %shift_right_logical3A_74 = arith.constant 16 : i32
    %shift_right_logical3A_75 = vector.broadcast %shift_right_logical3A_74 : i32 to vector<400x384xi32>
    %shift_right_logical3A_76 = arith.shrui %add3A_73, %shift_right_logical3A_75 : vector<400x384xi32>
    %slice3A_77 = vector.extract_strided_slice %dot_general3A_61 {offsets = [0, 384], sizes = [400, 384], strides = [1, 1]} : vector<400x768xf32> to vector<400x384xf32>
    %bitcast_convert_type3A_78 = tpu.bitcast %slice3A_77 : vector<400x384xf32> -> vector<400x384xi32>
    %shift_right_logical3A_79 = arith.constant 16 : i32
    %shift_right_logical3A_80 = vector.broadcast %shift_right_logical3A_79 : i32 to vector<400x384xi32>
    %shift_right_logical3A_81 = arith.shrui %bitcast_convert_type3A_78, %shift_right_logical3A_80 : vector<400x384xi32>
    %and3A_82 = arith.constant 1 : i32
    %and3A_83 = vector.broadcast %and3A_82 : i32 to vector<400x384xi32>
    %and3A_84 = arith.andi %shift_right_logical3A_81, %and3A_83 : vector<400x384xi32>
    %add3A_85 = arith.constant 32767 : i32
    %add3A_86 = vector.broadcast %add3A_85 : i32 to vector<400x384xi32>
    %add3A_87 = arith.addi %and3A_84, %add3A_86 : vector<400x384xi32>
    %add3A_88 = arith.addi %bitcast_convert_type3A_78, %add3A_87 : vector<400x384xi32>
    %shift_right_logical3A_89 = arith.constant 16 : i32
    %shift_right_logical3A_90 = vector.broadcast %shift_right_logical3A_89 : i32 to vector<400x384xi32>
    %shift_right_logical3A_91 = arith.shrui %add3A_88, %shift_right_logical3A_90 : vector<400x384xi32>
    %shift_left3A_92 = arith.constant 16 : i32
    %shift_left3A_93 = vector.broadcast %shift_left3A_92 : i32 to vector<400x384xi32>
    %shift_left3A_94 = arith.shli %shift_right_logical3A_91, %shift_left3A_93 : vector<400x384xi32>
    %or3A_95 = arith.ori %shift_right_logical3A_76, %shift_left3A_94 : vector<400x384xi32>
    %bitcast_convert_type3A_96 = tpu.bitcast %or3A_95 : vector<400x384xi32> -> vector<400x384xi32>
    %swap3A_97 = arith.constant 0 : index
    %swap3A_98 = arith.constant 0 : index
    %swap3A_99 = vector.load %arg6[%swap3A_97, %swap3A_98] : memref<400x384xi32, #tpu.memory_space<vmem>>, vector<400x384xi32>
    tpu.vector_store %arg6[%swap3A_97, %swap3A_98], %bitcast_convert_type3A_96 {strides = array<i32>} : memref<400x384xi32, #tpu.memory_space<vmem>>, vector<400x384xi32>,
    return
  }
  func.func @transform_0(%arg0: i32) -> (i32, i32) {
    %c0_i32 = arith.constant 0 : i32
    %c0_i32_0 = arith.constant 0 : i32
    return %arg0, %c0_i32 : i32, i32
  }
  func.func @transform_1(%arg0: i32) -> (i32, i32) {
    %c0_i32 = arith.constant 0 : i32
    %c0_i32_0 = arith.constant 0 : i32
    %c0_i32_1 = arith.constant 0 : i32
    return %c0_i32, %c0_i32_0 : i32, i32
  }
  func.func @transform_2(%arg0: i32) -> (i32, i32) {
    %c0_i32 = arith.constant 0 : i32
    %c0_i32_0 = arith.constant 0 : i32
    %c0_i32_1 = arith.constant 0 : i32
    return %c0_i32, %c0_i32_0 : i32, i32
  }
  func.func @transform_3(%arg0: i32) -> (i32, i32) {
    %c0_i32 = arith.constant 0 : i32
    %c0_i32_0 = arith.constant 0 : i32
    %c0_i32_1 = arith.constant 0 : i32
    return %c0_i32, %c0_i32_0 : i32, i32
  }
  func.func @transform_4(%arg0: i32) -> (i32, i32) {
    %c0_i32 = arith.constant 0 : i32
    %c0_i32_0 = arith.constant 0 : i32
    return %arg0, %c0_i32 : i32, i32
  }
  func.func @transform_5(%arg0: i32) -> (i32, i32) {
    %c0_i32 = arith.constant 0 : i32
    %c0_i32_0 = arith.constant 0 : i32
    return %arg0, %c0_i32 : i32, i32
  }
}

module attributes {stable_mosaic.version = 14 : i64} {
  func.func @_k3_body(%arg0: i32, %arg1: memref<1024x384xi32, #tpu.memory_space<vmem>>, %arg2: memref<1024x384xi32, #tpu.memory_space<vmem>>, %arg3: memref<1024x1xi32, #tpu.memory_space<vmem>>, %arg4: memref<1024x1xi32, #tpu.memory_space<vmem>>, %arg5: memref<4x3xf32, #tpu.memory_space<vmem>>, %arg6: memref<4x3xf32, #tpu.memory_space<vmem>>, %arg7: memref<4x3xf32, #tpu.memory_space<vmem>>, %arg8: memref<384x2304xbf16, #tpu.memory_space<vmem>>, %arg9: memref<384x2304xbf16, #tpu.memory_space<vmem>>, %arg10: memref<128x128xbf16, #tpu.memory_space<vmem>>, %arg11: memref<768x128xbf16, #tpu.memory_space<vmem>>, %arg12: memref<2x1024x128xf32, #tpu.memory_space<vmem>>) attributes {dimension_semantics = [#tpu.dimension_semantics<arbitrary>], iteration_bounds = array<i64: 20>, scalar_prefetch = 0 : i64, scratch_operands = 0 : i64, tpu.core_type = #tpu.core_type<tc>, window_params = [{transform_indices = @transform_0, window_bounds = array<i64: 1024, 384>}, {transform_indices = @transform_1, window_bounds = array<i64: 1024, 384>}, {transform_indices = @transform_2, window_bounds = array<i64: 1024, 1>}, {transform_indices = @transform_3, window_bounds = array<i64: 1024, 1>}, {pipeline_mode = #tpu.pipeline_mode<synchronous>, transform_indices = @transform_4, window_bounds = array<i64: 4, 3>}, {pipeline_mode = #tpu.pipeline_mode<synchronous>, transform_indices = @transform_5, window_bounds = array<i64: 4, 3>}, {pipeline_mode = #tpu.pipeline_mode<synchronous>, transform_indices = @transform_6, window_bounds = array<i64: 4, 3>}, {pipeline_mode = #tpu.pipeline_mode<synchronous>, transform_indices = @transform_7, window_bounds = array<i64: 384, 2304>}, {pipeline_mode = #tpu.pipeline_mode<synchronous>, transform_indices = @transform_8, window_bounds = array<i64: 384, 2304>}, {pipeline_mode = #tpu.pipeline_mode<synchronous>, transform_indices = @transform_9, window_bounds = array<i64: 128, 128>}, {pipeline_mode = #tpu.pipeline_mode<synchronous>, transform_indices = @transform_10, window_bounds = array<i64: 768, 128>}, {transform_indices = @transform_11, window_bounds = array<i64: 2, 1024, 128>}]} {
    %get3A = arith.constant 0 : index
    %get3A_0 = arith.constant 0 : index
    %get3A_1 = vector.load %arg3[%get3A, %get3A_0] : memref<1024x1xi32, #tpu.memory_space<vmem>>, vector<1024x1xi32>
    %get3A_2 = arith.constant 0 : index
    %get3A_3 = arith.constant 0 : index
    %get3A_4 = vector.load %arg4[%get3A_2, %get3A_3] : memref<1024x1xi32, #tpu.memory_space<vmem>>, vector<1024x1xi32>
    %broadcast_in_dim3A = arith.constant 0.000000e+00 : f32
    %broadcast_in_dim3A_5 = vector.broadcast %broadcast_in_dim3A : f32 to vector<1024x3xf32>
    %eq3A = arith.constant 0 : i32
    %eq3A_6 = vector.broadcast %eq3A : i32 to vector<1024x1xi32>
    %eq3A_7 = arith.cmpi eq, %get3A_1, %eq3A_6 : vector<1024x1xi32>
    %get3A_8 = arith.constant 0 : index
    %get3A_9 = arith.constant 0 : index
    %get3A_10 = vector.load %arg5[%get3A_8, %get3A_9] : memref<4x3xf32, #tpu.memory_space<vmem>>, vector<1x3xf32>
    %jit3A = arith.constant 0.000000e+00 : f32
    %broadcast_in_dim3A_11 = vector.shape_cast %eq3A_7 : vector<1024x1xi1> to vector<1024x1xi1>
    %broadcast_in_dim3A_12 = vector.broadcast %broadcast_in_dim3A_11 : vector<1024x1xi1> to vector<1024x3xi1>
    %broadcast_in_dim3A_13 = vector.shape_cast %get3A_10 : vector<1x3xf32> to vector<1x3xf32>
    %broadcast_in_dim3A_14 = vector.broadcast %broadcast_in_dim3A_13 : vector<1x3xf32> to vector<1024x3xf32>
    %broadcast_in_dim3A_15 = vector.broadcast %jit3A : f32 to vector<1024x3xf32>
    %select_n3A = arith.select %broadcast_in_dim3A_12, %broadcast_in_dim3A_14, %broadcast_in_dim3A_15 : vector<1024x3xi1>, vector<1024x3xf32>
    %add3A = arith.addf %broadcast_in_dim3A_5, %select_n3A : vector<1024x3xf32>
    %eq3A_16 = arith.constant 1 : i32
    %eq3A_17 = vector.broadcast %eq3A_16 : i32 to vector<1024x1xi32>
    %eq3A_18 = arith.cmpi eq, %get3A_1, %eq3A_17 : vector<1024x1xi32>
    %get3A_19 = arith.constant 1 : index
    %get3A_20 = arith.constant 0 : index
    %get3A_21 = vector.load %arg5[%get3A_19, %get3A_20] : memref<4x3xf32, #tpu.memory_space<vmem>>, vector<1x3xf32>
    %jit3A_22 = arith.constant 0.000000e+00 : f32
    %broadcast_in_dim3A_23 = vector.shape_cast %eq3A_18 : vector<1024x1xi1> to vector<1024x1xi1>
    %broadcast_in_dim3A_24 = vector.broadcast %broadcast_in_dim3A_23 : vector<1024x1xi1> to vector<1024x3xi1>
    %broadcast_in_dim3A_25 = vector.shape_cast %get3A_21 : vector<1x3xf32> to vector<1x3xf32>
    %broadcast_in_dim3A_26 = vector.broadcast %broadcast_in_dim3A_25 : vector<1x3xf32> to vector<1024x3xf32>
    %broadcast_in_dim3A_27 = vector.broadcast %jit3A_22 : f32 to vector<1024x3xf32>
    %select_n3A_28 = arith.select %broadcast_in_dim3A_24, %broadcast_in_dim3A_26, %broadcast_in_dim3A_27 : vector<1024x3xi1>, vector<1024x3xf32>
    %add3A_29 = arith.addf %add3A, %select_n3A_28 : vector<1024x3xf32>
    %eq3A_30 = arith.constant 2 : i32
    %eq3A_31 = vector.broadcast %eq3A_30 : i32 to vector<1024x1xi32>
    %eq3A_32 = arith.cmpi eq, %get3A_1, %eq3A_31 : vector<1024x1xi32>
    %get3A_33 = arith.constant 2 : index
    %get3A_34 = arith.constant 0 : index
    %get3A_35 = vector.load %arg5[%get3A_33, %get3A_34] : memref<4x3xf32, #tpu.memory_space<vmem>>, vector<1x3xf32>
    %jit3A_36 = arith.constant 0.000000e+00 : f32
    %broadcast_in_dim3A_37 = vector.shape_cast %eq3A_32 : vector<1024x1xi1> to vector<1024x1xi1>
    %broadcast_in_dim3A_38 = vector.broadcast %broadcast_in_dim3A_37 : vector<1024x1xi1> to vector<1024x3xi1>
    %broadcast_in_dim3A_39 = vector.shape_cast %get3A_35 : vector<1x3xf32> to vector<1x3xf32>
    %broadcast_in_dim3A_40 = vector.broadcast %broadcast_in_dim3A_39 : vector<1x3xf32> to vector<1024x3xf32>
    %broadcast_in_dim3A_41 = vector.broadcast %jit3A_36 : f32 to vector<1024x3xf32>
    %select_n3A_42 = arith.select %broadcast_in_dim3A_38, %broadcast_in_dim3A_40, %broadcast_in_dim3A_41 : vector<1024x3xi1>, vector<1024x3xf32>
    %add3A_43 = arith.addf %add3A_29, %select_n3A_42 : vector<1024x3xf32>
    %eq3A_44 = arith.constant 3 : i32
    %eq3A_45 = vector.broadcast %eq3A_44 : i32 to vector<1024x1xi32>
    %eq3A_46 = arith.cmpi eq, %get3A_1, %eq3A_45 : vector<1024x1xi32>
    %get3A_47 = arith.constant 3 : index
    %get3A_48 = arith.constant 0 : index
    %get3A_49 = vector.load %arg5[%get3A_47, %get3A_48] : memref<4x3xf32, #tpu.memory_space<vmem>>, vector<1x3xf32>
    %jit3A_50 = arith.constant 0.000000e+00 : f32
    %broadcast_in_dim3A_51 = vector.shape_cast %eq3A_46 : vector<1024x1xi1> to vector<1024x1xi1>
    %broadcast_in_dim3A_52 = vector.broadcast %broadcast_in_dim3A_51 : vector<1024x1xi1> to vector<1024x3xi1>
    %broadcast_in_dim3A_53 = vector.shape_cast %get3A_49 : vector<1x3xf32> to vector<1x3xf32>
    %broadcast_in_dim3A_54 = vector.broadcast %broadcast_in_dim3A_53 : vector<1x3xf32> to vector<1024x3xf32>
    %broadcast_in_dim3A_55 = vector.broadcast %jit3A_50 : f32 to vector<1024x3xf32>
    %select_n3A_56 = arith.select %broadcast_in_dim3A_52, %broadcast_in_dim3A_54, %broadcast_in_dim3A_55 : vector<1024x3xi1>, vector<1024x3xf32>
    %add3A_57 = arith.addf %add3A_43, %select_n3A_56 : vector<1024x3xf32>
    %eq3A_58 = arith.constant 0 : i32
    %eq3A_59 = vector.broadcast %eq3A_58 : i32 to vector<1024x1xi32>
    %eq3A_60 = arith.cmpi eq, %get3A_1, %eq3A_59 : vector<1024x1xi32>
    %get3A_61 = arith.constant 0 : index
    %get3A_62 = arith.constant 0 : index
    %get3A_63 = vector.load %arg6[%get3A_61, %get3A_62] : memref<4x3xf32, #tpu.memory_space<vmem>>, vector<1x3xf32>
    %jit3A_64 = arith.constant 0.000000e+00 : f32
    %broadcast_in_dim3A_65 = vector.shape_cast %eq3A_60 : vector<1024x1xi1> to vector<1024x1xi1>
    %broadcast_in_dim3A_66 = vector.broadcast %broadcast_in_dim3A_65 : vector<1024x1xi1> to vector<1024x3xi1>
    %broadcast_in_dim3A_67 = vector.shape_cast %get3A_63 : vector<1x3xf32> to vector<1x3xf32>
    %broadcast_in_dim3A_68 = vector.broadcast %broadcast_in_dim3A_67 : vector<1x3xf32> to vector<1024x3xf32>
    %broadcast_in_dim3A_69 = vector.broadcast %jit3A_64 : f32 to vector<1024x3xf32>
    %select_n3A_70 = arith.select %broadcast_in_dim3A_66, %broadcast_in_dim3A_68, %broadcast_in_dim3A_69 : vector<1024x3xi1>, vector<1024x3xf32>
    %add3A_71 = arith.addf %broadcast_in_dim3A_5, %select_n3A_70 : vector<1024x3xf32>
    %eq3A_72 = arith.constant 1 : i32
    %eq3A_73 = vector.broadcast %eq3A_72 : i32 to vector<1024x1xi32>
    %eq3A_74 = arith.cmpi eq, %get3A_1, %eq3A_73 : vector<1024x1xi32>
    %get3A_75 = arith.constant 1 : index
    %get3A_76 = arith.constant 0 : index
    %get3A_77 = vector.load %arg6[%get3A_75, %get3A_76] : memref<4x3xf32, #tpu.memory_space<vmem>>, vector<1x3xf32>
    %jit3A_78 = arith.constant 0.000000e+00 : f32
    %broadcast_in_dim3A_79 = vector.shape_cast %eq3A_74 : vector<1024x1xi1> to vector<1024x1xi1>
    %broadcast_in_dim3A_80 = vector.broadcast %broadcast_in_dim3A_79 : vector<1024x1xi1> to vector<1024x3xi1>
    %broadcast_in_dim3A_81 = vector.shape_cast %get3A_77 : vector<1x3xf32> to vector<1x3xf32>
    %broadcast_in_dim3A_82 = vector.broadcast %broadcast_in_dim3A_81 : vector<1x3xf32> to vector<1024x3xf32>
    %broadcast_in_dim3A_83 = vector.broadcast %jit3A_78 : f32 to vector<1024x3xf32>
    %select_n3A_84 = arith.select %broadcast_in_dim3A_80, %broadcast_in_dim3A_82, %broadcast_in_dim3A_83 : vector<1024x3xi1>, vector<1024x3xf32>
    %add3A_85 = arith.addf %add3A_71, %select_n3A_84 : vector<1024x3xf32>
    %eq3A_86 = arith.constant 2 : i32
    %eq3A_87 = vector.broadcast %eq3A_86 : i32 to vector<1024x1xi32>
    %eq3A_88 = arith.cmpi eq, %get3A_1, %eq3A_87 : vector<1024x1xi32>
    %get3A_89 = arith.constant 2 : index
    %get3A_90 = arith.constant 0 : index
    %get3A_91 = vector.load %arg6[%get3A_89, %get3A_90] : memref<4x3xf32, #tpu.memory_space<vmem>>, vector<1x3xf32>
    %jit3A_92 = arith.constant 0.000000e+00 : f32
    %broadcast_in_dim3A_93 = vector.shape_cast %eq3A_88 : vector<1024x1xi1> to vector<1024x1xi1>
    %broadcast_in_dim3A_94 = vector.broadcast %broadcast_in_dim3A_93 : vector<1024x1xi1> to vector<1024x3xi1>
    %broadcast_in_dim3A_95 = vector.shape_cast %get3A_91 : vector<1x3xf32> to vector<1x3xf32>
    %broadcast_in_dim3A_96 = vector.broadcast %broadcast_in_dim3A_95 : vector<1x3xf32> to vector<1024x3xf32>
    %broadcast_in_dim3A_97 = vector.broadcast %jit3A_92 : f32 to vector<1024x3xf32>
    %select_n3A_98 = arith.select %broadcast_in_dim3A_94, %broadcast_in_dim3A_96, %broadcast_in_dim3A_97 : vector<1024x3xi1>, vector<1024x3xf32>
    %add3A_99 = arith.addf %add3A_85, %select_n3A_98 : vector<1024x3xf32>
    %eq3A_100 = arith.constant 3 : i32
    %eq3A_101 = vector.broadcast %eq3A_100 : i32 to vector<1024x1xi32>
    %eq3A_102 = arith.cmpi eq, %get3A_1, %eq3A_101 : vector<1024x1xi32>
    %get3A_103 = arith.constant 3 : index
    %get3A_104 = arith.constant 0 : index
    %get3A_105 = vector.load %arg6[%get3A_103, %get3A_104] : memref<4x3xf32, #tpu.memory_space<vmem>>, vector<1x3xf32>
    %jit3A_106 = arith.constant 0.000000e+00 : f32
    %broadcast_in_dim3A_107 = vector.shape_cast %eq3A_102 : vector<1024x1xi1> to vector<1024x1xi1>
    %broadcast_in_dim3A_108 = vector.broadcast %broadcast_in_dim3A_107 : vector<1024x1xi1> to vector<1024x3xi1>
    %broadcast_in_dim3A_109 = vector.shape_cast %get3A_105 : vector<1x3xf32> to vector<1x3xf32>
    %broadcast_in_dim3A_110 = vector.broadcast %broadcast_in_dim3A_109 : vector<1x3xf32> to vector<1024x3xf32>
    %broadcast_in_dim3A_111 = vector.broadcast %jit3A_106 : f32 to vector<1024x3xf32>
    %select_n3A_112 = arith.select %broadcast_in_dim3A_108, %broadcast_in_dim3A_110, %broadcast_in_dim3A_111 : vector<1024x3xi1>, vector<1024x3xf32>
    %add3A_113 = arith.addf %add3A_99, %select_n3A_112 : vector<1024x3xf32>
    %eq3A_114 = arith.constant 0 : i32
    %eq3A_115 = vector.broadcast %eq3A_114 : i32 to vector<1024x1xi32>
    %eq3A_116 = arith.cmpi eq, %get3A_1, %eq3A_115 : vector<1024x1xi32>
    %get3A_117 = arith.constant 0 : index
    %get3A_118 = arith.constant 0 : index
    %get3A_119 = vector.load %arg7[%get3A_117, %get3A_118] : memref<4x3xf32, #tpu.memory_space<vmem>>, vector<1x3xf32>
    %jit3A_120 = arith.constant 0.000000e+00 : f32
    %broadcast_in_dim3A_121 = vector.shape_cast %eq3A_116 : vector<1024x1xi1> to vector<1024x1xi1>
    %broadcast_in_dim3A_122 = vector.broadcast %broadcast_in_dim3A_121 : vector<1024x1xi1> to vector<1024x3xi1>
    %broadcast_in_dim3A_123 = vector.shape_cast %get3A_119 : vector<1x3xf32> to vector<1x3xf32>
    %broadcast_in_dim3A_124 = vector.broadcast %broadcast_in_dim3A_123 : vector<1x3xf32> to vector<1024x3xf32>
    %broadcast_in_dim3A_125 = vector.broadcast %jit3A_120 : f32 to vector<1024x3xf32>
    %select_n3A_126 = arith.select %broadcast_in_dim3A_122, %broadcast_in_dim3A_124, %broadcast_in_dim3A_125 : vector<1024x3xi1>, vector<1024x3xf32>
    %add3A_127 = arith.addf %broadcast_in_dim3A_5, %select_n3A_126 : vector<1024x3xf32>
    %eq3A_128 = arith.constant 1 : i32
    %eq3A_129 = vector.broadcast %eq3A_128 : i32 to vector<1024x1xi32>
    %eq3A_130 = arith.cmpi eq, %get3A_1, %eq3A_129 : vector<1024x1xi32>
    %get3A_131 = arith.constant 1 : index
    %get3A_132 = arith.constant 0 : index
    %get3A_133 = vector.load %arg7[%get3A_131, %get3A_132] : memref<4x3xf32, #tpu.memory_space<vmem>>, vector<1x3xf32>
    %jit3A_134 = arith.constant 0.000000e+00 : f32
    %broadcast_in_dim3A_135 = vector.shape_cast %eq3A_130 : vector<1024x1xi1> to vector<1024x1xi1>
    %broadcast_in_dim3A_136 = vector.broadcast %broadcast_in_dim3A_135 : vector<1024x1xi1> to vector<1024x3xi1>
    %broadcast_in_dim3A_137 = vector.shape_cast %get3A_133 : vector<1x3xf32> to vector<1x3xf32>
    %broadcast_in_dim3A_138 = vector.broadcast %broadcast_in_dim3A_137 : vector<1x3xf32> to vector<1024x3xf32>
    %broadcast_in_dim3A_139 = vector.broadcast %jit3A_134 : f32 to vector<1024x3xf32>
    %select_n3A_140 = arith.select %broadcast_in_dim3A_136, %broadcast_in_dim3A_138, %broadcast_in_dim3A_139 : vector<1024x3xi1>, vector<1024x3xf32>
    %add3A_141 = arith.addf %add3A_127, %select_n3A_140 : vector<1024x3xf32>
    %eq3A_142 = arith.constant 2 : i32
    %eq3A_143 = vector.broadcast %eq3A_142 : i32 to vector<1024x1xi32>
    %eq3A_144 = arith.cmpi eq, %get3A_1, %eq3A_143 : vector<1024x1xi32>
    %get3A_145 = arith.constant 2 : index
    %get3A_146 = arith.constant 0 : index
    %get3A_147 = vector.load %arg7[%get3A_145, %get3A_146] : memref<4x3xf32, #tpu.memory_space<vmem>>, vector<1x3xf32>
    %jit3A_148 = arith.constant 0.000000e+00 : f32
    %broadcast_in_dim3A_149 = vector.shape_cast %eq3A_144 : vector<1024x1xi1> to vector<1024x1xi1>
    %broadcast_in_dim3A_150 = vector.broadcast %broadcast_in_dim3A_149 : vector<1024x1xi1> to vector<1024x3xi1>
    %broadcast_in_dim3A_151 = vector.shape_cast %get3A_147 : vector<1x3xf32> to vector<1x3xf32>
    %broadcast_in_dim3A_152 = vector.broadcast %broadcast_in_dim3A_151 : vector<1x3xf32> to vector<1024x3xf32>
    %broadcast_in_dim3A_153 = vector.broadcast %jit3A_148 : f32 to vector<1024x3xf32>
    %select_n3A_154 = arith.select %broadcast_in_dim3A_150, %broadcast_in_dim3A_152, %broadcast_in_dim3A_153 : vector<1024x3xi1>, vector<1024x3xf32>
    %add3A_155 = arith.addf %add3A_141, %select_n3A_154 : vector<1024x3xf32>
    %eq3A_156 = arith.constant 3 : i32
    %eq3A_157 = vector.broadcast %eq3A_156 : i32 to vector<1024x1xi32>
    %eq3A_158 = arith.cmpi eq, %get3A_1, %eq3A_157 : vector<1024x1xi32>
    %get3A_159 = arith.constant 3 : index
    %get3A_160 = arith.constant 0 : index
    %get3A_161 = vector.load %arg7[%get3A_159, %get3A_160] : memref<4x3xf32, #tpu.memory_space<vmem>>, vector<1x3xf32>
    %jit3A_162 = arith.constant 0.000000e+00 : f32
    %broadcast_in_dim3A_163 = vector.shape_cast %eq3A_158 : vector<1024x1xi1> to vector<1024x1xi1>
    %broadcast_in_dim3A_164 = vector.broadcast %broadcast_in_dim3A_163 : vector<1024x1xi1> to vector<1024x3xi1>
    %broadcast_in_dim3A_165 = vector.shape_cast %get3A_161 : vector<1x3xf32> to vector<1x3xf32>
    %broadcast_in_dim3A_166 = vector.broadcast %broadcast_in_dim3A_165 : vector<1x3xf32> to vector<1024x3xf32>
    %broadcast_in_dim3A_167 = vector.broadcast %jit3A_162 : f32 to vector<1024x3xf32>
    %select_n3A_168 = arith.select %broadcast_in_dim3A_164, %broadcast_in_dim3A_166, %broadcast_in_dim3A_167 : vector<1024x3xi1>, vector<1024x3xf32>
    %add3A_169 = arith.addf %add3A_155, %select_n3A_168 : vector<1024x3xf32>
    %gt3A = arith.constant 0 : i32
    %gt3A_170 = vector.broadcast %gt3A : i32 to vector<1024x1xi32>
    %gt3A_171 = arith.cmpi sgt, %get3A_4, %gt3A_170 : vector<1024x1xi32>
    %jit3A_172 = arith.constant 0.000000e+00 : f32
    %broadcast_in_dim3A_173 = vector.shape_cast %gt3A_171 : vector<1024x1xi1> to vector<1024x1xi1>
    %broadcast_in_dim3A_174 = vector.broadcast %broadcast_in_dim3A_173 : vector<1024x1xi1> to vector<1024x3xi1>
    %broadcast_in_dim3A_175 = vector.broadcast %jit3A_172 : f32 to vector<1024x3xf32>
    %select_n3A_176 = arith.select %broadcast_in_dim3A_174, %add3A_57, %broadcast_in_dim3A_175 : vector<1024x3xi1>, vector<1024x3xf32>
    %jit3A_177 = arith.constant 0.000000e+00 : f32
    %broadcast_in_dim3A_178 = vector.shape_cast %gt3A_171 : vector<1024x1xi1> to vector<1024x1xi1>
    %broadcast_in_dim3A_179 = vector.broadcast %broadcast_in_dim3A_178 : vector<1024x1xi1> to vector<1024x3xi1>
    %broadcast_in_dim3A_180 = vector.broadcast %jit3A_177 : f32 to vector<1024x3xf32>
    %select_n3A_181 = arith.select %broadcast_in_dim3A_179, %broadcast_in_dim3A_180, %add3A_113 : vector<1024x3xi1>, vector<1024x3xf32>
    %concatenate3A = tpu.concatenate %select_n3A_176, %select_n3A_181 in 1 : vector<1024x3xf32>, vector<1024x3xf32> -> vector<1024x6xf32>
    %get3A_182 = arith.constant 0 : index
    %get3A_183 = arith.constant 0 : index
    %get3A_184 = vector.load %arg1[%get3A_182, %get3A_183] : memref<1024x384xi32, #tpu.memory_space<vmem>>, vector<1024x384xi32>
    %bitcast_convert_type3A = tpu.bitcast %get3A_184 : vector<1024x384xi32> -> vector<1024x384xi32>
    %shift_left3A = arith.constant 16 : i32
    %shift_left3A_185 = vector.broadcast %shift_left3A : i32 to vector<1024x384xi32>
    %shift_left3A_186 = arith.shli %bitcast_convert_type3A, %shift_left3A_185 : vector<1024x384xi32>
    %bitcast_convert_type3A_187 = tpu.bitcast %shift_left3A_186 : vector<1024x384xi32> -> vector<1024x384xf32>
    %and3A = arith.constant -65536 : i32
    %and3A_188 = vector.broadcast %and3A : i32 to vector<1024x384xi32>
    %and3A_189 = arith.andi %bitcast_convert_type3A, %and3A_188 : vector<1024x384xi32>
    %bitcast_convert_type3A_190 = tpu.bitcast %and3A_189 : vector<1024x384xi32> -> vector<1024x384xf32>
    %broadcast_in_dim3A_191 = arith.constant 0.000000e+00 : f32
    %broadcast_in_dim3A_192 = vector.broadcast %broadcast_in_dim3A_191 : f32 to vector<1024x128xf32>
    %slice3A = vector.extract_strided_slice %concatenate3A {offsets = [0, 0], sizes = [1024, 1], strides = [1, 1]} : vector<1024x6xf32> to vector<1024x1xf32>
    %slice3A_193 = vector.extract_strided_slice %bitcast_convert_type3A_187 {offsets = [0, 0], sizes = [1024, 128], strides = [1, 1]} : vector<1024x384xf32> to vector<1024x128xf32>
    %mul3A = vector.broadcast %slice3A : vector<1024x1xf32> to vector<1024x128xf32>
    %mul3A_194 = arith.mulf %mul3A, %slice3A_193 : vector<1024x128xf32>
    %add3A_195 = arith.addf %broadcast_in_dim3A_192, %mul3A_194 : vector<1024x128xf32>
    %slice3A_196 = vector.extract_strided_slice %concatenate3A {offsets = [0, 1], sizes = [1024, 1], strides = [1, 1]} : vector<1024x6xf32> to vector<1024x1xf32>
    %slice3A_197 = vector.extract_strided_slice %bitcast_convert_type3A_187 {offsets = [0, 128], sizes = [1024, 128], strides = [1, 1]} : vector<1024x384xf32> to vector<1024x128xf32>
    %mul3A_198 = vector.broadcast %slice3A_196 : vector<1024x1xf32> to vector<1024x128xf32>
    %mul3A_199 = arith.mulf %mul3A_198, %slice3A_197 : vector<1024x128xf32>
    %add3A_200 = arith.addf %add3A_195, %mul3A_199 : vector<1024x128xf32>
    %slice3A_201 = vector.extract_strided_slice %concatenate3A {offsets = [0, 2], sizes = [1024, 1], strides = [1, 1]} : vector<1024x6xf32> to vector<1024x1xf32>
    %slice3A_202 = vector.extract_strided_slice %bitcast_convert_type3A_187 {offsets = [0, 256], sizes = [1024, 128], strides = [1, 1]} : vector<1024x384xf32> to vector<1024x128xf32>
    %mul3A_203 = vector.broadcast %slice3A_201 : vector<1024x1xf32> to vector<1024x128xf32>
    %mul3A_204 = arith.mulf %mul3A_203, %slice3A_202 : vector<1024x128xf32>
    %add3A_205 = arith.addf %add3A_200, %mul3A_204 : vector<1024x128xf32>
    %slice3A_206 = vector.extract_strided_slice %concatenate3A {offsets = [0, 3], sizes = [1024, 1], strides = [1, 1]} : vector<1024x6xf32> to vector<1024x1xf32>
    %slice3A_207 = vector.extract_strided_slice %bitcast_convert_type3A_190 {offsets = [0, 0], sizes = [1024, 128], strides = [1, 1]} : vector<1024x384xf32> to vector<1024x128xf32>
    %mul3A_208 = vector.broadcast %slice3A_206 : vector<1024x1xf32> to vector<1024x128xf32>
    %mul3A_209 = arith.mulf %mul3A_208, %slice3A_207 : vector<1024x128xf32>
    %add3A_210 = arith.addf %add3A_205, %mul3A_209 : vector<1024x128xf32>
    %slice3A_211 = vector.extract_strided_slice %concatenate3A {offsets = [0, 4], sizes = [1024, 1], strides = [1, 1]} : vector<1024x6xf32> to vector<1024x1xf32>
    %slice3A_212 = vector.extract_strided_slice %bitcast_convert_type3A_190 {offsets = [0, 128], sizes = [1024, 128], strides = [1, 1]} : vector<1024x384xf32> to vector<1024x128xf32>
    %mul3A_213 = vector.broadcast %slice3A_211 : vector<1024x1xf32> to vector<1024x128xf32>
    %mul3A_214 = arith.mulf %mul3A_213, %slice3A_212 : vector<1024x128xf32>
    %add3A_215 = arith.addf %add3A_210, %mul3A_214 : vector<1024x128xf32>
    %slice3A_216 = vector.extract_strided_slice %concatenate3A {offsets = [0, 5], sizes = [1024, 1], strides = [1, 1]} : vector<1024x6xf32> to vector<1024x1xf32>
    %slice3A_217 = vector.extract_strided_slice %bitcast_convert_type3A_190 {offsets = [0, 256], sizes = [1024, 128], strides = [1, 1]} : vector<1024x384xf32> to vector<1024x128xf32>
    %mul3A_218 = vector.broadcast %slice3A_216 : vector<1024x1xf32> to vector<1024x128xf32>
    %mul3A_219 = arith.mulf %mul3A_218, %slice3A_217 : vector<1024x128xf32>
    %add3A_220 = arith.addf %add3A_215, %mul3A_219 : vector<1024x128xf32>
    %max3A = arith.constant 0.000000e+00 : f32
    %max3A_221 = vector.broadcast %max3A : f32 to vector<1024x128xf32>
    %max3A_222 = arith.maximumf %add3A_220, %max3A_221 : vector<1024x128xf32>
    %get3A_223 = arith.constant 0 : index
    %get3A_224 = arith.constant 0 : index
    %get3A_225 = vector.load %arg2[%get3A_223, %get3A_224] : memref<1024x384xi32, #tpu.memory_space<vmem>>, vector<1024x384xi32>
    %bitcast_convert_type3A_226 = tpu.bitcast %get3A_225 : vector<1024x384xi32> -> vector<1024x384xi32>
    %shift_left3A_227 = arith.constant 16 : i32
    %shift_left3A_228 = vector.broadcast %shift_left3A_227 : i32 to vector<1024x384xi32>
    %shift_left3A_229 = arith.shli %bitcast_convert_type3A_226, %shift_left3A_228 : vector<1024x384xi32>
    %bitcast_convert_type3A_230 = tpu.bitcast %shift_left3A_229 : vector<1024x384xi32> -> vector<1024x384xf32>
    %and3A_231 = arith.constant -65536 : i32
    %and3A_232 = vector.broadcast %and3A_231 : i32 to vector<1024x384xi32>
    %and3A_233 = arith.andi %bitcast_convert_type3A_226, %and3A_232 : vector<1024x384xi32>
    %bitcast_convert_type3A_234 = tpu.bitcast %and3A_233 : vector<1024x384xi32> -> vector<1024x384xf32>
    %convert_element_type3A = arith.truncf %bitcast_convert_type3A_230 : vector<1024x384xf32> to vector<1024x384xbf16>
    %get3A_235 = arith.constant 0 : index
    %get3A_236 = arith.constant 0 : index
    %get3A_237 = vector.load %arg8[%get3A_235, %get3A_236] : memref<384x2304xbf16, #tpu.memory_space<vmem>>, vector<384x2304xbf16>
    %dot_general3A = arith.constant dense<0.000000e+00> : vector<1024x2304xf32>
    %dot_general3A_238 = tpu.matmul %convert_element_type3A, %get3A_237, %dot_general3A {dimension_numbers = #tpu.dot_dimension_numbers<[1], [0], [0], [1], [0, 0, 1, 1], [], []>, transpose_lhs_hint = false} : vector<1024x384xbf16>, vector<384x2304xbf16>, vector<1024x2304xf32> -> vector<1024x2304xf32>
    %convert_element_type3A_239 = arith.truncf %bitcast_convert_type3A_234 : vector<1024x384xf32> to vector<1024x384xbf16>
    %get3A_240 = arith.constant 0 : index
    %get3A_241 = arith.constant 0 : index
    %get3A_242 = vector.load %arg9[%get3A_240, %get3A_241] : memref<384x2304xbf16, #tpu.memory_space<vmem>>, vector<384x2304xbf16>
    %dot_general3A_243 = arith.constant dense<0.000000e+00> : vector<1024x2304xf32>
    %dot_general3A_244 = tpu.matmul %convert_element_type3A_239, %get3A_242, %dot_general3A_243 {dimension_numbers = #tpu.dot_dimension_numbers<[1], [0], [0], [1], [0, 0, 1, 1], [], []>, transpose_lhs_hint = false} : vector<1024x384xbf16>, vector<384x2304xbf16>, vector<1024x2304xf32> -> vector<1024x2304xf32>
    %add3A_245 = arith.addf %dot_general3A_238, %dot_general3A_244 : vector<1024x2304xf32>
    %broadcast_in_dim3A_246 = arith.constant 0.000000e+00 : f32
    %broadcast_in_dim3A_247 = vector.broadcast %broadcast_in_dim3A_246 : f32 to vector<1024x768xf32>
    %slice3A_248 = vector.extract_strided_slice %add3A_169 {offsets = [0, 0], sizes = [1024, 1], strides = [1, 1]} : vector<1024x3xf32> to vector<1024x1xf32>
    %slice3A_249 = vector.extract_strided_slice %add3A_245 {offsets = [0, 0], sizes = [1024, 768], strides = [1, 1]} : vector<1024x2304xf32> to vector<1024x768xf32>
    %mul3A_250 = vector.broadcast %slice3A_248 : vector<1024x1xf32> to vector<1024x768xf32>
    %mul3A_251 = arith.mulf %mul3A_250, %slice3A_249 : vector<1024x768xf32>
    %add3A_252 = arith.addf %broadcast_in_dim3A_247, %mul3A_251 : vector<1024x768xf32>
    %slice3A_253 = vector.extract_strided_slice %add3A_169 {offsets = [0, 1], sizes = [1024, 1], strides = [1, 1]} : vector<1024x3xf32> to vector<1024x1xf32>
    %slice3A_254 = vector.extract_strided_slice %add3A_245 {offsets = [0, 768], sizes = [1024, 768], strides = [1, 1]} : vector<1024x2304xf32> to vector<1024x768xf32>
    %mul3A_255 = vector.broadcast %slice3A_253 : vector<1024x1xf32> to vector<1024x768xf32>
    %mul3A_256 = arith.mulf %mul3A_255, %slice3A_254 : vector<1024x768xf32>
    %add3A_257 = arith.addf %add3A_252, %mul3A_256 : vector<1024x768xf32>
    %slice3A_258 = vector.extract_strided_slice %add3A_169 {offsets = [0, 2], sizes = [1024, 1], strides = [1, 1]} : vector<1024x3xf32> to vector<1024x1xf32>
    %slice3A_259 = vector.extract_strided_slice %add3A_245 {offsets = [0, 1536], sizes = [1024, 768], strides = [1, 1]} : vector<1024x2304xf32> to vector<1024x768xf32>
    %mul3A_260 = vector.broadcast %slice3A_258 : vector<1024x1xf32> to vector<1024x768xf32>
    %mul3A_261 = arith.mulf %mul3A_260, %slice3A_259 : vector<1024x768xf32>
    %add3A_262 = arith.addf %add3A_257, %mul3A_261 : vector<1024x768xf32>
    %max3A_263 = arith.constant 0.000000e+00 : f32
    %max3A_264 = vector.broadcast %max3A_263 : f32 to vector<1024x768xf32>
    %max3A_265 = arith.maximumf %add3A_262, %max3A_264 : vector<1024x768xf32>
    %convert_element_type3A_266 = arith.truncf %max3A_222 : vector<1024x128xf32> to vector<1024x128xbf16>
    %get3A_267 = arith.constant 0 : index
    %get3A_268 = arith.constant 0 : index
    %get3A_269 = vector.load %arg10[%get3A_267, %get3A_268] : memref<128x128xbf16, #tpu.memory_space<vmem>>, vector<128x128xbf16>
    %dot_general3A_270 = arith.constant dense<0.000000e+00> : vector<1024x128xf32>
    %dot_general3A_271 = tpu.matmul %convert_element_type3A_266, %get3A_269, %dot_general3A_270 {dimension_numbers = #tpu.dot_dimension_numbers<[1], [0], [0], [1], [0, 0, 1, 1], [], []>, transpose_lhs_hint = false} : vector<1024x128xbf16>, vector<128x128xbf16>, vector<1024x128xf32> -> vector<1024x128xf32>
    %swap3A = arith.constant 0 : index
    %swap3A_272 = arith.constant 0 : index
    %swap3A_273 = arith.constant 0 : index
    %swap3A_274 = vector.load %arg12[%swap3A, %swap3A_272, %swap3A_273] : memref<2x1024x128xf32, #tpu.memory_space<vmem>>, vector<1x1024x128xf32>
    %swap3A_275 = vector.shape_cast %swap3A_274 : vector<1x1024x128xf32> to vector<1024x128xf32>
    %swap3A_276 = vector.shape_cast %dot_general3A_271 : vector<1024x128xf32> to vector<1x1024x128xf32>
    tpu.vector_store %arg12[%swap3A, %swap3A_272, %swap3A_273], %swap3A_276 {strides = array<i32>} : memref<2x1024x128xf32, #tpu.memory_space<vmem>>, vector<1x1024x128xf32>,
    %convert_element_type3A_277 = arith.truncf %max3A_265 : vector<1024x768xf32> to vector<1024x768xbf16>
    %get3A_278 = arith.constant 0 : index
    %get3A_279 = arith.constant 0 : index
    %get3A_280 = vector.load %arg11[%get3A_278, %get3A_279] : memref<768x128xbf16, #tpu.memory_space<vmem>>, vector<768x128xbf16>
    %dot_general3A_281 = arith.constant dense<0.000000e+00> : vector<1024x128xf32>
    %dot_general3A_282 = tpu.matmul %convert_element_type3A_277, %get3A_280, %dot_general3A_281 {dimension_numbers = #tpu.dot_dimension_numbers<[1], [0], [0], [1], [0, 0, 1, 1], [], []>, transpose_lhs_hint = false} : vector<1024x768xbf16>, vector<768x128xbf16>, vector<1024x128xf32> -> vector<1024x128xf32>
    %swap3A_283 = arith.constant 1 : index
    %swap3A_284 = arith.constant 0 : index
    %swap3A_285 = arith.constant 0 : index
    %swap3A_286 = vector.load %arg12[%swap3A_283, %swap3A_284, %swap3A_285] : memref<2x1024x128xf32, #tpu.memory_space<vmem>>, vector<1x1024x128xf32>
    %swap3A_287 = vector.shape_cast %swap3A_286 : vector<1x1024x128xf32> to vector<1024x128xf32>
    %swap3A_288 = vector.shape_cast %dot_general3A_282 : vector<1024x128xf32> to vector<1x1024x128xf32>
    tpu.vector_store %arg12[%swap3A_283, %swap3A_284, %swap3A_285], %swap3A_288 {strides = array<i32>} : memref<2x1024x128xf32, #tpu.memory_space<vmem>>, vector<1x1024x128xf32>,
    return
  }
  func.func @transform_0(%arg0: i32) -> (i32, i32) {
    %c0_i32 = arith.constant 0 : i32
    %c0_i32_0 = arith.constant 0 : i32
    return %arg0, %c0_i32 : i32, i32
  }
  func.func @transform_1(%arg0: i32) -> (i32, i32) {
    %c0_i32 = arith.constant 0 : i32
    %c0_i32_0 = arith.constant 0 : i32
    return %arg0, %c0_i32 : i32, i32
  }
  func.func @transform_2(%arg0: i32) -> (i32, i32) {
    %c0_i32 = arith.constant 0 : i32
    %c0_i32_0 = arith.constant 0 : i32
    return %arg0, %c0_i32 : i32, i32
  }
  func.func @transform_3(%arg0: i32) -> (i32, i32) {
    %c0_i32 = arith.constant 0 : i32
    %c0_i32_0 = arith.constant 0 : i32
    return %arg0, %c0_i32 : i32, i32
  }
  func.func @transform_4(%arg0: i32) -> (i32, i32) {
    %c0_i32 = arith.constant 0 : i32
    %c0_i32_0 = arith.constant 0 : i32
    %c0_i32_1 = arith.constant 0 : i32
    return %c0_i32, %c0_i32_0 : i32, i32
  }
  func.func @transform_5(%arg0: i32) -> (i32, i32) {
    %c0_i32 = arith.constant 0 : i32
    %c0_i32_0 = arith.constant 0 : i32
    %c0_i32_1 = arith.constant 0 : i32
    return %c0_i32, %c0_i32_0 : i32, i32
  }
  func.func @transform_6(%arg0: i32) -> (i32, i32) {
    %c0_i32 = arith.constant 0 : i32
    %c0_i32_0 = arith.constant 0 : i32
    %c0_i32_1 = arith.constant 0 : i32
    return %c0_i32, %c0_i32_0 : i32, i32
  }
  func.func @transform_7(%arg0: i32) -> (i32, i32) {
    %c0_i32 = arith.constant 0 : i32
    %c0_i32_0 = arith.constant 0 : i32
    %c0_i32_1 = arith.constant 0 : i32
    return %c0_i32, %c0_i32_0 : i32, i32
  }
  func.func @transform_8(%arg0: i32) -> (i32, i32) {
    %c0_i32 = arith.constant 0 : i32
    %c0_i32_0 = arith.constant 0 : i32
    %c0_i32_1 = arith.constant 0 : i32
    return %c0_i32, %c0_i32_0 : i32, i32
  }
  func.func @transform_9(%arg0: i32) -> (i32, i32) {
    %c0_i32 = arith.constant 0 : i32
    %c0_i32_0 = arith.constant 0 : i32
    %c0_i32_1 = arith.constant 0 : i32
    return %c0_i32, %c0_i32_0 : i32, i32
  }
  func.func @transform_10(%arg0: i32) -> (i32, i32) {
    %c0_i32 = arith.constant 0 : i32
    %c0_i32_0 = arith.constant 0 : i32
    %c0_i32_1 = arith.constant 0 : i32
    return %c0_i32, %c0_i32_0 : i32, i32
  }
  func.func @transform_11(%arg0: i32) -> (i32, i32, i32) {
    %c0_i32 = arith.constant 0 : i32
    %c0_i32_0 = arith.constant 0 : i32
    %c0_i32_1 = arith.constant 0 : i32
    return %c0_i32, %arg0, %c0_i32_0 : i32, i32, i32
  }
}

module attributes {stable_mosaic.version = 14 : i64} {
  func.func @_k5_body(%arg0: i32, %arg1: memref<2x2048x128xf32, #tpu.memory_space<vmem>>, %arg2: memref<1x128xf32, #tpu.memory_space<vmem>>, %arg3: memref<2048x128xf32, #tpu.memory_space<vmem>>) attributes {dimension_semantics = [#tpu.dimension_semantics<arbitrary>], iteration_bounds = array<i64: 5>, scalar_prefetch = 0 : i64, scratch_operands = 0 : i64, tpu.core_type = #tpu.core_type<tc>, window_params = [{transform_indices = @transform_0, window_bounds = array<i64: 2, 2048, 128>}, {pipeline_mode = #tpu.pipeline_mode<synchronous>, transform_indices = @transform_1, window_bounds = array<i64: 1, 128>}, {transform_indices = @transform_2, window_bounds = array<i64: 2048, 128>}]} {
    %get3A = arith.constant 0 : index
    %get3A_0 = arith.constant 0 : index
    %get3A_1 = arith.constant 0 : index
    %get3A_2 = vector.load %arg1[%get3A, %get3A_0, %get3A_1] : memref<2x2048x128xf32, #tpu.memory_space<vmem>>, vector<1x2048x128xf32>
    %get3A_3 = vector.shape_cast %get3A_2 : vector<1x2048x128xf32> to vector<2048x128xf32>
    %get3A_4 = arith.constant 1 : index
    %get3A_5 = arith.constant 0 : index
    %get3A_6 = arith.constant 0 : index
    %get3A_7 = vector.load %arg1[%get3A_4, %get3A_5, %get3A_6] : memref<2x2048x128xf32, #tpu.memory_space<vmem>>, vector<1x2048x128xf32>
    %get3A_8 = vector.shape_cast %get3A_7 : vector<1x2048x128xf32> to vector<2048x128xf32>
    %add3A = arith.addf %get3A_3, %get3A_8 : vector<2048x128xf32>
    %get3A_9 = arith.constant 0 : index
    %get3A_10 = arith.constant 0 : index
    %get3A_11 = vector.load %arg2[%get3A_9, %get3A_10] : memref<1x128xf32, #tpu.memory_space<vmem>>, vector<1x128xf32>
    %add3A_12 = vector.broadcast %get3A_11 : vector<1x128xf32> to vector<2048x128xf32>
    %add3A_13 = arith.addf %add3A, %add3A_12 : vector<2048x128xf32>
    %max3A = arith.constant 0.000000e+00 : f32
    %max3A_14 = vector.broadcast %max3A : f32 to vector<2048x128xf32>
    %max3A_15 = arith.maximumf %add3A_13, %max3A_14 : vector<2048x128xf32>
    %mul3A = arith.mulf %max3A_15, %max3A_15 : vector<2048x128xf32>
    %reduce_sum3A = arith.constant dense<0.000000e+00> : vector<2048xf32>
    %reduce_sum3A_16 = vector.multi_reduction <add>, %mul3A, %reduce_sum3A [1] : vector<2048x128xf32> to vector<2048xf32>
    %broadcast_in_dim3A = vector.shape_cast %reduce_sum3A_16 : vector<2048xf32> to vector<2048x1xf32>
    %sqrt3A = math.sqrt %broadcast_in_dim3A : vector<2048x1xf32>
    %eq3A = arith.constant 0.000000e+00 : f32
    %eq3A_17 = vector.broadcast %eq3A : f32 to vector<2048x1xf32>
    %eq3A_18 = arith.cmpf oeq, %sqrt3A, %eq3A_17 : vector<2048x1xf32>
    %jit3A = arith.constant 1.000000e+00 : f32
    %broadcast_in_dim3A_19 = vector.broadcast %jit3A : f32 to vector<2048x1xf32>
    %select_n3A = arith.select %eq3A_18, %broadcast_in_dim3A_19, %sqrt3A : vector<2048x1xi1>, vector<2048x1xf32>
    %div3A = vector.broadcast %select_n3A : vector<2048x1xf32> to vector<2048x128xf32>
    %div3A_20 = arith.divf %max3A_15, %div3A : vector<2048x128xf32>
    %swap3A = arith.constant 0 : index
    %swap3A_21 = arith.constant 0 : index
    %swap3A_22 = vector.load %arg3[%swap3A, %swap3A_21] : memref<2048x128xf32, #tpu.memory_space<vmem>>, vector<2048x128xf32>
    tpu.vector_store %arg3[%swap3A, %swap3A_21], %div3A_20 {strides = array<i32>} : memref<2048x128xf32, #tpu.memory_space<vmem>>, vector<2048x128xf32>,
    return
  }
  func.func @transform_0(%arg0: i32) -> (i32, i32, i32) {
    %c0_i32 = arith.constant 0 : i32
    %c0_i32_0 = arith.constant 0 : i32
    %c0_i32_1 = arith.constant 0 : i32
    return %c0_i32, %arg0, %c0_i32_0 : i32, i32, i32
  }
  func.func @transform_1(%arg0: i32) -> (i32, i32) {
    %c0_i32 = arith.constant 0 : i32
    %c0_i32_0 = arith.constant 0 : i32
    %c0_i32_1 = arith.constant 0 : i32
    return %c0_i32, %c0_i32_0 : i32, i32
  }
  func.func @transform_2(%arg0: i32) -> (i32, i32) {
    %c0_i32 = arith.constant 0 : i32
    %c0_i32_0 = arith.constant 0 : i32
    return %arg0, %c0_i32 : i32, i32
  }
}

</mosaic_0001>

<sc_bundles>
// kernel: gather_offload_async_start
scs
__scs_entry_jumppad:
0x0: {  	(pc) =	sbr.rel $0x88, $3  }
0x1: {  	(tag) =	ssettag $0x0;
	lr =	simm.s32 $0x1  }
0x2: {  	[smem:$0x3F93] =	sst lr;
	_ =	strace $0xD0000000  }
0x3: {  	_ = 	snop  }
0x4: {  	_ = 	snop  }
0x5: {  	_ = 	snop  }
0x6: {  	_ = 	snop  }
0x7: {  	_ = 	snop  }
__scs_overlays_trampoline_lowered:
0x8: {  	[smem:$0x3FA2] =	sst s0  }
0x9: {  	[smem:$0x3FA3] =	sst s1  }
0xa: {  	[smem:$0x3FA4] =	sst s2  }
0xb: {  	[smem:$0x3FA5] =	sst s3  }
0xc: {  	[smem:$0x3FA6] =	sst s4  }
0xd: {  	[smem:$0x3FA7] =	sst s5  }
0xe: {  	[smem:$0x3FA8] =	sst s6  }
0xf: {  	[smem:$0x3FA9] =	sst s7  }
0x10: {  	[smem:$0x3FAA] =	sst s8  }
0x11: {  	[smem:$0x3FAB] =	sst s9;
	s0 =	simm.s32 @!p0 $0x0  }
0x12: {  	s1 =	sld [smem:$0x3F91];
	s0 =	simm.s32 @p0 $0x1  }
0x13: {  	[smem:$0x3FAC] =	sst s0;
	s0 =	simm.s32 @!p1 $0x0  }
0x14: {  	s2 =	sld [smem:$0x3F90];
	s0 =	simm.s32 @p1 $0x1  }
0x15: {  	[smem:$0x3FAD] =	sst s0;
	s0 =	simm.s32 @!p2 $0x0  }
0x16: {  	s3 =	sld [smem:$0x3FDB];
	s0 =	simm.s32 @p2 $0x1  }
0x17: {  	s4 =	simm.s32 $0x1BF5;
	[smem:$0x3FAF] =	sst s0  }
0x18: {  	s0 =	sld [smem:$0x3F92];
	_ =	swait.ge [sflag:s4], $0x0  }
0x19: {  	s7 =	sld [smem:$0x3F93]  }
0x1a: {  	s8 =	sadd.s32 $0xFFFFE003, lr  }
0x1b: {  	s9 =	sadd.s32 $0xFFFFFEF7, lr;
	s5 =	simm.s32 $0xFFFFFFFF;
	p2 =	slt.u32 s8, $0xFFFFF086  }
0x1c: {  	p1 =	slt.u32 s9, $0xF7A;
	s5 =	simm.s32 @!p2 $0x0  }
0x1d: {  	s5 =	simm.s32 @p1 $0x1;
	p0 =	seq.s32 s7, s2  }
0x1e: {  	s7 =	smul.u32 @!p0 $0xF7A, s2;
	p2 =	seq.s32 @!p0 s5, $0x0  }
0x1f: {  	s9 =	smul.u32 $0xF7A, s1;
	s8 =	simm.s32 @!p0 $0x1BF5;
	p2 =	por !p2, p0  }
0x20: {  	[sflag:s8] =	ssyncset.s32 @!p0 $0xFFFFF086;
	s6 =	sadd.s32 @!p0 s3, s7;
	s7 =	simm.s32 @!p0 $0x108  }
0x21: {  	s3 =	sadd.s32 s3, s9;
	s6 =	sadd.s32 @!p0 $0x88, s6;
	s7 =	simm.s32 @p2 $0x1082  }
0x22: {  	[simem:s7], [sflag:s8] =	dma.local @!p0 [hbm:s6], $0xF7A  }
0x23: {  	s9 =	sor.u32 $0xD0000000, s2;
	s6 =	simm.s32 $0x108;
	_ =	swait.ge @!p0 [sflag:s8], $0x0  }
0x24: {  	s3 =	sadd.s32 $0x88, s3;
	s6 =	simm.s32 @!p1 $0x1082;
	[sflag:s4] =	ssyncset.s32 $0xFFFFF086  }
0x25: {  	[simem:s6], [sflag:s4] =	dma.local [hbm:s3], $0xF7A  }
0x26: {  	[smem:$0x3F93] =	sst s1;
	(tag) =	ssettag s2;
	_ =	strace s9  }
0x27: {  	s1 =	sld [smem:$0x3FA3]  }
0x28: {  	s2 =	sld [smem:$0x3FA4]  }
0x29: {  	s4 =	sld [smem:$0x3FA6]  }
0x2a: {  	p0 =	seq.s32 s5, $0x0;
	s5 =	sld [smem:$0x3FA7]  }
0x2b: {  	s6 =	sld [smem:$0x3FA8]  }
0x2c: {  	s7 =	sld [smem:$0x3FA9]  }
0x2d: {  	s3 =	simm.s32 $0x108;
	s8 =	sld [smem:$0x3FAA]  }
0x2e: {  	s3 =	simm.s32 @!p0 $0x1082;
	s9 =	sld [smem:$0x3FAB]  }
0x2f: {  	lr =	sadd.s32 s0, s3;
	s0 =	sld [smem:$0x3FA2]  }
0x30: {  	s3 =	sld [smem:$0x3FA5]  }
0x31: {  	[smem:$0x3FAE] =	sst s10  }
0x32: {  	s10 =	sld [smem:$0x3FAC];
	_ =	sdelay $0x3  }
0x33: {  	p0 =	seq.s32 s10, $0x1;
	s10 =	sld [smem:$0x3FAE];
	_ =	sdelay $0x3  }
0x34: {  	[smem:$0x3FAE] =	sst s10  }
0x35: {  	s10 =	sld [smem:$0x3FAD];
	_ =	sdelay $0x3  }
0x36: {  	p1 =	seq.s32 s10, $0x1;
	s10 =	sld [smem:$0x3FAE];
	_ =	sdelay $0x3  }
0x37: {  	[smem:$0x3FAE] =	sst s10  }
0x38: {  	s10 =	sld [smem:$0x3FAF]  }
0x39: {  	_ = 	snop;
	(pc) =	sbr.ind lr, $3  }
0x3a: {  	_ = 	snop  }
0x3b: {  	_ = 	snop  }
0x3c: {  	p2 =	seq.s32 s10, $0x1;
	s10 =	sld [smem:$0x3FAE]  }
0x3d: {  	_ =	shalt  }
0x3e: {  	_ =	shalt  }
0x3f: {  	_ =	shalt  }
0x40: {  	_ =	shalt  }
0x41: {  	_ =	shalt  }
0x42: {  	_ =	shalt  }
0x43: {  	_ =	shalt  }
0x44: {  	_ =	shalt  }
0x45: {  	_ =	shalt  }
0x46: {  	_ =	shalt  }
0x47: {  	_ =	shalt  }
0x48: {  	_ =	shalt  }
0x49: {  	_ =	shalt  }
0x4a: {  	_ =	shalt  }
0x4b: {  	_ =	shalt  }
0x4c: {  	_ =	shalt  }
0x4d: {  	_ =	shalt  }
0x4e: {  	_ =	shalt  }
0x4f: {  	_ =	shalt  }
0x50: {  	_ =	shalt  }
0x51: {  	_ =	shalt  }
0x52: {  	_ =	shalt  }
0x53: {  	_ =	shalt  }
0x54: {  	_ =	shalt  }
0x55: {  	_ =	shalt  }
0x56: {  	_ =	shalt  }
0x57: {  	_ =	shalt  }
0x58: {  	_ =	shalt  }
0x59: {  	_ =	shalt  }
0x5a: {  	_ =	shalt  }
0x5b: {  	_ =	shalt  }
0x5c: {  	_ =	shalt  }
0x5d: {  	_ =	shalt  }
0x5e: {  	_ =	shalt  }
0x5f: {  	_ =	shalt  }
0x60: {  	_ =	shalt  }
0x61: {  	_ =	shalt  }
0x62: {  	_ =	shalt  }
0x63: {  	_ =	shalt  }
0x64: {  	_ =	shalt  }
0x65: {  	_ =	shalt  }
0x66: {  	_ =	shalt  }
0x67: {  	_ =	shalt  }
0x68: {  	_ =	shalt  }
0x69: {  	_ =	shalt  }
0x6a: {  	_ =	shalt  }
0x6b: {  	_ =	shalt  }
0x6c: {  	_ =	shalt  }
0x6d: {  	_ =	shalt  }
0x6e: {  	_ =	shalt  }
0x6f: {  	_ =	shalt  }
0x70: {  	_ =	shalt  }
0x71: {  	_ =	shalt  }
0x72: {  	_ =	shalt  }
0x73: {  	_ =	shalt  }
0x74: {  	_ =	shalt  }
0x75: {  	_ =	shalt  }
0x76: {  	_ =	shalt  }
0x77: {  	_ =	shalt  }
0x78: {  	_ =	shalt  }
0x79: {  	_ =	shalt  }
0x7a: {  	_ =	shalt  }
0x7b: {  	_ =	shalt  }
0x7c: {  	_ =	shalt  }
0x7d: {  	_ =	shalt  }
0x7e: {  	_ =	shalt  }
0x7f: {  	_ =	shalt  }
0x80: {  	_ =	shalt  }
0x81: {  	_ =	shalt  }
0x82: {  	_ =	shalt  }
0x83: {  	_ =	shalt  }
0x84: {  	_ =	shalt  }
0x85: {  	_ =	shalt  }
0x86: {  	_ =	shalt  }
0x87: {  	_ =	shalt  }
.Lfunc_end0:
.L_simem_size_0:
called_computation_lowered:
.L_overlay_start_0:
0x88: {  	s2 =	sld [smem:$0x3FD9]  }
0x89: {  	s3 =	sld [smem:$0x3FFE];
	_ =	sdelay $0x1  }
0x8a: {  	s1 =	srdreg.scid  }
0x8b: {  	s0 =	sand.u32 $0x1, s1  }
0x8c: {  	s17 =	sshll.u32 s0, $0xA;
	s2 =	sadd.s32 s3, s2  }
0x8d: {  	s2 =	sadd.s32 s2, s17  }
0x8e: {  	[smem:$0x3FBA] =	sst s2  }
0x8f: {  	_ = 	snop  }
0x90: {  	s2 =	sld [smem:$0x3FD0];
	(tm) =	ssettm $0x1  }
0x91: {  	s18 =	sld [smem:$0x3FFB];
	_ =	sdelay $0x3  }
0x92: {  	_ =	strace s18  }
0x93: {  	s3 =	sld [smem:$0x3FFC];
	_ =	sdelay $0x3  }
0x94: {  	_ =	strace s3  }
0x95: {  	s3 =	sld [smem:$0x3FFD];
	_ =	sdelay $0x3  }
0x96: {  	_ =	strace s3  }
0x97: {  	_ =	strace $0x8FFFFFFF  }
0x98: {  	s19 =	sld [smem:$0x3FDB];
	_ =	sdelay $0x1  }
0x99: {  	s4 =	simm.s32 $_scs_section_size  }
0x9a: {  	s5 =	simm.s32 $_size__tile_overlayer_lowered;
	s6 =	simm.s32 $_tile_overlayer_lowered  }
0x9b: {  	s22 =	simm.s32 $0x1BFF;
	s21 =	sshll.u32 s6, $0x1;
	s3 =	sadd.s32 s4, s19  }
0x9c: {  	s7 =	simm.s32 $0x0;
	s20 =	sshll.u32 s5, $0x1;
	s5 =	sadd.s32 s21, s3  }
0x9d: {  	[timem:s7], [sflag:s22] =	dma.local [hbm:s5], s20  }
0x9e: {  	_ =	swait.ge [sflag:s22], s20  }
0x9f: {  	s4 =	ssub.s32 $0x0, s20;
	[sflag:s22] =	ssyncset.done $0x0  }
0xa0: {  	[sflag:s22] =	ssyncadd.s32 s4;
	_ =	sdelay $0x1  }
0xa1: {  	s23 =	simm.s32 $0x1B8B  }
0xa2: {  	_ =	swait.ge [sflag:s23], $0x1  }
0xa3: {  	[sflag:s23] =	ssyncset.done $0x0  }
0xa4: {  	s25 =	simm.s32 $0x1B8E;
	s24 =	sld [smem:$0x3FFE];
	[sflag:s23] =	ssyncadd.s32 $0xFFFFFFFF  }
0xa5: {  	s26 =	simm.s32 $execute0_lowered;
	[smem:$0x3FD2] =	sst s25  }
0xa6: {  	s5 =	sshll.u32 s26, $0x1;
	_ =	strace $0x80000046;
	[dreg:$0x1] =	wrdreg $0xFFFFFFFF  }
0xa7: {  	s28 =	simm.s32 $_size_execute0_lowered;
	s3 =	sadd.s32 s3, s5;
	[dreg:$0x0] =	wrdreg $0x0  }
0xa8: {  	s5 =	sshll.u32 s28, $0x1;
	[dreg:$0x2] =	wrdreg s3  }
0xa9: {  	[dreg:$0x3] =	wrdreg s5  }
0xaa: {  	[dreg:$0x4] =	wrdreg $0xC0  }
0xab: {  	_ =	task [dreg:s7], $0x5FFFF  }
0xac: {  	[dreg:$0x1] =	wrdreg $0xFFFFFFFF  }
0xad: {  	[dreg:$0x0] =	wrdreg $0x60  }
0xae: {  	[dreg:$0x2] =	wrdreg s2  }
0xaf: {  	[dreg:$0x3] =	wrdreg s24  }
0xb0: {  	[dreg:$0x4] =	wrdreg $0x9  }
0xb1: {  	_ =	task.clear_ibuf [dreg:s7], $0x5FFFF;
	_ =	strace $0x90000046  }
0xb2: {  	s29 =	simm.s32 $0x9;
	_ =	strace $0x80000048  }
0xb3: {  	_ =	swait.ge [sflag:s29], $0x1  }
0xb4: {  	[sflag:s29] =	ssyncadd.s32 $0xFFFFFFFF  }
0xb5: {  	_ =	strace $0x90000048  }
0xb6: {  	_ =	sfence  }
0xb7: {  	s30 =	sld [smem:$0x0];
	_ =	sdelay $0x2  }
0xb8: {  	s31 =	sshll.u32 s1, $0xD;
	s1 =	sshrl.u32 s1, $0x2  }
0xb9: {  	s3 =	sand.u32 $0x4000, s31;
	s1 =	sadd.s32 s1, s30  }
0xba: {  	s0 =	sor.u32 s3, s0;
	s1 =	sshll.u32 s1, $0x11  }
0xbb: {  	s0 =	sor.u32 s1, s0  }
0xbc: {  	s0 =	sadd.s32 $0x8F2B, s0  }
0xbd: {  	[sflag:s0] =	ssyncadd.remote.s32 $0x1  }
0xbe: {  	_ =	sfence.sel $0xFFFF  }
0xbf: {  	[dreg:$0x0] =	wrdreg $0xFFFFFFFF;
	(pc) =	sbr.abs _section_cstart, $3  }
0xc0: {  	[dreg:$0x1] =	wrdreg $0xFFFFFFFF  }
0xc1: {  	_ =	task.clear_ibuf [dreg:s7], $0x2FFFF;
	_ =	strace $0x9FFFFFFF  }
0xc2: {  	(tm) =	ssettm $0x7FFFFFFF  }
0xc3: {  	_ =	shalt  }
tec
execute0_lowered:
.L_overlay_start_1:
0x0: {  	(tag) =	ssettag $0x1  }
0x1: {  	s2 =	rddreg [dreg:$0x0]  }
0x2: {  	s8 =	rddreg [dreg:$0x1]  }
0x3: {  	s0 =	rddreg [dreg:$0x2];
	s1 =	stileid.u32  }
0x4: {  	s3 =	srdreg.scid;
	_ =	strace $0x80000047;
	s4 =	simm.s32 $0x1  }
0x5: {  	s7 =	simm.s32 $0x1;
	s9 =	simm.s32 $0x1;
	s10 =	simm.s32 $0x3  }
0x6: {  	s13 =	simm.s32 $0x0;
	s5 =	sand.u32 $0x1, s3;
	s6 =	sshll.u32 s1, $0x1  }
0x7: {  	s12 =	simm.s32 $0x0;
	s3 =	sadd.s32 $0x1400, s8;
	s5 =	sor.u32 s6, s5  }
.Ltmp0:
0x8: {  	[sflag:s4] =	ssyncpa.u1 $0x0;
	p0 =	slt.u32 s5, $0x13;
	(pc) =	sbr.rel .LBB2_1-.Ltmp0, $4  }
0x9: {  	s6 =	simm.s32 $0x2;
	s7 =	simm.s32 @!p0 $0x0;
	p0 =	sne.s32 s5, $0x12  }
0xa: {  	[sflag:s6] =	ssyncpa.u1 $0x0;
	s5 =	smul.u32 $0x190, s5;
	s9 =	simm.s32 @!p0 $0x0  }
0xb: {  	s8 =	sadd.s32 $0xEC600, s8;
	[sflag:s10] =	ssyncpa.u1 $0x0;
	s7 =	sadd.s32 s9, s7  }
0xc: {  	vm0 =	vmmov $0xffff;
	s10 =	simm.s32 $0x0;
	s11 =	smov.u32 s5;
	s9 =	sadd.s32 $0x1, s7  }
.LBB2_4:
0xd: {  	v2 =	vnsel vm1, $0x0, v2  }
0xe: {  	vm1 =	vgt.s32 v0, $0x0;
	v2 =	vmin.u32 v2, $0x4E1F  }
0xf: {  	v0 =	vnsel vm1, $0x0, v0  }
0x10: {  	v0 =	vmin.u32 v0, $0x4E1F  }
0x11: {  	[tilespmem:s18], [sflag:$0x1] =	stream.indirect_vreg.gather [hbm4b:s2+s10], $0x1, v1, vm0, $0x4038;
	[tilespmem:$0x640] =	vst v63  }
0x12: {  	(ifvalue) =	ssetifvalue $0x7FFFFFFF  }
0x13: {  	[tilespmem:s15], [sflag:$0x1] =	stream.indirect_vreg.gather [hbm4b:s2+s10], $0x1, v2, vm0, $0x4038;
	[tilespmem:$0x640] =	vst v63  }
0x14: {  	s29 =	sadd.s32 $0x10, s15;
	(ifvalue) =	ssetifvalue $0x7FFFFFFF  }
0x15: {  	[tilespmem:s29], [sflag:$0x1] =	stream.indirect_vreg.gather [hbm4b:s2+s10], $0x1, v0, vm0, $0x4038;
	[tilespmem:$0x640] =	vst v63  }
0x16: {  	_ =	swait.ge [sflag:s4], $0x190  }
0x17: {  	s30 =	sshrl.u32 s13, $0x3;
	[sflag:s4] =	ssyncset.done $0x0  }
0x18: {  	s31 =	sand.u32 $0x7, s13;
	s15 =	sadd.s32 s8, s30;
	[sflag:s4] =	ssyncadd.s32 $0xFFFFFE70  }
0x19: {  	[hbm4b:s15+s31] =	stream.linear.scatter [tilespmem:s14], [sflag:$0x3], $0x190, $0x38;
	[tilespmem:$0x640] =	vst v63  }
.LBB2_5:
0x1a: {  	s15 =	sadd.s32 $0x3200, s11  }
0x1b: {  	p1 =	sgt.s32 s15, $0x4E1F  }
0x1c: {  	s15 =	smov.u32 @p1 s5;
	p1 =	sne.s32 s12, s9  }
.Ltmp1:
0x1d: {  	p0 =	slt.u32 s12, $0x2;
	(pc) =	sbr.rel @!p1 .LBB2_6-.Ltmp1, $4  }
0x1e: {  	s14 =	simm.s32 @!p0 $0x3  }
0x1f: {  	_ =	swait.ge @!p0 [sflag:s14], $0x190  }
0x20: {  	s16 =	sadd.s32 $0x1, s12;
	s13 =	smov.u32 s11;
	[sflag:s14] =	ssyncset.done @!p0 $0x0  }
0x21: {  	s12 =	smov.u32 s16;
	s11 =	smov.u32 s15;
	[sflag:s14] =	ssyncadd.s32 @!p0 $0xFFFFFE70  }
.LBB2_1:
0x22: {  	p0 =	sge.u32 s12, s7  }
0x23: {  	s14 =	sxor.u32 @!p0 $0x1, s12  }
0x24: {  	s14 =	smul.u32 @!p0 $0x640, s14  }
0x25: {  	s31 =	sadd.s32 $0xFFFFFFFF, s12;
	s15 =	sshrl.u32 @!p0 s11, $0x3  }
0x26: {  	s16 =	sand.u32 @!p0 $0x7, s11;
	s15 =	sadd.s32 @!p0 s3, s15;
	s14 =	sshra.s32 @!p0 s14, $0x2  }
0x27: {  	[tilespmem:s14], [sflag:$0x2] =	stream.linear.gather @!p0 [hbm4b:s15+s16], $0x190, $0x38;
	[tilespmem:$0x640] =	vst v63  }
0x28: {  	p0 =	sge.u32 s31, s7  }
.Ltmp2:
0x29: {  	_ = 	snop;
	(pc) =	sbr.rel @p0 .LBB2_5-.Ltmp2, $1  }
0x2a: {  	_ =	sdelay $0x3  }
0x2b: {  	s14 =	sand.u32 $0x1, s12  }
0x2c: {  	_ =	swait.ge [sflag:s6], $0x190;
	p0 =	seq.s32 s14, $0x1;
	s14 =	simm.s32 $0x190  }
0x2d: {  	[sflag:s6] =	ssyncset.done $0x0;
	s14 =	simm.s32 @!p0 $0x0  }
0x2e: {  	[sflag:s6] =	ssyncadd.s32 $0xFFFFFE70;
	(ifvalue) =	ssetifvalue $0x7FFFFFFF;
	v0 =	vld.msk [tilespmem:s14+$0x0 ss:$0x1], $0xffff;
	_ =	sdelay $0x4  }
0x2f: {  	s15 =	sadd.s32 $0x10, s14;
	vm1 =	vgt.s32 v0, $0x0  }
0x30: {  	v2 =	vld.msk [tilespmem:s15+$0x0 ss:$0x1], $0xffff;
	v1 =	vnsel vm1, $0x0, v0  }
0x31: {  	v1 =	vmin.u32 v1, $0x4E1F;
	_ =	sdelay $0x2  }
0x32: {  	s17 =	simm.s32 $0x20;
	s14 =	sadd.s32 $0x320, s14;
	s16 =	sadd.s32 $0x10, s15  }
0x33: {  	s15 =	sadd.s32 $0x10, s14;
	s18 =	smov.u32 s14;
	v0 =	vld.msk [tilespmem:s16+$0x0 ss:$0x1], $0xffff;
	vm1 =	vgt.s32 v2, $0x0;
	(ifvalue) =	ssetifvalue $0x7FFFFFFF  }
.LBB2_3:
0x34: {  	[tilespmem:s18], [sflag:$0x1] =	stream.indirect_vreg.gather [hbm4b:s2+s10], $0x1, v1, vm0, $0x4038;
	[tilespmem:$0x640] =	vst v63  }
0x35: {  	s17 =	sadd.s32 $0x10, s17  }
0x36: {  	v2 =	vnsel vm1, $0x0, v2;
	p0 =	slt.u32 s17, $0x180  }
.Ltmp3:
0x37: {  	s18 =	smov.u32 s15;
	v1 =	vmin.u32 v2, $0x4E1F;
	(pc) =	sbr.rel @p0 .LBB2_3-.Ltmp3, $3  }
0x38: {  	_ =	sdelay $0x1  }
0x39: {  	s16 =	sadd.s32 $0x10, s16  }
0x3a: {  	vm1 =	vgt.s32 v0, $0x0;
	s15 =	sadd.s32 $0x10, s15;
	v2 =	vmov v0;
	(ifvalue) =	ssetifvalue $0x7FFFFFFF;
	v0 =	vld.msk [tilespmem:s16+$0x0 ss:$0x1], $0xffff  }
.Ltmp4:
0x3b: {  	_ = 	snop;
	(pc) =	sbr.rel .LBB2_4-.Ltmp4, $1  }
0x3c: {  	_ =	sdelay $0x3  }
.LBB2_6:
0x3d: {  	_ =	sfence.sel $0x180000  }
0x3e: {  	s2 =	simm.s32 $0x2;
	[bflag:$0x0] =	sbarrier.arrive $0xFFFF  }
0x3f: {  	s30 =	simm.s32 $0x3;
	[sflag:s2] =	ssyncpa.u1 $0x1  }
0x40: {  	s31 =	simm.s32 $0x1;
	[sflag:s30] =	ssyncpa.u1 $0x1  }
0x41: {  	[sflag:s31] =	ssyncpa.u1 $0x1  }
0x42: {  	p0 =	sne.s32 s1, $0x0;
	_ =	strace $0x90000047  }
0x43: {  	s0 =	sadd.s32 @!p0 $0x100000, s0;
	[bflag:$0x2] =	sbarrier.arrive $0xFFFF  }
0x44: {  	[sflag:s0] =	ssyncadd.tile.s32 @!p0 $0x1;
	_ =	shalt  }
.Lfunc_end2:
_tile_overlayer_lowered:
.L_overlay_start_2:
0x45: {  	(tag) =	ssettag $0x2  }
0x46: {  	s0 =	rddreg [dreg:$0x0];
	s2 =	stileid.u32  }
0x47: {  	s1 =	rddreg [dreg:$0x1];
	p0 =	sne.s32 s2, $0x0  }
0x48: {  	s3 =	rddreg [dreg:$0x2];
	[bflag:$0x3] =	sbarrier.arrive $0xFFFF;
	s2 =	simm.s32 @!p0 $0x1C01  }
0x49: {  	[timem:s3], [sflag:s2] =	dma.local @!p0 [hbm:s0], s1  }
0x4a: {  	s0 =	simm.s32 @!p0 $0x1  }
0x4b: {  	_ =	swait.ge @!p0 [sflag:s0], s1  }
0x4c: {  	s1 =	ssub.s32 @!p0 $0x0, s1;
	[sflag:s0] =	ssyncset.done @!p0 $0x0  }
0x4d: {  	[sflag:s0] =	ssyncadd.s32 @!p0 s1  }
0x4e: {  	[bflag:$0x3] =	sbarrier.arrive $0xFFFF  }
0x4f: {  	_ =	shalt  }

// kernel: kernel.10.cloned.1.call-start
scs
__scs_entry_jumppad:
0x0: {  	(pc) =	sbr.rel $0x88, $3  }
0x1: {  	(tag) =	ssettag $0x0;
	lr =	simm.s32 $0x1  }
0x2: {  	[smem:$0x3F93] =	sst lr;
	_ =	strace $0xD0000000  }
0x3: {  	_ = 	snop  }
0x4: {  	_ = 	snop  }
0x5: {  	_ = 	snop  }
0x6: {  	_ = 	snop  }
0x7: {  	_ = 	snop  }
__scs_overlays_trampoline_lowered:
0x8: {  	[smem:$0x3FA2] =	sst s0  }
0x9: {  	[smem:$0x3FA3] =	sst s1  }
0xa: {  	[smem:$0x3FA4] =	sst s2  }
0xb: {  	[smem:$0x3FA5] =	sst s3  }
0xc: {  	[smem:$0x3FA6] =	sst s4  }
0xd: {  	[smem:$0x3FA7] =	sst s5  }
0xe: {  	[smem:$0x3FA8] =	sst s6  }
0xf: {  	[smem:$0x3FA9] =	sst s7  }
0x10: {  	[smem:$0x3FAA] =	sst s8  }
0x11: {  	[smem:$0x3FAB] =	sst s9;
	s0 =	simm.s32 @!p0 $0x0  }
0x12: {  	s1 =	sld [smem:$0x3F91];
	s0 =	simm.s32 @p0 $0x1  }
0x13: {  	[smem:$0x3FAC] =	sst s0;
	s0 =	simm.s32 @!p1 $0x0  }
0x14: {  	s2 =	sld [smem:$0x3F90];
	s0 =	simm.s32 @p1 $0x1  }
0x15: {  	[smem:$0x3FAD] =	sst s0;
	s0 =	simm.s32 @!p2 $0x0  }
0x16: {  	s3 =	sld [smem:$0x3FDB];
	s0 =	simm.s32 @p2 $0x1  }
0x17: {  	s4 =	simm.s32 $0x1BF5;
	[smem:$0x3FAF] =	sst s0  }
0x18: {  	s0 =	sld [smem:$0x3F92];
	_ =	swait.ge [sflag:s4], $0x0  }
0x19: {  	s7 =	sld [smem:$0x3F93]  }
0x1a: {  	s8 =	sadd.s32 $0xFFFFE003, lr  }
0x1b: {  	s9 =	sadd.s32 $0xFFFFFEF7, lr;
	s5 =	simm.s32 $0xFFFFFFFF;
	p2 =	slt.u32 s8, $0xFFFFF086  }
0x1c: {  	p1 =	slt.u32 s9, $0xF7A;
	s5 =	simm.s32 @!p2 $0x0  }
0x1d: {  	s5 =	simm.s32 @p1 $0x1;
	p0 =	seq.s32 s7, s2  }
0x1e: {  	s7 =	smul.u32 @!p0 $0xF7A, s2;
	p2 =	seq.s32 @!p0 s5, $0x0  }
0x1f: {  	s9 =	smul.u32 $0xF7A, s1;
	s8 =	simm.s32 @!p0 $0x1BF5;
	p2 =	por !p2, p0  }
0x20: {  	[sflag:s8] =	ssyncset.s32 @!p0 $0xFFFFF086;
	s6 =	sadd.s32 @!p0 s3, s7;
	s7 =	simm.s32 @!p0 $0x108  }
0x21: {  	s3 =	sadd.s32 s3, s9;
	s6 =	sadd.s32 @!p0 $0x88, s6;
	s7 =	simm.s32 @p2 $0x1082  }
0x22: {  	[simem:s7], [sflag:s8] =	dma.local @!p0 [hbm:s6], $0xF7A  }
0x23: {  	s9 =	sor.u32 $0xD0000000, s2;
	s6 =	simm.s32 $0x108;
	_ =	swait.ge @!p0 [sflag:s8], $0x0  }
0x24: {  	s3 =	sadd.s32 $0x88, s3;
	s6 =	simm.s32 @!p1 $0x1082;
	[sflag:s4] =	ssyncset.s32 $0xFFFFF086  }
0x25: {  	[simem:s6], [sflag:s4] =	dma.local [hbm:s3], $0xF7A  }
0x26: {  	[smem:$0x3F93] =	sst s1;
	(tag) =	ssettag s2;
	_ =	strace s9  }
0x27: {  	s1 =	sld [smem:$0x3FA3]  }
0x28: {  	s2 =	sld [smem:$0x3FA4]  }
0x29: {  	s4 =	sld [smem:$0x3FA6]  }
0x2a: {  	p0 =	seq.s32 s5, $0x0;
	s5 =	sld [smem:$0x3FA7]  }
0x2b: {  	s6 =	sld [smem:$0x3FA8]  }
0x2c: {  	s7 =	sld [smem:$0x3FA9]  }
0x2d: {  	s3 =	simm.s32 $0x108;
	s8 =	sld [smem:$0x3FAA]  }
0x2e: {  	s3 =	simm.s32 @!p0 $0x1082;
	s9 =	sld [smem:$0x3FAB]  }
0x2f: {  	lr =	sadd.s32 s0, s3;
	s0 =	sld [smem:$0x3FA2]  }
0x30: {  	s3 =	sld [smem:$0x3FA5]  }
0x31: {  	[smem:$0x3FAE] =	sst s10  }
0x32: {  	s10 =	sld [smem:$0x3FAC];
	_ =	sdelay $0x3  }
0x33: {  	p0 =	seq.s32 s10, $0x1;
	s10 =	sld [smem:$0x3FAE];
	_ =	sdelay $0x3  }
0x34: {  	[smem:$0x3FAE] =	sst s10  }
0x35: {  	s10 =	sld [smem:$0x3FAD];
	_ =	sdelay $0x3  }
0x36: {  	p1 =	seq.s32 s10, $0x1;
	s10 =	sld [smem:$0x3FAE];
	_ =	sdelay $0x3  }
0x37: {  	[smem:$0x3FAE] =	sst s10  }
0x38: {  	s10 =	sld [smem:$0x3FAF]  }
0x39: {  	_ = 	snop;
	(pc) =	sbr.ind lr, $3  }
0x3a: {  	_ = 	snop  }
0x3b: {  	_ = 	snop  }
0x3c: {  	p2 =	seq.s32 s10, $0x1;
	s10 =	sld [smem:$0x3FAE]  }
0x3d: {  	_ =	shalt  }
0x3e: {  	_ =	shalt  }
0x3f: {  	_ =	shalt  }
0x40: {  	_ =	shalt  }
0x41: {  	_ =	shalt  }
0x42: {  	_ =	shalt  }
0x43: {  	_ =	shalt  }
0x44: {  	_ =	shalt  }
0x45: {  	_ =	shalt  }
0x46: {  	_ =	shalt  }
0x47: {  	_ =	shalt  }
0x48: {  	_ =	shalt  }
0x49: {  	_ =	shalt  }
0x4a: {  	_ =	shalt  }
0x4b: {  	_ =	shalt  }
0x4c: {  	_ =	shalt  }
0x4d: {  	_ =	shalt  }
0x4e: {  	_ =	shalt  }
0x4f: {  	_ =	shalt  }
0x50: {  	_ =	shalt  }
0x51: {  	_ =	shalt  }
0x52: {  	_ =	shalt  }
0x53: {  	_ =	shalt  }
0x54: {  	_ =	shalt  }
0x55: {  	_ =	shalt  }
0x56: {  	_ =	shalt  }
0x57: {  	_ =	shalt  }
0x58: {  	_ =	shalt  }
0x59: {  	_ =	shalt  }
0x5a: {  	_ =	shalt  }
0x5b: {  	_ =	shalt  }
0x5c: {  	_ =	shalt  }
0x5d: {  	_ =	shalt  }
0x5e: {  	_ =	shalt  }
0x5f: {  	_ =	shalt  }
0x60: {  	_ =	shalt  }
0x61: {  	_ =	shalt  }
0x62: {  	_ =	shalt  }
0x63: {  	_ =	shalt  }
0x64: {  	_ =	shalt  }
0x65: {  	_ =	shalt  }
0x66: {  	_ =	shalt  }
0x67: {  	_ =	shalt  }
0x68: {  	_ =	shalt  }
0x69: {  	_ =	shalt  }
0x6a: {  	_ =	shalt  }
0x6b: {  	_ =	shalt  }
0x6c: {  	_ =	shalt  }
0x6d: {  	_ =	shalt  }
0x6e: {  	_ =	shalt  }
0x6f: {  	_ =	shalt  }
0x70: {  	_ =	shalt  }
0x71: {  	_ =	shalt  }
0x72: {  	_ =	shalt  }
0x73: {  	_ =	shalt  }
0x74: {  	_ =	shalt  }
0x75: {  	_ =	shalt  }
0x76: {  	_ =	shalt  }
0x77: {  	_ =	shalt  }
0x78: {  	_ =	shalt  }
0x79: {  	_ =	shalt  }
0x7a: {  	_ =	shalt  }
0x7b: {  	_ =	shalt  }
0x7c: {  	_ =	shalt  }
0x7d: {  	_ =	shalt  }
0x7e: {  	_ =	shalt  }
0x7f: {  	_ =	shalt  }
0x80: {  	_ =	shalt  }
0x81: {  	_ =	shalt  }
0x82: {  	_ =	shalt  }
0x83: {  	_ =	shalt  }
0x84: {  	_ =	shalt  }
0x85: {  	_ =	shalt  }
0x86: {  	_ =	shalt  }
0x87: {  	_ =	shalt  }
.Lfunc_end0:
.L_simem_size_0:
called_computation.2_lowered:
.L_overlay_start_0:
0x88: {  	s2 =	sld [smem:$0x3FD9]  }
0x89: {  	s3 =	sld [smem:$0x3FFE];
	_ =	sdelay $0x1  }
0x8a: {  	s1 =	srdreg.scid  }
0x8b: {  	s0 =	sand.u32 $0x1, s1  }
0x8c: {  	s17 =	sshll.u32 s0, $0xA;
	s2 =	sadd.s32 s3, s2  }
0x8d: {  	s2 =	sadd.s32 s2, s17  }
0x8e: {  	[smem:$0x3FBA] =	sst s2  }
0x8f: {  	_ = 	snop  }
0x90: {  	s2 =	sld [smem:$0x3FD0];
	(tm) =	ssettm $0x1  }
0x91: {  	s18 =	sld [smem:$0x3FFB];
	_ =	sdelay $0x3  }
0x92: {  	_ =	strace s18  }
0x93: {  	s3 =	sld [smem:$0x3FFC];
	_ =	sdelay $0x3  }
0x94: {  	_ =	strace s3  }
0x95: {  	s3 =	sld [smem:$0x3FFD];
	_ =	sdelay $0x3  }
0x96: {  	_ =	strace s3  }
0x97: {  	_ =	strace $0x8FFFFFFF  }
0x98: {  	s19 =	sld [smem:$0x3FDB];
	_ =	sdelay $0x1  }
0x99: {  	s4 =	simm.s32 $_scs_section_size  }
0x9a: {  	s5 =	simm.s32 $_size__tile_overlayer_lowered;
	s6 =	simm.s32 $_tile_overlayer_lowered  }
0x9b: {  	s22 =	simm.s32 $0x1BFF;
	s21 =	sshll.u32 s6, $0x1;
	s3 =	sadd.s32 s4, s19  }
0x9c: {  	s7 =	simm.s32 $0x0;
	s20 =	sshll.u32 s5, $0x1;
	s5 =	sadd.s32 s21, s3  }
0x9d: {  	[timem:s7], [sflag:s22] =	dma.local [hbm:s5], s20  }
0x9e: {  	_ =	swait.ge [sflag:s22], s20  }
0x9f: {  	s4 =	ssub.s32 $0x0, s20;
	[sflag:s22] =	ssyncset.done $0x0  }
0xa0: {  	[sflag:s22] =	ssyncadd.s32 s4;
	_ =	sdelay $0x1  }
0xa1: {  	s23 =	simm.s32 $0x1B8B  }
0xa2: {  	_ =	swait.ge [sflag:s23], $0x1  }
0xa3: {  	[sflag:s23] =	ssyncset.done $0x0  }
0xa4: {  	s25 =	simm.s32 $0x1B8E;
	s24 =	sld [smem:$0x3FFE];
	[sflag:s23] =	ssyncadd.s32 $0xFFFFFFFF  }
0xa5: {  	s26 =	simm.s32 $execute0_lowered;
	[smem:$0x3FD2] =	sst s25  }
0xa6: {  	s5 =	sshll.u32 s26, $0x1;
	_ =	strace $0x8000004C;
	[dreg:$0x1] =	wrdreg $0xFFFFFFFF  }
0xa7: {  	s28 =	simm.s32 $_size_execute0_lowered;
	s3 =	sadd.s32 s3, s5;
	[dreg:$0x0] =	wrdreg $0x0  }
0xa8: {  	s5 =	sshll.u32 s28, $0x1;
	[dreg:$0x2] =	wrdreg s3  }
0xa9: {  	[dreg:$0x3] =	wrdreg s5  }
0xaa: {  	[dreg:$0x4] =	wrdreg $0xC0  }
0xab: {  	_ =	task [dreg:s7], $0x5FFFF  }
0xac: {  	[dreg:$0x1] =	wrdreg $0xFFFFFFFF  }
0xad: {  	[dreg:$0x0] =	wrdreg $0x60  }
0xae: {  	[dreg:$0x2] =	wrdreg s24  }
0xaf: {  	[dreg:$0x3] =	wrdreg s2  }
0xb0: {  	[dreg:$0x4] =	wrdreg $0x81000  }
0xb1: {  	[dreg:$0x5] =	wrdreg $0x9  }
0xb2: {  	_ =	task.clear_ibuf [dreg:s7], $0x6FFFF;
	_ =	strace $0x9000004C  }
0xb3: {  	s29 =	simm.s32 $0x9;
	_ =	strace $0x8000004E  }
0xb4: {  	_ =	swait.ge [sflag:s29], $0x1  }
0xb5: {  	[sflag:s29] =	ssyncadd.s32 $0xFFFFFFFF  }
0xb6: {  	_ =	strace $0x9000004E  }
0xb7: {  	_ =	sfence  }
0xb8: {  	s30 =	sld [smem:$0x0];
	_ =	sdelay $0x2  }
0xb9: {  	s31 =	sshll.u32 s1, $0xD;
	s1 =	sshrl.u32 s1, $0x2  }
0xba: {  	s3 =	sand.u32 $0x4000, s31;
	s1 =	sadd.s32 s1, s30  }
0xbb: {  	s0 =	sor.u32 s3, s0;
	s1 =	sshll.u32 s1, $0x11  }
0xbc: {  	s0 =	sor.u32 s1, s0  }
0xbd: {  	s0 =	sadd.s32 $0x8F2B, s0  }
0xbe: {  	[sflag:s0] =	ssyncadd.remote.s32 $0x1  }
0xbf: {  	_ =	sfence.sel $0xFFFF  }
0xc0: {  	[dreg:$0x0] =	wrdreg $0xFFFFFFFF;
	(pc) =	sbr.abs _section_cstart, $3  }
0xc1: {  	[dreg:$0x1] =	wrdreg $0xFFFFFFFF  }
0xc2: {  	_ =	task.clear_ibuf [dreg:s7], $0x2FFFF;
	_ =	strace $0x9FFFFFFF  }
0xc3: {  	(tm) =	ssettm $0x7FFFFFFF  }
tec
execute0_lowered:
.L_overlay_start_1:
0x0: {  	(tag) =	ssettag $0x1  }
0x1: {  	s0 =	rddreg [dreg:$0x0]  }
0x2: {  	s1 =	rddreg [dreg:$0x1]  }
0x3: {  	s2 =	rddreg [dreg:$0x2]  }
0x4: {  	s6 =	stileid.u32;
	s3 =	srdreg.scid  }
0x5: {  	s10 =	stileid.u32;
	s4 =	smul.u32 $0x2800, s6  }
0x6: {  	p0 =	por $0x0, $0x0;
	s5 =	sand.u32 $0x1, s3;
	s10 =	smul.u32 $0x50000, s10  }
0x7: {  	s6 =	sshll.u32 s6, $0x1;
	s3 =	simm.s32 $0x0;
	s7 =	smul.u32 $0x28000, s5  }
0x8: {  	s6 =	sor.u32 s5, s6;
	[smem:$0x7FF] =	sst s3;
	s5 =	ssub.s32 $0x2, s5  }
0x9: {  	s8 =	smul.u32 $0x500, s6;
	_ =	strace $0x8000004D;
	s9 =	sadd.s32 s4, s0  }
0xa: {  	s6 =	smul.u32 $0x5000, s6;
	s17 =	sshrl.u32 s5, $0x1;
	s10 =	sshrl.u32 s10, $0x2  }
0xb: {  	s20 =	sadd.s32 s4, s7;
	s14 =	sadd.s32 $0xA0000, s9;
	s7 =	ssub.s32 s5, s17  }
0xc: {  	s15 =	sshrl.u32 s8, $0x3;
	[dreg:$0x4] =	wrdreg s14;
	s6 =	sadd.s32 s0, s6  }
0xd: {  	s11 =	sadd.s32 $0x100, s8;
	s12 =	sadd.s32 $0x180, s8;
	s17 =	sadd.s32 $0x300, s8  }
0xe: {  	s4 =	sadd.s32 $0x400, s8;
	s16 =	sadd.s32 s1, s15;
	[dreg:$0x6] =	wrdreg s6  }
0xf: {  	s6 =	sor.u32 $0x80, s8;
	s19 =	sshrl.u32 s11, $0x3;
	s13 =	sshrl.u32 s12, $0x3  }
0x10: {  	s15 =	sadd.s32 $0x280, s8;
	s14 =	sshrl.u32 s17, $0x3;
	s26 =	sshrl.u32 s4, $0x3  }
0x11: {  	s11 =	sshll.u32 s11, $0x4;
	s12 =	sshll.u32 s12, $0x4;
	s17 =	sshll.u32 s17, $0x4  }
0x12: {  	s4 =	sshll.u32 s4, $0x4;
	[dreg:$0x5] =	wrdreg s16;
	s18 =	sshrl.u32 s6, $0x3  }
0x13: {  	s25 =	sadd.s32 s1, s19;
	s23 =	sadd.s32 s1, s13;
	s13 =	sadd.s32 $0x200, s8  }
0x14: {  	s22 =	sshrl.u32 s15, $0x3;
	s16 =	sadd.s32 s1, s14;
	s9 =	sadd.s32 s1, s26  }
0x15: {  	s6 =	sshll.u32 s6, $0x4;
	s30 =	sadd.s32 s0, s11;
	s29 =	sadd.s32 s0, s12  }
0x16: {  	s15 =	sshll.u32 s15, $0x4;
	s12 =	stileid.u32;
	s28 =	sadd.s32 s1, s18  }
0x17: {  	s21 =	sshrl.u32 s13, $0x3;
	s19 =	sadd.s32 s1, s22;
	s18 =	sadd.s32 $0x380, s8  }
0x18: {  	s8 =	sadd.s32 $0x480, s8;
	s31 =	sadd.s32 s0, s6;
	s13 =	sshll.u32 s13, $0x4  }
0x19: {  	s21 =	sadd.s32 s1, s21;
	s24 =	sshrl.u32 s18, $0x3;
	s22 =	sshrl.u32 s8, $0x3  }
0x1a: {  	s26 =	sadd.s32 s0, s13;
	s11 =	sshll.u32 s8, $0x4;
	s8 =	simm.s32 $0x3  }
0x1b: {  	s14 =	sadd.s32 s1, s24;
	s5 =	sadd.s32 s1, s22;
	s1 =	sadd.s32 s20, s0  }
0x1c: {  	s24 =	sadd.s32 s0, s15;
	s22 =	sadd.s32 s0, s17;
	s17 =	smax.u32 s7, $0x1  }
0x1d: {  	s20 =	sshll.u32 s18, $0x4;
	s18 =	sadd.s32 s0, s4;
	p1 =	sne.s32 s17, $0x1  }
.Ltmp0:
0x1e: {  	s13 =	sadd.s32 s0, s11;
	s15 =	sadd.s32 s10, s2;
	(pc) =	sbr.rel @!p1 .LBB2_3-.Ltmp0, $4  }
0x1f: {  	s10 =	simm.s32 $0x80;
	s11 =	simm.s32 $0x4100;
	s20 =	sadd.s32 s0, s20  }
0x20: {  	s0 =	sshll.u32 s12, $0x6;
	s6 =	sadd.s32 $0xC8000, s1;
	s7 =	sshrl.u32 s15, $0x3  }
0x21: {  	s15 =	simm.s32 $0x100;
	s12 =	simm.s32 $0x2;
	s1 =	rddreg [dreg:$0x4]  }
0x22: {  	s4 =	sor.u32 $0x1C03, s0;
	s0 =	sadd.s32 $0xFFFFFFFF, s17;
	s17 =	simm.s32 $0x1  }
0x23: {  	[spmem:s7], [sflag:s4] =	dma.local [hbm:s1], $0x2800  }
0x24: {  	_ =	swait.ge [sflag:s8], $0x2800  }
0x25: {  	[sflag:s8] =	ssyncset.done $0x0  }
0x26: {  	[sflag:s8] =	ssyncadd.s32 $0xFFFFD800  }
0x27: {  	[bflag:$0x0] =	sbarrier.arrive $0xFFFF  }
0x28: {  	s1 =	rddreg [dreg:$0x5]  }
0x29: {  	[dreg:$0x7] =	wrdreg s0  }
0x2a: {  	[tilespmem:s3], [sflag:$0x1] =	stream.linear.gather [hbm4b:s1+s3], $0x80, $0x38;
	[tilespmem:$0x1C100] =	vst v63  }
0x2b: {  	s0 =	rddreg [dreg:$0x6]  }
0x2c: {  	[tilespmem:s15], [sflag:$0x1] =	stream.linear.gather [hbm4b:s0+s3], $0x4000, $0x38;
	[tilespmem:$0x1C100] =	vst v63  }
0x2d: {  	_ = 	snop  }
0x2e: {  	[tilespmem:s10], [sflag:$0x2] =	stream.linear.gather [hbm4b:s28+s3], $0x80, $0x38;
	[tilespmem:$0x1C100] =	vst v63  }
0x2f: {  	_ = 	snop  }
0x30: {  	[tilespmem:s11], [sflag:$0x2] =	stream.linear.gather [hbm4b:s31+s3], $0x4000, $0x38;
	[tilespmem:$0x1C100] =	vst v63  }
0x31: {  	_ =	swait.ge [sflag:s17], $0x80  }
0x32: {  	[sflag:s17] =	ssyncset.done $0x0  }
0x33: {  	[sflag:s17] =	ssyncadd.s32 $0xFFFFFF80  }
0x34: {  	_ =	swait.ge [sflag:s17], $0x4000  }
0x35: {  	[sflag:s17] =	ssyncset.done $0x0  }
0x36: {  	[sflag:s17] =	ssyncadd.s32 $0xFFFFC000  }
0x37: {  	[spmem:s2] =	stream.indirect.scatter.add.f32 [tilespmem:s15], [sflag:$0x3], $0x80, s3, s10, $0xb8;
	[tilespmem:$0x1C100] =	vst v63  }
0x38: {  	_ =	swait.ge [sflag:s8], $0x4000  }
0x39: {  	[sflag:s8] =	ssyncset.done $0x0  }
0x3a: {  	[sflag:s8] =	ssyncadd.s32 $0xFFFFC000  }
0x3b: {  	[tilespmem:s3], [sflag:$0x1] =	stream.linear.gather [hbm4b:s25+s3], $0x80, $0x38;
	[tilespmem:$0x1C100] =	vst v63  }
0x3c: {  	_ = 	snop  }
0x3d: {  	[tilespmem:s15], [sflag:$0x1] =	stream.linear.gather [hbm4b:s30+s3], $0x4000, $0x38;
	[tilespmem:$0x1C100] =	vst v63  }
0x3e: {  	_ =	swait.ge [sflag:s12], $0x80  }
0x3f: {  	[sflag:s12] =	ssyncset.done $0x0  }
0x40: {  	[sflag:s12] =	ssyncadd.s32 $0xFFFFFF80  }
0x41: {  	_ =	swait.ge [sflag:s12], $0x4000  }
0x42: {  	[sflag:s12] =	ssyncset.done $0x0  }
0x43: {  	[sflag:s12] =	ssyncadd.s32 $0xFFFFC000  }
0x44: {  	[spmem:s2] =	stream.indirect.scatter.add.f32 [tilespmem:s11], [sflag:$0x3], $0x80, s10, s10, $0xb8;
	[tilespmem:$0x1C100] =	vst v63  }
0x45: {  	_ =	swait.ge [sflag:s8], $0x4000  }
0x46: {  	[sflag:s8] =	ssyncset.done $0x0  }
0x47: {  	[sflag:s8] =	ssyncadd.s32 $0xFFFFC000  }
0x48: {  	[tilespmem:s10], [sflag:$0x2] =	stream.linear.gather [hbm4b:s23+s3], $0x80, $0x38;
	[tilespmem:$0x1C100] =	vst v63  }
0x49: {  	_ = 	snop  }
0x4a: {  	[tilespmem:s11], [sflag:$0x2] =	stream.linear.gather [hbm4b:s29+s3], $0x4000, $0x38;
	[tilespmem:$0x1C100] =	vst v63  }
0x4b: {  	_ =	swait.ge [sflag:s17], $0x80  }
0x4c: {  	[sflag:s17] =	ssyncset.done $0x0  }
0x4d: {  	[sflag:s17] =	ssyncadd.s32 $0xFFFFFF80  }
0x4e: {  	_ =	swait.ge [sflag:s17], $0x4000  }
0x4f: {  	[sflag:s17] =	ssyncset.done $0x0  }
0x50: {  	[sflag:s17] =	ssyncadd.s32 $0xFFFFC000  }
0x51: {  	[spmem:s2] =	stream.indirect.scatter.add.f32 [tilespmem:s15], [sflag:$0x3], $0x80, s3, s10, $0xb8;
	[tilespmem:$0x1C100] =	vst v63  }
0x52: {  	_ =	swait.ge [sflag:s8], $0x4000  }
0x53: {  	[sflag:s8] =	ssyncset.done $0x0  }
0x54: {  	[sflag:s8] =	ssyncadd.s32 $0xFFFFC000  }
0x55: {  	[tilespmem:s3], [sflag:$0x1] =	stream.linear.gather [hbm4b:s21+s3], $0x80, $0x38;
	[tilespmem:$0x1C100] =	vst v63  }
0x56: {  	_ = 	snop  }
0x57: {  	[tilespmem:s15], [sflag:$0x1] =	stream.linear.gather [hbm4b:s26+s3], $0x4000, $0x38;
	[tilespmem:$0x1C100] =	vst v63  }
0x58: {  	_ =	swait.ge [sflag:s12], $0x80  }
0x59: {  	[sflag:s12] =	ssyncset.done $0x0  }
0x5a: {  	[sflag:s12] =	ssyncadd.s32 $0xFFFFFF80  }
0x5b: {  	_ =	swait.ge [sflag:s12], $0x4000  }
0x5c: {  	[sflag:s12] =	ssyncset.done $0x0  }
0x5d: {  	[sflag:s12] =	ssyncadd.s32 $0xFFFFC000  }
0x5e: {  	[spmem:s2] =	stream.indirect.scatter.add.f32 [tilespmem:s11], [sflag:$0x3], $0x80, s10, s10, $0xb8;
	[tilespmem:$0x1C100] =	vst v63  }
0x5f: {  	_ =	swait.ge [sflag:s8], $0x4000  }
0x60: {  	[sflag:s8] =	ssyncset.done $0x0  }
0x61: {  	[sflag:s8] =	ssyncadd.s32 $0xFFFFC000  }
0x62: {  	[tilespmem:s10], [sflag:$0x2] =	stream.linear.gather [hbm4b:s19+s3], $0x80, $0x38;
	[tilespmem:$0x1C100] =	vst v63  }
0x63: {  	_ = 	snop  }
0x64: {  	[tilespmem:s11], [sflag:$0x2] =	stream.linear.gather [hbm4b:s24+s3], $0x4000, $0x38;
	[tilespmem:$0x1C100] =	vst v63  }
0x65: {  	_ =	swait.ge [sflag:s17], $0x80  }
0x66: {  	[sflag:s17] =	ssyncset.done $0x0  }
0x67: {  	[sflag:s17] =	ssyncadd.s32 $0xFFFFFF80  }
0x68: {  	_ =	swait.ge [sflag:s17], $0x4000  }
0x69: {  	[sflag:s17] =	ssyncset.done $0x0  }
0x6a: {  	[sflag:s17] =	ssyncadd.s32 $0xFFFFC000  }
0x6b: {  	[spmem:s2] =	stream.indirect.scatter.add.f32 [tilespmem:s15], [sflag:$0x3], $0x80, s3, s10, $0xb8;
	[tilespmem:$0x1C100] =	vst v63  }
0x6c: {  	_ =	swait.ge [sflag:s8], $0x4000  }
0x6d: {  	[sflag:s8] =	ssyncset.done $0x0  }
0x6e: {  	[sflag:s8] =	ssyncadd.s32 $0xFFFFC000  }
0x6f: {  	[tilespmem:s3], [sflag:$0x1] =	stream.linear.gather [hbm4b:s16+s3], $0x80, $0x38;
	[tilespmem:$0x1C100] =	vst v63  }
0x70: {  	_ = 	snop  }
0x71: {  	[tilespmem:s15], [sflag:$0x1] =	stream.linear.gather [hbm4b:s22+s3], $0x4000, $0x38;
	[tilespmem:$0x1C100] =	vst v63  }
0x72: {  	_ =	swait.ge [sflag:s12], $0x80  }
0x73: {  	[sflag:s12] =	ssyncset.done $0x0  }
0x74: {  	[sflag:s12] =	ssyncadd.s32 $0xFFFFFF80  }
0x75: {  	_ =	swait.ge [sflag:s12], $0x4000  }
0x76: {  	[sflag:s12] =	ssyncset.done $0x0  }
0x77: {  	[sflag:s12] =	ssyncadd.s32 $0xFFFFC000  }
0x78: {  	[spmem:s2] =	stream.indirect.scatter.add.f32 [tilespmem:s11], [sflag:$0x3], $0x80, s10, s10, $0xb8;
	[tilespmem:$0x1C100] =	vst v63  }
0x79: {  	_ =	swait.ge [sflag:s8], $0x4000  }
0x7a: {  	[sflag:s8] =	ssyncset.done $0x0  }
0x7b: {  	[sflag:s8] =	ssyncadd.s32 $0xFFFFC000  }
0x7c: {  	[tilespmem:s10], [sflag:$0x2] =	stream.linear.gather [hbm4b:s14+s3], $0x80, $0x38;
	[tilespmem:$0x1C100] =	vst v63  }
0x7d: {  	_ = 	snop  }
0x7e: {  	[tilespmem:s11], [sflag:$0x2] =	stream.linear.gather [hbm4b:s20+s3], $0x4000, $0x38;
	[tilespmem:$0x1C100] =	vst v63  }
0x7f: {  	_ =	swait.ge [sflag:s17], $0x80  }
0x80: {  	[sflag:s17] =	ssyncset.done $0x0  }
0x81: {  	[sflag:s17] =	ssyncadd.s32 $0xFFFFFF80  }
0x82: {  	_ =	swait.ge [sflag:s17], $0x4000  }
0x83: {  	[sflag:s17] =	ssyncset.done $0x0  }
0x84: {  	[sflag:s17] =	ssyncadd.s32 $0xFFFFC000  }
0x85: {  	[spmem:s2] =	stream.indirect.scatter.add.f32 [tilespmem:s15], [sflag:$0x3], $0x80, s3, s10, $0xb8;
	[tilespmem:$0x1C100] =	vst v63  }
0x86: {  	_ =	swait.ge [sflag:s8], $0x4000  }
0x87: {  	[sflag:s8] =	ssyncset.done $0x0  }
0x88: {  	[sflag:s8] =	ssyncadd.s32 $0xFFFFC000  }
0x89: {  	[tilespmem:s3], [sflag:$0x1] =	stream.linear.gather [hbm4b:s9+s3], $0x80, $0x38;
	[tilespmem:$0x1C100] =	vst v63  }
0x8a: {  	_ = 	snop  }
0x8b: {  	[tilespmem:s15], [sflag:$0x1] =	stream.linear.gather [hbm4b:s18+s3], $0x4000, $0x38;
	[tilespmem:$0x1C100] =	vst v63  }
0x8c: {  	_ =	swait.ge [sflag:s12], $0x80  }
0x8d: {  	[sflag:s12] =	ssyncset.done $0x0  }
0x8e: {  	[sflag:s12] =	ssyncadd.s32 $0xFFFFFF80  }
0x8f: {  	_ =	swait.ge [sflag:s12], $0x4000  }
0x90: {  	[sflag:s12] =	ssyncset.done $0x0  }
0x91: {  	[sflag:s12] =	ssyncadd.s32 $0xFFFFC000  }
0x92: {  	[spmem:s2] =	stream.indirect.scatter.add.f32 [tilespmem:s11], [sflag:$0x3], $0x80, s10, s10, $0xb8;
	[tilespmem:$0x1C100] =	vst v63  }
0x93: {  	_ =	swait.ge [sflag:s8], $0x4000  }
0x94: {  	[sflag:s8] =	ssyncset.done $0x0  }
0x95: {  	[sflag:s8] =	ssyncadd.s32 $0xFFFFC000  }
0x96: {  	[tilespmem:s10], [sflag:$0x2] =	stream.linear.gather [hbm4b:s5+s3], $0x80, $0x38;
	[tilespmem:$0x1C100] =	vst v63  }
0x97: {  	_ = 	snop  }
0x98: {  	[tilespmem:s11], [sflag:$0x2] =	stream.linear.gather [hbm4b:s13+s3], $0x4000, $0x38;
	[tilespmem:$0x1C100] =	vst v63  }
0x99: {  	_ =	swait.ge [sflag:s17], $0x80  }
0x9a: {  	[sflag:s17] =	ssyncset.done $0x0  }
0x9b: {  	[sflag:s17] =	ssyncadd.s32 $0xFFFFFF80  }
0x9c: {  	_ =	swait.ge [sflag:s17], $0x4000  }
0x9d: {  	[sflag:s17] =	ssyncset.done $0x0  }
0x9e: {  	[sflag:s17] =	ssyncadd.s32 $0xFFFFC000  }
0x9f: {  	[spmem:s2] =	stream.indirect.scatter.add.f32 [tilespmem:s15], [sflag:$0x3], $0x80, s3, s10, $0xb8;
	[tilespmem:$0x1C100] =	vst v63  }
0xa0: {  	_ =	swait.ge [sflag:s8], $0x4000  }
0xa1: {  	[sflag:s8] =	ssyncset.done $0x0  }
0xa2: {  	[sflag:s8] =	ssyncadd.s32 $0xFFFFC000  }
0xa3: {  	_ =	swait.ge [sflag:s12], $0x80  }
0xa4: {  	[sflag:s12] =	ssyncset.done $0x0  }
0xa5: {  	[sflag:s12] =	ssyncadd.s32 $0xFFFFFF80  }
0xa6: {  	_ =	swait.ge [sflag:s12], $0x4000  }
0xa7: {  	[sflag:s12] =	ssyncset.done $0x0  }
0xa8: {  	[sflag:s12] =	ssyncadd.s32 $0xFFFFC000  }
0xa9: {  	[spmem:s2] =	stream.indirect.scatter.add.f32 [tilespmem:s11], [sflag:$0x3], $0x80, s10, s10, $0xb8;
	[tilespmem:$0x1C100] =	vst v63  }
0xaa: {  	_ =	swait.ge [sflag:s8], $0x4000  }
0xab: {  	[sflag:s8] =	ssyncset.done $0x0  }
0xac: {  	[sflag:s8] =	ssyncadd.s32 $0xFFFFC000  }
0xad: {  	[bflag:$0x0] =	sbarrier.arrive $0xFFFF  }
0xae: {  	[hbm:s6], [sflag:s4] =	dma.local [spmem:s7], $0x2800  }
0xaf: {  	s1 =	rddreg [dreg:$0x7]  }
0xb0: {  	p1 =	sne.s32 s1, $0x1  }
.Ltmp1:
0xb1: {  	_ = 	snop;
	(pc) =	sbr.rel @!p1 .LBB2_3-.Ltmp1, $3  }
0xb2: {  	_ =	sdelay $0x1  }
0xb3: {  	p0 =	por $0x1, $0x1;
	_ =	swait.ge [sflag:s8], $0x2800  }
0xb4: {  	s0 =	sadd.s32 $0xFFFFFFFF, s1;
	s1 =	rddreg [dreg:$0x4];
	[sflag:s8] =	ssyncset.done $0x0  }
.LBB2_2:
0xb5: {  	[sflag:s8] =	ssyncadd.s32 $0xFFFFD800;
	s11 =	smov.u32 s2  }
0xb6: {  	[spmem:s7], [sflag:s4] =	dma.local [hbm:s1], $0x2800  }
0xb7: {  	s2 =	smov.u32 s7;
	s7 =	smov.u32 s4;
	s4 =	smov.u32 s31  }
0xb8: {  	s31 =	smov.u32 s30;
	s30 =	smov.u32 s29;
	s29 =	smov.u32 s28  }
0xb9: {  	s28 =	smov.u32 s26;
	s26 =	smov.u32 s25;
	s25 =	smov.u32 s24  }
0xba: {  	s24 =	smov.u32 s23;
	s23 =	smov.u32 s22;
	_ =	swait.ge [sflag:s8], $0x2800  }
0xbb: {  	s22 =	smov.u32 s21;
	s21 =	smov.u32 s20;
	[sflag:s8] =	ssyncset.done $0x0  }
0xbc: {  	s20 =	smov.u32 s19;
	s19 =	smov.u32 s18;
	[sflag:s8] =	ssyncadd.s32 $0xFFFFD800  }
0xbd: {  	s18 =	smov.u32 s16;
	s16 =	smov.u32 s14;
	[bflag:$0x0] =	sbarrier.arrive $0xFFFF  }
0xbe: {  	s14 =	smov.u32 s13;
	s13 =	smov.u32 s9;
	s1 =	rddreg [dreg:$0x5]  }
0xbf: {  	[tilespmem:s3], [sflag:$0x1] =	stream.linear.gather [hbm4b:s1+s3], $0x80, $0x38;
	[tilespmem:$0x1C100] =	vst v63  }
0xc0: {  	s9 =	smov.u32 s6;
	s6 =	smov.u32 s5;
	s5 =	rddreg [dreg:$0x6]  }
0xc1: {  	[tilespmem:s15], [sflag:$0x1] =	stream.linear.gather [hbm4b:s5+s3], $0x4000, $0x38;
	[tilespmem:$0x1C100] =	vst v63  }
0xc2: {  	s5 =	smov.u32 s6;
	s6 =	smov.u32 s9  }
0xc3: {  	s9 =	smov.u32 s13;
	s13 =	smov.u32 s14;
	s14 =	smov.u32 s16  }
0xc4: {  	s16 =	smov.u32 s18;
	s18 =	smov.u32 s19;
	s19 =	smov.u32 s20  }
0xc5: {  	s20 =	smov.u32 s21;
	s21 =	smov.u32 s22;
	s22 =	smov.u32 s23  }
0xc6: {  	s23 =	smov.u32 s24;
	s24 =	smov.u32 s25;
	s25 =	smov.u32 s26  }
0xc7: {  	s26 =	smov.u32 s28;
	s28 =	smov.u32 s29;
	s29 =	smov.u32 s30  }
0xc8: {  	s30 =	smov.u32 s31;
	s31 =	smov.u32 s4;
	s4 =	smov.u32 s7  }
0xc9: {  	[tilespmem:s10], [sflag:$0x2] =	stream.linear.gather [hbm4b:s28+s3], $0x80, $0x38;
	[tilespmem:$0x1C100] =	vst v63  }
0xca: {  	s7 =	smov.u32 s2;
	s2 =	smov.u32 s11;
	s11 =	simm.s32 $0x4100  }
0xcb: {  	[tilespmem:s11], [sflag:$0x2] =	stream.linear.gather [hbm4b:s31+s3], $0x4000, $0x38;
	[tilespmem:$0x1C100] =	vst v63  }
0xcc: {  	_ =	swait.ge [sflag:s17], $0x80  }
0xcd: {  	[sflag:s17] =	ssyncset.done $0x0  }
0xce: {  	[sflag:s17] =	ssyncadd.s32 $0xFFFFFF80  }
0xcf: {  	_ =	swait.ge [sflag:s17], $0x4000  }
0xd0: {  	[sflag:s17] =	ssyncset.done $0x0  }
0xd1: {  	[sflag:s17] =	ssyncadd.s32 $0xFFFFC000  }
0xd2: {  	[spmem:s2] =	stream.indirect.scatter.add.f32 [tilespmem:s15], [sflag:$0x3], $0x80, s3, s10, $0xb8;
	[tilespmem:$0x1C100] =	vst v63  }
0xd3: {  	_ =	swait.ge [sflag:s8], $0x4000  }
0xd4: {  	[sflag:s8] =	ssyncset.done $0x0  }
0xd5: {  	[sflag:s8] =	ssyncadd.s32 $0xFFFFC000  }
0xd6: {  	[tilespmem:s3], [sflag:$0x1] =	stream.linear.gather [hbm4b:s25+s3], $0x80, $0x38;
	[tilespmem:$0x1C100] =	vst v63  }
0xd7: {  	_ = 	snop  }
0xd8: {  	[tilespmem:s15], [sflag:$0x1] =	stream.linear.gather [hbm4b:s30+s3], $0x4000, $0x38;
	[tilespmem:$0x1C100] =	vst v63  }
0xd9: {  	_ =	swait.ge [sflag:s12], $0x80  }
0xda: {  	[sflag:s12] =	ssyncset.done $0x0  }
0xdb: {  	[sflag:s12] =	ssyncadd.s32 $0xFFFFFF80  }
0xdc: {  	_ =	swait.ge [sflag:s12], $0x4000  }
0xdd: {  	[sflag:s12] =	ssyncset.done $0x0  }
0xde: {  	[sflag:s12] =	ssyncadd.s32 $0xFFFFC000  }
0xdf: {  	[spmem:s2] =	stream.indirect.scatter.add.f32 [tilespmem:s11], [sflag:$0x3], $0x80, s10, s10, $0xb8;
	[tilespmem:$0x1C100] =	vst v63  }
0xe0: {  	_ =	swait.ge [sflag:s8], $0x4000  }
0xe1: {  	[sflag:s8] =	ssyncset.done $0x0  }
0xe2: {  	[sflag:s8] =	ssyncadd.s32 $0xFFFFC000  }
0xe3: {  	[tilespmem:s10], [sflag:$0x2] =	stream.linear.gather [hbm4b:s23+s3], $0x80, $0x38;
	[tilespmem:$0x1C100] =	vst v63  }
0xe4: {  	_ = 	snop  }
0xe5: {  	[tilespmem:s11], [sflag:$0x2] =	stream.linear.gather [hbm4b:s29+s3], $0x4000, $0x38;
	[tilespmem:$0x1C100] =	vst v63  }
0xe6: {  	_ =	swait.ge [sflag:s17], $0x80  }
0xe7: {  	[sflag:s17] =	ssyncset.done $0x0  }
0xe8: {  	[sflag:s17] =	ssyncadd.s32 $0xFFFFFF80  }
0xe9: {  	_ =	swait.ge [sflag:s17], $0x4000  }
0xea: {  	[sflag:s17] =	ssyncset.done $0x0  }
0xeb: {  	[sflag:s17] =	ssyncadd.s32 $0xFFFFC000  }
0xec: {  	[spmem:s2] =	stream.indirect.scatter.add.f32 [tilespmem:s15], [sflag:$0x3], $0x80, s3, s10, $0xb8;
	[tilespmem:$0x1C100] =	vst v63  }
0xed: {  	_ =	swait.ge [sflag:s8], $0x4000  }
0xee: {  	[sflag:s8] =	ssyncset.done $0x0  }
0xef: {  	[sflag:s8] =	ssyncadd.s32 $0xFFFFC000  }
0xf0: {  	[tilespmem:s3], [sflag:$0x1] =	stream.linear.gather [hbm4b:s21+s3], $0x80, $0x38;
	[tilespmem:$0x1C100] =	vst v63  }
0xf1: {  	_ = 	snop  }
0xf2: {  	[tilespmem:s15], [sflag:$0x1] =	stream.linear.gather [hbm4b:s26+s3], $0x4000, $0x38;
	[tilespmem:$0x1C100] =	vst v63  }
0xf3: {  	_ =	swait.ge [sflag:s12], $0x80  }
0xf4: {  	[sflag:s12] =	ssyncset.done $0x0  }
0xf5: {  	[sflag:s12] =	ssyncadd.s32 $0xFFFFFF80  }
0xf6: {  	_ =	swait.ge [sflag:s12], $0x4000  }
0xf7: {  	[sflag:s12] =	ssyncset.done $0x0  }
0xf8: {  	[sflag:s12] =	ssyncadd.s32 $0xFFFFC000  }
0xf9: {  	[spmem:s2] =	stream.indirect.scatter.add.f32 [tilespmem:s11], [sflag:$0x3], $0x80, s10, s10, $0xb8;
	[tilespmem:$0x1C100] =	vst v63  }
0xfa: {  	_ =	swait.ge [sflag:s8], $0x4000  }
0xfb: {  	[sflag:s8] =	ssyncset.done $0x0  }
0xfc: {  	[sflag:s8] =	ssyncadd.s32 $0xFFFFC000  }
0xfd: {  	[tilespmem:s10], [sflag:$0x2] =	stream.linear.gather [hbm4b:s19+s3], $0x80, $0x38;
	[tilespmem:$0x1C100] =	vst v63  }
0xfe: {  	_ = 	snop  }
0xff: {  	[tilespmem:s11], [sflag:$0x2] =	stream.linear.gather [hbm4b:s24+s3], $0x4000, $0x38;
	[tilespmem:$0x1C100] =	vst v63  }
0x100: {  	_ =	swait.ge [sflag:s17], $0x80  }
0x101: {  	[sflag:s17] =	ssyncset.done $0x0  }
0x102: {  	[sflag:s17] =	ssyncadd.s32 $0xFFFFFF80  }
0x103: {  	_ =	swait.ge [sflag:s17], $0x4000  }
0x104: {  	[sflag:s17] =	ssyncset.done $0x0  }
0x105: {  	[sflag:s17] =	ssyncadd.s32 $0xFFFFC000  }
0x106: {  	[spmem:s2] =	stream.indirect.scatter.add.f32 [tilespmem:s15], [sflag:$0x3], $0x80, s3, s10, $0xb8;
	[tilespmem:$0x1C100] =	vst v63  }
0x107: {  	_ =	swait.ge [sflag:s8], $0x4000  }
0x108: {  	[sflag:s8] =	ssyncset.done $0x0  }
0x109: {  	[sflag:s8] =	ssyncadd.s32 $0xFFFFC000  }
0x10a: {  	[tilespmem:s3], [sflag:$0x1] =	stream.linear.gather [hbm4b:s16+s3], $0x80, $0x38;
	[tilespmem:$0x1C100] =	vst v63  }
0x10b: {  	_ = 	snop  }
0x10c: {  	[tilespmem:s15], [sflag:$0x1] =	stream.linear.gather [hbm4b:s22+s3], $0x4000, $0x38;
	[tilespmem:$0x1C100] =	vst v63  }
0x10d: {  	_ =	swait.ge [sflag:s12], $0x80  }
0x10e: {  	[sflag:s12] =	ssyncset.done $0x0  }
0x10f: {  	[sflag:s12] =	ssyncadd.s32 $0xFFFFFF80  }
0x110: {  	_ =	swait.ge [sflag:s12], $0x4000  }
0x111: {  	[sflag:s12] =	ssyncset.done $0x0  }
0x112: {  	[sflag:s12] =	ssyncadd.s32 $0xFFFFC000  }
0x113: {  	[spmem:s2] =	stream.indirect.scatter.add.f32 [tilespmem:s11], [sflag:$0x3], $0x80, s10, s10, $0xb8;
	[tilespmem:$0x1C100] =	vst v63  }
0x114: {  	_ =	swait.ge [sflag:s8], $0x4000  }
0x115: {  	[sflag:s8] =	ssyncset.done $0x0  }
0x116: {  	[sflag:s8] =	ssyncadd.s32 $0xFFFFC000  }
0x117: {  	[tilespmem:s10], [sflag:$0x2] =	stream.linear.gather [hbm4b:s14+s3], $0x80, $0x38;
	[tilespmem:$0x1C100] =	vst v63  }
0x118: {  	_ = 	snop  }
0x119: {  	[tilespmem:s11], [sflag:$0x2] =	stream.linear.gather [hbm4b:s20+s3], $0x4000, $0x38;
	[tilespmem:$0x1C100] =	vst v63  }
0x11a: {  	_ =	swait.ge [sflag:s17], $0x80  }
0x11b: {  	[sflag:s17] =	ssyncset.done $0x0  }
0x11c: {  	[sflag:s17] =	ssyncadd.s32 $0xFFFFFF80  }
0x11d: {  	_ =	swait.ge [sflag:s17], $0x4000  }
0x11e: {  	[sflag:s17] =	ssyncset.done $0x0  }
0x11f: {  	[sflag:s17] =	ssyncadd.s32 $0xFFFFC000  }
0x120: {  	[spmem:s2] =	stream.indirect.scatter.add.f32 [tilespmem:s15], [sflag:$0x3], $0x80, s3, s10, $0xb8;
	[tilespmem:$0x1C100] =	vst v63  }
0x121: {  	_ =	swait.ge [sflag:s8], $0x4000  }
0x122: {  	[sflag:s8] =	ssyncset.done $0x0  }
0x123: {  	[sflag:s8] =	ssyncadd.s32 $0xFFFFC000  }
0x124: {  	[tilespmem:s3], [sflag:$0x1] =	stream.linear.gather [hbm4b:s9+s3], $0x80, $0x38;
	[tilespmem:$0x1C100] =	vst v63  }
0x125: {  	_ = 	snop  }
0x126: {  	[tilespmem:s15], [sflag:$0x1] =	stream.linear.gather [hbm4b:s18+s3], $0x4000, $0x38;
	[tilespmem:$0x1C100] =	vst v63  }
0x127: {  	_ =	swait.ge [sflag:s12], $0x80  }
0x128: {  	[sflag:s12] =	ssyncset.done $0x0  }
0x129: {  	[sflag:s12] =	ssyncadd.s32 $0xFFFFFF80  }
0x12a: {  	_ =	swait.ge [sflag:s12], $0x4000  }
0x12b: {  	[sflag:s12] =	ssyncset.done $0x0  }
0x12c: {  	[sflag:s12] =	ssyncadd.s32 $0xFFFFC000  }
0x12d: {  	[spmem:s2] =	stream.indirect.scatter.add.f32 [tilespmem:s11], [sflag:$0x3], $0x80, s10, s10, $0xb8;
	[tilespmem:$0x1C100] =	vst v63  }
0x12e: {  	_ =	swait.ge [sflag:s8], $0x4000  }
0x12f: {  	[sflag:s8] =	ssyncset.done $0x0  }
0x130: {  	[sflag:s8] =	ssyncadd.s32 $0xFFFFC000  }
0x131: {  	[tilespmem:s10], [sflag:$0x2] =	stream.linear.gather [hbm4b:s5+s3], $0x80, $0x38;
	[tilespmem:$0x1C100] =	vst v63  }
0x132: {  	_ = 	snop  }
0x133: {  	[tilespmem:s11], [sflag:$0x2] =	stream.linear.gather [hbm4b:s13+s3], $0x4000, $0x38;
	[tilespmem:$0x1C100] =	vst v63  }
0x134: {  	_ =	swait.ge [sflag:s17], $0x80  }
0x135: {  	[sflag:s17] =	ssyncset.done $0x0  }
0x136: {  	[sflag:s17] =	ssyncadd.s32 $0xFFFFFF80  }
0x137: {  	_ =	swait.ge [sflag:s17], $0x4000  }
0x138: {  	[sflag:s17] =	ssyncset.done $0x0  }
0x139: {  	[sflag:s17] =	ssyncadd.s32 $0xFFFFC000  }
0x13a: {  	[spmem:s2] =	stream.indirect.scatter.add.f32 [tilespmem:s15], [sflag:$0x3], $0x80, s3, s10, $0xb8;
	[tilespmem:$0x1C100] =	vst v63  }
0x13b: {  	_ =	swait.ge [sflag:s8], $0x4000  }
0x13c: {  	[sflag:s8] =	ssyncset.done $0x0  }
0x13d: {  	[sflag:s8] =	ssyncadd.s32 $0xFFFFC000  }
0x13e: {  	_ =	swait.ge [sflag:s12], $0x80  }
0x13f: {  	[sflag:s12] =	ssyncset.done $0x0  }
0x140: {  	[sflag:s12] =	ssyncadd.s32 $0xFFFFFF80  }
0x141: {  	_ =	swait.ge [sflag:s12], $0x4000  }
0x142: {  	[sflag:s12] =	ssyncset.done $0x0  }
0x143: {  	[sflag:s12] =	ssyncadd.s32 $0xFFFFC000  }
0x144: {  	[spmem:s2] =	stream.indirect.scatter.add.f32 [tilespmem:s11], [sflag:$0x3], $0x80, s10, s10, $0xb8;
	[tilespmem:$0x1C100] =	vst v63  }
0x145: {  	_ =	swait.ge [sflag:s8], $0x4000  }
0x146: {  	p1 =	sne.s32 s0, $0x1;
	[sflag:s8] =	ssyncset.done $0x0  }
.Ltmp2:
0x147: {  	[sflag:s8] =	ssyncadd.s32 $0xFFFFC000;
	(pc) =	sbr.rel @p1 .LBB2_2-.Ltmp2, $4  }
0x148: {  	[bflag:$0x0] =	sbarrier.arrive $0xFFFF  }
0x149: {  	[hbm:s6], [sflag:s4] =	dma.local [spmem:s7], $0x2800  }
0x14a: {  	_ =	swait.ge [sflag:s8], $0x2800  }
0x14b: {  	s0 =	sadd.s32 $0xFFFFFFFF, s0;
	s1 =	rddreg [dreg:$0x4];
	[sflag:s8] =	ssyncset.done $0x0  }
.LBB2_3:
0x14c: {  	[sflag:s8] =	ssyncadd.s32 @p0 $0xFFFFD800  }
0x14d: {  	[spmem:s7], [sflag:s4] =	dma.local [hbm:s1], $0x2800  }
0x14e: {  	_ =	swait.ge [sflag:s8], $0x2800  }
0x14f: {  	[sflag:s8] =	ssyncset.done $0x0  }
0x150: {  	[sflag:s8] =	ssyncadd.s32 $0xFFFFD800  }
0x151: {  	[bflag:$0x0] =	sbarrier.arrive $0xFFFF  }
0x152: {  	s0 =	rddreg [dreg:$0x5]  }
0x153: {  	[tilespmem:s3], [sflag:$0x1] =	stream.linear.gather [hbm4b:s0+s3], $0x80, $0x38;
	[tilespmem:$0x1C100] =	vst v63  }
0x154: {  	s1 =	rddreg [dreg:$0x6]  }
0x155: {  	[tilespmem:s15], [sflag:$0x1] =	stream.linear.gather [hbm4b:s1+s3], $0x4000, $0x38;
	[tilespmem:$0x1C100] =	vst v63  }
0x156: {  	_ = 	snop  }
0x157: {  	[tilespmem:s10], [sflag:$0x2] =	stream.linear.gather [hbm4b:s28+s3], $0x80, $0x38;
	[tilespmem:$0x1C100] =	vst v63  }
0x158: {  	_ = 	snop  }
0x159: {  	[tilespmem:s11], [sflag:$0x2] =	stream.linear.gather [hbm4b:s31+s3], $0x4000, $0x38;
	[tilespmem:$0x1C100] =	vst v63  }
0x15a: {  	_ =	swait.ge [sflag:s17], $0x80  }
0x15b: {  	[sflag:s17] =	ssyncset.done $0x0  }
0x15c: {  	[sflag:s17] =	ssyncadd.s32 $0xFFFFFF80  }
0x15d: {  	_ =	swait.ge [sflag:s17], $0x4000  }
0x15e: {  	[sflag:s17] =	ssyncset.done $0x0  }
0x15f: {  	[sflag:s17] =	ssyncadd.s32 $0xFFFFC000  }
0x160: {  	[spmem:s2] =	stream.indirect.scatter.add.f32 [tilespmem:s15], [sflag:$0x3], $0x80, s3, s10, $0xb8;
	[tilespmem:$0x1C100] =	vst v63  }
0x161: {  	_ =	swait.ge [sflag:s8], $0x4000  }
0x162: {  	[sflag:s8] =	ssyncset.done $0x0  }
0x163: {  	[sflag:s8] =	ssyncadd.s32 $0xFFFFC000  }
0x164: {  	[tilespmem:s3], [sflag:$0x1] =	stream.linear.gather [hbm4b:s25+s3], $0x80, $0x38;
	[tilespmem:$0x1C100] =	vst v63  }
0x165: {  	_ = 	snop  }
0x166: {  	[tilespmem:s15], [sflag:$0x1] =	stream.linear.gather [hbm4b:s30+s3], $0x4000, $0x38;
	[tilespmem:$0x1C100] =	vst v63  }
0x167: {  	_ =	swait.ge [sflag:s12], $0x80  }
0x168: {  	[sflag:s12] =	ssyncset.done $0x0  }
0x169: {  	[sflag:s12] =	ssyncadd.s32 $0xFFFFFF80  }
0x16a: {  	_ =	swait.ge [sflag:s12], $0x4000  }
0x16b: {  	[sflag:s12] =	ssyncset.done $0x0  }
0x16c: {  	[sflag:s12] =	ssyncadd.s32 $0xFFFFC000  }
0x16d: {  	[spmem:s2] =	stream.indirect.scatter.add.f32 [tilespmem:s11], [sflag:$0x3], $0x80, s10, s10, $0xb8;
	[tilespmem:$0x1C100] =	vst v63  }
0x16e: {  	_ =	swait.ge [sflag:s8], $0x4000  }
0x16f: {  	[sflag:s8] =	ssyncset.done $0x0  }
0x170: {  	[sflag:s8] =	ssyncadd.s32 $0xFFFFC000  }
0x171: {  	[tilespmem:s10], [sflag:$0x2] =	stream.linear.gather [hbm4b:s23+s3], $0x80, $0x38;
	[tilespmem:$0x1C100] =	vst v63  }
0x172: {  	_ = 	snop  }
0x173: {  	[tilespmem:s11], [sflag:$0x2] =	stream.linear.gather [hbm4b:s29+s3], $0x4000, $0x38;
	[tilespmem:$0x1C100] =	vst v63  }
0x174: {  	_ =	swait.ge [sflag:s17], $0x80  }
0x175: {  	[sflag:s17] =	ssyncset.done $0x0  }
0x176: {  	[sflag:s17] =	ssyncadd.s32 $0xFFFFFF80  }
0x177: {  	_ =	swait.ge [sflag:s17], $0x4000  }
0x178: {  	[sflag:s17] =	ssyncset.done $0x0  }
0x179: {  	[sflag:s17] =	ssyncadd.s32 $0xFFFFC000  }
0x17a: {  	[spmem:s2] =	stream.indirect.scatter.add.f32 [tilespmem:s15], [sflag:$0x3], $0x80, s3, s10, $0xb8;
	[tilespmem:$0x1C100] =	vst v63  }
0x17b: {  	_ =	swait.ge [sflag:s8], $0x4000  }
0x17c: {  	[sflag:s8] =	ssyncset.done $0x0  }
0x17d: {  	[sflag:s8] =	ssyncadd.s32 $0xFFFFC000  }
0x17e: {  	[tilespmem:s3], [sflag:$0x1] =	stream.linear.gather [hbm4b:s21+s3], $0x80, $0x38;
	[tilespmem:$0x1C100] =	vst v63  }
0x17f: {  	_ = 	snop  }
0x180: {  	[tilespmem:s15], [sflag:$0x1] =	stream.linear.gather [hbm4b:s26+s3], $0x4000, $0x38;
	[tilespmem:$0x1C100] =	vst v63  }
0x181: {  	_ =	swait.ge [sflag:s12], $0x80  }
0x182: {  	[sflag:s12] =	ssyncset.done $0x0  }
0x183: {  	[sflag:s12] =	ssyncadd.s32 $0xFFFFFF80  }
0x184: {  	_ =	swait.ge [sflag:s12], $0x4000  }
0x185: {  	[sflag:s12] =	ssyncset.done $0x0  }
0x186: {  	[sflag:s12] =	ssyncadd.s32 $0xFFFFC000  }
0x187: {  	[spmem:s2] =	stream.indirect.scatter.add.f32 [tilespmem:s11], [sflag:$0x3], $0x80, s10, s10, $0xb8;
	[tilespmem:$0x1C100] =	vst v63  }
0x188: {  	_ =	swait.ge [sflag:s8], $0x4000  }
0x189: {  	[sflag:s8] =	ssyncset.done $0x0  }
0x18a: {  	[sflag:s8] =	ssyncadd.s32 $0xFFFFC000  }
0x18b: {  	[tilespmem:s10], [sflag:$0x2] =	stream.linear.gather [hbm4b:s19+s3], $0x80, $0x38;
	[tilespmem:$0x1C100] =	vst v63  }
0x18c: {  	_ = 	snop  }
0x18d: {  	[tilespmem:s11], [sflag:$0x2] =	stream.linear.gather [hbm4b:s24+s3], $0x4000, $0x38;
	[tilespmem:$0x1C100] =	vst v63  }
0x18e: {  	_ =	swait.ge [sflag:s17], $0x80  }
0x18f: {  	[sflag:s17] =	ssyncset.done $0x0  }
0x190: {  	[sflag:s17] =	ssyncadd.s32 $0xFFFFFF80  }
0x191: {  	_ =	swait.ge [sflag:s17], $0x4000  }
0x192: {  	[sflag:s17] =	ssyncset.done $0x0  }
0x193: {  	[sflag:s17] =	ssyncadd.s32 $0xFFFFC000  }
0x194: {  	[spmem:s2] =	stream.indirect.scatter.add.f32 [tilespmem:s15], [sflag:$0x3], $0x80, s3, s10, $0xb8;
	[tilespmem:$0x1C100] =	vst v63  }
0x195: {  	_ =	swait.ge [sflag:s8], $0x4000  }
0x196: {  	[sflag:s8] =	ssyncset.done $0x0  }
0x197: {  	[sflag:s8] =	ssyncadd.s32 $0xFFFFC000  }
0x198: {  	[tilespmem:s3], [sflag:$0x1] =	stream.linear.gather [hbm4b:s16+s3], $0x80, $0x38;
	[tilespmem:$0x1C100] =	vst v63  }
0x199: {  	_ = 	snop  }
0x19a: {  	[tilespmem:s15], [sflag:$0x1] =	stream.linear.gather [hbm4b:s22+s3], $0x4000, $0x38;
	[tilespmem:$0x1C100] =	vst v63  }
0x19b: {  	_ =	swait.ge [sflag:s12], $0x80  }
0x19c: {  	[sflag:s12] =	ssyncset.done $0x0  }
0x19d: {  	[sflag:s12] =	ssyncadd.s32 $0xFFFFFF80  }
0x19e: {  	_ =	swait.ge [sflag:s12], $0x4000  }
0x19f: {  	[sflag:s12] =	ssyncset.done $0x0  }
0x1a0: {  	[sflag:s12] =	ssyncadd.s32 $0xFFFFC000  }
0x1a1: {  	[spmem:s2] =	stream.indirect.scatter.add.f32 [tilespmem:s11], [sflag:$0x3], $0x80, s10, s10, $0xb8;
	[tilespmem:$0x1C100] =	vst v63  }
0x1a2: {  	_ =	swait.ge [sflag:s8], $0x4000  }
0x1a3: {  	[sflag:s8] =	ssyncset.done $0x0  }
0x1a4: {  	[sflag:s8] =	ssyncadd.s32 $0xFFFFC000  }
0x1a5: {  	[tilespmem:s10], [sflag:$0x2] =	stream.linear.gather [hbm4b:s14+s3], $0x80, $0x38;
	[tilespmem:$0x1C100] =	vst v63  }
0x1a6: {  	_ = 	snop  }
0x1a7: {  	[tilespmem:s11], [sflag:$0x2] =	stream.linear.gather [hbm4b:s20+s3], $0x4000, $0x38;
	[tilespmem:$0x1C100] =	vst v63  }
0x1a8: {  	_ =	swait.ge [sflag:s17], $0x80  }
0x1a9: {  	[sflag:s17] =	ssyncset.done $0x0  }
0x1aa: {  	[sflag:s17] =	ssyncadd.s32 $0xFFFFFF80  }
0x1ab: {  	_ =	swait.ge [sflag:s17], $0x4000  }
0x1ac: {  	[sflag:s17] =	ssyncset.done $0x0  }
0x1ad: {  	[sflag:s17] =	ssyncadd.s32 $0xFFFFC000  }
0x1ae: {  	[spmem:s2] =	stream.indirect.scatter.add.f32 [tilespmem:s15], [sflag:$0x3], $0x80, s3, s10, $0xb8;
	[tilespmem:$0x1C100] =	vst v63  }
0x1af: {  	_ =	swait.ge [sflag:s8], $0x4000  }
0x1b0: {  	[sflag:s8] =	ssyncset.done $0x0  }
0x1b1: {  	[sflag:s8] =	ssyncadd.s32 $0xFFFFC000  }
0x1b2: {  	[tilespmem:s3], [sflag:$0x1] =	stream.linear.gather [hbm4b:s9+s3], $0x80, $0x38;
	[tilespmem:$0x1C100] =	vst v63  }
0x1b3: {  	_ = 	snop  }
0x1b4: {  	[tilespmem:s15], [sflag:$0x1] =	stream.linear.gather [hbm4b:s18+s3], $0x4000, $0x38;
	[tilespmem:$0x1C100] =	vst v63  }
0x1b5: {  	_ =	swait.ge [sflag:s12], $0x80  }
0x1b6: {  	[sflag:s12] =	ssyncset.done $0x0  }
0x1b7: {  	[sflag:s12] =	ssyncadd.s32 $0xFFFFFF80  }
0x1b8: {  	_ =	swait.ge [sflag:s12], $0x4000  }
0x1b9: {  	[sflag:s12] =	ssyncset.done $0x0  }
0x1ba: {  	[sflag:s12] =	ssyncadd.s32 $0xFFFFC000  }
0x1bb: {  	[spmem:s2] =	stream.indirect.scatter.add.f32 [tilespmem:s11], [sflag:$0x3], $0x80, s10, s10, $0xb8;
	[tilespmem:$0x1C100] =	vst v63  }
0x1bc: {  	_ =	swait.ge [sflag:s8], $0x4000  }
0x1bd: {  	[sflag:s8] =	ssyncset.done $0x0  }
0x1be: {  	[sflag:s8] =	ssyncadd.s32 $0xFFFFC000  }
0x1bf: {  	[tilespmem:s10], [sflag:$0x2] =	stream.linear.gather [hbm4b:s5+s3], $0x80, $0x38;
	[tilespmem:$0x1C100] =	vst v63  }
0x1c0: {  	_ = 	snop  }
0x1c1: {  	[tilespmem:s11], [sflag:$0x2] =	stream.linear.gather [hbm4b:s13+s3], $0x4000, $0x38;
	[tilespmem:$0x1C100] =	vst v63  }
0x1c2: {  	_ =	swait.ge [sflag:s17], $0x80  }
0x1c3: {  	[sflag:s17] =	ssyncset.done $0x0  }
0x1c4: {  	[sflag:s17] =	ssyncadd.s32 $0xFFFFFF80  }
0x1c5: {  	_ =	swait.ge [sflag:s17], $0x4000  }
0x1c6: {  	[sflag:s17] =	ssyncset.done $0x0  }
0x1c7: {  	[sflag:s17] =	ssyncadd.s32 $0xFFFFC000  }
0x1c8: {  	[spmem:s2] =	stream.indirect.scatter.add.f32 [tilespmem:s15], [sflag:$0x3], $0x80, s3, s10, $0xb8;
	[tilespmem:$0x1C100] =	vst v63  }
0x1c9: {  	_ =	swait.ge [sflag:s8], $0x4000  }
0x1ca: {  	[sflag:s8] =	ssyncset.done $0x0  }
0x1cb: {  	[sflag:s8] =	ssyncadd.s32 $0xFFFFC000  }
0x1cc: {  	_ =	swait.ge [sflag:s12], $0x80  }
0x1cd: {  	[sflag:s12] =	ssyncset.done $0x0  }
0x1ce: {  	[sflag:s12] =	ssyncadd.s32 $0xFFFFFF80  }
0x1cf: {  	_ =	swait.ge [sflag:s12], $0x4000  }
0x1d0: {  	[sflag:s12] =	ssyncset.done $0x0  }
0x1d1: {  	[sflag:s12] =	ssyncadd.s32 $0xFFFFC000  }
0x1d2: {  	[spmem:s2] =	stream.indirect.scatter.add.f32 [tilespmem:s11], [sflag:$0x3], $0x80, s10, s10, $0xb8;
	[tilespmem:$0x1C100] =	vst v63  }
0x1d3: {  	_ =	swait.ge [sflag:s8], $0x4000  }
0x1d4: {  	[sflag:s8] =	ssyncset.done $0x0  }
0x1d5: {  	[sflag:s8] =	ssyncadd.s32 $0xFFFFC000  }
0x1d6: {  	[bflag:$0x0] =	sbarrier.arrive $0xFFFF  }
0x1d7: {  	[hbm:s6], [sflag:s4] =	dma.local [spmem:s7], $0x2800  }
0x1d8: {  	_ =	swait.ge [sflag:s8], $0x2800  }
0x1d9: {  	[sflag:s8] =	ssyncset.done $0x0  }
0x1da: {  	[sflag:s8] =	ssyncadd.s32 $0xFFFFD800  }
0x1db: {  	_ =	sfence.sel $0x180000  }
0x1dc: {  	[bflag:$0x0] =	sbarrier.arrive $0xFFFF  }
0x1dd: {  	_ =	strace $0x9000004D  }
0x1de: {  	s31 =	stileid.u32;
	[bflag:$0x2] =	sbarrier.arrive $0xFFFF  }
0x1df: {  	p0 =	sne.s32 s31, $0x0;
	s0 =	rddreg [dreg:$0x3]  }
0x1e0: {  	s0 =	sadd.s32 @!p0 $0x100000, s0  }
0x1e1: {  	[sflag:s0] =	ssyncadd.tile.s32 @!p0 $0x1;
	_ =	shalt  }
.Lfunc_end2:
_tile_overlayer_lowered:
.L_overlay_start_2:
0x1e2: {  	(tag) =	ssettag $0x2  }
0x1e3: {  	s0 =	rddreg [dreg:$0x0];
	s2 =	stileid.u32  }
0x1e4: {  	s1 =	rddreg [dreg:$0x1];
	p0 =	sne.s32 s2, $0x0  }
0x1e5: {  	s3 =	rddreg [dreg:$0x2];
	[bflag:$0x3] =	sbarrier.arrive $0xFFFF;
	s2 =	simm.s32 @!p0 $0x1C03  }
0x1e6: {  	[timem:s3], [sflag:s2] =	dma.local @!p0 [hbm:s0], s1  }
0x1e7: {  	s0 =	simm.s32 @!p0 $0x3  }
0x1e8: {  	_ =	swait.ge @!p0 [sflag:s0], s1  }
0x1e9: {  	s1 =	ssub.s32 @!p0 $0x0, s1;
	[sflag:s0] =	ssyncset.done @!p0 $0x0  }
0x1ea: {  	[sflag:s0] =	ssyncadd.s32 @!p0 s1  }
0x1eb: {  	[bflag:$0x3] =	sbarrier.arrive $0xFFFF  }
0x1ec: {  	_ =	shalt  }

// kernel: kernel.7.cloned.1.call-start
scs
__scs_entry_jumppad:
0x0: {  	(pc) =	sbr.rel $0x88, $3  }
0x1: {  	(tag) =	ssettag $0x0;
	lr =	simm.s32 $0x1  }
0x2: {  	[smem:$0x3F93] =	sst lr;
	_ =	strace $0xD0000000  }
0x3: {  	_ = 	snop  }
0x4: {  	_ = 	snop  }
0x5: {  	_ = 	snop  }
0x6: {  	_ = 	snop  }
0x7: {  	_ = 	snop  }
__scs_overlays_trampoline_lowered:
0x8: {  	[smem:$0x3FA2] =	sst s0  }
0x9: {  	[smem:$0x3FA3] =	sst s1  }
0xa: {  	[smem:$0x3FA4] =	sst s2  }
0xb: {  	[smem:$0x3FA5] =	sst s3  }
0xc: {  	[smem:$0x3FA6] =	sst s4  }
0xd: {  	[smem:$0x3FA7] =	sst s5  }
0xe: {  	[smem:$0x3FA8] =	sst s6  }
0xf: {  	[smem:$0x3FA9] =	sst s7  }
0x10: {  	[smem:$0x3FAA] =	sst s8  }
0x11: {  	[smem:$0x3FAB] =	sst s9;
	s0 =	simm.s32 @!p0 $0x0  }
0x12: {  	s1 =	sld [smem:$0x3F91];
	s0 =	simm.s32 @p0 $0x1  }
0x13: {  	[smem:$0x3FAC] =	sst s0;
	s0 =	simm.s32 @!p1 $0x0  }
0x14: {  	s2 =	sld [smem:$0x3F90];
	s0 =	simm.s32 @p1 $0x1  }
0x15: {  	[smem:$0x3FAD] =	sst s0;
	s0 =	simm.s32 @!p2 $0x0  }
0x16: {  	s3 =	sld [smem:$0x3FDB];
	s0 =	simm.s32 @p2 $0x1  }
0x17: {  	s4 =	simm.s32 $0x1BF5;
	[smem:$0x3FAF] =	sst s0  }
0x18: {  	s0 =	sld [smem:$0x3F92];
	_ =	swait.ge [sflag:s4], $0x0  }
0x19: {  	s7 =	sld [smem:$0x3F93]  }
0x1a: {  	s8 =	sadd.s32 $0xFFFFE003, lr  }
0x1b: {  	s9 =	sadd.s32 $0xFFFFFEF7, lr;
	s5 =	simm.s32 $0xFFFFFFFF;
	p2 =	slt.u32 s8, $0xFFFFF086  }
0x1c: {  	p1 =	slt.u32 s9, $0xF7A;
	s5 =	simm.s32 @!p2 $0x0  }
0x1d: {  	s5 =	simm.s32 @p1 $0x1;
	p0 =	seq.s32 s7, s2  }
0x1e: {  	s7 =	smul.u32 @!p0 $0xF7A, s2;
	p2 =	seq.s32 @!p0 s5, $0x0  }
0x1f: {  	s9 =	smul.u32 $0xF7A, s1;
	s8 =	simm.s32 @!p0 $0x1BF5;
	p2 =	por !p2, p0  }
0x20: {  	[sflag:s8] =	ssyncset.s32 @!p0 $0xFFFFF086;
	s6 =	sadd.s32 @!p0 s3, s7;
	s7 =	simm.s32 @!p0 $0x108  }
0x21: {  	s3 =	sadd.s32 s3, s9;
	s6 =	sadd.s32 @!p0 $0x88, s6;
	s7 =	simm.s32 @p2 $0x1082  }
0x22: {  	[simem:s7], [sflag:s8] =	dma.local @!p0 [hbm:s6], $0xF7A  }
0x23: {  	s9 =	sor.u32 $0xD0000000, s2;
	s6 =	simm.s32 $0x108;
	_ =	swait.ge @!p0 [sflag:s8], $0x0  }
0x24: {  	s3 =	sadd.s32 $0x88, s3;
	s6 =	simm.s32 @!p1 $0x1082;
	[sflag:s4] =	ssyncset.s32 $0xFFFFF086  }
0x25: {  	[simem:s6], [sflag:s4] =	dma.local [hbm:s3], $0xF7A  }
0x26: {  	[smem:$0x3F93] =	sst s1;
	(tag) =	ssettag s2;
	_ =	strace s9  }
0x27: {  	s1 =	sld [smem:$0x3FA3]  }
0x28: {  	s2 =	sld [smem:$0x3FA4]  }
0x29: {  	s4 =	sld [smem:$0x3FA6]  }
0x2a: {  	p0 =	seq.s32 s5, $0x0;
	s5 =	sld [smem:$0x3FA7]  }
0x2b: {  	s6 =	sld [smem:$0x3FA8]  }
0x2c: {  	s7 =	sld [smem:$0x3FA9]  }
0x2d: {  	s3 =	simm.s32 $0x108;
	s8 =	sld [smem:$0x3FAA]  }
0x2e: {  	s3 =	simm.s32 @!p0 $0x1082;
	s9 =	sld [smem:$0x3FAB]  }
0x2f: {  	lr =	sadd.s32 s0, s3;
	s0 =	sld [smem:$0x3FA2]  }
0x30: {  	s3 =	sld [smem:$0x3FA5]  }
0x31: {  	[smem:$0x3FAE] =	sst s10  }
0x32: {  	s10 =	sld [smem:$0x3FAC];
	_ =	sdelay $0x3  }
0x33: {  	p0 =	seq.s32 s10, $0x1;
	s10 =	sld [smem:$0x3FAE];
	_ =	sdelay $0x3  }
0x34: {  	[smem:$0x3FAE] =	sst s10  }
0x35: {  	s10 =	sld [smem:$0x3FAD];
	_ =	sdelay $0x3  }
0x36: {  	p1 =	seq.s32 s10, $0x1;
	s10 =	sld [smem:$0x3FAE];
	_ =	sdelay $0x3  }
0x37: {  	[smem:$0x3FAE] =	sst s10  }
0x38: {  	s10 =	sld [smem:$0x3FAF]  }
0x39: {  	_ = 	snop;
	(pc) =	sbr.ind lr, $3  }
0x3a: {  	_ = 	snop  }
0x3b: {  	_ = 	snop  }
0x3c: {  	p2 =	seq.s32 s10, $0x1;
	s10 =	sld [smem:$0x3FAE]  }
0x3d: {  	_ =	shalt  }
0x3e: {  	_ =	shalt  }
0x3f: {  	_ =	shalt  }
0x40: {  	_ =	shalt  }
0x41: {  	_ =	shalt  }
0x42: {  	_ =	shalt  }
0x43: {  	_ =	shalt  }
0x44: {  	_ =	shalt  }
0x45: {  	_ =	shalt  }
0x46: {  	_ =	shalt  }
0x47: {  	_ =	shalt  }
0x48: {  	_ =	shalt  }
0x49: {  	_ =	shalt  }
0x4a: {  	_ =	shalt  }
0x4b: {  	_ =	shalt  }
0x4c: {  	_ =	shalt  }
0x4d: {  	_ =	shalt  }
0x4e: {  	_ =	shalt  }
0x4f: {  	_ =	shalt  }
0x50: {  	_ =	shalt  }
0x51: {  	_ =	shalt  }
0x52: {  	_ =	shalt  }
0x53: {  	_ =	shalt  }
0x54: {  	_ =	shalt  }
0x55: {  	_ =	shalt  }
0x56: {  	_ =	shalt  }
0x57: {  	_ =	shalt  }
0x58: {  	_ =	shalt  }
0x59: {  	_ =	shalt  }
0x5a: {  	_ =	shalt  }
0x5b: {  	_ =	shalt  }
0x5c: {  	_ =	shalt  }
0x5d: {  	_ =	shalt  }
0x5e: {  	_ =	shalt  }
0x5f: {  	_ =	shalt  }
0x60: {  	_ =	shalt  }
0x61: {  	_ =	shalt  }
0x62: {  	_ =	shalt  }
0x63: {  	_ =	shalt  }
0x64: {  	_ =	shalt  }
0x65: {  	_ =	shalt  }
0x66: {  	_ =	shalt  }
0x67: {  	_ =	shalt  }
0x68: {  	_ =	shalt  }
0x69: {  	_ =	shalt  }
0x6a: {  	_ =	shalt  }
0x6b: {  	_ =	shalt  }
0x6c: {  	_ =	shalt  }
0x6d: {  	_ =	shalt  }
0x6e: {  	_ =	shalt  }
0x6f: {  	_ =	shalt  }
0x70: {  	_ =	shalt  }
0x71: {  	_ =	shalt  }
0x72: {  	_ =	shalt  }
0x73: {  	_ =	shalt  }
0x74: {  	_ =	shalt  }
0x75: {  	_ =	shalt  }
0x76: {  	_ =	shalt  }
0x77: {  	_ =	shalt  }
0x78: {  	_ =	shalt  }
0x79: {  	_ =	shalt  }
0x7a: {  	_ =	shalt  }
0x7b: {  	_ =	shalt  }
0x7c: {  	_ =	shalt  }
0x7d: {  	_ =	shalt  }
0x7e: {  	_ =	shalt  }
0x7f: {  	_ =	shalt  }
0x80: {  	_ =	shalt  }
0x81: {  	_ =	shalt  }
0x82: {  	_ =	shalt  }
0x83: {  	_ =	shalt  }
0x84: {  	_ =	shalt  }
0x85: {  	_ =	shalt  }
0x86: {  	_ =	shalt  }
0x87: {  	_ =	shalt  }
.Lfunc_end0:
.L_simem_size_0:
called_computation.1_lowered:
.L_overlay_start_0:
0x88: {  	s2 =	sld [smem:$0x3FD9]  }
0x89: {  	s3 =	sld [smem:$0x3FFE];
	_ =	sdelay $0x1  }
0x8a: {  	s1 =	srdreg.scid  }
0x8b: {  	s0 =	sand.u32 $0x1, s1  }
0x8c: {  	s17 =	sshll.u32 s0, $0xA;
	s2 =	sadd.s32 s3, s2  }
0x8d: {  	s2 =	sadd.s32 s2, s17  }
0x8e: {  	[smem:$0x3FBA] =	sst s2  }
0x8f: {  	_ = 	snop  }
0x90: {  	(tm) =	ssettm $0x1  }
0x91: {  	s18 =	sld [smem:$0x3FFB];
	_ =	sdelay $0x3  }
0x92: {  	_ =	strace s18  }
0x93: {  	s2 =	sld [smem:$0x3FFC];
	_ =	sdelay $0x3  }
0x94: {  	_ =	strace s2  }
0x95: {  	s2 =	sld [smem:$0x3FFD];
	_ =	sdelay $0x3  }
0x96: {  	_ =	strace s2  }
0x97: {  	_ =	strace $0x8FFFFFFF  }
0x98: {  	s19 =	sld [smem:$0x3FDB];
	_ =	sdelay $0x1  }
0x99: {  	s20 =	simm.s32 $_scs_section_size  }
0x9a: {  	s4 =	simm.s32 $_size__tile_overlayer_lowered;
	s5 =	simm.s32 $_tile_overlayer_lowered  }
0x9b: {  	s6 =	simm.s32 $0x1BFF;
	s21 =	sshll.u32 s5, $0x1;
	s3 =	sadd.s32 s20, s19  }
0x9c: {  	s22 =	simm.s32 $0x0;
	s4 =	sshll.u32 s4, $0x1;
	s5 =	sadd.s32 s21, s3  }
0x9d: {  	[timem:s22], [sflag:s6] =	dma.local [hbm:s5], s4  }
0x9e: {  	_ =	swait.ge [sflag:s6], s4  }
0x9f: {  	s4 =	ssub.s32 $0x0, s4;
	[sflag:s6] =	ssyncset.done $0x0  }
0xa0: {  	[sflag:s6] =	ssyncadd.s32 s4;
	_ =	sdelay $0x1  }
0xa1: {  	s23 =	simm.s32 $0x1B8B  }
0xa2: {  	_ =	swait.ge [sflag:s23], $0x1  }
0xa3: {  	[sflag:s23] =	ssyncset.done $0x0  }
0xa4: {  	[sflag:s23] =	ssyncadd.s32 $0xFFFFFFFF  }
0xa5: {  	s4 =	sld [smem:$0x0]  }
0xa6: {  	s5 =	sand.u32 $0xFFFFFFFE, s1  }
0xa7: {  	p0 =	sne.s32 s1, s5  }
0xa8: {  	s5 =	sshll.u32 @p0 s5, $0xE  }
0xa9: {  	s5 =	sadd.s32 @p0 $0x11B8D, s5;
	s6 =	sshll.u32 @p0 s4, $0x11  }
0xaa: {  	s5 =	sor.u32 @p0 s6, s5  }
0xab: {  	[sflag:s5] =	ssyncadd.remote.s32 @p0 $0x1;
	_ =	sdelay $0x1  }
0xac: {  	s5 =	simm.s32 @p0 $0x1B8D  }
0xad: {  	_ =	swait.eq @p0 [sflag:s5], $0x1  }
0xae: {  	[sflag:s5] =	ssyncadd.s32 @p0 $0xFFFFFFFF  }
0xaf: {  	s6 =	sshll.u32 @!p0 s1, $0xE  }
0xb0: {  	s6 =	sor.u32 @!p0 $0x4000, s6;
	s5 =	simm.s32 @!p0 $0x1B8D  }
0xb1: {  	s4 =	sshll.u32 @!p0 s4, $0x11;
	s6 =	sadd.s32 @!p0 $0x11B8D, s6;
	_ =	swait.eq @!p0 [sflag:s5], $0x1  }
0xb2: {  	s4 =	sor.u32 @!p0 s4, s6;
	[sflag:s5] =	ssyncadd.s32 @!p0 $0xFFFFFFFF  }
0xb3: {  	s25 =	simm.s32 $0x1B8E;
	s24 =	sld [smem:$0x3FFE];
	[sflag:s4] =	ssyncadd.remote.s32 @!p0 $0x1  }
0xb4: {  	s26 =	simm.s32 $execute0_lowered;
	[smem:$0x3FD2] =	sst s25  }
0xb5: {  	s5 =	sshll.u32 s26, $0x1;
	_ =	strace $0x80000049;
	[dreg:$0x1] =	wrdreg $0xFFFFFFFF  }
0xb6: {  	s28 =	simm.s32 $_size_execute0_lowered;
	s3 =	sadd.s32 s3, s5;
	[dreg:$0x0] =	wrdreg $0x0  }
0xb7: {  	s5 =	sshll.u32 s28, $0x1;
	[dreg:$0x2] =	wrdreg s3  }
0xb8: {  	[dreg:$0x3] =	wrdreg s5  }
0xb9: {  	[dreg:$0x4] =	wrdreg $0xC0  }
0xba: {  	_ =	task [dreg:s22], $0x5FFFF  }
0xbb: {  	[dreg:$0x1] =	wrdreg $0xFFFFFFFF  }
0xbc: {  	[dreg:$0x0] =	wrdreg $0x60  }
0xbd: {  	[dreg:$0x2] =	wrdreg s24  }
0xbe: {  	[dreg:$0x3] =	wrdreg $0xA  }
0xbf: {  	_ =	task.clear_ibuf [dreg:s22], $0x4FFFF;
	_ =	strace $0x90000049  }
0xc0: {  	s29 =	simm.s32 $0xA;
	_ =	strace $0x8000004B  }
0xc1: {  	_ =	swait.ge [sflag:s29], $0x1  }
0xc2: {  	[sflag:s29] =	ssyncadd.s32 $0xFFFFFFFF  }
0xc3: {  	_ =	strace $0x9000004B  }
0xc4: {  	_ =	sfence  }
0xc5: {  	s30 =	sld [smem:$0x0];
	_ =	sdelay $0x2  }
0xc6: {  	s31 =	sshll.u32 s1, $0xD;
	s1 =	sshrl.u32 s1, $0x2  }
0xc7: {  	s4 =	sand.u32 $0x4000, s31;
	s1 =	sadd.s32 s1, s30  }
0xc8: {  	s0 =	sor.u32 s4, s0;
	s1 =	sshll.u32 s1, $0x11  }
0xc9: {  	s0 =	sor.u32 s1, s0  }
0xca: {  	s0 =	sadd.s32 $0x8F2B, s0  }
0xcb: {  	[sflag:s0] =	ssyncadd.remote.s32 $0x1  }
0xcc: {  	_ =	sfence.sel $0xFFFF  }
0xcd: {  	[dreg:$0x0] =	wrdreg $0xFFFFFFFF;
	(pc) =	sbr.abs _section_cstart, $3  }
0xce: {  	[dreg:$0x1] =	wrdreg $0xFFFFFFFF  }
0xcf: {  	_ =	task.clear_ibuf [dreg:s22], $0x2FFFF;
	_ =	strace $0x9FFFFFFF  }
0xd0: {  	(tm) =	ssettm $0x7FFFFFFF  }
0xd1: {  	_ =	shalt  }
tec
execute0_lowered:
.L_overlay_start_1:
0x0: {  	(tag) =	ssettag $0x1  }
0x1: {  	s0 =	srdreg.scid;
	s2 =	stileid.u32  }
0x2: {  	s1 =	sand.u32 $0x1, s0;
	s22 =	sshll.u32 s2, $0x1  }
0x3: {  	s0 =	sor.u32 s1, s22  }
0x4: {  	s0 =	smul.u32 $0x280, s0  }
0x5: {  	s2 =	simm.s32 $0x0  }
0x6: {  	[smem:$0x7FF] =	sst s2;
	s3 =	sshrl.u32 s0, $0x3  }
0x7: {  	s0 =	rddreg [dreg:$0x0];
	s4 =	smul.u32 $0xC00, s3  }
0x8: {  	_ =	strace $0x8000004A;
	s5 =	smul.u32 $0x180, s3;
	s16 =	sadd.s32 s0, s3  }
0x9: {  	s6 =	sadd.s32 $0xED000, s0;
	[dreg:$0x17] =	wrdreg s16;
	s19 =	sadd.s32 $0xA00, s16  }
0xa: {  	s18 =	sadd.s32 $0x1DD000, s0;
	s7 =	sadd.s32 s6, s5;
	[dreg:$0xc] =	wrdreg s19  }
0xb: {  	s8 =	sadd.s32 $0x1800, s5;
	s20 =	sadd.s32 s18, s5;
	[dreg:$0x2] =	wrdreg s7  }
0xc: {  	s9 =	sadd.s32 $0x2400, s5;
	s24 =	sadd.s32 s6, s8;
	[dreg:$0xd] =	wrdreg s20  }
0xd: {  	s10 =	sadd.s32 $0x3000, s5;
	s25 =	sadd.s32 s6, s9;
	[dreg:$0x4] =	wrdreg s24  }
0xe: {  	s11 =	sadd.s32 $0x3C00, s5;
	s26 =	sadd.s32 s6, s10;
	[dreg:$0x5] =	wrdreg s25  }
0xf: {  	s12 =	sadd.s32 $0x4800, s5;
	s28 =	sadd.s32 s6, s11;
	[dreg:$0x6] =	wrdreg s26  }
0x10: {  	s13 =	sadd.s32 $0x5400, s5;
	s29 =	sadd.s32 s6, s12;
	[dreg:$0x7] =	wrdreg s28  }
0x11: {  	s14 =	sadd.s32 $0x6000, s5;
	s30 =	sadd.s32 s6, s13;
	[dreg:$0x8] =	wrdreg s29  }
0x12: {  	s15 =	sadd.s32 $0x6C00, s5;
	s31 =	sadd.s32 s6, s14;
	[dreg:$0x9] =	wrdreg s30  }
0x13: {  	s4 =	sshrl.u32 s4, $0x3;
	s17 =	sadd.s32 s6, s15;
	[dreg:$0xa] =	wrdreg s31  }
0x14: {  	s4 =	sadd.s32 $0xC00, s4;
	s22 =	sadd.s32 s18, s8;
	[dreg:$0xb] =	wrdreg s17  }
0x15: {  	s1 =	ssub.s32 $0x2, s1;
	s23 =	sadd.s32 s6, s4;
	[dreg:$0xf] =	wrdreg s22  }
0x16: {  	s5 =	sadd.s32 $0x77200, s0;
	s21 =	sadd.s32 s18, s4;
	[dreg:$0x3] =	wrdreg s23  }
0x17: {  	s7 =	sadd.s32 $0x77300, s0;
	s24 =	sadd.s32 s18, s10;
	[dreg:$0xe] =	wrdreg s21  }
0x18: {  	s4 =	sadd.s32 $0x1E00, s0;
	s25 =	sadd.s32 s18, s11;
	[dreg:$0x11] =	wrdreg s24  }
0x19: {  	s26 =	sadd.s32 s18, s12;
	s28 =	sshrl.u32 s1, $0x1;
	[dreg:$0x12] =	wrdreg s25  }
0x1a: {  	s29 =	sadd.s32 s18, s13;
	s30 =	sadd.s32 s18, s14;
	[dreg:$0x13] =	wrdreg s26  }
0x1b: {  	s6 =	sadd.s32 $0x1F00, s0;
	s31 =	sadd.s32 s18, s15;
	[dreg:$0x14] =	wrdreg s29  }
0x1c: {  	v2 =	vlaneseq.u32;
	s22 =	simm.s32 $0x2;
	s23 =	sadd.s32 s18, s9;
	[dreg:$0x15] =	wrdreg s30  }
0x1d: {  	vm0 =	vmmov $0xffff;
	vm1 =	vmmov $0xff;
	v1 =	vshrl.u32 v2, $0x3;
	s1 =	ssub.s32 s1, s28;
	[dreg:$0x16] =	wrdreg s31;
	s9 =	simm.s32 $0x5  }
0x1e: {  	v0 =	vand.u32 $0x7, v2;
	v2 =	vor.u32 $0x8, v2;
	v1 =	vmul.u32 $0x8, v1;
	s21 =	simm.s32 $0x1;
	[dreg:$0x10] =	wrdreg s23;
	s0 =	smax.u32 s1, $0x1  }
.LBB2_1:
0x1f: {  	[dreg:$0x18] =	wrdreg s0  }
0x20: {  	s25 =	rddreg [dreg:$0x17]  }
0x21: {  	[tilespmem:s2], [sflag:$0x5] =	stream.linear.gather [hbm4b:s25+s2], $0x280, $0x38;
	[tilespmem:$0x18280] =	vst v63  }
0x22: {  	_ =	swait.ge [sflag:s9], $0x280  }
0x23: {  	[sflag:s9] =	ssyncset.done $0x0  }
0x24: {  	[sflag:s9] =	ssyncadd.s32 $0xFFFFFD80  }
0x25: {  	v3 =	vld [tilespmem:$0x0];
	_ =	sdelay $0x4  }
0x26: {  	v4 =	vshrl.u32 v3, $0x3  }
0x27: {  	v4 =	vmul.u32 $0x18, v4  }
0x28: {  	v3 =	vand.u32 $0x7, v3  }
0x29: {  	v3 =	vor.u32 v3, v4  }
0x2a: {  	v4 =	vperm.xlane v3, v0;
	_ =	sdelay $0x1  }
0x2b: {  	v4 =	vadd.s32 v1, v4;
	_ =	sdelay $0x1  }
0x2c: {  	v3 =	vperm.xlane v3, v2;
	_ =	sdelay $0x1  }
0x2d: {  	s18 =	simm.s32 $0x280;
	v3 =	vadd.s32 v1, v3  }
0x2e: {  	[tilespmem:s18], [sflag:$0x1] =	stream.indirect_vreg.gather [hbm4b:s4+s2], $0x80, v4, vm0, $0xb8;
	[tilespmem:$0x18280] =	vst v63  }
0x2f: {  	s19 =	simm.s32 $0xA80  }
0x30: {  	[tilespmem:s19], [sflag:$0x1] =	stream.indirect_vreg.gather [hbm4b:s6+s2], $0x80, v4, vm1, $0xb8;
	[tilespmem:$0x18280] =	vst v63  }
0x31: {  	s20 =	simm.s32 $0xE80  }
0x32: {  	[tilespmem:s20], [sflag:$0x1] =	stream.indirect_vreg.gather [hbm4b:s4+s2], $0x80, v3, vm0, $0xb8;
	[tilespmem:$0x18280] =	vst v63  }
0x33: {  	s23 =	simm.s32 $0x1680  }
0x34: {  	[tilespmem:s23], [sflag:$0x1] =	stream.indirect_vreg.gather [hbm4b:s6+s2], $0x80, v3, vm1, $0xb8;
	[tilespmem:$0x18280] =	vst v63  }
0x35: {  	v3 =	vld [tilespmem:$0x10];
	_ =	sdelay $0x4  }
0x36: {  	v41 =	vshrl.u32 v3, $0x3  }
0x37: {  	v4 =	vmul.u32 $0x18, v41  }
0x38: {  	v3 =	vand.u32 $0x7, v3  }
0x39: {  	v3 =	vor.u32 v3, v4  }
0x3a: {  	v4 =	vperm.xlane v3, v0;
	_ =	sdelay $0x1  }
0x3b: {  	v4 =	vadd.s32 v1, v4;
	_ =	sdelay $0x1  }
0x3c: {  	v3 =	vperm.xlane v3, v2;
	_ =	sdelay $0x1  }
0x3d: {  	s24 =	simm.s32 $0x1A80;
	v3 =	vadd.s32 v1, v3  }
0x3e: {  	[tilespmem:s24], [sflag:$0x1] =	stream.indirect_vreg.gather [hbm4b:s4+s2], $0x80, v4, vm0, $0xb8;
	[tilespmem:$0x18280] =	vst v63  }
0x3f: {  	s25 =	simm.s32 $0x2280  }
0x40: {  	[tilespmem:s25], [sflag:$0x1] =	stream.indirect_vreg.gather [hbm4b:s6+s2], $0x80, v4, vm1, $0xb8;
	[tilespmem:$0x18280] =	vst v63  }
0x41: {  	s26 =	simm.s32 $0x2680  }
0x42: {  	[tilespmem:s26], [sflag:$0x1] =	stream.indirect_vreg.gather [hbm4b:s4+s2], $0x80, v3, vm0, $0xb8;
	[tilespmem:$0x18280] =	vst v63  }
0x43: {  	s28 =	simm.s32 $0x2E80  }
0x44: {  	[tilespmem:s28], [sflag:$0x1] =	stream.indirect_vreg.gather [hbm4b:s6+s2], $0x80, v3, vm1, $0xb8;
	[tilespmem:$0x18280] =	vst v63  }
0x45: {  	v3 =	vld [tilespmem:$0x20];
	_ =	sdelay $0x4  }
0x46: {  	v42 =	vshrl.u32 v3, $0x3  }
0x47: {  	v4 =	vmul.u32 $0x18, v42  }
0x48: {  	v3 =	vand.u32 $0x7, v3  }
0x49: {  	v3 =	vor.u32 v3, v4  }
0x4a: {  	v4 =	vperm.xlane v3, v0;
	_ =	sdelay $0x1  }
0x4b: {  	v4 =	vadd.s32 v1, v4;
	_ =	sdelay $0x1  }
0x4c: {  	v3 =	vperm.xlane v3, v2;
	_ =	sdelay $0x1  }
0x4d: {  	s29 =	simm.s32 $0x3280;
	v3 =	vadd.s32 v1, v3  }
0x4e: {  	[tilespmem:s29], [sflag:$0x1] =	stream.indirect_vreg.gather [hbm4b:s4+s2], $0x80, v4, vm0, $0xb8;
	[tilespmem:$0x18280] =	vst v63  }
0x4f: {  	s30 =	simm.s32 $0x3A80  }
0x50: {  	[tilespmem:s30], [sflag:$0x1] =	stream.indirect_vreg.gather [hbm4b:s6+s2], $0x80, v4, vm1, $0xb8;
	[tilespmem:$0x18280] =	vst v63  }
0x51: {  	s31 =	simm.s32 $0x3E80  }
0x52: {  	[tilespmem:s31], [sflag:$0x1] =	stream.indirect_vreg.gather [hbm4b:s4+s2], $0x80, v3, vm0, $0xb8;
	[tilespmem:$0x18280] =	vst v63  }
0x53: {  	s3 =	simm.s32 $0x4680  }
0x54: {  	[tilespmem:s3], [sflag:$0x1] =	stream.indirect_vreg.gather [hbm4b:s6+s2], $0x80, v3, vm1, $0xb8;
	[tilespmem:$0x18280] =	vst v63  }
0x55: {  	v3 =	vld [tilespmem:$0x30];
	_ =	sdelay $0x4  }
0x56: {  	v43 =	vshrl.u32 v3, $0x3  }
0x57: {  	v4 =	vmul.u32 $0x18, v43  }
0x58: {  	v3 =	vand.u32 $0x7, v3  }
0x59: {  	v3 =	vor.u32 v3, v4  }
0x5a: {  	v4 =	vperm.xlane v3, v0;
	_ =	sdelay $0x1  }
0x5b: {  	v4 =	vadd.s32 v1, v4;
	_ =	sdelay $0x1  }
0x5c: {  	v3 =	vperm.xlane v3, v2;
	_ =	sdelay $0x1  }
0x5d: {  	s11 =	simm.s32 $0x4A80;
	v3 =	vadd.s32 v1, v3  }
0x5e: {  	[tilespmem:s11], [sflag:$0x1] =	stream.indirect_vreg.gather [hbm4b:s4+s2], $0x80, v4, vm0, $0xb8;
	[tilespmem:$0x18280] =	vst v63  }
0x5f: {  	s12 =	simm.s32 $0x5280  }
0x60: {  	[tilespmem:s12], [sflag:$0x1] =	stream.indirect_vreg.gather [hbm4b:s6+s2], $0x80, v4, vm1, $0xb8;
	[tilespmem:$0x18280] =	vst v63  }
0x61: {  	s17 =	simm.s32 $0x5680  }
0x62: {  	[tilespmem:s17], [sflag:$0x1] =	stream.indirect_vreg.gather [hbm4b:s4+s2], $0x80, v3, vm0, $0xb8;
	[tilespmem:$0x18280] =	vst v63  }
0x63: {  	s23 =	simm.s32 $0x5E80  }
0x64: {  	[tilespmem:s23], [sflag:$0x1] =	stream.indirect_vreg.gather [hbm4b:s6+s2], $0x80, v3, vm1, $0xb8;
	[tilespmem:$0x18280] =	vst v63  }
0x65: {  	v3 =	vld [tilespmem:$0x40];
	_ =	sdelay $0x4  }
0x66: {  	v44 =	vshrl.u32 v3, $0x3  }
0x67: {  	v4 =	vmul.u32 $0x18, v44  }
0x68: {  	v3 =	vand.u32 $0x7, v3  }
0x69: {  	v3 =	vor.u32 v3, v4  }
0x6a: {  	v4 =	vperm.xlane v3, v0;
	_ =	sdelay $0x1  }
0x6b: {  	v4 =	vadd.s32 v1, v4;
	_ =	sdelay $0x1  }
0x6c: {  	v3 =	vperm.xlane v3, v2;
	_ =	sdelay $0x1  }
0x6d: {  	s24 =	simm.s32 $0x6280;
	v3 =	vadd.s32 v1, v3  }
0x6e: {  	[tilespmem:s24], [sflag:$0x2] =	stream.indirect_vreg.gather [hbm4b:s4+s2], $0x80, v4, vm0, $0xb8;
	[tilespmem:$0x18280] =	vst v63  }
0x6f: {  	s25 =	simm.s32 $0x6A80  }
0x70: {  	[tilespmem:s25], [sflag:$0x2] =	stream.indirect_vreg.gather [hbm4b:s6+s2], $0x80, v4, vm1, $0xb8;
	[tilespmem:$0x18280] =	vst v63  }
0x71: {  	s26 =	simm.s32 $0x6E80  }
0x72: {  	[tilespmem:s26], [sflag:$0x2] =	stream.indirect_vreg.gather [hbm4b:s4+s2], $0x80, v3, vm0, $0xb8;
	[tilespmem:$0x18280] =	vst v63  }
0x73: {  	s29 =	simm.s32 $0x7680  }
0x74: {  	[tilespmem:s29], [sflag:$0x2] =	stream.indirect_vreg.gather [hbm4b:s6+s2], $0x80, v3, vm1, $0xb8;
	[tilespmem:$0x18280] =	vst v63  }
0x75: {  	v3 =	vld [tilespmem:$0x50];
	_ =	sdelay $0x4  }
0x76: {  	v45 =	vshrl.u32 v3, $0x3  }
0x77: {  	v4 =	vmul.u32 $0x18, v45  }
0x78: {  	v3 =	vand.u32 $0x7, v3  }
0x79: {  	v3 =	vor.u32 v3, v4  }
0x7a: {  	v4 =	vperm.xlane v3, v0;
	_ =	sdelay $0x1  }
0x7b: {  	v4 =	vadd.s32 v1, v4;
	_ =	sdelay $0x1  }
0x7c: {  	v3 =	vperm.xlane v3, v2;
	_ =	sdelay $0x1  }
0x7d: {  	s30 =	simm.s32 $0x7A80;
	v3 =	vadd.s32 v1, v3  }
0x7e: {  	[tilespmem:s30], [sflag:$0x2] =	stream.indirect_vreg.gather [hbm4b:s4+s2], $0x80, v4, vm0, $0xb8;
	[tilespmem:$0x18280] =	vst v63  }
0x7f: {  	s31 =	simm.s32 $0x8280  }
0x80: {  	[tilespmem:s31], [sflag:$0x2] =	stream.indirect_vreg.gather [hbm4b:s6+s2], $0x80, v4, vm1, $0xb8;
	[tilespmem:$0x18280] =	vst v63  }
0x81: {  	s12 =	simm.s32 $0x8680  }
0x82: {  	[tilespmem:s12], [sflag:$0x2] =	stream.indirect_vreg.gather [hbm4b:s4+s2], $0x80, v3, vm0, $0xb8;
	[tilespmem:$0x18280] =	vst v63  }
0x83: {  	s17 =	simm.s32 $0x8E80  }
0x84: {  	[tilespmem:s17], [sflag:$0x2] =	stream.indirect_vreg.gather [hbm4b:s6+s2], $0x80, v3, vm1, $0xb8;
	[tilespmem:$0x18280] =	vst v63  }
0x85: {  	v3 =	vld [tilespmem:$0x60];
	_ =	sdelay $0x4  }
0x86: {  	v46 =	vshrl.u32 v3, $0x3  }
0x87: {  	v4 =	vmul.u32 $0x18, v46  }
0x88: {  	v3 =	vand.u32 $0x7, v3  }
0x89: {  	v3 =	vor.u32 v3, v4  }
0x8a: {  	v4 =	vperm.xlane v3, v0;
	_ =	sdelay $0x1  }
0x8b: {  	v4 =	vadd.s32 v1, v4;
	_ =	sdelay $0x1  }
0x8c: {  	v3 =	vperm.xlane v3, v2;
	_ =	sdelay $0x1  }
0x8d: {  	s23 =	simm.s32 $0x9280;
	v3 =	vadd.s32 v1, v3  }
0x8e: {  	[tilespmem:s23], [sflag:$0x2] =	stream.indirect_vreg.gather [hbm4b:s4+s2], $0x80, v4, vm0, $0xb8;
	[tilespmem:$0x18280] =	vst v63  }
0x8f: {  	s25 =	simm.s32 $0x9A80  }
0x90: {  	[tilespmem:s25], [sflag:$0x2] =	stream.indirect_vreg.gather [hbm4b:s6+s2], $0x80, v4, vm1, $0xb8;
	[tilespmem:$0x18280] =	vst v63  }
0x91: {  	s26 =	simm.s32 $0x9E80  }
0x92: {  	[tilespmem:s26], [sflag:$0x2] =	stream.indirect_vreg.gather [hbm4b:s4+s2], $0x80, v3, vm0, $0xb8;
	[tilespmem:$0x18280] =	vst v63  }
0x93: {  	s29 =	simm.s32 $0xA680  }
0x94: {  	[tilespmem:s29], [sflag:$0x2] =	stream.indirect_vreg.gather [hbm4b:s6+s2], $0x80, v3, vm1, $0xb8;
	[tilespmem:$0x18280] =	vst v63  }
0x95: {  	v3 =	vld [tilespmem:$0x70];
	_ =	sdelay $0x4  }
0x96: {  	v47 =	vshrl.u32 v3, $0x3  }
0x97: {  	v4 =	vmul.u32 $0x18, v47  }
0x98: {  	v3 =	vand.u32 $0x7, v3  }
0x99: {  	v3 =	vor.u32 v3, v4  }
0x9a: {  	v4 =	vperm.xlane v3, v0;
	_ =	sdelay $0x1  }
0x9b: {  	v4 =	vadd.s32 v1, v4;
	_ =	sdelay $0x1  }
0x9c: {  	v3 =	vperm.xlane v3, v2;
	_ =	sdelay $0x1  }
0x9d: {  	s30 =	simm.s32 $0xAA80;
	v3 =	vadd.s32 v1, v3  }
0x9e: {  	[tilespmem:s30], [sflag:$0x2] =	stream.indirect_vreg.gather [hbm4b:s4+s2], $0x80, v4, vm0, $0xb8;
	[tilespmem:$0x18280] =	vst v63  }
0x9f: {  	s31 =	simm.s32 $0xB280  }
0xa0: {  	[tilespmem:s31], [sflag:$0x2] =	stream.indirect_vreg.gather [hbm4b:s6+s2], $0x80, v4, vm1, $0xb8;
	[tilespmem:$0x18280] =	vst v63  }
0xa1: {  	s12 =	simm.s32 $0xB680  }
0xa2: {  	[tilespmem:s12], [sflag:$0x2] =	stream.indirect_vreg.gather [hbm4b:s4+s2], $0x80, v3, vm0, $0xb8;
	[tilespmem:$0x18280] =	vst v63  }
0xa3: {  	s23 =	simm.s32 $0xBE80  }
0xa4: {  	[tilespmem:s23], [sflag:$0x2] =	stream.indirect_vreg.gather [hbm4b:s6+s2], $0x80, v3, vm1, $0xb8;
	[tilespmem:$0x18280] =	vst v63  }
0xa5: {  	v3 =	vld [tilespmem:$0x80];
	_ =	sdelay $0x4  }
0xa6: {  	v48 =	vshrl.u32 v3, $0x3  }
0xa7: {  	v4 =	vmul.u32 $0x18, v48  }
0xa8: {  	v3 =	vand.u32 $0x7, v3  }
0xa9: {  	v3 =	vor.u32 v3, v4  }
0xaa: {  	v4 =	vperm.xlane v3, v0;
	_ =	sdelay $0x1  }
0xab: {  	v4 =	vadd.s32 v1, v4;
	_ =	sdelay $0x1  }
0xac: {  	v3 =	vperm.xlane v3, v2;
	_ =	sdelay $0x1  }
0xad: {  	s25 =	simm.s32 $0xC280;
	v3 =	vadd.s32 v1, v3  }
0xae: {  	[tilespmem:s25], [sflag:$0x3] =	stream.indirect_vreg.gather [hbm4b:s4+s2], $0x80, v4, vm0, $0xb8;
	[tilespmem:$0x18280] =	vst v63  }
0xaf: {  	s26 =	simm.s32 $0xCA80  }
0xb0: {  	[tilespmem:s26], [sflag:$0x3] =	stream.indirect_vreg.gather [hbm4b:s6+s2], $0x80, v4, vm1, $0xb8;
	[tilespmem:$0x18280] =	vst v63  }
0xb1: {  	s29 =	simm.s32 $0xCE80  }
0xb2: {  	[tilespmem:s29], [sflag:$0x3] =	stream.indirect_vreg.gather [hbm4b:s4+s2], $0x80, v3, vm0, $0xb8;
	[tilespmem:$0x18280] =	vst v63  }
0xb3: {  	s30 =	simm.s32 $0xD680  }
0xb4: {  	[tilespmem:s30], [sflag:$0x3] =	stream.indirect_vreg.gather [hbm4b:s6+s2], $0x80, v3, vm1, $0xb8;
	[tilespmem:$0x18280] =	vst v63  }
0xb5: {  	v3 =	vld [tilespmem:$0x90];
	_ =	sdelay $0x4  }
0xb6: {  	v49 =	vshrl.u32 v3, $0x3  }
0xb7: {  	v4 =	vmul.u32 $0x18, v49  }
0xb8: {  	v3 =	vand.u32 $0x7, v3  }
0xb9: {  	v3 =	vor.u32 v3, v4  }
0xba: {  	v4 =	vperm.xlane v3, v0;
	_ =	sdelay $0x1  }
0xbb: {  	v4 =	vadd.s32 v1, v4;
	_ =	sdelay $0x1  }
0xbc: {  	v3 =	vperm.xlane v3, v2;
	_ =	sdelay $0x1  }
0xbd: {  	s31 =	simm.s32 $0xDA80;
	v3 =	vadd.s32 v1, v3  }
0xbe: {  	[tilespmem:s31], [sflag:$0x3] =	stream.indirect_vreg.gather [hbm4b:s4+s2], $0x80, v4, vm0, $0xb8;
	[tilespmem:$0x18280] =	vst v63  }
0xbf: {  	s23 =	simm.s32 $0xE280  }
0xc0: {  	[tilespmem:s23], [sflag:$0x3] =	stream.indirect_vreg.gather [hbm4b:s6+s2], $0x80, v4, vm1, $0xb8;
	[tilespmem:$0x18280] =	vst v63  }
0xc1: {  	s25 =	simm.s32 $0xE680  }
0xc2: {  	[tilespmem:s25], [sflag:$0x3] =	stream.indirect_vreg.gather [hbm4b:s4+s2], $0x80, v3, vm0, $0xb8;
	[tilespmem:$0x18280] =	vst v63  }
0xc3: {  	s26 =	simm.s32 $0xEE80  }
0xc4: {  	[tilespmem:s26], [sflag:$0x3] =	stream.indirect_vreg.gather [hbm4b:s6+s2], $0x80, v3, vm1, $0xb8;
	[tilespmem:$0x18280] =	vst v63  }
0xc5: {  	v3 =	vld [tilespmem:$0xA0];
	_ =	sdelay $0x4  }
0xc6: {  	v50 =	vshrl.u32 v3, $0x3  }
0xc7: {  	v4 =	vmul.u32 $0x18, v50  }
0xc8: {  	v3 =	vand.u32 $0x7, v3  }
0xc9: {  	v3 =	vor.u32 v3, v4  }
0xca: {  	v4 =	vperm.xlane v3, v0;
	_ =	sdelay $0x1  }
0xcb: {  	v4 =	vadd.s32 v1, v4;
	_ =	sdelay $0x1  }
0xcc: {  	v3 =	vperm.xlane v3, v2;
	_ =	sdelay $0x1  }
0xcd: {  	s29 =	simm.s32 $0xF280;
	v3 =	vadd.s32 v1, v3  }
0xce: {  	[tilespmem:s29], [sflag:$0x3] =	stream.indirect_vreg.gather [hbm4b:s4+s2], $0x80, v4, vm0, $0xb8;
	[tilespmem:$0x18280] =	vst v63  }
0xcf: {  	s30 =	simm.s32 $0xFA80  }
0xd0: {  	[tilespmem:s30], [sflag:$0x3] =	stream.indirect_vreg.gather [hbm4b:s6+s2], $0x80, v4, vm1, $0xb8;
	[tilespmem:$0x18280] =	vst v63  }
0xd1: {  	s31 =	simm.s32 $0xFE80  }
0xd2: {  	[tilespmem:s31], [sflag:$0x3] =	stream.indirect_vreg.gather [hbm4b:s4+s2], $0x80, v3, vm0, $0xb8;
	[tilespmem:$0x18280] =	vst v63  }
0xd3: {  	s23 =	simm.s32 $0x10680  }
0xd4: {  	[tilespmem:s23], [sflag:$0x3] =	stream.indirect_vreg.gather [hbm4b:s6+s2], $0x80, v3, vm1, $0xb8;
	[tilespmem:$0x18280] =	vst v63  }
0xd5: {  	v3 =	vld [tilespmem:$0xB0];
	_ =	sdelay $0x4  }
0xd6: {  	v51 =	vshrl.u32 v3, $0x3  }
0xd7: {  	v4 =	vmul.u32 $0x18, v51  }
0xd8: {  	v3 =	vand.u32 $0x7, v3  }
0xd9: {  	v3 =	vor.u32 v3, v4  }
0xda: {  	v4 =	vperm.xlane v3, v0;
	_ =	sdelay $0x1  }
0xdb: {  	v4 =	vadd.s32 v1, v4;
	_ =	sdelay $0x1  }
0xdc: {  	v3 =	vperm.xlane v3, v2;
	_ =	sdelay $0x1  }
0xdd: {  	s25 =	simm.s32 $0x10A80;
	v3 =	vadd.s32 v1, v3  }
0xde: {  	[tilespmem:s25], [sflag:$0x3] =	stream.indirect_vreg.gather [hbm4b:s4+s2], $0x80, v4, vm0, $0xb8;
	[tilespmem:$0x18280] =	vst v63  }
0xdf: {  	s26 =	simm.s32 $0x11280  }
0xe0: {  	[tilespmem:s26], [sflag:$0x3] =	stream.indirect_vreg.gather [hbm4b:s6+s2], $0x80, v4, vm1, $0xb8;
	[tilespmem:$0x18280] =	vst v63  }
0xe1: {  	s29 =	simm.s32 $0x11680  }
0xe2: {  	[tilespmem:s29], [sflag:$0x3] =	stream.indirect_vreg.gather [hbm4b:s4+s2], $0x80, v3, vm0, $0xb8;
	[tilespmem:$0x18280] =	vst v63  }
0xe3: {  	s30 =	simm.s32 $0x11E80  }
0xe4: {  	[tilespmem:s30], [sflag:$0x3] =	stream.indirect_vreg.gather [hbm4b:s6+s2], $0x80, v3, vm1, $0xb8;
	[tilespmem:$0x18280] =	vst v63  }
0xe5: {  	v3 =	vld [tilespmem:$0xC0];
	_ =	sdelay $0x4  }
0xe6: {  	v52 =	vshrl.u32 v3, $0x3  }
0xe7: {  	v4 =	vmul.u32 $0x18, v52  }
0xe8: {  	v3 =	vand.u32 $0x7, v3  }
0xe9: {  	v3 =	vor.u32 v3, v4  }
0xea: {  	v4 =	vperm.xlane v3, v0;
	_ =	sdelay $0x1  }
0xeb: {  	v4 =	vadd.s32 v1, v4;
	_ =	sdelay $0x1  }
0xec: {  	v3 =	vperm.xlane v3, v2;
	_ =	sdelay $0x1  }
0xed: {  	s31 =	simm.s32 $0x12280;
	v3 =	vadd.s32 v1, v3  }
0xee: {  	[tilespmem:s31], [sflag:$0x4] =	stream.indirect_vreg.gather [hbm4b:s4+s2], $0x80, v4, vm0, $0xb8;
	[tilespmem:$0x18280] =	vst v63  }
0xef: {  	s23 =	simm.s32 $0x12A80  }
0xf0: {  	[tilespmem:s23], [sflag:$0x4] =	stream.indirect_vreg.gather [hbm4b:s6+s2], $0x80, v4, vm1, $0xb8;
	[tilespmem:$0x18280] =	vst v63  }
0xf1: {  	s25 =	simm.s32 $0x12E80  }
0xf2: {  	[tilespmem:s25], [sflag:$0x4] =	stream.indirect_vreg.gather [hbm4b:s4+s2], $0x80, v3, vm0, $0xb8;
	[tilespmem:$0x18280] =	vst v63  }
0xf3: {  	s26 =	simm.s32 $0x13680  }
0xf4: {  	[tilespmem:s26], [sflag:$0x4] =	stream.indirect_vreg.gather [hbm4b:s6+s2], $0x80, v3, vm1, $0xb8;
	[tilespmem:$0x18280] =	vst v63  }
0xf5: {  	v3 =	vld [tilespmem:$0xD0];
	_ =	sdelay $0x4  }
0xf6: {  	v53 =	vshrl.u32 v3, $0x3  }
0xf7: {  	v4 =	vmul.u32 $0x18, v53  }
0xf8: {  	v3 =	vand.u32 $0x7, v3  }
0xf9: {  	v3 =	vor.u32 v3, v4  }
0xfa: {  	v4 =	vperm.xlane v3, v0;
	_ =	sdelay $0x1  }
0xfb: {  	v4 =	vadd.s32 v1, v4;
	_ =	sdelay $0x1  }
0xfc: {  	v3 =	vperm.xlane v3, v2;
	_ =	sdelay $0x1  }
0xfd: {  	s29 =	simm.s32 $0x13A80;
	v3 =	vadd.s32 v1, v3  }
0xfe: {  	[tilespmem:s29], [sflag:$0x4] =	stream.indirect_vreg.gather [hbm4b:s4+s2], $0x80, v4, vm0, $0xb8;
	[tilespmem:$0x18280] =	vst v63  }
0xff: {  	s30 =	simm.s32 $0x14280  }
0x100: {  	[tilespmem:s30], [sflag:$0x4] =	stream.indirect_vreg.gather [hbm4b:s6+s2], $0x80, v4, vm1, $0xb8;
	[tilespmem:$0x18280] =	vst v63  }
0x101: {  	s23 =	simm.s32 $0x14680  }
0x102: {  	[tilespmem:s23], [sflag:$0x4] =	stream.indirect_vreg.gather [hbm4b:s4+s2], $0x80, v3, vm0, $0xb8;
	[tilespmem:$0x18280] =	vst v63  }
0x103: {  	s25 =	simm.s32 $0x14E80  }
0x104: {  	[tilespmem:s25], [sflag:$0x4] =	stream.indirect_vreg.gather [hbm4b:s6+s2], $0x80, v3, vm1, $0xb8;
	[tilespmem:$0x18280] =	vst v63  }
0x105: {  	v3 =	vld [tilespmem:$0xE0];
	_ =	sdelay $0x4  }
0x106: {  	v54 =	vshrl.u32 v3, $0x3  }
0x107: {  	v4 =	vmul.u32 $0x18, v54  }
0x108: {  	v3 =	vand.u32 $0x7, v3  }
0x109: {  	v3 =	vor.u32 v3, v4  }
0x10a: {  	v4 =	vperm.xlane v3, v0;
	_ =	sdelay $0x1  }
0x10b: {  	v4 =	vadd.s32 v1, v4;
	_ =	sdelay $0x1  }
0x10c: {  	v3 =	vperm.xlane v3, v2;
	_ =	sdelay $0x1  }
0x10d: {  	s26 =	simm.s32 $0x15280;
	v3 =	vadd.s32 v1, v3  }
0x10e: {  	[tilespmem:s26], [sflag:$0x4] =	stream.indirect_vreg.gather [hbm4b:s4+s2], $0x80, v4, vm0, $0xb8;
	[tilespmem:$0x18280] =	vst v63  }
0x10f: {  	s29 =	simm.s32 $0x15A80  }
0x110: {  	[tilespmem:s29], [sflag:$0x4] =	stream.indirect_vreg.gather [hbm4b:s6+s2], $0x80, v4, vm1, $0xb8;
	[tilespmem:$0x18280] =	vst v63  }
0x111: {  	s30 =	simm.s32 $0x15E80  }
0x112: {  	[tilespmem:s30], [sflag:$0x4] =	stream.indirect_vreg.gather [hbm4b:s4+s2], $0x80, v3, vm0, $0xb8;
	[tilespmem:$0x18280] =	vst v63  }
0x113: {  	s23 =	simm.s32 $0x16680  }
0x114: {  	[tilespmem:s23], [sflag:$0x4] =	stream.indirect_vreg.gather [hbm4b:s6+s2], $0x80, v3, vm1, $0xb8;
	[tilespmem:$0x18280] =	vst v63  }
0x115: {  	v3 =	vld [tilespmem:$0xF0];
	_ =	sdelay $0x4  }
0x116: {  	v55 =	vshrl.u32 v3, $0x3  }
0x117: {  	v4 =	vmul.u32 $0x18, v55  }
0x118: {  	v3 =	vand.u32 $0x7, v3  }
0x119: {  	v3 =	vor.u32 v3, v4  }
0x11a: {  	v4 =	vperm.xlane v3, v0;
	_ =	sdelay $0x1  }
0x11b: {  	v4 =	vadd.s32 v1, v4;
	_ =	sdelay $0x1  }
0x11c: {  	v3 =	vperm.xlane v3, v2;
	_ =	sdelay $0x1  }
0x11d: {  	s25 =	simm.s32 $0x16A80;
	v3 =	vadd.s32 v1, v3  }
0x11e: {  	[tilespmem:s25], [sflag:$0x4] =	stream.indirect_vreg.gather [hbm4b:s4+s2], $0x80, v4, vm0, $0xb8;
	[tilespmem:$0x18280] =	vst v63  }
0x11f: {  	s26 =	simm.s32 $0x17280  }
0x120: {  	[tilespmem:s26], [sflag:$0x4] =	stream.indirect_vreg.gather [hbm4b:s6+s2], $0x80, v4, vm1, $0xb8;
	[tilespmem:$0x18280] =	vst v63  }
0x121: {  	s29 =	simm.s32 $0x17680  }
0x122: {  	[tilespmem:s29], [sflag:$0x4] =	stream.indirect_vreg.gather [hbm4b:s4+s2], $0x80, v3, vm0, $0xb8;
	[tilespmem:$0x18280] =	vst v63  }
0x123: {  	s30 =	simm.s32 $0x17E80  }
0x124: {  	[tilespmem:s30], [sflag:$0x4] =	stream.indirect_vreg.gather [hbm4b:s6+s2], $0x80, v3, vm1, $0xb8;
	[tilespmem:$0x18280] =	vst v63  }
0x125: {  	_ =	swait.ge [sflag:s21], $0x6000  }
0x126: {  	[sflag:s21] =	ssyncset.done $0x0  }
0x127: {  	s8 =	simm.s32 $0x280;
	s0 =	rddreg [dreg:$0x2];
	[sflag:s21] =	ssyncadd.s32 $0xFFFFA000  }
0x128: {  	[hbm4b:s0+s2] =	stream.linear.scatter [tilespmem:s8], [sflag:$0x5], $0x6000, $0x38;
	[tilespmem:$0x18280] =	vst v63  }
0x129: {  	_ =	swait.ge [sflag:s9], $0x6000  }
0x12a: {  	[sflag:s9] =	ssyncset.done $0x0  }
0x12b: {  	[sflag:s9] =	ssyncadd.s32 $0xFFFFA000  }
0x12c: {  	v3 =	vld [tilespmem:$0x100];
	_ =	sdelay $0x4  }
0x12d: {  	v56 =	vshrl.u32 v3, $0x3  }
0x12e: {  	v4 =	vmul.u32 $0x18, v56  }
0x12f: {  	v3 =	vand.u32 $0x7, v3  }
0x130: {  	v3 =	vor.u32 v3, v4  }
0x131: {  	v4 =	vperm.xlane v3, v0;
	_ =	sdelay $0x1  }
0x132: {  	v4 =	vadd.s32 v1, v4;
	_ =	sdelay $0x1  }
0x133: {  	v3 =	vperm.xlane v3, v2;
	_ =	sdelay $0x1  }
0x134: {  	v3 =	vadd.s32 v1, v3  }
0x135: {  	[tilespmem:s8], [sflag:$0x1] =	stream.indirect_vreg.gather [hbm4b:s4+s2], $0x80, v4, vm0, $0xb8;
	[tilespmem:$0x18280] =	vst v63  }
0x136: {  	s1 =	simm.s32 $0xA80  }
0x137: {  	[tilespmem:s1], [sflag:$0x1] =	stream.indirect_vreg.gather [hbm4b:s6+s2], $0x80, v4, vm1, $0xb8;
	[tilespmem:$0x18280] =	vst v63  }
0x138: {  	s14 =	simm.s32 $0xE80  }
0x139: {  	[tilespmem:s14], [sflag:$0x1] =	stream.indirect_vreg.gather [hbm4b:s4+s2], $0x80, v3, vm0, $0xb8;
	[tilespmem:$0x18280] =	vst v63  }
0x13a: {  	s20 =	simm.s32 $0x1680  }
0x13b: {  	[tilespmem:s20], [sflag:$0x1] =	stream.indirect_vreg.gather [hbm4b:s6+s2], $0x80, v3, vm1, $0xb8;
	[tilespmem:$0x18280] =	vst v63  }
0x13c: {  	v3 =	vld [tilespmem:$0x110];
	_ =	sdelay $0x4  }
0x13d: {  	v57 =	vshrl.u32 v3, $0x3  }
0x13e: {  	v4 =	vmul.u32 $0x18, v57  }
0x13f: {  	v3 =	vand.u32 $0x7, v3  }
0x140: {  	v3 =	vor.u32 v3, v4  }
0x141: {  	v4 =	vperm.xlane v3, v0;
	_ =	sdelay $0x1  }
0x142: {  	v4 =	vadd.s32 v1, v4;
	_ =	sdelay $0x1  }
0x143: {  	v3 =	vperm.xlane v3, v2;
	_ =	sdelay $0x1  }
0x144: {  	s20 =	simm.s32 $0x1A80;
	v3 =	vadd.s32 v1, v3  }
0x145: {  	[tilespmem:s20], [sflag:$0x1] =	stream.indirect_vreg.gather [hbm4b:s4+s2], $0x80, v4, vm0, $0xb8;
	[tilespmem:$0x18280] =	vst v63  }
0x146: {  	s10 =	simm.s32 $0x2280  }
0x147: {  	[tilespmem:s10], [sflag:$0x1] =	stream.indirect_vreg.gather [hbm4b:s6+s2], $0x80, v4, vm1, $0xb8;
	[tilespmem:$0x18280] =	vst v63  }
0x148: {  	s13 =	simm.s32 $0x2680  }
0x149: {  	[tilespmem:s13], [sflag:$0x1] =	stream.indirect_vreg.gather [hbm4b:s4+s2], $0x80, v3, vm0, $0xb8;
	[tilespmem:$0x18280] =	vst v63  }
0x14a: {  	s29 =	simm.s32 $0x2E80  }
0x14b: {  	[tilespmem:s29], [sflag:$0x1] =	stream.indirect_vreg.gather [hbm4b:s6+s2], $0x80, v3, vm1, $0xb8;
	[tilespmem:$0x18280] =	vst v63  }
0x14c: {  	v3 =	vld [tilespmem:$0x120];
	_ =	sdelay $0x4  }
0x14d: {  	v58 =	vshrl.u32 v3, $0x3  }
0x14e: {  	v4 =	vmul.u32 $0x18, v58  }
0x14f: {  	v3 =	vand.u32 $0x7, v3  }
0x150: {  	v3 =	vor.u32 v3, v4  }
0x151: {  	v4 =	vperm.xlane v3, v0;
	_ =	sdelay $0x1  }
0x152: {  	v4 =	vadd.s32 v1, v4;
	_ =	sdelay $0x1  }
0x153: {  	v3 =	vperm.xlane v3, v2;
	_ =	sdelay $0x1  }
0x154: {  	s15 =	simm.s32 $0x3280;
	v3 =	vadd.s32 v1, v3  }
0x155: {  	[tilespmem:s15], [sflag:$0x1] =	stream.indirect_vreg.gather [hbm4b:s4+s2], $0x80, v4, vm0, $0xb8;
	[tilespmem:$0x18280] =	vst v63  }
0x156: {  	s16 =	simm.s32 $0x3A80  }
0x157: {  	[tilespmem:s16], [sflag:$0x1] =	stream.indirect_vreg.gather [hbm4b:s6+s2], $0x80, v4, vm1, $0xb8;
	[tilespmem:$0x18280] =	vst v63  }
0x158: {  	s18 =	simm.s32 $0x3E80  }
0x159: {  	[tilespmem:s18], [sflag:$0x1] =	stream.indirect_vreg.gather [hbm4b:s4+s2], $0x80, v3, vm0, $0xb8;
	[tilespmem:$0x18280] =	vst v63  }
0x15a: {  	s30 =	simm.s32 $0x4680  }
0x15b: {  	[tilespmem:s30], [sflag:$0x1] =	stream.indirect_vreg.gather [hbm4b:s6+s2], $0x80, v3, vm1, $0xb8;
	[tilespmem:$0x18280] =	vst v63  }
0x15c: {  	v3 =	vld [tilespmem:$0x130];
	_ =	sdelay $0x4  }
0x15d: {  	v59 =	vshrl.u32 v3, $0x3  }
0x15e: {  	v4 =	vmul.u32 $0x18, v59  }
0x15f: {  	v3 =	vand.u32 $0x7, v3  }
0x160: {  	v3 =	vor.u32 v3, v4  }
0x161: {  	v4 =	vperm.xlane v3, v0;
	_ =	sdelay $0x1  }
0x162: {  	v4 =	vadd.s32 v1, v4;
	_ =	sdelay $0x1  }
0x163: {  	v3 =	vperm.xlane v3, v2;
	_ =	sdelay $0x1  }
0x164: {  	s19 =	simm.s32 $0x4A80;
	v3 =	vadd.s32 v1, v3  }
0x165: {  	[tilespmem:s19], [sflag:$0x1] =	stream.indirect_vreg.gather [hbm4b:s4+s2], $0x80, v4, vm0, $0xb8;
	[tilespmem:$0x18280] =	vst v63  }
0x166: {  	s3 =	simm.s32 $0x5280  }
0x167: {  	[tilespmem:s3], [sflag:$0x1] =	stream.indirect_vreg.gather [hbm4b:s6+s2], $0x80, v4, vm1, $0xb8;
	[tilespmem:$0x18280] =	vst v63  }
0x168: {  	s28 =	simm.s32 $0x5680  }
0x169: {  	[tilespmem:s28], [sflag:$0x1] =	stream.indirect_vreg.gather [hbm4b:s4+s2], $0x80, v3, vm0, $0xb8;
	[tilespmem:$0x18280] =	vst v63  }
0x16a: {  	s23 =	simm.s32 $0x5E80  }
0x16b: {  	[tilespmem:s23], [sflag:$0x1] =	stream.indirect_vreg.gather [hbm4b:s6+s2], $0x80, v3, vm1, $0xb8;
	[tilespmem:$0x18280] =	vst v63  }
0x16c: {  	_ =	swait.ge [sflag:s22], $0x6000  }
0x16d: {  	[sflag:s22] =	ssyncset.done $0x0  }
0x16e: {  	s11 =	simm.s32 $0x6280;
	s19 =	rddreg [dreg:$0x3];
	[sflag:s22] =	ssyncadd.s32 $0xFFFFA000  }
0x16f: {  	[hbm4b:s19+s2] =	stream.linear.scatter [tilespmem:s11], [sflag:$0x5], $0x6000, $0x38;
	[tilespmem:$0x18280] =	vst v63  }
0x170: {  	_ =	swait.ge [sflag:s9], $0x6000  }
0x171: {  	[sflag:s9] =	ssyncset.done $0x0  }
0x172: {  	[sflag:s9] =	ssyncadd.s32 $0xFFFFA000  }
0x173: {  	v3 =	vld [tilespmem:$0x140];
	_ =	sdelay $0x4  }
0x174: {  	v60 =	vshrl.u32 v3, $0x3  }
0x175: {  	v4 =	vmul.u32 $0x18, v60  }
0x176: {  	v3 =	vand.u32 $0x7, v3  }
0x177: {  	v3 =	vor.u32 v3, v4  }
0x178: {  	v4 =	vperm.xlane v3, v0;
	_ =	sdelay $0x1  }
0x179: {  	v4 =	vadd.s32 v1, v4;
	_ =	sdelay $0x1  }
0x17a: {  	v3 =	vperm.xlane v3, v2;
	_ =	sdelay $0x1  }
0x17b: {  	v3 =	vadd.s32 v1, v3  }
0x17c: {  	[tilespmem:s11], [sflag:$0x2] =	stream.indirect_vreg.gather [hbm4b:s4+s2], $0x80, v4, vm0, $0xb8;
	[tilespmem:$0x18280] =	vst v63  }
0x17d: {  	s18 =	simm.s32 $0x6A80  }
0x17e: {  	[tilespmem:s18], [sflag:$0x2] =	stream.indirect_vreg.gather [hbm4b:s6+s2], $0x80, v4, vm1, $0xb8;
	[tilespmem:$0x18280] =	vst v63  }
0x17f: {  	s26 =	simm.s32 $0x6E80  }
0x180: {  	[tilespmem:s26], [sflag:$0x2] =	stream.indirect_vreg.gather [hbm4b:s4+s2], $0x80, v3, vm0, $0xb8;
	[tilespmem:$0x18280] =	vst v63  }
0x181: {  	s24 =	simm.s32 $0x7680  }
0x182: {  	[tilespmem:s24], [sflag:$0x2] =	stream.indirect_vreg.gather [hbm4b:s6+s2], $0x80, v3, vm1, $0xb8;
	[tilespmem:$0x18280] =	vst v63  }
0x183: {  	v3 =	vld [tilespmem:$0x150];
	_ =	sdelay $0x4  }
0x184: {  	v61 =	vshrl.u32 v3, $0x3  }
0x185: {  	v4 =	vmul.u32 $0x18, v61  }
0x186: {  	v3 =	vand.u32 $0x7, v3  }
0x187: {  	v3 =	vor.u32 v3, v4  }
0x188: {  	v4 =	vperm.xlane v3, v0;
	_ =	sdelay $0x1  }
0x189: {  	v4 =	vadd.s32 v1, v4;
	_ =	sdelay $0x1  }
0x18a: {  	v3 =	vperm.xlane v3, v2;
	_ =	sdelay $0x1  }
0x18b: {  	s0 =	simm.s32 $0x7A80;
	v3 =	vadd.s32 v1, v3  }
0x18c: {  	[tilespmem:s0], [sflag:$0x2] =	stream.indirect_vreg.gather [hbm4b:s4+s2], $0x80, v4, vm0, $0xb8;
	[tilespmem:$0x18280] =	vst v63  }
0x18d: {  	s10 =	simm.s32 $0x8280  }
0x18e: {  	[tilespmem:s10], [sflag:$0x2] =	stream.indirect_vreg.gather [hbm4b:s6+s2], $0x80, v4, vm1, $0xb8;
	[tilespmem:$0x18280] =	vst v63  }
0x18f: {  	s13 =	simm.s32 $0x8680  }
0x190: {  	[tilespmem:s13], [sflag:$0x2] =	stream.indirect_vreg.gather [hbm4b:s4+s2], $0x80, v3, vm0, $0xb8;
	[tilespmem:$0x18280] =	vst v63  }
0x191: {  	s25 =	simm.s32 $0x8E80  }
0x192: {  	[tilespmem:s25], [sflag:$0x2] =	stream.indirect_vreg.gather [hbm4b:s6+s2], $0x80, v3, vm1, $0xb8;
	[tilespmem:$0x18280] =	vst v63  }
0x193: {  	v3 =	vld [tilespmem:$0x160];
	_ =	sdelay $0x4  }
0x194: {  	v62 =	vshrl.u32 v3, $0x3  }
0x195: {  	v4 =	vmul.u32 $0x18, v62  }
0x196: {  	v3 =	vand.u32 $0x7, v3  }
0x197: {  	v3 =	vor.u32 v3, v4  }
0x198: {  	v4 =	vperm.xlane v3, v0;
	_ =	sdelay $0x1  }
0x199: {  	v4 =	vadd.s32 v1, v4;
	_ =	sdelay $0x1  }
0x19a: {  	v3 =	vperm.xlane v3, v2;
	_ =	sdelay $0x1  }
0x19b: {  	s14 =	simm.s32 $0x9280;
	v3 =	vadd.s32 v1, v3  }
0x19c: {  	[tilespmem:s14], [sflag:$0x2] =	stream.indirect_vreg.gather [hbm4b:s4+s2], $0x80, v4, vm0, $0xb8;
	[tilespmem:$0x18280] =	vst v63  }
0x19d: {  	s15 =	simm.s32 $0x9A80  }
0x19e: {  	[tilespmem:s15], [sflag:$0x2] =	stream.indirect_vreg.gather [hbm4b:s6+s2], $0x80, v4, vm1, $0xb8;
	[tilespmem:$0x18280] =	vst v63  }
0x19f: {  	s16 =	simm.s32 $0x9E80  }
0x1a0: {  	[tilespmem:s16], [sflag:$0x2] =	stream.indirect_vreg.gather [hbm4b:s4+s2], $0x80, v3, vm0, $0xb8;
	[tilespmem:$0x18280] =	vst v63  }
0x1a1: {  	s17 =	simm.s32 $0xA680  }
0x1a2: {  	[tilespmem:s17], [sflag:$0x2] =	stream.indirect_vreg.gather [hbm4b:s6+s2], $0x80, v3, vm1, $0xb8;
	[tilespmem:$0x18280] =	vst v63  }
0x1a3: {  	v3 =	vld [tilespmem:$0x170];
	_ =	sdelay $0x4  }
0x1a4: {  	v63 =	vshrl.u32 v3, $0x3  }
0x1a5: {  	v4 =	vmul.u32 $0x18, v63  }
0x1a6: {  	v3 =	vand.u32 $0x7, v3  }
0x1a7: {  	v3 =	vor.u32 v3, v4  }
0x1a8: {  	v4 =	vperm.xlane v3, v0;
	_ =	sdelay $0x1  }
0x1a9: {  	v4 =	vadd.s32 v1, v4;
	_ =	sdelay $0x1  }
0x1aa: {  	v3 =	vperm.xlane v3, v2;
	_ =	sdelay $0x1  }
0x1ab: {  	s17 =	simm.s32 $0xAA80;
	v3 =	vadd.s32 v1, v3  }
0x1ac: {  	[tilespmem:s17], [sflag:$0x2] =	stream.indirect_vreg.gather [hbm4b:s4+s2], $0x80, v4, vm0, $0xb8;
	[tilespmem:$0x18280] =	vst v63  }
0x1ad: {  	s28 =	simm.s32 $0xB280  }
0x1ae: {  	[tilespmem:s28], [sflag:$0x2] =	stream.indirect_vreg.gather [hbm4b:s6+s2], $0x80, v4, vm1, $0xb8;
	[tilespmem:$0x18280] =	vst v63  }
0x1af: {  	s19 =	simm.s32 $0xB680  }
0x1b0: {  	[tilespmem:s19], [sflag:$0x2] =	stream.indirect_vreg.gather [hbm4b:s4+s2], $0x80, v3, vm0, $0xb8;
	[tilespmem:$0x18280] =	vst v63  }
0x1b1: {  	s3 =	simm.s32 $0xBE80;
	s24 =	simm.s32 $0x3  }
0x1b2: {  	[tilespmem:s3], [sflag:$0x2] =	stream.indirect_vreg.gather [hbm4b:s6+s2], $0x80, v3, vm1, $0xb8;
	[tilespmem:$0x18280] =	vst v63  }
0x1b3: {  	_ =	swait.ge [sflag:s24], $0x6000  }
0x1b4: {  	[sflag:s24] =	ssyncset.done $0x0  }
0x1b5: {  	s11 =	simm.s32 $0xC280;
	s8 =	rddreg [dreg:$0x4];
	[sflag:s24] =	ssyncadd.s32 $0xFFFFA000  }
0x1b6: {  	[hbm4b:s8+s2] =	stream.linear.scatter [tilespmem:s11], [sflag:$0x5], $0x6000, $0x38;
	[tilespmem:$0x18280] =	vst v63  }
0x1b7: {  	_ =	swait.ge [sflag:s9], $0x6000  }
0x1b8: {  	[sflag:s9] =	ssyncset.done $0x0  }
0x1b9: {  	[sflag:s9] =	ssyncadd.s32 $0xFFFFA000  }
0x1ba: {  	v3 =	vld [tilespmem:$0x180];
	_ =	sdelay $0x4  }
0x1bb: {  	v8 =	vshrl.u32 v3, $0x3  }
0x1bc: {  	v4 =	vmul.u32 $0x18, v8  }
0x1bd: {  	v3 =	vand.u32 $0x7, v3  }
0x1be: {  	v3 =	vor.u32 v3, v4  }
0x1bf: {  	v4 =	vperm.xlane v3, v0;
	_ =	sdelay $0x1  }
0x1c0: {  	v4 =	vadd.s32 v1, v4;
	_ =	sdelay $0x1  }
0x1c1: {  	v3 =	vperm.xlane v3, v2;
	_ =	sdelay $0x1  }
0x1c2: {  	v3 =	vadd.s32 v1, v3  }
0x1c3: {  	[tilespmem:s11], [sflag:$0x3] =	stream.indirect_vreg.gather [hbm4b:s4+s2], $0x80, v4, vm0, $0xb8;
	[tilespmem:$0x18280] =	vst v63  }
0x1c4: {  	s12 =	simm.s32 $0xCA80  }
0x1c5: {  	[tilespmem:s12], [sflag:$0x3] =	stream.indirect_vreg.gather [hbm4b:s6+s2], $0x80, v4, vm1, $0xb8;
	[tilespmem:$0x18280] =	vst v63  }
0x1c6: {  	s12 =	simm.s32 $0xCE80  }
0x1c7: {  	[tilespmem:s12], [sflag:$0x3] =	stream.indirect_vreg.gather [hbm4b:s4+s2], $0x80, v3, vm0, $0xb8;
	[tilespmem:$0x18280] =	vst v63  }
0x1c8: {  	s25 =	simm.s32 $0xD680  }
0x1c9: {  	[tilespmem:s25], [sflag:$0x3] =	stream.indirect_vreg.gather [hbm4b:s6+s2], $0x80, v3, vm1, $0xb8;
	[tilespmem:$0x18280] =	vst v63  }
0x1ca: {  	v3 =	vld [tilespmem:$0x190];
	_ =	sdelay $0x4  }
0x1cb: {  	v9 =	vshrl.u32 v3, $0x3  }
0x1cc: {  	v4 =	vmul.u32 $0x18, v9  }
0x1cd: {  	v3 =	vand.u32 $0x7, v3  }
0x1ce: {  	v3 =	vor.u32 v3, v4  }
0x1cf: {  	v4 =	vperm.xlane v3, v0;
	_ =	sdelay $0x1  }
0x1d0: {  	v4 =	vadd.s32 v1, v4;
	_ =	sdelay $0x1  }
0x1d1: {  	v3 =	vperm.xlane v3, v2;
	_ =	sdelay $0x1  }
0x1d2: {  	s28 =	simm.s32 $0xDA80;
	v3 =	vadd.s32 v1, v3  }
0x1d3: {  	[tilespmem:s28], [sflag:$0x3] =	stream.indirect_vreg.gather [hbm4b:s4+s2], $0x80, v4, vm0, $0xb8;
	[tilespmem:$0x18280] =	vst v63  }
0x1d4: {  	s3 =	simm.s32 $0xE280  }
0x1d5: {  	[tilespmem:s3], [sflag:$0x3] =	stream.indirect_vreg.gather [hbm4b:s6+s2], $0x80, v4, vm1, $0xb8;
	[tilespmem:$0x18280] =	vst v63  }
0x1d6: {  	s8 =	simm.s32 $0xE680  }
0x1d7: {  	[tilespmem:s8], [sflag:$0x3] =	stream.indirect_vreg.gather [hbm4b:s4+s2], $0x80, v3, vm0, $0xb8;
	[tilespmem:$0x18280] =	vst v63  }
0x1d8: {  	s11 =	simm.s32 $0xEE80  }
0x1d9: {  	[tilespmem:s11], [sflag:$0x3] =	stream.indirect_vreg.gather [hbm4b:s6+s2], $0x80, v3, vm1, $0xb8;
	[tilespmem:$0x18280] =	vst v63  }
0x1da: {  	v3 =	vld [tilespmem:$0x1A0];
	_ =	sdelay $0x4  }
0x1db: {  	v10 =	vshrl.u32 v3, $0x3  }
0x1dc: {  	v4 =	vmul.u32 $0x18, v10  }
0x1dd: {  	v3 =	vand.u32 $0x7, v3  }
0x1de: {  	v3 =	vor.u32 v3, v4  }
0x1df: {  	v4 =	vperm.xlane v3, v0;
	_ =	sdelay $0x1  }
0x1e0: {  	v4 =	vadd.s32 v1, v4;
	_ =	sdelay $0x1  }
0x1e1: {  	v3 =	vperm.xlane v3, v2;
	_ =	sdelay $0x1  }
0x1e2: {  	s12 =	simm.s32 $0xF280;
	v3 =	vadd.s32 v1, v3  }
0x1e3: {  	[tilespmem:s12], [sflag:$0x3] =	stream.indirect_vreg.gather [hbm4b:s4+s2], $0x80, v4, vm0, $0xb8;
	[tilespmem:$0x18280] =	vst v63  }
0x1e4: {  	s25 =	simm.s32 $0xFA80  }
0x1e5: {  	[tilespmem:s25], [sflag:$0x3] =	stream.indirect_vreg.gather [hbm4b:s6+s2], $0x80, v4, vm1, $0xb8;
	[tilespmem:$0x18280] =	vst v63  }
0x1e6: {  	s28 =	simm.s32 $0xFE80  }
0x1e7: {  	[tilespmem:s28], [sflag:$0x3] =	stream.indirect_vreg.gather [hbm4b:s4+s2], $0x80, v3, vm0, $0xb8;
	[tilespmem:$0x18280] =	vst v63  }
0x1e8: {  	s3 =	simm.s32 $0x10680  }
0x1e9: {  	[tilespmem:s3], [sflag:$0x3] =	stream.indirect_vreg.gather [hbm4b:s6+s2], $0x80, v3, vm1, $0xb8;
	[tilespmem:$0x18280] =	vst v63  }
0x1ea: {  	v3 =	vld [tilespmem:$0x1B0];
	_ =	sdelay $0x4  }
0x1eb: {  	v11 =	vshrl.u32 v3, $0x3  }
0x1ec: {  	v4 =	vmul.u32 $0x18, v11  }
0x1ed: {  	v3 =	vand.u32 $0x7, v3  }
0x1ee: {  	v3 =	vor.u32 v3, v4  }
0x1ef: {  	v4 =	vperm.xlane v3, v0;
	_ =	sdelay $0x1  }
0x1f0: {  	v4 =	vadd.s32 v1, v4;
	_ =	sdelay $0x1  }
0x1f1: {  	v3 =	vperm.xlane v3, v2;
	_ =	sdelay $0x1  }
0x1f2: {  	s8 =	simm.s32 $0x10A80;
	v3 =	vadd.s32 v1, v3  }
0x1f3: {  	[tilespmem:s8], [sflag:$0x3] =	stream.indirect_vreg.gather [hbm4b:s4+s2], $0x80, v4, vm0, $0xb8;
	[tilespmem:$0x18280] =	vst v63  }
0x1f4: {  	s11 =	simm.s32 $0x11280  }
0x1f5: {  	[tilespmem:s11], [sflag:$0x3] =	stream.indirect_vreg.gather [hbm4b:s6+s2], $0x80, v4, vm1, $0xb8;
	[tilespmem:$0x18280] =	vst v63  }
0x1f6: {  	s12 =	simm.s32 $0x11680  }
0x1f7: {  	[tilespmem:s12], [sflag:$0x3] =	stream.indirect_vreg.gather [hbm4b:s4+s2], $0x80, v3, vm0, $0xb8;
	[tilespmem:$0x18280] =	vst v63  }
0x1f8: {  	s25 =	simm.s32 $0x11E80;
	s8 =	simm.s32 $0x4  }
0x1f9: {  	[tilespmem:s25], [sflag:$0x3] =	stream.indirect_vreg.gather [hbm4b:s6+s2], $0x80, v3, vm1, $0xb8;
	[tilespmem:$0x18280] =	vst v63  }
0x1fa: {  	_ =	swait.ge [sflag:s8], $0x6000  }
0x1fb: {  	[sflag:s8] =	ssyncset.done $0x0  }
0x1fc: {  	s1 =	simm.s32 $0x12280;
	s28 =	rddreg [dreg:$0x5];
	[sflag:s8] =	ssyncadd.s32 $0xFFFFA000  }
0x1fd: {  	[hbm4b:s28+s2] =	stream.linear.scatter [tilespmem:s1], [sflag:$0x5], $0x6000, $0x38;
	[tilespmem:$0x18280] =	vst v63  }
0x1fe: {  	_ =	swait.ge [sflag:s9], $0x6000  }
0x1ff: {  	[sflag:s9] =	ssyncset.done $0x0  }
0x200: {  	[sflag:s9] =	ssyncadd.s32 $0xFFFFA000  }
0x201: {  	v3 =	vld [tilespmem:$0x1C0];
	_ =	sdelay $0x4  }
0x202: {  	v12 =	vshrl.u32 v3, $0x3  }
0x203: {  	v4 =	vmul.u32 $0x18, v12  }
0x204: {  	v3 =	vand.u32 $0x7, v3  }
0x205: {  	v3 =	vor.u32 v3, v4  }
0x206: {  	v4 =	vperm.xlane v3, v0;
	_ =	sdelay $0x1  }
0x207: {  	v4 =	vadd.s32 v1, v4;
	_ =	sdelay $0x1  }
0x208: {  	v3 =	vperm.xlane v3, v2;
	_ =	sdelay $0x1  }
0x209: {  	v3 =	vadd.s32 v1, v3  }
0x20a: {  	[tilespmem:s1], [sflag:$0x4] =	stream.indirect_vreg.gather [hbm4b:s4+s2], $0x80, v4, vm0, $0xb8;
	[tilespmem:$0x18280] =	vst v63  }
0x20b: {  	s31 =	simm.s32 $0x12A80  }
0x20c: {  	[tilespmem:s31], [sflag:$0x4] =	stream.indirect_vreg.gather [hbm4b:s6+s2], $0x80, v4, vm1, $0xb8;
	[tilespmem:$0x18280] =	vst v63  }
0x20d: {  	s3 =	simm.s32 $0x12E80  }
0x20e: {  	[tilespmem:s3], [sflag:$0x4] =	stream.indirect_vreg.gather [hbm4b:s4+s2], $0x80, v3, vm0, $0xb8;
	[tilespmem:$0x18280] =	vst v63  }
0x20f: {  	s11 =	simm.s32 $0x13680  }
0x210: {  	[tilespmem:s11], [sflag:$0x4] =	stream.indirect_vreg.gather [hbm4b:s6+s2], $0x80, v3, vm1, $0xb8;
	[tilespmem:$0x18280] =	vst v63  }
0x211: {  	v3 =	vld [tilespmem:$0x1D0];
	_ =	sdelay $0x4  }
0x212: {  	v13 =	vshrl.u32 v3, $0x3  }
0x213: {  	v4 =	vmul.u32 $0x18, v13  }
0x214: {  	v3 =	vand.u32 $0x7, v3  }
0x215: {  	v3 =	vor.u32 v3, v4  }
0x216: {  	v4 =	vperm.xlane v3, v0;
	_ =	sdelay $0x1  }
0x217: {  	v4 =	vadd.s32 v1, v4;
	_ =	sdelay $0x1  }
0x218: {  	v3 =	vperm.xlane v3, v2;
	_ =	sdelay $0x1  }
0x219: {  	s12 =	simm.s32 $0x13A80;
	v3 =	vadd.s32 v1, v3  }
0x21a: {  	[tilespmem:s12], [sflag:$0x4] =	stream.indirect_vreg.gather [hbm4b:s4+s2], $0x80, v4, vm0, $0xb8;
	[tilespmem:$0x18280] =	vst v63  }
0x21b: {  	s25 =	simm.s32 $0x14280  }
0x21c: {  	[tilespmem:s25], [sflag:$0x4] =	stream.indirect_vreg.gather [hbm4b:s6+s2], $0x80, v4, vm1, $0xb8;
	[tilespmem:$0x18280] =	vst v63  }
0x21d: {  	s28 =	simm.s32 $0x14680  }
0x21e: {  	[tilespmem:s28], [sflag:$0x4] =	stream.indirect_vreg.gather [hbm4b:s4+s2], $0x80, v3, vm0, $0xb8;
	[tilespmem:$0x18280] =	vst v63  }
0x21f: {  	s31 =	simm.s32 $0x14E80  }
0x220: {  	[tilespmem:s31], [sflag:$0x4] =	stream.indirect_vreg.gather [hbm4b:s6+s2], $0x80, v3, vm1, $0xb8;
	[tilespmem:$0x18280] =	vst v63  }
0x221: {  	v3 =	vld [tilespmem:$0x1E0];
	_ =	sdelay $0x4  }
0x222: {  	v14 =	vshrl.u32 v3, $0x3  }
0x223: {  	v4 =	vmul.u32 $0x18, v14  }
0x224: {  	v3 =	vand.u32 $0x7, v3  }
0x225: {  	v3 =	vor.u32 v3, v4  }
0x226: {  	v4 =	vperm.xlane v3, v0;
	_ =	sdelay $0x1  }
0x227: {  	v4 =	vadd.s32 v1, v4;
	_ =	sdelay $0x1  }
0x228: {  	v3 =	vperm.xlane v3, v2;
	_ =	sdelay $0x1  }
0x229: {  	s3 =	simm.s32 $0x15280;
	v3 =	vadd.s32 v1, v3  }
0x22a: {  	[tilespmem:s3], [sflag:$0x4] =	stream.indirect_vreg.gather [hbm4b:s4+s2], $0x80, v4, vm0, $0xb8;
	[tilespmem:$0x18280] =	vst v63  }
0x22b: {  	s11 =	simm.s32 $0x15A80  }
0x22c: {  	[tilespmem:s11], [sflag:$0x4] =	stream.indirect_vreg.gather [hbm4b:s6+s2], $0x80, v4, vm1, $0xb8;
	[tilespmem:$0x18280] =	vst v63  }
0x22d: {  	s12 =	simm.s32 $0x15E80  }
0x22e: {  	[tilespmem:s12], [sflag:$0x4] =	stream.indirect_vreg.gather [hbm4b:s4+s2], $0x80, v3, vm0, $0xb8;
	[tilespmem:$0x18280] =	vst v63  }
0x22f: {  	s25 =	simm.s32 $0x16680  }
0x230: {  	[tilespmem:s25], [sflag:$0x4] =	stream.indirect_vreg.gather [hbm4b:s6+s2], $0x80, v3, vm1, $0xb8;
	[tilespmem:$0x18280] =	vst v63  }
0x231: {  	v3 =	vld [tilespmem:$0x1F0];
	_ =	sdelay $0x4  }
0x232: {  	v15 =	vshrl.u32 v3, $0x3  }
0x233: {  	v4 =	vmul.u32 $0x18, v15  }
0x234: {  	v3 =	vand.u32 $0x7, v3  }
0x235: {  	v3 =	vor.u32 v3, v4  }
0x236: {  	v4 =	vperm.xlane v3, v0;
	_ =	sdelay $0x1  }
0x237: {  	v4 =	vadd.s32 v1, v4;
	_ =	sdelay $0x1  }
0x238: {  	v3 =	vperm.xlane v3, v2;
	_ =	sdelay $0x1  }
0x239: {  	s28 =	simm.s32 $0x16A80;
	v3 =	vadd.s32 v1, v3  }
0x23a: {  	[tilespmem:s28], [sflag:$0x4] =	stream.indirect_vreg.gather [hbm4b:s4+s2], $0x80, v4, vm0, $0xb8;
	[tilespmem:$0x18280] =	vst v63  }
0x23b: {  	s31 =	simm.s32 $0x17280  }
0x23c: {  	[tilespmem:s31], [sflag:$0x4] =	stream.indirect_vreg.gather [hbm4b:s6+s2], $0x80, v4, vm1, $0xb8;
	[tilespmem:$0x18280] =	vst v63  }
0x23d: {  	s3 =	simm.s32 $0x17680  }
0x23e: {  	[tilespmem:s3], [sflag:$0x4] =	stream.indirect_vreg.gather [hbm4b:s4+s2], $0x80, v3, vm0, $0xb8;
	[tilespmem:$0x18280] =	vst v63  }
0x23f: {  	s11 =	simm.s32 $0x17E80  }
0x240: {  	[tilespmem:s11], [sflag:$0x4] =	stream.indirect_vreg.gather [hbm4b:s6+s2], $0x80, v3, vm1, $0xb8;
	[tilespmem:$0x18280] =	vst v63  }
0x241: {  	_ =	swait.ge [sflag:s21], $0x6000  }
0x242: {  	[sflag:s21] =	ssyncset.done $0x0  }
0x243: {  	s28 =	simm.s32 $0x280;
	s12 =	rddreg [dreg:$0x6];
	[sflag:s21] =	ssyncadd.s32 $0xFFFFA000  }
0x244: {  	[hbm4b:s12+s2] =	stream.linear.scatter [tilespmem:s28], [sflag:$0x5], $0x6000, $0x38;
	[tilespmem:$0x18280] =	vst v63  }
0x245: {  	_ =	swait.ge [sflag:s9], $0x6000  }
0x246: {  	[sflag:s9] =	ssyncset.done $0x0  }
0x247: {  	[sflag:s9] =	ssyncadd.s32 $0xFFFFA000  }
0x248: {  	v3 =	vld [tilespmem:$0x200];
	_ =	sdelay $0x4  }
0x249: {  	v16 =	vshrl.u32 v3, $0x3  }
0x24a: {  	v4 =	vmul.u32 $0x18, v16  }
0x24b: {  	v3 =	vand.u32 $0x7, v3  }
0x24c: {  	v3 =	vor.u32 v3, v4  }
0x24d: {  	v4 =	vperm.xlane v3, v0;
	_ =	sdelay $0x1  }
0x24e: {  	v4 =	vadd.s32 v1, v4;
	_ =	sdelay $0x1  }
0x24f: {  	v3 =	vperm.xlane v3, v2;
	_ =	sdelay $0x1  }
0x250: {  	v3 =	vadd.s32 v1, v3  }
0x251: {  	[tilespmem:s28], [sflag:$0x1] =	stream.indirect_vreg.gather [hbm4b:s4+s2], $0x80, v4, vm0, $0xb8;
	[tilespmem:$0x18280] =	vst v63  }
0x252: {  	s31 =	simm.s32 $0xA80  }
0x253: {  	[tilespmem:s31], [sflag:$0x1] =	stream.indirect_vreg.gather [hbm4b:s6+s2], $0x80, v4, vm1, $0xb8;
	[tilespmem:$0x18280] =	vst v63  }
0x254: {  	s11 =	simm.s32 $0xE80  }
0x255: {  	[tilespmem:s11], [sflag:$0x1] =	stream.indirect_vreg.gather [hbm4b:s4+s2], $0x80, v3, vm0, $0xb8;
	[tilespmem:$0x18280] =	vst v63  }
0x256: {  	s12 =	simm.s32 $0x1680  }
0x257: {  	[tilespmem:s12], [sflag:$0x1] =	stream.indirect_vreg.gather [hbm4b:s6+s2], $0x80, v3, vm1, $0xb8;
	[tilespmem:$0x18280] =	vst v63  }
0x258: {  	v3 =	vld [tilespmem:$0x210];
	_ =	sdelay $0x4  }
0x259: {  	v17 =	vshrl.u32 v3, $0x3  }
0x25a: {  	v4 =	vmul.u32 $0x18, v17  }
0x25b: {  	v3 =	vand.u32 $0x7, v3  }
0x25c: {  	v3 =	vor.u32 v3, v4  }
0x25d: {  	v4 =	vperm.xlane v3, v0;
	_ =	sdelay $0x1  }
0x25e: {  	v4 =	vadd.s32 v1, v4;
	_ =	sdelay $0x1  }
0x25f: {  	v3 =	vperm.xlane v3, v2;
	_ =	sdelay $0x1  }
0x260: {  	v3 =	vadd.s32 v1, v3  }
0x261: {  	[tilespmem:s20], [sflag:$0x1] =	stream.indirect_vreg.gather [hbm4b:s4+s2], $0x80, v4, vm0, $0xb8;
	[tilespmem:$0x18280] =	vst v63  }
0x262: {  	s25 =	simm.s32 $0x2280  }
0x263: {  	[tilespmem:s25], [sflag:$0x1] =	stream.indirect_vreg.gather [hbm4b:s6+s2], $0x80, v4, vm1, $0xb8;
	[tilespmem:$0x18280] =	vst v63  }
0x264: {  	s28 =	simm.s32 $0x2680  }
0x265: {  	[tilespmem:s28], [sflag:$0x1] =	stream.indirect_vreg.gather [hbm4b:s4+s2], $0x80, v3, vm0, $0xb8;
	[tilespmem:$0x18280] =	vst v63  }
0x266: {  	_ = 	snop  }
0x267: {  	[tilespmem:s29], [sflag:$0x1] =	stream.indirect_vreg.gather [hbm4b:s6+s2], $0x80, v3, vm1, $0xb8;
	[tilespmem:$0x18280] =	vst v63  }
0x268: {  	v3 =	vld [tilespmem:$0x220];
	_ =	sdelay $0x4  }
0x269: {  	v18 =	vshrl.u32 v3, $0x3  }
0x26a: {  	v4 =	vmul.u32 $0x18, v18  }
0x26b: {  	v3 =	vand.u32 $0x7, v3  }
0x26c: {  	v3 =	vor.u32 v3, v4  }
0x26d: {  	v4 =	vperm.xlane v3, v0;
	_ =	sdelay $0x1  }
0x26e: {  	v4 =	vadd.s32 v1, v4;
	_ =	sdelay $0x1  }
0x26f: {  	v3 =	vperm.xlane v3, v2;
	_ =	sdelay $0x1  }
0x270: {  	s11 =	simm.s32 $0x3280;
	v3 =	vadd.s32 v1, v3  }
0x271: {  	[tilespmem:s11], [sflag:$0x1] =	stream.indirect_vreg.gather [hbm4b:s4+s2], $0x80, v4, vm0, $0xb8;
	[tilespmem:$0x18280] =	vst v63  }
0x272: {  	s12 =	simm.s32 $0x3A80  }
0x273: {  	[tilespmem:s12], [sflag:$0x1] =	stream.indirect_vreg.gather [hbm4b:s6+s2], $0x80, v4, vm1, $0xb8;
	[tilespmem:$0x18280] =	vst v63  }
0x274: {  	s20 =	simm.s32 $0x3E80  }
0x275: {  	[tilespmem:s20], [sflag:$0x1] =	stream.indirect_vreg.gather [hbm4b:s4+s2], $0x80, v3, vm0, $0xb8;
	[tilespmem:$0x18280] =	vst v63  }
0x276: {  	_ = 	snop  }
0x277: {  	[tilespmem:s30], [sflag:$0x1] =	stream.indirect_vreg.gather [hbm4b:s6+s2], $0x80, v3, vm1, $0xb8;
	[tilespmem:$0x18280] =	vst v63  }
0x278: {  	v3 =	vld [tilespmem:$0x230];
	_ =	sdelay $0x4  }
0x279: {  	v19 =	vshrl.u32 v3, $0x3  }
0x27a: {  	v4 =	vmul.u32 $0x18, v19  }
0x27b: {  	v3 =	vand.u32 $0x7, v3  }
0x27c: {  	v3 =	vor.u32 v3, v4  }
0x27d: {  	v4 =	vperm.xlane v3, v0;
	_ =	sdelay $0x1  }
0x27e: {  	v4 =	vadd.s32 v1, v4;
	_ =	sdelay $0x1  }
0x27f: {  	v3 =	vperm.xlane v3, v2;
	_ =	sdelay $0x1  }
0x280: {  	s25 =	simm.s32 $0x4A80;
	v3 =	vadd.s32 v1, v3  }
0x281: {  	[tilespmem:s25], [sflag:$0x1] =	stream.indirect_vreg.gather [hbm4b:s4+s2], $0x80, v4, vm0, $0xb8;
	[tilespmem:$0x18280] =	vst v63  }
0x282: {  	s28 =	simm.s32 $0x5280  }
0x283: {  	[tilespmem:s28], [sflag:$0x1] =	stream.indirect_vreg.gather [hbm4b:s6+s2], $0x80, v4, vm1, $0xb8;
	[tilespmem:$0x18280] =	vst v63  }
0x284: {  	s29 =	simm.s32 $0x5680  }
0x285: {  	[tilespmem:s29], [sflag:$0x1] =	stream.indirect_vreg.gather [hbm4b:s4+s2], $0x80, v3, vm0, $0xb8;
	[tilespmem:$0x18280] =	vst v63  }
0x286: {  	_ = 	snop  }
0x287: {  	[tilespmem:s23], [sflag:$0x1] =	stream.indirect_vreg.gather [hbm4b:s6+s2], $0x80, v3, vm1, $0xb8;
	[tilespmem:$0x18280] =	vst v63  }
0x288: {  	_ =	swait.ge [sflag:s22], $0x6000  }
0x289: {  	[sflag:s22] =	ssyncset.done $0x0  }
0x28a: {  	s1 =	simm.s32 $0x6280;
	s30 =	rddreg [dreg:$0x7];
	[sflag:s22] =	ssyncadd.s32 $0xFFFFA000  }
0x28b: {  	[hbm4b:s30+s2] =	stream.linear.scatter [tilespmem:s1], [sflag:$0x5], $0x6000, $0x38;
	[tilespmem:$0x18280] =	vst v63  }
0x28c: {  	_ =	swait.ge [sflag:s9], $0x6000  }
0x28d: {  	[sflag:s9] =	ssyncset.done $0x0  }
0x28e: {  	[sflag:s9] =	ssyncadd.s32 $0xFFFFA000  }
0x28f: {  	v3 =	vld [tilespmem:$0x240];
	_ =	sdelay $0x4  }
0x290: {  	v20 =	vshrl.u32 v3, $0x3  }
0x291: {  	v4 =	vmul.u32 $0x18, v20  }
0x292: {  	v3 =	vand.u32 $0x7, v3  }
0x293: {  	v3 =	vor.u32 v3, v4  }
0x294: {  	v4 =	vperm.xlane v3, v0;
	_ =	sdelay $0x1  }
0x295: {  	v4 =	vadd.s32 v1, v4;
	_ =	sdelay $0x1  }
0x296: {  	v3 =	vperm.xlane v3, v2;
	_ =	sdelay $0x1  }
0x297: {  	v3 =	vadd.s32 v1, v3  }
0x298: {  	[tilespmem:s1], [sflag:$0x2] =	stream.indirect_vreg.gather [hbm4b:s4+s2], $0x80, v4, vm0, $0xb8;
	[tilespmem:$0x18280] =	vst v63  }
0x299: {  	_ = 	snop  }
0x29a: {  	[tilespmem:s18], [sflag:$0x2] =	stream.indirect_vreg.gather [hbm4b:s6+s2], $0x80, v4, vm1, $0xb8;
	[tilespmem:$0x18280] =	vst v63  }
0x29b: {  	_ = 	snop  }
0x29c: {  	[tilespmem:s26], [sflag:$0x2] =	stream.indirect_vreg.gather [hbm4b:s4+s2], $0x80, v3, vm0, $0xb8;
	[tilespmem:$0x18280] =	vst v63  }
0x29d: {  	s12 =	simm.s32 $0x7680  }
0x29e: {  	[tilespmem:s12], [sflag:$0x2] =	stream.indirect_vreg.gather [hbm4b:s6+s2], $0x80, v3, vm1, $0xb8;
	[tilespmem:$0x18280] =	vst v63  }
0x29f: {  	v3 =	vld [tilespmem:$0x250];
	_ =	sdelay $0x4  }
0x2a0: {  	v21 =	vshrl.u32 v3, $0x3  }
0x2a1: {  	v4 =	vmul.u32 $0x18, v21  }
0x2a2: {  	v3 =	vand.u32 $0x7, v3  }
0x2a3: {  	v3 =	vor.u32 v3, v4  }
0x2a4: {  	v4 =	vperm.xlane v3, v0;
	_ =	sdelay $0x1  }
0x2a5: {  	v4 =	vadd.s32 v1, v4;
	_ =	sdelay $0x1  }
0x2a6: {  	v3 =	vperm.xlane v3, v2;
	_ =	sdelay $0x1  }
0x2a7: {  	v3 =	vadd.s32 v1, v3  }
0x2a8: {  	[tilespmem:s0], [sflag:$0x2] =	stream.indirect_vreg.gather [hbm4b:s4+s2], $0x80, v4, vm0, $0xb8;
	[tilespmem:$0x18280] =	vst v63  }
0x2a9: {  	_ = 	snop  }
0x2aa: {  	[tilespmem:s10], [sflag:$0x2] =	stream.indirect_vreg.gather [hbm4b:s6+s2], $0x80, v4, vm1, $0xb8;
	[tilespmem:$0x18280] =	vst v63  }
0x2ab: {  	_ = 	snop  }
0x2ac: {  	[tilespmem:s13], [sflag:$0x2] =	stream.indirect_vreg.gather [hbm4b:s4+s2], $0x80, v3, vm0, $0xb8;
	[tilespmem:$0x18280] =	vst v63  }
0x2ad: {  	s13 =	simm.s32 $0x8E80  }
0x2ae: {  	[tilespmem:s13], [sflag:$0x2] =	stream.indirect_vreg.gather [hbm4b:s6+s2], $0x80, v3, vm1, $0xb8;
	[tilespmem:$0x18280] =	vst v63  }
0x2af: {  	v3 =	vld [tilespmem:$0x260];
	_ =	sdelay $0x4  }
0x2b0: {  	v22 =	vshrl.u32 v3, $0x3  }
0x2b1: {  	v4 =	vmul.u32 $0x18, v22  }
0x2b2: {  	v3 =	vand.u32 $0x7, v3  }
0x2b3: {  	v3 =	vor.u32 v3, v4  }
0x2b4: {  	v4 =	vperm.xlane v3, v0;
	_ =	sdelay $0x1  }
0x2b5: {  	v4 =	vadd.s32 v1, v4;
	_ =	sdelay $0x1  }
0x2b6: {  	v3 =	vperm.xlane v3, v2;
	_ =	sdelay $0x1  }
0x2b7: {  	v3 =	vadd.s32 v1, v3  }
0x2b8: {  	[tilespmem:s14], [sflag:$0x2] =	stream.indirect_vreg.gather [hbm4b:s4+s2], $0x80, v4, vm0, $0xb8;
	[tilespmem:$0x18280] =	vst v63  }
0x2b9: {  	_ = 	snop  }
0x2ba: {  	[tilespmem:s15], [sflag:$0x2] =	stream.indirect_vreg.gather [hbm4b:s6+s2], $0x80, v4, vm1, $0xb8;
	[tilespmem:$0x18280] =	vst v63  }
0x2bb: {  	_ = 	snop  }
0x2bc: {  	[tilespmem:s16], [sflag:$0x2] =	stream.indirect_vreg.gather [hbm4b:s4+s2], $0x80, v3, vm0, $0xb8;
	[tilespmem:$0x18280] =	vst v63  }
0x2bd: {  	s18 =	simm.s32 $0xA680  }
0x2be: {  	[tilespmem:s18], [sflag:$0x2] =	stream.indirect_vreg.gather [hbm4b:s6+s2], $0x80, v3, vm1, $0xb8;
	[tilespmem:$0x18280] =	vst v63  }
0x2bf: {  	v3 =	vld [tilespmem:$0x270];
	_ =	sdelay $0x4  }
0x2c0: {  	v23 =	vshrl.u32 v3, $0x3  }
0x2c1: {  	v4 =	vmul.u32 $0x18, v23  }
0x2c2: {  	v3 =	vand.u32 $0x7, v3  }
0x2c3: {  	v3 =	vor.u32 v3, v4  }
0x2c4: {  	v4 =	vperm.xlane v3, v0;
	_ =	sdelay $0x1  }
0x2c5: {  	v4 =	vadd.s32 v1, v4;
	_ =	sdelay $0x1  }
0x2c6: {  	v3 =	vperm.xlane v3, v2;
	_ =	sdelay $0x1  }
0x2c7: {  	v3 =	vadd.s32 v1, v3  }
0x2c8: {  	[tilespmem:s17], [sflag:$0x2] =	stream.indirect_vreg.gather [hbm4b:s4+s2], $0x80, v4, vm0, $0xb8;
	[tilespmem:$0x18280] =	vst v63  }
0x2c9: {  	s20 =	simm.s32 $0xB280  }
0x2ca: {  	[tilespmem:s20], [sflag:$0x2] =	stream.indirect_vreg.gather [hbm4b:s6+s2], $0x80, v4, vm1, $0xb8;
	[tilespmem:$0x18280] =	vst v63  }
0x2cb: {  	_ = 	snop  }
0x2cc: {  	[tilespmem:s19], [sflag:$0x2] =	stream.indirect_vreg.gather [hbm4b:s4+s2], $0x80, v3, vm0, $0xb8;
	[tilespmem:$0x18280] =	vst v63  }
0x2cd: {  	s25 =	simm.s32 $0xBE80  }
0x2ce: {  	[tilespmem:s25], [sflag:$0x2] =	stream.indirect_vreg.gather [hbm4b:s6+s2], $0x80, v3, vm1, $0xb8;
	[tilespmem:$0x18280] =	vst v63  }
0x2cf: {  	_ =	swait.ge [sflag:s24], $0x6000  }
0x2d0: {  	[sflag:s24] =	ssyncset.done $0x0  }
0x2d1: {  	s0 =	simm.s32 $0xC280;
	s30 =	rddreg [dreg:$0x8];
	[sflag:s24] =	ssyncadd.s32 $0xFFFFA000  }
0x2d2: {  	[hbm4b:s30+s2] =	stream.linear.scatter [tilespmem:s0], [sflag:$0x5], $0x6000, $0x38;
	[tilespmem:$0x18280] =	vst v63  }
0x2d3: {  	_ =	swait.ge [sflag:s9], $0x6000  }
0x2d4: {  	[sflag:s9] =	ssyncset.done $0x0  }
0x2d5: {  	[sflag:s9] =	ssyncadd.s32 $0xFFFFA000  }
0x2d6: {  	_ =	swait.ge [sflag:s8], $0x6000  }
0x2d7: {  	[sflag:s8] =	ssyncset.done $0x0  }
0x2d8: {  	s30 =	simm.s32 $0x12280;
	s25 =	rddreg [dreg:$0x9];
	[sflag:s8] =	ssyncadd.s32 $0xFFFFA000  }
0x2d9: {  	[hbm4b:s25+s2] =	stream.linear.scatter [tilespmem:s30], [sflag:$0x5], $0x6000, $0x38;
	[tilespmem:$0x18280] =	vst v63  }
0x2da: {  	_ =	swait.ge [sflag:s9], $0x6000  }
0x2db: {  	[sflag:s9] =	ssyncset.done $0x0  }
0x2dc: {  	[sflag:s9] =	ssyncadd.s32 $0xFFFFA000  }
0x2dd: {  	_ =	swait.ge [sflag:s21], $0x6000  }
0x2de: {  	[sflag:s21] =	ssyncset.done $0x0  }
0x2df: {  	s3 =	simm.s32 $0x280;
	s30 =	rddreg [dreg:$0xa];
	[sflag:s21] =	ssyncadd.s32 $0xFFFFA000  }
0x2e0: {  	[hbm4b:s30+s2] =	stream.linear.scatter [tilespmem:s3], [sflag:$0x5], $0x6000, $0x38;
	[tilespmem:$0x18280] =	vst v63  }
0x2e1: {  	_ =	swait.ge [sflag:s9], $0x6000  }
0x2e2: {  	[sflag:s9] =	ssyncset.done $0x0  }
0x2e3: {  	[sflag:s9] =	ssyncadd.s32 $0xFFFFA000  }
0x2e4: {  	_ =	swait.ge [sflag:s22], $0x6000  }
0x2e5: {  	[sflag:s22] =	ssyncset.done $0x0  }
0x2e6: {  	s1 =	simm.s32 $0x6280;
	s30 =	rddreg [dreg:$0xb];
	[sflag:s22] =	ssyncadd.s32 $0xFFFFA000  }
0x2e7: {  	[hbm4b:s30+s2] =	stream.linear.scatter [tilespmem:s1], [sflag:$0x5], $0x6000, $0x38;
	[tilespmem:$0x18280] =	vst v63  }
0x2e8: {  	_ =	swait.ge [sflag:s9], $0x6000  }
0x2e9: {  	[sflag:s9] =	ssyncset.done $0x0  }
0x2ea: {  	s30 =	rddreg [dreg:$0xc];
	[sflag:s9] =	ssyncadd.s32 $0xFFFFA000  }
0x2eb: {  	[tilespmem:s2], [sflag:$0x5] =	stream.linear.gather [hbm4b:s30+s2], $0x280, $0x38;
	[tilespmem:$0x18280] =	vst v63  }
0x2ec: {  	_ =	swait.ge [sflag:s9], $0x280  }
0x2ed: {  	[sflag:s9] =	ssyncset.done $0x0  }
0x2ee: {  	[sflag:s9] =	ssyncadd.s32 $0xFFFFFD80  }
0x2ef: {  	v3 =	vld [tilespmem:$0x0];
	_ =	sdelay $0x4  }
0x2f0: {  	v24 =	vshrl.u32 v3, $0x3  }
0x2f1: {  	v4 =	vmul.u32 $0x18, v24  }
0x2f2: {  	v3 =	vand.u32 $0x7, v3  }
0x2f3: {  	v3 =	vor.u32 v3, v4  }
0x2f4: {  	v4 =	vperm.xlane v3, v0;
	_ =	sdelay $0x1  }
0x2f5: {  	v4 =	vadd.s32 v1, v4;
	_ =	sdelay $0x1  }
0x2f6: {  	v3 =	vperm.xlane v3, v2;
	_ =	sdelay $0x1  }
0x2f7: {  	v3 =	vadd.s32 v1, v3  }
0x2f8: {  	[tilespmem:s3], [sflag:$0x1] =	stream.indirect_vreg.gather [hbm4b:s5+s2], $0x80, v4, vm0, $0xb8;
	[tilespmem:$0x18280] =	vst v63  }
0x2f9: {  	s30 =	simm.s32 $0xA80  }
0x2fa: {  	[tilespmem:s30], [sflag:$0x1] =	stream.indirect_vreg.gather [hbm4b:s7+s2], $0x80, v4, vm1, $0xb8;
	[tilespmem:$0x18280] =	vst v63  }
0x2fb: {  	s30 =	simm.s32 $0xE80  }
0x2fc: {  	[tilespmem:s30], [sflag:$0x1] =	stream.indirect_vreg.gather [hbm4b:s5+s2], $0x80, v3, vm0, $0xb8;
	[tilespmem:$0x18280] =	vst v63  }
0x2fd: {  	s30 =	simm.s32 $0x1680  }
0x2fe: {  	[tilespmem:s30], [sflag:$0x1] =	stream.indirect_vreg.gather [hbm4b:s7+s2], $0x80, v3, vm1, $0xb8;
	[tilespmem:$0x18280] =	vst v63  }
0x2ff: {  	v3 =	vld [tilespmem:$0x10];
	_ =	sdelay $0x4  }
0x300: {  	v25 =	vshrl.u32 v3, $0x3  }
0x301: {  	v4 =	vmul.u32 $0x18, v25  }
0x302: {  	v3 =	vand.u32 $0x7, v3  }
0x303: {  	v3 =	vor.u32 v3, v4  }
0x304: {  	v4 =	vperm.xlane v3, v0;
	_ =	sdelay $0x1  }
0x305: {  	v4 =	vadd.s32 v1, v4;
	_ =	sdelay $0x1  }
0x306: {  	v3 =	vperm.xlane v3, v2;
	_ =	sdelay $0x1  }
0x307: {  	s31 =	simm.s32 $0x1A80;
	v3 =	vadd.s32 v1, v3  }
0x308: {  	[tilespmem:s31], [sflag:$0x1] =	stream.indirect_vreg.gather [hbm4b:s5+s2], $0x80, v4, vm0, $0xb8;
	[tilespmem:$0x18280] =	vst v63  }
0x309: {  	s30 =	simm.s32 $0x2280  }
0x30a: {  	[tilespmem:s30], [sflag:$0x1] =	stream.indirect_vreg.gather [hbm4b:s7+s2], $0x80, v4, vm1, $0xb8;
	[tilespmem:$0x18280] =	vst v63  }
0x30b: {  	s31 =	simm.s32 $0x2680  }
0x30c: {  	[tilespmem:s31], [sflag:$0x1] =	stream.indirect_vreg.gather [hbm4b:s5+s2], $0x80, v3, vm0, $0xb8;
	[tilespmem:$0x18280] =	vst v63  }
0x30d: {  	s30 =	simm.s32 $0x2E80  }
0x30e: {  	[tilespmem:s30], [sflag:$0x1] =	stream.indirect_vreg.gather [hbm4b:s7+s2], $0x80, v3, vm1, $0xb8;
	[tilespmem:$0x18280] =	vst v63  }
0x30f: {  	v3 =	vld [tilespmem:$0x20];
	_ =	sdelay $0x4  }
0x310: {  	v26 =	vshrl.u32 v3, $0x3  }
0x311: {  	v4 =	vmul.u32 $0x18, v26  }
0x312: {  	v3 =	vand.u32 $0x7, v3  }
0x313: {  	v3 =	vor.u32 v3, v4  }
0x314: {  	v4 =	vperm.xlane v3, v0;
	_ =	sdelay $0x1  }
0x315: {  	v4 =	vadd.s32 v1, v4;
	_ =	sdelay $0x1  }
0x316: {  	v3 =	vperm.xlane v3, v2;
	_ =	sdelay $0x1  }
0x317: {  	s31 =	simm.s32 $0x3280;
	v3 =	vadd.s32 v1, v3  }
0x318: {  	[tilespmem:s31], [sflag:$0x1] =	stream.indirect_vreg.gather [hbm4b:s5+s2], $0x80, v4, vm0, $0xb8;
	[tilespmem:$0x18280] =	vst v63  }
0x319: {  	s30 =	simm.s32 $0x3A80  }
0x31a: {  	[tilespmem:s30], [sflag:$0x1] =	stream.indirect_vreg.gather [hbm4b:s7+s2], $0x80, v4, vm1, $0xb8;
	[tilespmem:$0x18280] =	vst v63  }
0x31b: {  	s31 =	simm.s32 $0x3E80  }
0x31c: {  	[tilespmem:s31], [sflag:$0x1] =	stream.indirect_vreg.gather [hbm4b:s5+s2], $0x80, v3, vm0, $0xb8;
	[tilespmem:$0x18280] =	vst v63  }
0x31d: {  	s30 =	simm.s32 $0x4680  }
0x31e: {  	[tilespmem:s30], [sflag:$0x1] =	stream.indirect_vreg.gather [hbm4b:s7+s2], $0x80, v3, vm1, $0xb8;
	[tilespmem:$0x18280] =	vst v63  }
0x31f: {  	v3 =	vld [tilespmem:$0x30];
	_ =	sdelay $0x4  }
0x320: {  	v27 =	vshrl.u32 v3, $0x3  }
0x321: {  	v4 =	vmul.u32 $0x18, v27  }
0x322: {  	v3 =	vand.u32 $0x7, v3  }
0x323: {  	v3 =	vor.u32 v3, v4  }
0x324: {  	v4 =	vperm.xlane v3, v0;
	_ =	sdelay $0x1  }
0x325: {  	v4 =	vadd.s32 v1, v4;
	_ =	sdelay $0x1  }
0x326: {  	v3 =	vperm.xlane v3, v2;
	_ =	sdelay $0x1  }
0x327: {  	s31 =	simm.s32 $0x4A80;
	v3 =	vadd.s32 v1, v3  }
0x328: {  	[tilespmem:s31], [sflag:$0x1] =	stream.indirect_vreg.gather [hbm4b:s5+s2], $0x80, v4, vm0, $0xb8;
	[tilespmem:$0x18280] =	vst v63  }
0x329: {  	s30 =	simm.s32 $0x5280  }
0x32a: {  	[tilespmem:s30], [sflag:$0x1] =	stream.indirect_vreg.gather [hbm4b:s7+s2], $0x80, v4, vm1, $0xb8;
	[tilespmem:$0x18280] =	vst v63  }
0x32b: {  	s31 =	simm.s32 $0x5680  }
0x32c: {  	[tilespmem:s31], [sflag:$0x1] =	stream.indirect_vreg.gather [hbm4b:s5+s2], $0x80, v3, vm0, $0xb8;
	[tilespmem:$0x18280] =	vst v63  }
0x32d: {  	s30 =	simm.s32 $0x5E80  }
0x32e: {  	[tilespmem:s30], [sflag:$0x1] =	stream.indirect_vreg.gather [hbm4b:s7+s2], $0x80, v3, vm1, $0xb8;
	[tilespmem:$0x18280] =	vst v63  }
0x32f: {  	v3 =	vld [tilespmem:$0x40];
	_ =	sdelay $0x4  }
0x330: {  	v28 =	vshrl.u32 v3, $0x3  }
0x331: {  	v4 =	vmul.u32 $0x18, v28  }
0x332: {  	v3 =	vand.u32 $0x7, v3  }
0x333: {  	v3 =	vor.u32 v3, v4  }
0x334: {  	v4 =	vperm.xlane v3, v0;
	_ =	sdelay $0x1  }
0x335: {  	v4 =	vadd.s32 v1, v4;
	_ =	sdelay $0x1  }
0x336: {  	v3 =	vperm.xlane v3, v2;
	_ =	sdelay $0x1  }
0x337: {  	v3 =	vadd.s32 v1, v3  }
0x338: {  	[tilespmem:s1], [sflag:$0x2] =	stream.indirect_vreg.gather [hbm4b:s5+s2], $0x80, v4, vm0, $0xb8;
	[tilespmem:$0x18280] =	vst v63  }
0x339: {  	s23 =	simm.s32 $0x6A80  }
0x33a: {  	[tilespmem:s23], [sflag:$0x2] =	stream.indirect_vreg.gather [hbm4b:s7+s2], $0x80, v4, vm1, $0xb8;
	[tilespmem:$0x18280] =	vst v63  }
0x33b: {  	s28 =	simm.s32 $0x6E80  }
0x33c: {  	[tilespmem:s28], [sflag:$0x2] =	stream.indirect_vreg.gather [hbm4b:s5+s2], $0x80, v3, vm0, $0xb8;
	[tilespmem:$0x18280] =	vst v63  }
0x33d: {  	s26 =	simm.s32 $0x7680  }
0x33e: {  	[tilespmem:s26], [sflag:$0x2] =	stream.indirect_vreg.gather [hbm4b:s7+s2], $0x80, v3, vm1, $0xb8;
	[tilespmem:$0x18280] =	vst v63  }
0x33f: {  	v3 =	vld [tilespmem:$0x50];
	_ =	sdelay $0x4  }
0x340: {  	v29 =	vshrl.u32 v3, $0x3  }
0x341: {  	v4 =	vmul.u32 $0x18, v29  }
0x342: {  	v3 =	vand.u32 $0x7, v3  }
0x343: {  	v3 =	vor.u32 v3, v4  }
0x344: {  	v4 =	vperm.xlane v3, v0;
	_ =	sdelay $0x1  }
0x345: {  	v4 =	vadd.s32 v1, v4;
	_ =	sdelay $0x1  }
0x346: {  	v3 =	vperm.xlane v3, v2;
	_ =	sdelay $0x1  }
0x347: {  	s29 =	simm.s32 $0x7A80;
	v3 =	vadd.s32 v1, v3  }
0x348: {  	[tilespmem:s29], [sflag:$0x2] =	stream.indirect_vreg.gather [hbm4b:s5+s2], $0x80, v4, vm0, $0xb8;
	[tilespmem:$0x18280] =	vst v63  }
0x349: {  	s12 =	simm.s32 $0x8280  }
0x34a: {  	[tilespmem:s12], [sflag:$0x2] =	stream.indirect_vreg.gather [hbm4b:s7+s2], $0x80, v4, vm1, $0xb8;
	[tilespmem:$0x18280] =	vst v63  }
0x34b: {  	s10 =	simm.s32 $0x8680  }
0x34c: {  	[tilespmem:s10], [sflag:$0x2] =	stream.indirect_vreg.gather [hbm4b:s5+s2], $0x80, v3, vm0, $0xb8;
	[tilespmem:$0x18280] =	vst v63  }
0x34d: {  	s11 =	simm.s32 $0x8E80  }
0x34e: {  	[tilespmem:s11], [sflag:$0x2] =	stream.indirect_vreg.gather [hbm4b:s7+s2], $0x80, v3, vm1, $0xb8;
	[tilespmem:$0x18280] =	vst v63  }
0x34f: {  	v3 =	vld [tilespmem:$0x60];
	_ =	sdelay $0x4  }
0x350: {  	v30 =	vshrl.u32 v3, $0x3  }
0x351: {  	v4 =	vmul.u32 $0x18, v30  }
0x352: {  	v3 =	vand.u32 $0x7, v3  }
0x353: {  	v3 =	vor.u32 v3, v4  }
0x354: {  	v4 =	vperm.xlane v3, v0;
	_ =	sdelay $0x1  }
0x355: {  	v4 =	vadd.s32 v1, v4;
	_ =	sdelay $0x1  }
0x356: {  	v3 =	vperm.xlane v3, v2;
	_ =	sdelay $0x1  }
0x357: {  	s13 =	simm.s32 $0x9280;
	v3 =	vadd.s32 v1, v3  }
0x358: {  	[tilespmem:s13], [sflag:$0x2] =	stream.indirect_vreg.gather [hbm4b:s5+s2], $0x80, v4, vm0, $0xb8;
	[tilespmem:$0x18280] =	vst v63  }
0x359: {  	s14 =	simm.s32 $0x9A80  }
0x35a: {  	[tilespmem:s14], [sflag:$0x2] =	stream.indirect_vreg.gather [hbm4b:s7+s2], $0x80, v4, vm1, $0xb8;
	[tilespmem:$0x18280] =	vst v63  }
0x35b: {  	s15 =	simm.s32 $0x9E80  }
0x35c: {  	[tilespmem:s15], [sflag:$0x2] =	stream.indirect_vreg.gather [hbm4b:s5+s2], $0x80, v3, vm0, $0xb8;
	[tilespmem:$0x18280] =	vst v63  }
0x35d: {  	s18 =	simm.s32 $0xA680  }
0x35e: {  	[tilespmem:s18], [sflag:$0x2] =	stream.indirect_vreg.gather [hbm4b:s7+s2], $0x80, v3, vm1, $0xb8;
	[tilespmem:$0x18280] =	vst v63  }
0x35f: {  	v3 =	vld [tilespmem:$0x70];
	_ =	sdelay $0x4  }
0x360: {  	v31 =	vshrl.u32 v3, $0x3  }
0x361: {  	v4 =	vmul.u32 $0x18, v31  }
0x362: {  	v3 =	vand.u32 $0x7, v3  }
0x363: {  	v3 =	vor.u32 v3, v4  }
0x364: {  	v4 =	vperm.xlane v3, v0;
	_ =	sdelay $0x1  }
0x365: {  	v4 =	vadd.s32 v1, v4;
	_ =	sdelay $0x1  }
0x366: {  	v3 =	vperm.xlane v3, v2;
	_ =	sdelay $0x1  }
0x367: {  	s16 =	simm.s32 $0xAA80;
	v3 =	vadd.s32 v1, v3  }
0x368: {  	[tilespmem:s16], [sflag:$0x2] =	stream.indirect_vreg.gather [hbm4b:s5+s2], $0x80, v4, vm0, $0xb8;
	[tilespmem:$0x18280] =	vst v63  }
0x369: {  	s17 =	simm.s32 $0xB280  }
0x36a: {  	[tilespmem:s17], [sflag:$0x2] =	stream.indirect_vreg.gather [hbm4b:s7+s2], $0x80, v4, vm1, $0xb8;
	[tilespmem:$0x18280] =	vst v63  }
0x36b: {  	s19 =	simm.s32 $0xB680  }
0x36c: {  	[tilespmem:s19], [sflag:$0x2] =	stream.indirect_vreg.gather [hbm4b:s5+s2], $0x80, v3, vm0, $0xb8;
	[tilespmem:$0x18280] =	vst v63  }
0x36d: {  	s20 =	simm.s32 $0xBE80  }
0x36e: {  	[tilespmem:s20], [sflag:$0x2] =	stream.indirect_vreg.gather [hbm4b:s7+s2], $0x80, v3, vm1, $0xb8;
	[tilespmem:$0x18280] =	vst v63  }
0x36f: {  	v3 =	vld [tilespmem:$0x80];
	_ =	sdelay $0x4  }
0x370: {  	v32 =	vshrl.u32 v3, $0x3  }
0x371: {  	v4 =	vmul.u32 $0x18, v32  }
0x372: {  	v3 =	vand.u32 $0x7, v3  }
0x373: {  	v3 =	vor.u32 v3, v4  }
0x374: {  	v4 =	vperm.xlane v3, v0;
	_ =	sdelay $0x1  }
0x375: {  	v4 =	vadd.s32 v1, v4;
	_ =	sdelay $0x1  }
0x376: {  	v3 =	vperm.xlane v3, v2;
	_ =	sdelay $0x1  }
0x377: {  	v3 =	vadd.s32 v1, v3  }
0x378: {  	[tilespmem:s0], [sflag:$0x3] =	stream.indirect_vreg.gather [hbm4b:s5+s2], $0x80, v4, vm0, $0xb8;
	[tilespmem:$0x18280] =	vst v63  }
0x379: {  	s18 =	simm.s32 $0xCA80  }
0x37a: {  	[tilespmem:s18], [sflag:$0x3] =	stream.indirect_vreg.gather [hbm4b:s7+s2], $0x80, v4, vm1, $0xb8;
	[tilespmem:$0x18280] =	vst v63  }
0x37b: {  	s31 =	simm.s32 $0xCE80  }
0x37c: {  	[tilespmem:s31], [sflag:$0x3] =	stream.indirect_vreg.gather [hbm4b:s5+s2], $0x80, v3, vm0, $0xb8;
	[tilespmem:$0x18280] =	vst v63  }
0x37d: {  	s29 =	simm.s32 $0xD680  }
0x37e: {  	[tilespmem:s29], [sflag:$0x3] =	stream.indirect_vreg.gather [hbm4b:s7+s2], $0x80, v3, vm1, $0xb8;
	[tilespmem:$0x18280] =	vst v63  }
0x37f: {  	v3 =	vld [tilespmem:$0x90];
	_ =	sdelay $0x4  }
0x380: {  	v33 =	vshrl.u32 v3, $0x3  }
0x381: {  	v4 =	vmul.u32 $0x18, v33  }
0x382: {  	v3 =	vand.u32 $0x7, v3  }
0x383: {  	v3 =	vor.u32 v3, v4  }
0x384: {  	v4 =	vperm.xlane v3, v0;
	_ =	sdelay $0x1  }
0x385: {  	v4 =	vadd.s32 v1, v4;
	_ =	sdelay $0x1  }
0x386: {  	v3 =	vperm.xlane v3, v2;
	_ =	sdelay $0x1  }
0x387: {  	s10 =	simm.s32 $0xDA80;
	v3 =	vadd.s32 v1, v3  }
0x388: {  	[tilespmem:s10], [sflag:$0x3] =	stream.indirect_vreg.gather [hbm4b:s5+s2], $0x80, v4, vm0, $0xb8;
	[tilespmem:$0x18280] =	vst v63  }
0x389: {  	s12 =	simm.s32 $0xE280  }
0x38a: {  	[tilespmem:s12], [sflag:$0x3] =	stream.indirect_vreg.gather [hbm4b:s7+s2], $0x80, v4, vm1, $0xb8;
	[tilespmem:$0x18280] =	vst v63  }
0x38b: {  	s14 =	simm.s32 $0xE680  }
0x38c: {  	[tilespmem:s14], [sflag:$0x3] =	stream.indirect_vreg.gather [hbm4b:s5+s2], $0x80, v3, vm0, $0xb8;
	[tilespmem:$0x18280] =	vst v63  }
0x38d: {  	s30 =	simm.s32 $0xEE80  }
0x38e: {  	[tilespmem:s30], [sflag:$0x3] =	stream.indirect_vreg.gather [hbm4b:s7+s2], $0x80, v3, vm1, $0xb8;
	[tilespmem:$0x18280] =	vst v63  }
0x38f: {  	v3 =	vld [tilespmem:$0xA0];
	_ =	sdelay $0x4  }
0x390: {  	v34 =	vshrl.u32 v3, $0x3  }
0x391: {  	v4 =	vmul.u32 $0x18, v34  }
0x392: {  	v3 =	vand.u32 $0x7, v3  }
0x393: {  	v3 =	vor.u32 v3, v4  }
0x394: {  	v4 =	vperm.xlane v3, v0;
	_ =	sdelay $0x1  }
0x395: {  	v4 =	vadd.s32 v1, v4;
	_ =	sdelay $0x1  }
0x396: {  	v3 =	vperm.xlane v3, v2;
	_ =	sdelay $0x1  }
0x397: {  	s16 =	simm.s32 $0xF280;
	v3 =	vadd.s32 v1, v3  }
0x398: {  	[tilespmem:s16], [sflag:$0x3] =	stream.indirect_vreg.gather [hbm4b:s5+s2], $0x80, v4, vm0, $0xb8;
	[tilespmem:$0x18280] =	vst v63  }
0x399: {  	s17 =	simm.s32 $0xFA80  }
0x39a: {  	[tilespmem:s17], [sflag:$0x3] =	stream.indirect_vreg.gather [hbm4b:s7+s2], $0x80, v4, vm1, $0xb8;
	[tilespmem:$0x18280] =	vst v63  }
0x39b: {  	s20 =	simm.s32 $0xFE80  }
0x39c: {  	[tilespmem:s20], [sflag:$0x3] =	stream.indirect_vreg.gather [hbm4b:s5+s2], $0x80, v3, vm0, $0xb8;
	[tilespmem:$0x18280] =	vst v63  }
0x39d: {  	s31 =	simm.s32 $0x10680  }
0x39e: {  	[tilespmem:s31], [sflag:$0x3] =	stream.indirect_vreg.gather [hbm4b:s7+s2], $0x80, v3, vm1, $0xb8;
	[tilespmem:$0x18280] =	vst v63  }
0x39f: {  	v3 =	vld [tilespmem:$0xB0];
	_ =	sdelay $0x4  }
0x3a0: {  	v35 =	vshrl.u32 v3, $0x3  }
0x3a1: {  	v4 =	vmul.u32 $0x18, v35  }
0x3a2: {  	v3 =	vand.u32 $0x7, v3  }
0x3a3: {  	v3 =	vor.u32 v3, v4  }
0x3a4: {  	v4 =	vperm.xlane v3, v0;
	_ =	sdelay $0x1  }
0x3a5: {  	v4 =	vadd.s32 v1, v4;
	_ =	sdelay $0x1  }
0x3a6: {  	v3 =	vperm.xlane v3, v2;
	_ =	sdelay $0x1  }
0x3a7: {  	s23 =	simm.s32 $0x10A80;
	v3 =	vadd.s32 v1, v3  }
0x3a8: {  	[tilespmem:s23], [sflag:$0x3] =	stream.indirect_vreg.gather [hbm4b:s5+s2], $0x80, v4, vm0, $0xb8;
	[tilespmem:$0x18280] =	vst v63  }
0x3a9: {  	s26 =	simm.s32 $0x11280  }
0x3aa: {  	[tilespmem:s26], [sflag:$0x3] =	stream.indirect_vreg.gather [hbm4b:s7+s2], $0x80, v4, vm1, $0xb8;
	[tilespmem:$0x18280] =	vst v63  }
0x3ab: {  	s28 =	simm.s32 $0x11680  }
0x3ac: {  	[tilespmem:s28], [sflag:$0x3] =	stream.indirect_vreg.gather [hbm4b:s5+s2], $0x80, v3, vm0, $0xb8;
	[tilespmem:$0x18280] =	vst v63  }
0x3ad: {  	s0 =	simm.s32 $0x11E80  }
0x3ae: {  	[tilespmem:s0], [sflag:$0x3] =	stream.indirect_vreg.gather [hbm4b:s7+s2], $0x80, v3, vm1, $0xb8;
	[tilespmem:$0x18280] =	vst v63  }
0x3af: {  	v3 =	vld [tilespmem:$0xC0];
	_ =	sdelay $0x4  }
0x3b0: {  	v36 =	vshrl.u32 v3, $0x3  }
0x3b1: {  	v4 =	vmul.u32 $0x18, v36  }
0x3b2: {  	v3 =	vand.u32 $0x7, v3  }
0x3b3: {  	v3 =	vor.u32 v3, v4  }
0x3b4: {  	v4 =	vperm.xlane v3, v0;
	_ =	sdelay $0x1  }
0x3b5: {  	v4 =	vadd.s32 v1, v4;
	_ =	sdelay $0x1  }
0x3b6: {  	v3 =	vperm.xlane v3, v2;
	_ =	sdelay $0x1  }
0x3b7: {  	s11 =	simm.s32 $0x12280;
	v3 =	vadd.s32 v1, v3  }
0x3b8: {  	[tilespmem:s11], [sflag:$0x4] =	stream.indirect_vreg.gather [hbm4b:s5+s2], $0x80, v4, vm0, $0xb8;
	[tilespmem:$0x18280] =	vst v63  }
0x3b9: {  	s13 =	simm.s32 $0x12A80  }
0x3ba: {  	[tilespmem:s13], [sflag:$0x4] =	stream.indirect_vreg.gather [hbm4b:s7+s2], $0x80, v4, vm1, $0xb8;
	[tilespmem:$0x18280] =	vst v63  }
0x3bb: {  	s11 =	simm.s32 $0x12E80  }
0x3bc: {  	[tilespmem:s11], [sflag:$0x4] =	stream.indirect_vreg.gather [hbm4b:s5+s2], $0x80, v3, vm0, $0xb8;
	[tilespmem:$0x18280] =	vst v63  }
0x3bd: {  	s15 =	simm.s32 $0x13680  }
0x3be: {  	[tilespmem:s15], [sflag:$0x4] =	stream.indirect_vreg.gather [hbm4b:s7+s2], $0x80, v3, vm1, $0xb8;
	[tilespmem:$0x18280] =	vst v63  }
0x3bf: {  	v3 =	vld [tilespmem:$0xD0];
	_ =	sdelay $0x4  }
0x3c0: {  	v37 =	vshrl.u32 v3, $0x3  }
0x3c1: {  	v4 =	vmul.u32 $0x18, v37  }
0x3c2: {  	v3 =	vand.u32 $0x7, v3  }
0x3c3: {  	v3 =	vor.u32 v3, v4  }
0x3c4: {  	v4 =	vperm.xlane v3, v0;
	_ =	sdelay $0x1  }
0x3c5: {  	v4 =	vadd.s32 v1, v4;
	_ =	sdelay $0x1  }
0x3c6: {  	v3 =	vperm.xlane v3, v2;
	_ =	sdelay $0x1  }
0x3c7: {  	s19 =	simm.s32 $0x13A80;
	v3 =	vadd.s32 v1, v3  }
0x3c8: {  	[tilespmem:s19], [sflag:$0x4] =	stream.indirect_vreg.gather [hbm4b:s5+s2], $0x80, v4, vm0, $0xb8;
	[tilespmem:$0x18280] =	vst v63  }
0x3c9: {  	s25 =	simm.s32 $0x14280  }
0x3ca: {  	[tilespmem:s25], [sflag:$0x4] =	stream.indirect_vreg.gather [hbm4b:s7+s2], $0x80, v4, vm1, $0xb8;
	[tilespmem:$0x18280] =	vst v63  }
0x3cb: {  	s0 =	simm.s32 $0x14680  }
0x3cc: {  	[tilespmem:s0], [sflag:$0x4] =	stream.indirect_vreg.gather [hbm4b:s5+s2], $0x80, v3, vm0, $0xb8;
	[tilespmem:$0x18280] =	vst v63  }
0x3cd: {  	s15 =	simm.s32 $0x14E80  }
0x3ce: {  	[tilespmem:s15], [sflag:$0x4] =	stream.indirect_vreg.gather [hbm4b:s7+s2], $0x80, v3, vm1, $0xb8;
	[tilespmem:$0x18280] =	vst v63  }
0x3cf: {  	v3 =	vld [tilespmem:$0xE0];
	_ =	sdelay $0x4  }
0x3d0: {  	v38 =	vshrl.u32 v3, $0x3  }
0x3d1: {  	v4 =	vmul.u32 $0x18, v38  }
0x3d2: {  	v3 =	vand.u32 $0x7, v3  }
0x3d3: {  	v3 =	vor.u32 v3, v4  }
0x3d4: {  	v4 =	vperm.xlane v3, v0;
	_ =	sdelay $0x1  }
0x3d5: {  	v4 =	vadd.s32 v1, v4;
	_ =	sdelay $0x1  }
0x3d6: {  	v3 =	vperm.xlane v3, v2;
	_ =	sdelay $0x1  }
0x3d7: {  	s19 =	simm.s32 $0x15280;
	v3 =	vadd.s32 v1, v3  }
0x3d8: {  	[tilespmem:s19], [sflag:$0x4] =	stream.indirect_vreg.gather [hbm4b:s5+s2], $0x80, v4, vm0, $0xb8;
	[tilespmem:$0x18280] =	vst v63  }
0x3d9: {  	s25 =	simm.s32 $0x15A80  }
0x3da: {  	[tilespmem:s25], [sflag:$0x4] =	stream.indirect_vreg.gather [hbm4b:s7+s2], $0x80, v4, vm1, $0xb8;
	[tilespmem:$0x18280] =	vst v63  }
0x3db: {  	s13 =	simm.s32 $0x15E80  }
0x3dc: {  	[tilespmem:s13], [sflag:$0x4] =	stream.indirect_vreg.gather [hbm4b:s5+s2], $0x80, v3, vm0, $0xb8;
	[tilespmem:$0x18280] =	vst v63  }
0x3dd: {  	s0 =	simm.s32 $0x16680  }
0x3de: {  	[tilespmem:s0], [sflag:$0x4] =	stream.indirect_vreg.gather [hbm4b:s7+s2], $0x80, v3, vm1, $0xb8;
	[tilespmem:$0x18280] =	vst v63  }
0x3df: {  	v3 =	vld [tilespmem:$0xF0];
	_ =	sdelay $0x4  }
0x3e0: {  	v39 =	vshrl.u32 v3, $0x3  }
0x3e1: {  	v4 =	vmul.u32 $0x18, v39  }
0x3e2: {  	v3 =	vand.u32 $0x7, v3  }
0x3e3: {  	v3 =	vor.u32 v3, v4  }
0x3e4: {  	v4 =	vperm.xlane v3, v0;
	_ =	sdelay $0x1  }
0x3e5: {  	v4 =	vadd.s32 v1, v4;
	_ =	sdelay $0x1  }
0x3e6: {  	v3 =	vperm.xlane v3, v2;
	_ =	sdelay $0x1  }
0x3e7: {  	s19 =	simm.s32 $0x16A80;
	v3 =	vadd.s32 v1, v3  }
0x3e8: {  	[tilespmem:s19], [sflag:$0x4] =	stream.indirect_vreg.gather [hbm4b:s5+s2], $0x80, v4, vm0, $0xb8;
	[tilespmem:$0x18280] =	vst v63  }
0x3e9: {  	s15 =	simm.s32 $0x17280  }
0x3ea: {  	[tilespmem:s15], [sflag:$0x4] =	stream.indirect_vreg.gather [hbm4b:s7+s2], $0x80, v4, vm1, $0xb8;
	[tilespmem:$0x18280] =	vst v63  }
0x3eb: {  	s25 =	simm.s32 $0x17680  }
0x3ec: {  	[tilespmem:s25], [sflag:$0x4] =	stream.indirect_vreg.gather [hbm4b:s5+s2], $0x80, v3, vm0, $0xb8;
	[tilespmem:$0x18280] =	vst v63  }
0x3ed: {  	s0 =	simm.s32 $0x17E80  }
0x3ee: {  	[tilespmem:s0], [sflag:$0x4] =	stream.indirect_vreg.gather [hbm4b:s7+s2], $0x80, v3, vm1, $0xb8;
	[tilespmem:$0x18280] =	vst v63  }
0x3ef: {  	_ =	swait.ge [sflag:s21], $0x6000  }
0x3f0: {  	[sflag:s21] =	ssyncset.done $0x0  }
0x3f1: {  	s19 =	rddreg [dreg:$0xd];
	[sflag:s21] =	ssyncadd.s32 $0xFFFFA000  }
0x3f2: {  	[hbm4b:s19+s2] =	stream.linear.scatter [tilespmem:s3], [sflag:$0x5], $0x6000, $0x38;
	[tilespmem:$0x18280] =	vst v63  }
0x3f3: {  	_ =	swait.ge [sflag:s9], $0x6000  }
0x3f4: {  	[sflag:s9] =	ssyncset.done $0x0  }
0x3f5: {  	[sflag:s9] =	ssyncadd.s32 $0xFFFFA000  }
0x3f6: {  	v3 =	vld [tilespmem:$0x100];
	_ =	sdelay $0x4  }
0x3f7: {  	v40 =	vshrl.u32 v3, $0x3  }
0x3f8: {  	v4 =	vmul.u32 $0x18, v40  }
0x3f9: {  	v3 =	vand.u32 $0x7, v3  }
0x3fa: {  	v3 =	vor.u32 v3, v4  }
0x3fb: {  	v4 =	vperm.xlane v3, v0;
	_ =	sdelay $0x1  }
0x3fc: {  	v4 =	vadd.s32 v1, v4;
	_ =	sdelay $0x1  }
0x3fd: {  	v3 =	vperm.xlane v3, v2;
	_ =	sdelay $0x1  }
0x3fe: {  	v3 =	vadd.s32 v1, v3  }
0x3ff: {  	[tilespmem:s3], [sflag:$0x1] =	stream.indirect_vreg.gather [hbm4b:s5+s2], $0x80, v4, vm0, $0xb8;
	[tilespmem:$0x18280] =	vst v63  }
0x400: {  	s25 =	simm.s32 $0xA80  }
0x401: {  	[tilespmem:s25], [sflag:$0x1] =	stream.indirect_vreg.gather [hbm4b:s7+s2], $0x80, v4, vm1, $0xb8;
	[tilespmem:$0x18280] =	vst v63  }
0x402: {  	s3 =	simm.s32 $0xE80  }
0x403: {  	[tilespmem:s3], [sflag:$0x1] =	stream.indirect_vreg.gather [hbm4b:s5+s2], $0x80, v3, vm0, $0xb8;
	[tilespmem:$0x18280] =	vst v63  }
0x404: {  	s19 =	simm.s32 $0x1680  }
0x405: {  	[tilespmem:s19], [sflag:$0x1] =	stream.indirect_vreg.gather [hbm4b:s7+s2], $0x80, v3, vm1, $0xb8;
	[tilespmem:$0x18280] =	vst v63  }
0x406: {  	v3 =	vld [tilespmem:$0x110];
	_ =	sdelay $0x4  }
0x407: {  	v41 =	vshrl.u32 v3, $0x3  }
0x408: {  	v4 =	vmul.u32 $0x18, v41  }
0x409: {  	v3 =	vand.u32 $0x7, v3  }
0x40a: {  	v3 =	vor.u32 v3, v4  }
0x40b: {  	v4 =	vperm.xlane v3, v0;
	_ =	sdelay $0x1  }
0x40c: {  	v4 =	vadd.s32 v1, v4;
	_ =	sdelay $0x1  }
0x40d: {  	v3 =	vperm.xlane v3, v2;
	_ =	sdelay $0x1  }
0x40e: {  	s25 =	simm.s32 $0x1A80;
	v3 =	vadd.s32 v1, v3  }
0x40f: {  	[tilespmem:s25], [sflag:$0x1] =	stream.indirect_vreg.gather [hbm4b:s5+s2], $0x80, v4, vm0, $0xb8;
	[tilespmem:$0x18280] =	vst v63  }
0x410: {  	s3 =	simm.s32 $0x2280  }
0x411: {  	[tilespmem:s3], [sflag:$0x1] =	stream.indirect_vreg.gather [hbm4b:s7+s2], $0x80, v4, vm1, $0xb8;
	[tilespmem:$0x18280] =	vst v63  }
0x412: {  	s19 =	simm.s32 $0x2680  }
0x413: {  	[tilespmem:s19], [sflag:$0x1] =	stream.indirect_vreg.gather [hbm4b:s5+s2], $0x80, v3, vm0, $0xb8;
	[tilespmem:$0x18280] =	vst v63  }
0x414: {  	s25 =	simm.s32 $0x2E80  }
0x415: {  	[tilespmem:s25], [sflag:$0x1] =	stream.indirect_vreg.gather [hbm4b:s7+s2], $0x80, v3, vm1, $0xb8;
	[tilespmem:$0x18280] =	vst v63  }
0x416: {  	v3 =	vld [tilespmem:$0x120];
	_ =	sdelay $0x4  }
0x417: {  	v42 =	vshrl.u32 v3, $0x3  }
0x418: {  	v4 =	vmul.u32 $0x18, v42  }
0x419: {  	v3 =	vand.u32 $0x7, v3  }
0x41a: {  	v3 =	vor.u32 v3, v4  }
0x41b: {  	v4 =	vperm.xlane v3, v0;
	_ =	sdelay $0x1  }
0x41c: {  	v4 =	vadd.s32 v1, v4;
	_ =	sdelay $0x1  }
0x41d: {  	v3 =	vperm.xlane v3, v2;
	_ =	sdelay $0x1  }
0x41e: {  	s19 =	simm.s32 $0x3280;
	v3 =	vadd.s32 v1, v3  }
0x41f: {  	[tilespmem:s19], [sflag:$0x1] =	stream.indirect_vreg.gather [hbm4b:s5+s2], $0x80, v4, vm0, $0xb8;
	[tilespmem:$0x18280] =	vst v63  }
0x420: {  	s25 =	simm.s32 $0x3A80  }
0x421: {  	[tilespmem:s25], [sflag:$0x1] =	stream.indirect_vreg.gather [hbm4b:s7+s2], $0x80, v4, vm1, $0xb8;
	[tilespmem:$0x18280] =	vst v63  }
0x422: {  	s19 =	simm.s32 $0x3E80  }
0x423: {  	[tilespmem:s19], [sflag:$0x1] =	stream.indirect_vreg.gather [hbm4b:s5+s2], $0x80, v3, vm0, $0xb8;
	[tilespmem:$0x18280] =	vst v63  }
0x424: {  	s25 =	simm.s32 $0x4680  }
0x425: {  	[tilespmem:s25], [sflag:$0x1] =	stream.indirect_vreg.gather [hbm4b:s7+s2], $0x80, v3, vm1, $0xb8;
	[tilespmem:$0x18280] =	vst v63  }
0x426: {  	v3 =	vld [tilespmem:$0x130];
	_ =	sdelay $0x4  }
0x427: {  	v43 =	vshrl.u32 v3, $0x3  }
0x428: {  	v4 =	vmul.u32 $0x18, v43  }
0x429: {  	v3 =	vand.u32 $0x7, v3  }
0x42a: {  	v3 =	vor.u32 v3, v4  }
0x42b: {  	v4 =	vperm.xlane v3, v0;
	_ =	sdelay $0x1  }
0x42c: {  	v4 =	vadd.s32 v1, v4;
	_ =	sdelay $0x1  }
0x42d: {  	v3 =	vperm.xlane v3, v2;
	_ =	sdelay $0x1  }
0x42e: {  	s19 =	simm.s32 $0x4A80;
	v3 =	vadd.s32 v1, v3  }
0x42f: {  	[tilespmem:s19], [sflag:$0x1] =	stream.indirect_vreg.gather [hbm4b:s5+s2], $0x80, v4, vm0, $0xb8;
	[tilespmem:$0x18280] =	vst v63  }
0x430: {  	s25 =	simm.s32 $0x5280  }
0x431: {  	[tilespmem:s25], [sflag:$0x1] =	stream.indirect_vreg.gather [hbm4b:s7+s2], $0x80, v4, vm1, $0xb8;
	[tilespmem:$0x18280] =	vst v63  }
0x432: {  	s19 =	simm.s32 $0x5680  }
0x433: {  	[tilespmem:s19], [sflag:$0x1] =	stream.indirect_vreg.gather [hbm4b:s5+s2], $0x80, v3, vm0, $0xb8;
	[tilespmem:$0x18280] =	vst v63  }
0x434: {  	s25 =	simm.s32 $0x5E80  }
0x435: {  	[tilespmem:s25], [sflag:$0x1] =	stream.indirect_vreg.gather [hbm4b:s7+s2], $0x80, v3, vm1, $0xb8;
	[tilespmem:$0x18280] =	vst v63  }
0x436: {  	_ =	swait.ge [sflag:s22], $0x6000  }
0x437: {  	[sflag:s22] =	ssyncset.done $0x0  }
0x438: {  	s0 =	rddreg [dreg:$0xe];
	[sflag:s22] =	ssyncadd.s32 $0xFFFFA000  }
0x439: {  	[hbm4b:s0+s2] =	stream.linear.scatter [tilespmem:s1], [sflag:$0x5], $0x6000, $0x38;
	[tilespmem:$0x18280] =	vst v63  }
0x43a: {  	_ =	swait.ge [sflag:s9], $0x6000  }
0x43b: {  	[sflag:s9] =	ssyncset.done $0x0  }
0x43c: {  	[sflag:s9] =	ssyncadd.s32 $0xFFFFA000  }
0x43d: {  	v3 =	vld [tilespmem:$0x140];
	_ =	sdelay $0x4  }
0x43e: {  	v44 =	vshrl.u32 v3, $0x3  }
0x43f: {  	v4 =	vmul.u32 $0x18, v44  }
0x440: {  	v3 =	vand.u32 $0x7, v3  }
0x441: {  	v3 =	vor.u32 v3, v4  }
0x442: {  	v4 =	vperm.xlane v3, v0;
	_ =	sdelay $0x1  }
0x443: {  	v4 =	vadd.s32 v1, v4;
	_ =	sdelay $0x1  }
0x444: {  	v3 =	vperm.xlane v3, v2;
	_ =	sdelay $0x1  }
0x445: {  	v3 =	vadd.s32 v1, v3  }
0x446: {  	[tilespmem:s1], [sflag:$0x2] =	stream.indirect_vreg.gather [hbm4b:s5+s2], $0x80, v4, vm0, $0xb8;
	[tilespmem:$0x18280] =	vst v63  }
0x447: {  	s1 =	simm.s32 $0x6A80  }
0x448: {  	[tilespmem:s1], [sflag:$0x2] =	stream.indirect_vreg.gather [hbm4b:s7+s2], $0x80, v4, vm1, $0xb8;
	[tilespmem:$0x18280] =	vst v63  }
0x449: {  	s19 =	simm.s32 $0x6E80  }
0x44a: {  	[tilespmem:s19], [sflag:$0x2] =	stream.indirect_vreg.gather [hbm4b:s5+s2], $0x80, v3, vm0, $0xb8;
	[tilespmem:$0x18280] =	vst v63  }
0x44b: {  	s25 =	simm.s32 $0x7680  }
0x44c: {  	[tilespmem:s25], [sflag:$0x2] =	stream.indirect_vreg.gather [hbm4b:s7+s2], $0x80, v3, vm1, $0xb8;
	[tilespmem:$0x18280] =	vst v63  }
0x44d: {  	v3 =	vld [tilespmem:$0x150];
	_ =	sdelay $0x4  }
0x44e: {  	v45 =	vshrl.u32 v3, $0x3  }
0x44f: {  	v4 =	vmul.u32 $0x18, v45  }
0x450: {  	v3 =	vand.u32 $0x7, v3  }
0x451: {  	v3 =	vor.u32 v3, v4  }
0x452: {  	v4 =	vperm.xlane v3, v0;
	_ =	sdelay $0x1  }
0x453: {  	v4 =	vadd.s32 v1, v4;
	_ =	sdelay $0x1  }
0x454: {  	v3 =	vperm.xlane v3, v2;
	_ =	sdelay $0x1  }
0x455: {  	s1 =	simm.s32 $0x7A80;
	v3 =	vadd.s32 v1, v3  }
0x456: {  	[tilespmem:s1], [sflag:$0x2] =	stream.indirect_vreg.gather [hbm4b:s5+s2], $0x80, v4, vm0, $0xb8;
	[tilespmem:$0x18280] =	vst v63  }
0x457: {  	s19 =	simm.s32 $0x8280  }
0x458: {  	[tilespmem:s19], [sflag:$0x2] =	stream.indirect_vreg.gather [hbm4b:s7+s2], $0x80, v4, vm1, $0xb8;
	[tilespmem:$0x18280] =	vst v63  }
0x459: {  	s25 =	simm.s32 $0x8680  }
0x45a: {  	[tilespmem:s25], [sflag:$0x2] =	stream.indirect_vreg.gather [hbm4b:s5+s2], $0x80, v3, vm0, $0xb8;
	[tilespmem:$0x18280] =	vst v63  }
0x45b: {  	s1 =	simm.s32 $0x8E80  }
0x45c: {  	[tilespmem:s1], [sflag:$0x2] =	stream.indirect_vreg.gather [hbm4b:s7+s2], $0x80, v3, vm1, $0xb8;
	[tilespmem:$0x18280] =	vst v63  }
0x45d: {  	v3 =	vld [tilespmem:$0x160];
	_ =	sdelay $0x4  }
0x45e: {  	v46 =	vshrl.u32 v3, $0x3  }
0x45f: {  	v4 =	vmul.u32 $0x18, v46  }
0x460: {  	v3 =	vand.u32 $0x7, v3  }
0x461: {  	v3 =	vor.u32 v3, v4  }
0x462: {  	v4 =	vperm.xlane v3, v0;
	_ =	sdelay $0x1  }
0x463: {  	v4 =	vadd.s32 v1, v4;
	_ =	sdelay $0x1  }
0x464: {  	v3 =	vperm.xlane v3, v2;
	_ =	sdelay $0x1  }
0x465: {  	s19 =	simm.s32 $0x9280;
	v3 =	vadd.s32 v1, v3  }
0x466: {  	[tilespmem:s19], [sflag:$0x2] =	stream.indirect_vreg.gather [hbm4b:s5+s2], $0x80, v4, vm0, $0xb8;
	[tilespmem:$0x18280] =	vst v63  }
0x467: {  	s25 =	simm.s32 $0x9A80  }
0x468: {  	[tilespmem:s25], [sflag:$0x2] =	stream.indirect_vreg.gather [hbm4b:s7+s2], $0x80, v4, vm1, $0xb8;
	[tilespmem:$0x18280] =	vst v63  }
0x469: {  	s1 =	simm.s32 $0x9E80  }
0x46a: {  	[tilespmem:s1], [sflag:$0x2] =	stream.indirect_vreg.gather [hbm4b:s5+s2], $0x80, v3, vm0, $0xb8;
	[tilespmem:$0x18280] =	vst v63  }
0x46b: {  	s19 =	simm.s32 $0xA680  }
0x46c: {  	[tilespmem:s19], [sflag:$0x2] =	stream.indirect_vreg.gather [hbm4b:s7+s2], $0x80, v3, vm1, $0xb8;
	[tilespmem:$0x18280] =	vst v63  }
0x46d: {  	v3 =	vld [tilespmem:$0x170];
	_ =	sdelay $0x4  }
0x46e: {  	v47 =	vshrl.u32 v3, $0x3  }
0x46f: {  	v4 =	vmul.u32 $0x18, v47  }
0x470: {  	v3 =	vand.u32 $0x7, v3  }
0x471: {  	v3 =	vor.u32 v3, v4  }
0x472: {  	v4 =	vperm.xlane v3, v0;
	_ =	sdelay $0x1  }
0x473: {  	v4 =	vadd.s32 v1, v4;
	_ =	sdelay $0x1  }
0x474: {  	v3 =	vperm.xlane v3, v2;
	_ =	sdelay $0x1  }
0x475: {  	s25 =	simm.s32 $0xAA80;
	v3 =	vadd.s32 v1, v3  }
0x476: {  	[tilespmem:s25], [sflag:$0x2] =	stream.indirect_vreg.gather [hbm4b:s5+s2], $0x80, v4, vm0, $0xb8;
	[tilespmem:$0x18280] =	vst v63  }
0x477: {  	s1 =	simm.s32 $0xB280  }
0x478: {  	[tilespmem:s1], [sflag:$0x2] =	stream.indirect_vreg.gather [hbm4b:s7+s2], $0x80, v4, vm1, $0xb8;
	[tilespmem:$0x18280] =	vst v63  }
0x479: {  	s19 =	simm.s32 $0xB680  }
0x47a: {  	[tilespmem:s19], [sflag:$0x2] =	stream.indirect_vreg.gather [hbm4b:s5+s2], $0x80, v3, vm0, $0xb8;
	[tilespmem:$0x18280] =	vst v63  }
0x47b: {  	s25 =	simm.s32 $0xBE80  }
0x47c: {  	[tilespmem:s25], [sflag:$0x2] =	stream.indirect_vreg.gather [hbm4b:s7+s2], $0x80, v3, vm1, $0xb8;
	[tilespmem:$0x18280] =	vst v63  }
0x47d: {  	_ =	swait.ge [sflag:s24], $0x6000  }
0x47e: {  	[sflag:s24] =	ssyncset.done $0x0  }
0x47f: {  	s1 =	simm.s32 $0xC280;
	s0 =	rddreg [dreg:$0xf];
	[sflag:s24] =	ssyncadd.s32 $0xFFFFA000  }
0x480: {  	[hbm4b:s0+s2] =	stream.linear.scatter [tilespmem:s1], [sflag:$0x5], $0x6000, $0x38;
	[tilespmem:$0x18280] =	vst v63  }
0x481: {  	_ =	swait.ge [sflag:s9], $0x6000  }
0x482: {  	[sflag:s9] =	ssyncset.done $0x0  }
0x483: {  	[sflag:s9] =	ssyncadd.s32 $0xFFFFA000  }
0x484: {  	v3 =	vld [tilespmem:$0x180];
	_ =	sdelay $0x4  }
0x485: {  	v48 =	vshrl.u32 v3, $0x3  }
0x486: {  	v4 =	vmul.u32 $0x18, v48  }
0x487: {  	v3 =	vand.u32 $0x7, v3  }
0x488: {  	v3 =	vor.u32 v3, v4  }
0x489: {  	v4 =	vperm.xlane v3, v0;
	_ =	sdelay $0x1  }
0x48a: {  	v4 =	vadd.s32 v1, v4;
	_ =	sdelay $0x1  }
0x48b: {  	v3 =	vperm.xlane v3, v2;
	_ =	sdelay $0x1  }
0x48c: {  	v3 =	vadd.s32 v1, v3  }
0x48d: {  	[tilespmem:s1], [sflag:$0x3] =	stream.indirect_vreg.gather [hbm4b:s5+s2], $0x80, v4, vm0, $0xb8;
	[tilespmem:$0x18280] =	vst v63  }
0x48e: {  	_ = 	snop  }
0x48f: {  	[tilespmem:s18], [sflag:$0x3] =	stream.indirect_vreg.gather [hbm4b:s7+s2], $0x80, v4, vm1, $0xb8;
	[tilespmem:$0x18280] =	vst v63  }
0x490: {  	s18 =	simm.s32 $0xCE80  }
0x491: {  	[tilespmem:s18], [sflag:$0x3] =	stream.indirect_vreg.gather [hbm4b:s5+s2], $0x80, v3, vm0, $0xb8;
	[tilespmem:$0x18280] =	vst v63  }
0x492: {  	_ = 	snop  }
0x493: {  	[tilespmem:s29], [sflag:$0x3] =	stream.indirect_vreg.gather [hbm4b:s7+s2], $0x80, v3, vm1, $0xb8;
	[tilespmem:$0x18280] =	vst v63  }
0x494: {  	v3 =	vld [tilespmem:$0x190];
	_ =	sdelay $0x4  }
0x495: {  	v49 =	vshrl.u32 v3, $0x3  }
0x496: {  	v4 =	vmul.u32 $0x18, v49  }
0x497: {  	v3 =	vand.u32 $0x7, v3  }
0x498: {  	v3 =	vor.u32 v3, v4  }
0x499: {  	v4 =	vperm.xlane v3, v0;
	_ =	sdelay $0x1  }
0x49a: {  	v4 =	vadd.s32 v1, v4;
	_ =	sdelay $0x1  }
0x49b: {  	v3 =	vperm.xlane v3, v2;
	_ =	sdelay $0x1  }
0x49c: {  	v3 =	vadd.s32 v1, v3  }
0x49d: {  	[tilespmem:s10], [sflag:$0x3] =	stream.indirect_vreg.gather [hbm4b:s5+s2], $0x80, v4, vm0, $0xb8;
	[tilespmem:$0x18280] =	vst v63  }
0x49e: {  	_ = 	snop  }
0x49f: {  	[tilespmem:s12], [sflag:$0x3] =	stream.indirect_vreg.gather [hbm4b:s7+s2], $0x80, v4, vm1, $0xb8;
	[tilespmem:$0x18280] =	vst v63  }
0x4a0: {  	_ = 	snop  }
0x4a1: {  	[tilespmem:s14], [sflag:$0x3] =	stream.indirect_vreg.gather [hbm4b:s5+s2], $0x80, v3, vm0, $0xb8;
	[tilespmem:$0x18280] =	vst v63  }
0x4a2: {  	_ = 	snop  }
0x4a3: {  	[tilespmem:s30], [sflag:$0x3] =	stream.indirect_vreg.gather [hbm4b:s7+s2], $0x80, v3, vm1, $0xb8;
	[tilespmem:$0x18280] =	vst v63  }
0x4a4: {  	v3 =	vld [tilespmem:$0x1A0];
	_ =	sdelay $0x4  }
0x4a5: {  	v50 =	vshrl.u32 v3, $0x3  }
0x4a6: {  	v4 =	vmul.u32 $0x18, v50  }
0x4a7: {  	v3 =	vand.u32 $0x7, v3  }
0x4a8: {  	v3 =	vor.u32 v3, v4  }
0x4a9: {  	v4 =	vperm.xlane v3, v0;
	_ =	sdelay $0x1  }
0x4aa: {  	v4 =	vadd.s32 v1, v4;
	_ =	sdelay $0x1  }
0x4ab: {  	v3 =	vperm.xlane v3, v2;
	_ =	sdelay $0x1  }
0x4ac: {  	v3 =	vadd.s32 v1, v3  }
0x4ad: {  	[tilespmem:s16], [sflag:$0x3] =	stream.indirect_vreg.gather [hbm4b:s5+s2], $0x80, v4, vm0, $0xb8;
	[tilespmem:$0x18280] =	vst v63  }
0x4ae: {  	_ = 	snop  }
0x4af: {  	[tilespmem:s17], [sflag:$0x3] =	stream.indirect_vreg.gather [hbm4b:s7+s2], $0x80, v4, vm1, $0xb8;
	[tilespmem:$0x18280] =	vst v63  }
0x4b0: {  	_ = 	snop  }
0x4b1: {  	[tilespmem:s20], [sflag:$0x3] =	stream.indirect_vreg.gather [hbm4b:s5+s2], $0x80, v3, vm0, $0xb8;
	[tilespmem:$0x18280] =	vst v63  }
0x4b2: {  	_ = 	snop  }
0x4b3: {  	[tilespmem:s31], [sflag:$0x3] =	stream.indirect_vreg.gather [hbm4b:s7+s2], $0x80, v3, vm1, $0xb8;
	[tilespmem:$0x18280] =	vst v63  }
0x4b4: {  	v3 =	vld [tilespmem:$0x1B0];
	_ =	sdelay $0x4  }
0x4b5: {  	v51 =	vshrl.u32 v3, $0x3  }
0x4b6: {  	v4 =	vmul.u32 $0x18, v51  }
0x4b7: {  	v3 =	vand.u32 $0x7, v3  }
0x4b8: {  	v3 =	vor.u32 v3, v4  }
0x4b9: {  	v4 =	vperm.xlane v3, v0;
	_ =	sdelay $0x1  }
0x4ba: {  	v4 =	vadd.s32 v1, v4;
	_ =	sdelay $0x1  }
0x4bb: {  	v3 =	vperm.xlane v3, v2;
	_ =	sdelay $0x1  }
0x4bc: {  	v3 =	vadd.s32 v1, v3  }
0x4bd: {  	[tilespmem:s23], [sflag:$0x3] =	stream.indirect_vreg.gather [hbm4b:s5+s2], $0x80, v4, vm0, $0xb8;
	[tilespmem:$0x18280] =	vst v63  }
0x4be: {  	_ = 	snop  }
0x4bf: {  	[tilespmem:s26], [sflag:$0x3] =	stream.indirect_vreg.gather [hbm4b:s7+s2], $0x80, v4, vm1, $0xb8;
	[tilespmem:$0x18280] =	vst v63  }
0x4c0: {  	_ = 	snop  }
0x4c1: {  	[tilespmem:s28], [sflag:$0x3] =	stream.indirect_vreg.gather [hbm4b:s5+s2], $0x80, v3, vm0, $0xb8;
	[tilespmem:$0x18280] =	vst v63  }
0x4c2: {  	s20 =	simm.s32 $0x11E80  }
0x4c3: {  	[tilespmem:s20], [sflag:$0x3] =	stream.indirect_vreg.gather [hbm4b:s7+s2], $0x80, v3, vm1, $0xb8;
	[tilespmem:$0x18280] =	vst v63  }
0x4c4: {  	_ =	swait.ge [sflag:s8], $0x6000  }
0x4c5: {  	[sflag:s8] =	ssyncset.done $0x0  }
0x4c6: {  	s26 =	simm.s32 $0x12280;
	s23 =	rddreg [dreg:$0x10];
	[sflag:s8] =	ssyncadd.s32 $0xFFFFA000  }
0x4c7: {  	[hbm4b:s23+s2] =	stream.linear.scatter [tilespmem:s26], [sflag:$0x5], $0x6000, $0x38;
	[tilespmem:$0x18280] =	vst v63  }
0x4c8: {  	_ =	swait.ge [sflag:s9], $0x6000  }
0x4c9: {  	[sflag:s9] =	ssyncset.done $0x0  }
0x4ca: {  	[sflag:s9] =	ssyncadd.s32 $0xFFFFA000  }
0x4cb: {  	v3 =	vld [tilespmem:$0x1C0];
	_ =	sdelay $0x4  }
0x4cc: {  	v52 =	vshrl.u32 v3, $0x3  }
0x4cd: {  	v4 =	vmul.u32 $0x18, v52  }
0x4ce: {  	v3 =	vand.u32 $0x7, v3  }
0x4cf: {  	v3 =	vor.u32 v3, v4  }
0x4d0: {  	v4 =	vperm.xlane v3, v0;
	_ =	sdelay $0x1  }
0x4d1: {  	v4 =	vadd.s32 v1, v4;
	_ =	sdelay $0x1  }
0x4d2: {  	v3 =	vperm.xlane v3, v2;
	_ =	sdelay $0x1  }
0x4d3: {  	v3 =	vadd.s32 v1, v3  }
0x4d4: {  	[tilespmem:s26], [sflag:$0x4] =	stream.indirect_vreg.gather [hbm4b:s5+s2], $0x80, v4, vm0, $0xb8;
	[tilespmem:$0x18280] =	vst v63  }
0x4d5: {  	s28 =	simm.s32 $0x12A80  }
0x4d6: {  	[tilespmem:s28], [sflag:$0x4] =	stream.indirect_vreg.gather [hbm4b:s7+s2], $0x80, v4, vm1, $0xb8;
	[tilespmem:$0x18280] =	vst v63  }
0x4d7: {  	_ = 	snop  }
0x4d8: {  	[tilespmem:s11], [sflag:$0x4] =	stream.indirect_vreg.gather [hbm4b:s5+s2], $0x80, v3, vm0, $0xb8;
	[tilespmem:$0x18280] =	vst v63  }
0x4d9: {  	s29 =	simm.s32 $0x13680  }
0x4da: {  	[tilespmem:s29], [sflag:$0x4] =	stream.indirect_vreg.gather [hbm4b:s7+s2], $0x80, v3, vm1, $0xb8;
	[tilespmem:$0x18280] =	vst v63  }
0x4db: {  	v3 =	vld [tilespmem:$0x1D0];
	_ =	sdelay $0x4  }
0x4dc: {  	v53 =	vshrl.u32 v3, $0x3  }
0x4dd: {  	v4 =	vmul.u32 $0x18, v53  }
0x4de: {  	v3 =	vand.u32 $0x7, v3  }
0x4df: {  	v3 =	vor.u32 v3, v4  }
0x4e0: {  	v4 =	vperm.xlane v3, v0;
	_ =	sdelay $0x1  }
0x4e1: {  	v4 =	vadd.s32 v1, v4;
	_ =	sdelay $0x1  }
0x4e2: {  	v3 =	vperm.xlane v3, v2;
	_ =	sdelay $0x1  }
0x4e3: {  	s30 =	simm.s32 $0x13A80;
	v3 =	vadd.s32 v1, v3  }
0x4e4: {  	[tilespmem:s30], [sflag:$0x4] =	stream.indirect_vreg.gather [hbm4b:s5+s2], $0x80, v4, vm0, $0xb8;
	[tilespmem:$0x18280] =	vst v63  }
0x4e5: {  	s31 =	simm.s32 $0x14280  }
0x4e6: {  	[tilespmem:s31], [sflag:$0x4] =	stream.indirect_vreg.gather [hbm4b:s7+s2], $0x80, v4, vm1, $0xb8;
	[tilespmem:$0x18280] =	vst v63  }
0x4e7: {  	s1 =	simm.s32 $0x14680  }
0x4e8: {  	[tilespmem:s1], [sflag:$0x4] =	stream.indirect_vreg.gather [hbm4b:s5+s2], $0x80, v3, vm0, $0xb8;
	[tilespmem:$0x18280] =	vst v63  }
0x4e9: {  	s10 =	simm.s32 $0x14E80  }
0x4ea: {  	[tilespmem:s10], [sflag:$0x4] =	stream.indirect_vreg.gather [hbm4b:s7+s2], $0x80, v3, vm1, $0xb8;
	[tilespmem:$0x18280] =	vst v63  }
0x4eb: {  	v3 =	vld [tilespmem:$0x1E0];
	_ =	sdelay $0x4  }
0x4ec: {  	v54 =	vshrl.u32 v3, $0x3  }
0x4ed: {  	v4 =	vmul.u32 $0x18, v54  }
0x4ee: {  	v3 =	vand.u32 $0x7, v3  }
0x4ef: {  	v3 =	vor.u32 v3, v4  }
0x4f0: {  	v4 =	vperm.xlane v3, v0;
	_ =	sdelay $0x1  }
0x4f1: {  	v4 =	vadd.s32 v1, v4;
	_ =	sdelay $0x1  }
0x4f2: {  	v3 =	vperm.xlane v3, v2;
	_ =	sdelay $0x1  }
0x4f3: {  	s11 =	simm.s32 $0x15280;
	v3 =	vadd.s32 v1, v3  }
0x4f4: {  	[tilespmem:s11], [sflag:$0x4] =	stream.indirect_vreg.gather [hbm4b:s5+s2], $0x80, v4, vm0, $0xb8;
	[tilespmem:$0x18280] =	vst v63  }
0x4f5: {  	s12 =	simm.s32 $0x15A80  }
0x4f6: {  	[tilespmem:s12], [sflag:$0x4] =	stream.indirect_vreg.gather [hbm4b:s7+s2], $0x80, v4, vm1, $0xb8;
	[tilespmem:$0x18280] =	vst v63  }
0x4f7: {  	_ = 	snop  }
0x4f8: {  	[tilespmem:s13], [sflag:$0x4] =	stream.indirect_vreg.gather [hbm4b:s5+s2], $0x80, v3, vm0, $0xb8;
	[tilespmem:$0x18280] =	vst v63  }
0x4f9: {  	s13 =	simm.s32 $0x16680  }
0x4fa: {  	[tilespmem:s13], [sflag:$0x4] =	stream.indirect_vreg.gather [hbm4b:s7+s2], $0x80, v3, vm1, $0xb8;
	[tilespmem:$0x18280] =	vst v63  }
0x4fb: {  	v3 =	vld [tilespmem:$0x1F0];
	_ =	sdelay $0x4  }
0x4fc: {  	v55 =	vshrl.u32 v3, $0x3  }
0x4fd: {  	v4 =	vmul.u32 $0x18, v55  }
0x4fe: {  	v3 =	vand.u32 $0x7, v3  }
0x4ff: {  	v3 =	vor.u32 v3, v4  }
0x500: {  	v4 =	vperm.xlane v3, v0;
	_ =	sdelay $0x1  }
0x501: {  	v4 =	vadd.s32 v1, v4;
	_ =	sdelay $0x1  }
0x502: {  	v3 =	vperm.xlane v3, v2;
	_ =	sdelay $0x1  }
0x503: {  	s14 =	simm.s32 $0x16A80;
	v3 =	vadd.s32 v1, v3  }
0x504: {  	[tilespmem:s14], [sflag:$0x4] =	stream.indirect_vreg.gather [hbm4b:s5+s2], $0x80, v4, vm0, $0xb8;
	[tilespmem:$0x18280] =	vst v63  }
0x505: {  	_ = 	snop  }
0x506: {  	[tilespmem:s15], [sflag:$0x4] =	stream.indirect_vreg.gather [hbm4b:s7+s2], $0x80, v4, vm1, $0xb8;
	[tilespmem:$0x18280] =	vst v63  }
0x507: {  	s16 =	simm.s32 $0x17680  }
0x508: {  	[tilespmem:s16], [sflag:$0x4] =	stream.indirect_vreg.gather [hbm4b:s5+s2], $0x80, v3, vm0, $0xb8;
	[tilespmem:$0x18280] =	vst v63  }
0x509: {  	s17 =	simm.s32 $0x17E80  }
0x50a: {  	[tilespmem:s17], [sflag:$0x4] =	stream.indirect_vreg.gather [hbm4b:s7+s2], $0x80, v3, vm1, $0xb8;
	[tilespmem:$0x18280] =	vst v63  }
0x50b: {  	_ =	swait.ge [sflag:s21], $0x6000  }
0x50c: {  	[sflag:s21] =	ssyncset.done $0x0  }
0x50d: {  	s23 =	simm.s32 $0x280;
	s20 =	rddreg [dreg:$0x11];
	[sflag:s21] =	ssyncadd.s32 $0xFFFFA000  }
0x50e: {  	[hbm4b:s20+s2] =	stream.linear.scatter [tilespmem:s23], [sflag:$0x5], $0x6000, $0x38;
	[tilespmem:$0x18280] =	vst v63  }
0x50f: {  	_ =	swait.ge [sflag:s9], $0x6000  }
0x510: {  	[sflag:s9] =	ssyncset.done $0x0  }
0x511: {  	[sflag:s9] =	ssyncadd.s32 $0xFFFFA000  }
0x512: {  	v3 =	vld [tilespmem:$0x200];
	_ =	sdelay $0x4  }
0x513: {  	v56 =	vshrl.u32 v3, $0x3  }
0x514: {  	v4 =	vmul.u32 $0x18, v56  }
0x515: {  	v3 =	vand.u32 $0x7, v3  }
0x516: {  	v3 =	vor.u32 v3, v4  }
0x517: {  	v4 =	vperm.xlane v3, v0;
	_ =	sdelay $0x1  }
0x518: {  	v4 =	vadd.s32 v1, v4;
	_ =	sdelay $0x1  }
0x519: {  	v3 =	vperm.xlane v3, v2;
	_ =	sdelay $0x1  }
0x51a: {  	v3 =	vadd.s32 v1, v3  }
0x51b: {  	[tilespmem:s23], [sflag:$0x1] =	stream.indirect_vreg.gather [hbm4b:s5+s2], $0x80, v4, vm0, $0xb8;
	[tilespmem:$0x18280] =	vst v63  }
0x51c: {  	s26 =	simm.s32 $0xA80  }
0x51d: {  	[tilespmem:s26], [sflag:$0x1] =	stream.indirect_vreg.gather [hbm4b:s7+s2], $0x80, v4, vm1, $0xb8;
	[tilespmem:$0x18280] =	vst v63  }
0x51e: {  	s28 =	simm.s32 $0xE80  }
0x51f: {  	[tilespmem:s28], [sflag:$0x1] =	stream.indirect_vreg.gather [hbm4b:s5+s2], $0x80, v3, vm0, $0xb8;
	[tilespmem:$0x18280] =	vst v63  }
0x520: {  	s29 =	simm.s32 $0x1680  }
0x521: {  	[tilespmem:s29], [sflag:$0x1] =	stream.indirect_vreg.gather [hbm4b:s7+s2], $0x80, v3, vm1, $0xb8;
	[tilespmem:$0x18280] =	vst v63  }
0x522: {  	v3 =	vld [tilespmem:$0x210];
	_ =	sdelay $0x4  }
0x523: {  	v57 =	vshrl.u32 v3, $0x3  }
0x524: {  	v4 =	vmul.u32 $0x18, v57  }
0x525: {  	v3 =	vand.u32 $0x7, v3  }
0x526: {  	v3 =	vor.u32 v3, v4  }
0x527: {  	v4 =	vperm.xlane v3, v0;
	_ =	sdelay $0x1  }
0x528: {  	v4 =	vadd.s32 v1, v4;
	_ =	sdelay $0x1  }
0x529: {  	v3 =	vperm.xlane v3, v2;
	_ =	sdelay $0x1  }
0x52a: {  	s30 =	simm.s32 $0x1A80;
	v3 =	vadd.s32 v1, v3  }
0x52b: {  	[tilespmem:s30], [sflag:$0x1] =	stream.indirect_vreg.gather [hbm4b:s5+s2], $0x80, v4, vm0, $0xb8;
	[tilespmem:$0x18280] =	vst v63  }
0x52c: {  	s31 =	simm.s32 $0x2280  }
0x52d: {  	[tilespmem:s31], [sflag:$0x1] =	stream.indirect_vreg.gather [hbm4b:s7+s2], $0x80, v4, vm1, $0xb8;
	[tilespmem:$0x18280] =	vst v63  }
0x52e: {  	s3 =	simm.s32 $0x2680  }
0x52f: {  	[tilespmem:s3], [sflag:$0x1] =	stream.indirect_vreg.gather [hbm4b:s5+s2], $0x80, v3, vm0, $0xb8;
	[tilespmem:$0x18280] =	vst v63  }
0x530: {  	s10 =	simm.s32 $0x2E80  }
0x531: {  	[tilespmem:s10], [sflag:$0x1] =	stream.indirect_vreg.gather [hbm4b:s7+s2], $0x80, v3, vm1, $0xb8;
	[tilespmem:$0x18280] =	vst v63  }
0x532: {  	v3 =	vld [tilespmem:$0x220];
	_ =	sdelay $0x4  }
0x533: {  	v58 =	vshrl.u32 v3, $0x3  }
0x534: {  	v4 =	vmul.u32 $0x18, v58  }
0x535: {  	v3 =	vand.u32 $0x7, v3  }
0x536: {  	v3 =	vor.u32 v3, v4  }
0x537: {  	v4 =	vperm.xlane v3, v0;
	_ =	sdelay $0x1  }
0x538: {  	v4 =	vadd.s32 v1, v4;
	_ =	sdelay $0x1  }
0x539: {  	v3 =	vperm.xlane v3, v2;
	_ =	sdelay $0x1  }
0x53a: {  	s11 =	simm.s32 $0x3280;
	v3 =	vadd.s32 v1, v3  }
0x53b: {  	[tilespmem:s11], [sflag:$0x1] =	stream.indirect_vreg.gather [hbm4b:s5+s2], $0x80, v4, vm0, $0xb8;
	[tilespmem:$0x18280] =	vst v63  }
0x53c: {  	s12 =	simm.s32 $0x3A80  }
0x53d: {  	[tilespmem:s12], [sflag:$0x1] =	stream.indirect_vreg.gather [hbm4b:s7+s2], $0x80, v4, vm1, $0xb8;
	[tilespmem:$0x18280] =	vst v63  }
0x53e: {  	s13 =	simm.s32 $0x3E80  }
0x53f: {  	[tilespmem:s13], [sflag:$0x1] =	stream.indirect_vreg.gather [hbm4b:s5+s2], $0x80, v3, vm0, $0xb8;
	[tilespmem:$0x18280] =	vst v63  }
0x540: {  	s14 =	simm.s32 $0x4680  }
0x541: {  	[tilespmem:s14], [sflag:$0x1] =	stream.indirect_vreg.gather [hbm4b:s7+s2], $0x80, v3, vm1, $0xb8;
	[tilespmem:$0x18280] =	vst v63  }
0x542: {  	v3 =	vld [tilespmem:$0x230];
	_ =	sdelay $0x4  }
0x543: {  	v59 =	vshrl.u32 v3, $0x3  }
0x544: {  	v4 =	vmul.u32 $0x18, v59  }
0x545: {  	v3 =	vand.u32 $0x7, v3  }
0x546: {  	v3 =	vor.u32 v3, v4  }
0x547: {  	v4 =	vperm.xlane v3, v0;
	_ =	sdelay $0x1  }
0x548: {  	v4 =	vadd.s32 v1, v4;
	_ =	sdelay $0x1  }
0x549: {  	v3 =	vperm.xlane v3, v2;
	_ =	sdelay $0x1  }
0x54a: {  	s15 =	simm.s32 $0x4A80;
	v3 =	vadd.s32 v1, v3  }
0x54b: {  	[tilespmem:s15], [sflag:$0x1] =	stream.indirect_vreg.gather [hbm4b:s5+s2], $0x80, v4, vm0, $0xb8;
	[tilespmem:$0x18280] =	vst v63  }
0x54c: {  	s16 =	simm.s32 $0x5280  }
0x54d: {  	[tilespmem:s16], [sflag:$0x1] =	stream.indirect_vreg.gather [hbm4b:s7+s2], $0x80, v4, vm1, $0xb8;
	[tilespmem:$0x18280] =	vst v63  }
0x54e: {  	s17 =	simm.s32 $0x5680  }
0x54f: {  	[tilespmem:s17], [sflag:$0x1] =	stream.indirect_vreg.gather [hbm4b:s5+s2], $0x80, v3, vm0, $0xb8;
	[tilespmem:$0x18280] =	vst v63  }
0x550: {  	s20 =	simm.s32 $0x5E80  }
0x551: {  	[tilespmem:s20], [sflag:$0x1] =	stream.indirect_vreg.gather [hbm4b:s7+s2], $0x80, v3, vm1, $0xb8;
	[tilespmem:$0x18280] =	vst v63  }
0x552: {  	_ =	swait.ge [sflag:s22], $0x6000  }
0x553: {  	[sflag:s22] =	ssyncset.done $0x0  }
0x554: {  	s26 =	simm.s32 $0x6280;
	s23 =	rddreg [dreg:$0x12];
	[sflag:s22] =	ssyncadd.s32 $0xFFFFA000  }
0x555: {  	[hbm4b:s23+s2] =	stream.linear.scatter [tilespmem:s26], [sflag:$0x5], $0x6000, $0x38;
	[tilespmem:$0x18280] =	vst v63  }
0x556: {  	_ =	swait.ge [sflag:s9], $0x6000  }
0x557: {  	[sflag:s9] =	ssyncset.done $0x0  }
0x558: {  	[sflag:s9] =	ssyncadd.s32 $0xFFFFA000  }
0x559: {  	v3 =	vld [tilespmem:$0x240];
	_ =	sdelay $0x4  }
0x55a: {  	v60 =	vshrl.u32 v3, $0x3  }
0x55b: {  	v4 =	vmul.u32 $0x18, v60  }
0x55c: {  	v3 =	vand.u32 $0x7, v3  }
0x55d: {  	v3 =	vor.u32 v3, v4  }
0x55e: {  	v4 =	vperm.xlane v3, v0;
	_ =	sdelay $0x1  }
0x55f: {  	v4 =	vadd.s32 v1, v4;
	_ =	sdelay $0x1  }
0x560: {  	v3 =	vperm.xlane v3, v2;
	_ =	sdelay $0x1  }
0x561: {  	v3 =	vadd.s32 v1, v3  }
0x562: {  	[tilespmem:s26], [sflag:$0x2] =	stream.indirect_vreg.gather [hbm4b:s5+s2], $0x80, v4, vm0, $0xb8;
	[tilespmem:$0x18280] =	vst v63  }
0x563: {  	s28 =	simm.s32 $0x6A80  }
0x564: {  	[tilespmem:s28], [sflag:$0x2] =	stream.indirect_vreg.gather [hbm4b:s7+s2], $0x80, v4, vm1, $0xb8;
	[tilespmem:$0x18280] =	vst v63  }
0x565: {  	s29 =	simm.s32 $0x6E80  }
0x566: {  	[tilespmem:s29], [sflag:$0x2] =	stream.indirect_vreg.gather [hbm4b:s5+s2], $0x80, v3, vm0, $0xb8;
	[tilespmem:$0x18280] =	vst v63  }
0x567: {  	s30 =	simm.s32 $0x7680  }
0x568: {  	[tilespmem:s30], [sflag:$0x2] =	stream.indirect_vreg.gather [hbm4b:s7+s2], $0x80, v3, vm1, $0xb8;
	[tilespmem:$0x18280] =	vst v63  }
0x569: {  	v3 =	vld [tilespmem:$0x250];
	_ =	sdelay $0x4  }
0x56a: {  	v61 =	vshrl.u32 v3, $0x3  }
0x56b: {  	v4 =	vmul.u32 $0x18, v61  }
0x56c: {  	v3 =	vand.u32 $0x7, v3  }
0x56d: {  	v3 =	vor.u32 v3, v4  }
0x56e: {  	v4 =	vperm.xlane v3, v0;
	_ =	sdelay $0x1  }
0x56f: {  	v4 =	vadd.s32 v1, v4;
	_ =	sdelay $0x1  }
0x570: {  	v3 =	vperm.xlane v3, v2;
	_ =	sdelay $0x1  }
0x571: {  	s31 =	simm.s32 $0x7A80;
	v3 =	vadd.s32 v1, v3  }
0x572: {  	[tilespmem:s31], [sflag:$0x2] =	stream.indirect_vreg.gather [hbm4b:s5+s2], $0x80, v4, vm0, $0xb8;
	[tilespmem:$0x18280] =	vst v63  }
0x573: {  	s11 =	simm.s32 $0x8280  }
0x574: {  	[tilespmem:s11], [sflag:$0x2] =	stream.indirect_vreg.gather [hbm4b:s7+s2], $0x80, v4, vm1, $0xb8;
	[tilespmem:$0x18280] =	vst v63  }
0x575: {  	s12 =	simm.s32 $0x8680  }
0x576: {  	[tilespmem:s12], [sflag:$0x2] =	stream.indirect_vreg.gather [hbm4b:s5+s2], $0x80, v3, vm0, $0xb8;
	[tilespmem:$0x18280] =	vst v63  }
0x577: {  	s13 =	simm.s32 $0x8E80  }
0x578: {  	[tilespmem:s13], [sflag:$0x2] =	stream.indirect_vreg.gather [hbm4b:s7+s2], $0x80, v3, vm1, $0xb8;
	[tilespmem:$0x18280] =	vst v63  }
0x579: {  	v3 =	vld [tilespmem:$0x260];
	_ =	sdelay $0x4  }
0x57a: {  	v62 =	vshrl.u32 v3, $0x3  }
0x57b: {  	v4 =	vmul.u32 $0x18, v62  }
0x57c: {  	v3 =	vand.u32 $0x7, v3  }
0x57d: {  	v3 =	vor.u32 v3, v4  }
0x57e: {  	v4 =	vperm.xlane v3, v0;
	_ =	sdelay $0x1  }
0x57f: {  	v4 =	vadd.s32 v1, v4;
	_ =	sdelay $0x1  }
0x580: {  	v3 =	vperm.xlane v3, v2;
	_ =	sdelay $0x1  }
0x581: {  	s14 =	simm.s32 $0x9280;
	v3 =	vadd.s32 v1, v3  }
0x582: {  	[tilespmem:s14], [sflag:$0x2] =	stream.indirect_vreg.gather [hbm4b:s5+s2], $0x80, v4, vm0, $0xb8;
	[tilespmem:$0x18280] =	vst v63  }
0x583: {  	s15 =	simm.s32 $0x9A80  }
0x584: {  	[tilespmem:s15], [sflag:$0x2] =	stream.indirect_vreg.gather [hbm4b:s7+s2], $0x80, v4, vm1, $0xb8;
	[tilespmem:$0x18280] =	vst v63  }
0x585: {  	s16 =	simm.s32 $0x9E80  }
0x586: {  	[tilespmem:s16], [sflag:$0x2] =	stream.indirect_vreg.gather [hbm4b:s5+s2], $0x80, v3, vm0, $0xb8;
	[tilespmem:$0x18280] =	vst v63  }
0x587: {  	s17 =	simm.s32 $0xA680  }
0x588: {  	[tilespmem:s17], [sflag:$0x2] =	stream.indirect_vreg.gather [hbm4b:s7+s2], $0x80, v3, vm1, $0xb8;
	[tilespmem:$0x18280] =	vst v63  }
0x589: {  	v3 =	vld [tilespmem:$0x270];
	_ =	sdelay $0x4  }
0x58a: {  	v63 =	vshrl.u32 v3, $0x3  }
0x58b: {  	v4 =	vmul.u32 $0x18, v63  }
0x58c: {  	v3 =	vand.u32 $0x7, v3  }
0x58d: {  	v3 =	vor.u32 v3, v4  }
0x58e: {  	v4 =	vperm.xlane v3, v0;
	_ =	sdelay $0x1  }
0x58f: {  	v4 =	vadd.s32 v1, v4;
	_ =	sdelay $0x1  }
0x590: {  	v3 =	vperm.xlane v3, v2;
	_ =	sdelay $0x1  }
0x591: {  	s20 =	simm.s32 $0xAA80;
	v3 =	vadd.s32 v1, v3  }
0x592: {  	[tilespmem:s20], [sflag:$0x2] =	stream.indirect_vreg.gather [hbm4b:s5+s2], $0x80, v4, vm0, $0xb8;
	[tilespmem:$0x18280] =	vst v63  }
0x593: {  	s23 =	simm.s32 $0xB280  }
0x594: {  	[tilespmem:s23], [sflag:$0x2] =	stream.indirect_vreg.gather [hbm4b:s7+s2], $0x80, v4, vm1, $0xb8;
	[tilespmem:$0x18280] =	vst v63  }
0x595: {  	s25 =	simm.s32 $0xB680  }
0x596: {  	[tilespmem:s25], [sflag:$0x2] =	stream.indirect_vreg.gather [hbm4b:s5+s2], $0x80, v3, vm0, $0xb8;
	[tilespmem:$0x18280] =	vst v63  }
0x597: {  	s26 =	simm.s32 $0xBE80  }
0x598: {  	[tilespmem:s26], [sflag:$0x2] =	stream.indirect_vreg.gather [hbm4b:s7+s2], $0x80, v3, vm1, $0xb8;
	[tilespmem:$0x18280] =	vst v63  }
0x599: {  	s0 =	rddreg [dreg:$0x18];
	_ =	swait.ge [sflag:s24], $0x6000  }
0x59a: {  	[sflag:s24] =	ssyncset.done $0x0  }
0x59b: {  	s19 =	simm.s32 $0xC280;
	s28 =	rddreg [dreg:$0x13];
	[sflag:s24] =	ssyncadd.s32 $0xFFFFA000  }
0x59c: {  	[hbm4b:s28+s2] =	stream.linear.scatter [tilespmem:s19], [sflag:$0x5], $0x6000, $0x38;
	[tilespmem:$0x18280] =	vst v63  }
0x59d: {  	_ =	swait.ge [sflag:s9], $0x6000  }
0x59e: {  	[sflag:s9] =	ssyncset.done $0x0  }
0x59f: {  	[sflag:s9] =	ssyncadd.s32 $0xFFFFA000  }
0x5a0: {  	_ =	swait.ge [sflag:s8], $0x6000  }
0x5a1: {  	[sflag:s8] =	ssyncset.done $0x0  }
0x5a2: {  	s18 =	simm.s32 $0x12280;
	s29 =	rddreg [dreg:$0x14];
	[sflag:s8] =	ssyncadd.s32 $0xFFFFA000  }
0x5a3: {  	[hbm4b:s29+s2] =	stream.linear.scatter [tilespmem:s18], [sflag:$0x5], $0x6000, $0x38;
	[tilespmem:$0x18280] =	vst v63  }
0x5a4: {  	_ =	swait.ge [sflag:s9], $0x6000  }
0x5a5: {  	[sflag:s9] =	ssyncset.done $0x0  }
0x5a6: {  	[sflag:s9] =	ssyncadd.s32 $0xFFFFA000  }
0x5a7: {  	_ =	swait.ge [sflag:s21], $0x6000  }
0x5a8: {  	[sflag:s21] =	ssyncset.done $0x0  }
0x5a9: {  	s1 =	simm.s32 $0x280;
	s30 =	rddreg [dreg:$0x15];
	[sflag:s21] =	ssyncadd.s32 $0xFFFFA000  }
0x5aa: {  	[hbm4b:s30+s2] =	stream.linear.scatter [tilespmem:s1], [sflag:$0x5], $0x6000, $0x38;
	[tilespmem:$0x18280] =	vst v63  }
0x5ab: {  	_ =	swait.ge [sflag:s9], $0x6000  }
0x5ac: {  	[sflag:s9] =	ssyncset.done $0x0  }
0x5ad: {  	[sflag:s9] =	ssyncadd.s32 $0xFFFFA000  }
0x5ae: {  	_ =	swait.ge [sflag:s22], $0x6000  }
0x5af: {  	s3 =	simm.s32 $0x6280;
	p0 =	sne.s32 s0, $0x1;
	[sflag:s22] =	ssyncset.done $0x0  }
.Ltmp0:
0x5b0: {  	s31 =	rddreg [dreg:$0x16];
	[sflag:s22] =	ssyncadd.s32 $0xFFFFA000;
	(pc) =	sbr.rel @p0 .LBB2_1-.Ltmp0, $4  }
0x5b1: {  	[hbm4b:s31+s2] =	stream.linear.scatter [tilespmem:s3], [sflag:$0x5], $0x6000, $0x38;
	[tilespmem:$0x18280] =	vst v63  }
0x5b2: {  	_ =	swait.ge [sflag:s9], $0x6000  }
0x5b3: {  	[sflag:s9] =	ssyncset.done $0x0  }
0x5b4: {  	s0 =	sadd.s32 $0xFFFFFFFF, s0;
	[sflag:s9] =	ssyncadd.s32 $0xFFFFA000  }
0x5b5: {  	_ =	sfence.sel $0x180000  }
0x5b6: {  	[bflag:$0x0] =	sbarrier.arrive $0xFFFF  }
0x5b7: {  	_ =	strace $0x9000004A  }
0x5b8: {  	s0 =	stileid.u32;
	[bflag:$0x2] =	sbarrier.arrive $0xFFFF  }
0x5b9: {  	p0 =	sne.s32 s0, $0x0;
	s0 =	rddreg [dreg:$0x1]  }
0x5ba: {  	s0 =	sadd.s32 @!p0 $0x100000, s0  }
0x5bb: {  	[sflag:s0] =	ssyncadd.tile.s32 @!p0 $0x1;
	_ =	shalt  }
.Lfunc_end2:
_tile_overlayer_lowered:
.L_overlay_start_2:
0x5bc: {  	(tag) =	ssettag $0x2  }
0x5bd: {  	s0 =	rddreg [dreg:$0x0];
	s2 =	stileid.u32  }
0x5be: {  	s1 =	rddreg [dreg:$0x1];
	p0 =	sne.s32 s2, $0x0  }
0x5bf: {  	s3 =	rddreg [dreg:$0x2];
	[bflag:$0x3] =	sbarrier.arrive $0xFFFF;
	s2 =	simm.s32 @!p0 $0x1C05  }
0x5c0: {  	[timem:s3], [sflag:s2] =	dma.local @!p0 [hbm:s0], s1  }
0x5c1: {  	s0 =	simm.s32 @!p0 $0x5  }
0x5c2: {  	_ =	swait.ge @!p0 [sflag:s0], s1  }
0x5c3: {  	s1 =	ssub.s32 @!p0 $0x0, s1;
	[sflag:s0] =	ssyncset.done @!p0 $0x0  }
0x5c4: {  	[sflag:s0] =	ssyncadd.s32 @!p0 s1  }
0x5c5: {  	[bflag:$0x3] =	sbarrier.arrive $0xFFFF  }
0x5c6: {  	_ =	shalt  }

</sc_bundles>
